<compile_context>
chip_gen: v7x
topology: tpu7x:2x2x1
jax: 0.10.2.dev20260603
libtpu: 0.0.44.dev20260713+nightly
codegen_flags: <defaults>
</compile_context>

<pallas_src>
import functools

import jax
import jax.numpy as jnp
from jax import lax
from jax.experimental import pallas as pl
from jax.experimental.pallas import tpu as pltpu
from jax.experimental.pallas import tpu_sc as plsc

BATCH = 2
NTOK = 4096
DIM = 2048
KEEP = 2867
KPAD = 2944
PERW = KPAD // 16
CH = 512
JC = 256
NPOS = 3072


def _redtree(x):
    acc = x[:, 0:128]
    for k in range(1, 16):
        acc = acc + x[:, 128 * k:128 * (k + 1)]
    g = acc[:, 0:8]
    for i in range(1, 16):
        g = g + acc[:, 8 * i:8 * i + 8]
    g = g[:, 0:4] + g[:, 4:8]
    g = g[:, 0:2] + g[:, 2:4]
    g = g[:, 0:1] + g[:, 1:2]
    return g


def _xn_body(tok_ref, g_ref, b_ref, xn_ref):
    x = tok_ref[0]
    mu = _redtree(x) * jnp.float32(1.0 / DIM)
    xc = x - mu
    var = _redtree(xc * xc) * jnp.float32(1.0 / DIM)
    xn_ref[0] = xc / jnp.sqrt(var + 1e-5) * g_ref[...] + b_ref[...]


def _layernorm(tokens, ln_g, ln_b):
    nch = NTOK // CH
    return pl.pallas_call(
        _xn_body,
        grid=(BATCH, nch),
        in_specs=[
            pl.BlockSpec((1, CH, DIM), lambda i, j: (i, j, 0)),
            pl.BlockSpec((1, DIM), lambda i, j: (0, 0)),
            pl.BlockSpec((1, DIM), lambda i, j: (0, 0)),
        ],
        out_specs=pl.BlockSpec((1, CH, DIM), lambda i, j: (i, j, 0)),
        out_shape=jax.ShapeDtypeStruct((BATCH, NTOK, DIM), jnp.float32),
    )(tokens, ln_g.reshape(1, DIM), ln_b.reshape(1, DIM))


def _rank_body(scol_ref, srow_ref, perm_ref, gid_ref, w_ref):
    bidx = pl.program_id(0)
    s_col = scol_ref[0]
    s_row = srow_ref[0]

    m = jnp.mean(s_row, axis=-1, keepdims=True)
    cen = s_row - m
    var1 = jnp.sum(cen * cen, axis=-1, keepdims=True) / jnp.float32(NTOK - 1)
    sd = jnp.sqrt(var1) + 1e-6
    q_row = (s_row - m) / sd
    q_col = (s_col - m[0, 0]) / sd[0, 0]

    icol = lax.broadcasted_iota(jnp.int32, (NTOK, 1), 0)
    icol_f = icol.astype(jnp.float32)

    rank = jnp.zeros((NTOK, 1), jnp.float32)
    for jc in range(NTOK // JC):
        qj = q_row[:, jc * JC:(jc + 1) * JC]
        jr = lax.broadcasted_iota(jnp.int32, (1, JC), 1) + jc * JC
        pred = (qj > q_col) | ((qj == q_col) & (jr < icol))
        rank = rank + jnp.sum(jnp.where(pred, 1.0, 0.0),
                              axis=1, keepdims=True)
    irank = rank.astype(jnp.int32)

    for pc in range(NPOS // JC):
        prow = lax.broadcasted_iota(jnp.int32, (1, JC), 1) + pc * JC
        match = irank == prow
        permc = jnp.sum(jnp.where(match, icol_f, 0.0), axis=0, keepdims=True)
        svals = jnp.sum(jnp.where(match, s_col, 0.0), axis=0, keepdims=True)
        permi = permc.astype(jnp.int32)
        sl = pl.ds(pc * JC, JC)
        perm_ref[0, 0, sl] = permi[0]
        gid_ref[0, 0, sl] = (permi + bidx * NTOK)[0]
        w_ref[0, 0, sl] = (1.0 / (1.0 + jnp.exp(-svals)))[0]


def _rank(scol):
    srow = scol.reshape(BATCH, 1, NTOK)
    return pl.pallas_call(
        _rank_body,
        grid=(BATCH,),
        in_specs=[
            pl.BlockSpec((1, NTOK, 1), lambda i: (i, 0, 0)),
            pl.BlockSpec((1, 1, NTOK), lambda i: (i, 0, 0)),
        ],
        out_specs=[
            pl.BlockSpec((1, 1, NTOK), lambda i: (i, 0, 0)),
            pl.BlockSpec((1, 1, NTOK), lambda i: (i, 0, 0)),
            pl.BlockSpec((1, 1, NTOK), lambda i: (i, 0, 0)),
        ],
        out_shape=[
            jax.ShapeDtypeStruct((BATCH, 1, NTOK), jnp.int32),
            jax.ShapeDtypeStruct((BATCH, 1, NTOK), jnp.int32),
            jax.ShapeDtypeStruct((BATCH, 1, NTOK), jnp.float32),
        ],
    )(scol, srow)


NROWS = BATCH * KEEP
TAIL = NROWS % 8
NFULL = NROWS - TAIL


def _gather(tok2d, gid_flat):
    mesh = plsc.VectorSubcoreMesh(core_axis_name="c", subcore_axis_name="s")

    @functools.partial(
        pl.kernel,
        mesh=mesh,
        out_type=jax.ShapeDtypeStruct((NROWS, DIM), jnp.float32),
        scratch_types=[
            pltpu.VMEM((PERW,), jnp.int32),
            pltpu.VMEM((8, DIM), jnp.float32),
            pltpu.VMEM((8, DIM), jnp.float32),
            pltpu.SemaphoreType.DMA,
            pltpu.SemaphoreType.DMA,
            pltpu.SemaphoreType.DMA,
            pltpu.SemaphoreType.DMA,
        ],
    )
    def k(tok_hbm, gid_hbm, out_hbm, idx_v, rv0, rv1, g0, g1, s0, s1, *_):
        wid = lax.axis_index("s") * 2 + lax.axis_index("c")
        base = wid * PERW
        pltpu.sync_copy(gid_hbm.at[pl.ds(base, PERW)], idx_v)
        bufs, gsem, ssem = [rv0, rv1], [g0, g1], [s0, s1]
        nck = PERW // 8

        def issue_get(c):
            pltpu.async_copy(tok_hbm.at[idx_v.at[pl.ds(c * 8, 8)]],
                             bufs[c % 2], gsem[c % 2])

        def wait_get(c):
            pltpu.make_async_copy(tok_hbm.at[idx_v.at[pl.ds(c * 8, 8)]],
                                  bufs[c % 2], gsem[c % 2]).wait()

        def issue_put(c):
            pltpu.async_copy(bufs[c % 2], out_hbm.at[pl.ds(base + c * 8, 8)],
                             ssem[c % 2])

        def wait_put(c):
            pltpu.make_async_copy(bufs[c % 2],
                                  out_hbm.at[pl.ds(base + c * 8, 8)],
                                  ssem[c % 2]).wait()

        @pl.when(base < NFULL)
        def _p():
            issue_get(0)

        for c in range(nck):
            if c + 1 < nck:
                if c >= 1:
                    @pl.when(base + (c - 1) * 8 < NFULL)
                    def _ws():
                        wait_put(c - 1)

                @pl.when(base + (c + 1) * 8 < NFULL)
                def _g():
                    issue_get(c + 1)

            @pl.when(base + c * 8 < NFULL)
            def _gw():
                wait_get(c)
                issue_put(c)

        @pl.when(base + (nck - 2) * 8 < NFULL)
        def _d0():
            wait_put(nck - 2)

        @pl.when(base + (nck - 1) * 8 < NFULL)
        def _d1():
            wait_put(nck - 1)

    return k(tok2d, gid_flat)


def _tail_body(idx_ref, out_sc_ref, tok_ref, tail_ref):
    del idx_ref, out_sc_ref
    tail_ref[0] = tok_ref[0]


def _tail_fix(out_sc, tok2d, tail_gid):
    out3 = out_sc.reshape(NROWS, 1, DIM)
    tok3 = tok2d.reshape(BATCH * NTOK, 1, DIM)
    grid_spec = pltpu.PrefetchScalarGridSpec(
        num_scalar_prefetch=1,
        grid=(TAIL,),
        in_specs=[
            pl.BlockSpec(memory_space=pl.ANY),
            pl.BlockSpec((1, 1, DIM), lambda g, idx: (idx[g], 0, 0)),
        ],
        out_specs=pl.BlockSpec((1, 1, DIM), lambda g, idx: (NFULL + g, 0, 0)),
    )
    out = pl.pallas_call(
        _tail_body,
        grid_spec=grid_spec,
        out_shape=jax.ShapeDtypeStruct((NROWS, 1, DIM), jnp.float32),
        input_output_aliases={1: 0},
    )(tail_gid, out3, tok3)
    return out.reshape(NROWS, DIM)


def kernel(tokens, ln_g, ln_b, W, b):
    xn = _layernorm(tokens, ln_g, ln_b)
    scol = xn @ W.T + b
    perm, gid, wsig = _rank(scol)
    topk = perm[:, 0, :KEEP]
    weights = wsig[:, 0, :KEEP]
    gid_flat = jnp.concatenate(
        [gid[:, 0, :KEEP].reshape(NROWS),
         jnp.zeros((32 * PERW - NROWS,), jnp.int32)])
    tok2d = tokens.reshape(BATCH * NTOK, DIM)
    out_sc = _gather(tok2d, gid_flat)
    tail_gid = lax.dynamic_slice(gid_flat, (NFULL,), (TAIL,))
    pruned = _tail_fix(out_sc, tok2d, tail_gid).reshape(BATCH, KEEP, DIM)
    return (pruned, topk, weights)

# --- scband reference (transcript-rebuilt; emitter-appended) ---
"""Pipeline reference for scband-sha-rppruner-32384053412559 (READ-ONLY COPY).

The authoritative reference and input builder live on the scoring server;
editing this copy changes nothing except your own understanding.
"""

import jax, jax.numpy as jnp
import numpy as np

DIM = 2048
KEEP_RATIO = 0.7
MIN_KEEP = 1

def setup_inputs(seed: int = 0) -> dict:
    key = jax.random.key(seed)
    k1, k2 = jax.random.split(key, 2)
    tokens = jax.random.normal(k1, (2, 4096, DIM), dtype=jnp.float32)
    ln_g = jnp.ones((DIM,), dtype=jnp.float32)
    ln_b = jnp.zeros((DIM,), dtype=jnp.float32)
    W = jax.random.normal(k2, (1, DIM), dtype=jnp.float32) * (1.0 / np.sqrt(DIM))
    b = jnp.zeros((1,), dtype=jnp.float32)
    return {"tokens": tokens, "ln_g": ln_g, "ln_b": ln_b, "W": W, "b": b}

def reference(tokens, ln_g, ln_b, W, b):
    B, N, D = tokens.shape
    # LayerNorm (biased variance, eps=1e-5 like torch default)
    mu = jnp.mean(tokens, axis=-1, keepdims=True)
    var = jnp.var(tokens, axis=-1, keepdims=True)
    xn = (tokens - mu) / jnp.sqrt(var + 1e-5) * ln_g + ln_b
    # Linear(dim, 1) -> squeeze(-1)
    scores = (xn @ W.T + b).squeeze(-1)  # (B, N)
    # per-batch normalization (torch std is unbiased, ddof=1)
    s_mean = jnp.mean(scores, axis=1, keepdims=True)
    s_std = jnp.std(scores, axis=1, keepdims=True, ddof=1)
    scores_norm = (scores - s_mean) / (s_std + 1e-6)
    k = max(MIN_KEEP, int(N * KEEP_RATIO))
    _, topk = jax.lax.top_k(scores_norm, k)  # (B, K)
    pruned = jnp.take_along_axis(tokens, topk[..., None], axis=1)  # (B, K, D)
    kept_scores = jnp.take_along_axis(scores, topk, axis=1)  # (B, K)
    weights = jax.nn.sigmoid(kept_scores)
    return (pruned, topk, weights)

if __name__ == "__main__":
    import jax
    _d = setup_inputs()
    print(jax.jit(kernel)(*tuple(_d.values())))

</pallas_src>

<mosaic_0001>
#map = affine_map<(d0, d1) -> (0, 0)>
#map1 = affine_map<(d0, d1) -> (0)>
module attributes {stable_mosaic.version = 14 : i64} {
  func.func @k(%arg0: i32, %arg1: i32, %arg2: memref<8192x2048xf32, #tpu.memory_space<hbm>>, %arg3: memref<5888xi32, #tpu.memory_space<hbm>>, %arg4: memref<5734x2048xf32, #tpu.memory_space<hbm>>, %arg5: memref<184xi32, #tpu.memory_space<vmem>>, %arg6: memref<8x2048xf32, #tpu.memory_space<vmem>>, %arg7: memref<8x2048xf32, #tpu.memory_space<vmem>>, %arg8: memref<!tpu.dma_semaphore, #tpu.memory_space<semaphore_mem>>, %arg9: memref<!tpu.dma_semaphore, #tpu.memory_space<semaphore_mem>>, %arg10: memref<!tpu.dma_semaphore, #tpu.memory_space<semaphore_mem>>, %arg11: memref<!tpu.dma_semaphore, #tpu.memory_space<semaphore_mem>>) attributes {dimension_semantics = [#tpu.dimension_semantics<core_parallel>, #tpu.dimension_semantics<subcore_parallel>], iteration_bounds = array<i64: 2, 16>, scalar_prefetch = 0 : i64, scratch_operands = 7 : i64, tpu.core_type = #tpu.core_type<sc_vector_subcore>, window_params = [{transform_indices = #map}, {transform_indices = #map1}, {transform_indices = #map}]} {
    %mul3A = arith.constant 2 : i32
    %mul3A_0 = arith.muli %arg1, %mul3A : i32
    %add3A = arith.addi %mul3A_0, %arg0 : i32
    %mul3A_1 = arith.constant 184 : i32
    %mul3A_2 = arith.muli %add3A, %mul3A_1 : i32
    "tpu.region"() ({
      %run_scoped3A = tpu.sem_alloc : memref<!tpu.dma_semaphore, #tpu.memory_space<semaphore_mem>>
      %dma_start3A = tpu.memref_slice %arg3[%mul3A_2] : memref<5888xi32, #tpu.memory_space<hbm>> -> memref<184xi32, #tpu.memory_space<hbm>>
      %dma_start3A_481 = tpu.memref_slice %arg3[%mul3A_2] : memref<5888xi32, #tpu.memory_space<hbm>> -> memref<184xi32, #tpu.memory_space<hbm>>
      tpu.enqueue_dma source(%dma_start3A_481 : memref<184xi32, #tpu.memory_space<hbm>>) target(%arg5 : memref<184xi32, #tpu.memory_space<vmem>>) target_semaphore(%run_scoped3A : memref<!tpu.dma_semaphore, #tpu.memory_space<semaphore_mem>>)
      %dma_wait3A = tpu.memref_slice %arg3[%mul3A_2] : memref<5888xi32, #tpu.memory_space<hbm>> -> memref<184xi32, #tpu.memory_space<hbm>>
      %dma_wait3A_482 = tpu.memref_slice %arg3[%mul3A_2] : memref<5888xi32, #tpu.memory_space<hbm>> -> memref<184xi32, #tpu.memory_space<hbm>>
      tpu.wait_dma2 semaphore(%run_scoped3A : memref<!tpu.dma_semaphore, #tpu.memory_space<semaphore_mem>>) src(%dma_wait3A_482 : memref<184xi32, #tpu.memory_space<hbm>>) dst(%arg5 : memref<184xi32, #tpu.memory_space<vmem>>)
      tpu.yield
    }) : () -> ()
    %lt3A = arith.constant 5728 : i32
    %lt3A_3 = arith.cmpi slt, %mul3A_2, %lt3A : i32
    %convert_element_type3A = arith.extui %lt3A_3 : i1 to i32
    %cond3A = arith.constant 0 : i32
    %cond3A_4 = arith.cmpi ne, %convert_element_type3A, %cond3A : i32
    scf.if %cond3A_4 {
      %dma_start3A = arith.constant 0 : i32
      %dma_start3A_481 = tpu.memref_slice %arg5[%dma_start3A] : memref<184xi32, #tpu.memory_space<vmem>> -> memref<8xi32, #tpu.memory_space<vmem>>
      %dma_start3A_482 = arith.constant 0 : i32
      %dma_start3A_483 = arith.constant 0 : i32
      %dma_start3A_484 = tpu.memref_slice %arg2[%dma_start3A_482, %dma_start3A_483] : memref<8192x2048xf32, #tpu.memory_space<hbm>> -> memref<8192x2048xf32, #tpu.memory_space<hbm>>
      tpu.enqueue_indirect_dma source(%dma_start3A_484 : memref<8192x2048xf32, #tpu.memory_space<hbm>>) target(%arg6 : memref<8x2048xf32, #tpu.memory_space<vmem>>) offsets(%dma_start3A_481 : memref<8xi32, #tpu.memory_space<vmem>>) semaphore(%arg8 : memref<!tpu.dma_semaphore, #tpu.memory_space<semaphore_mem>>)
    } else {
    }
    %add3A_5 = arith.constant 8 : i32
    %add3A_6 = arith.addi %mul3A_2, %add3A_5 : i32
    %lt3A_7 = arith.constant 5728 : i32
    %lt3A_8 = arith.cmpi slt, %add3A_6, %lt3A_7 : i32
    %convert_element_type3A_9 = arith.extui %lt3A_8 : i1 to i32
    %cond3A_10 = arith.constant 0 : i32
    %cond3A_11 = arith.cmpi ne, %convert_element_type3A_9, %cond3A_10 : i32
    scf.if %cond3A_11 {
      %dma_start3A = arith.constant 8 : i32
      %dma_start3A_481 = tpu.memref_slice %arg5[%dma_start3A] : memref<184xi32, #tpu.memory_space<vmem>> -> memref<8xi32, #tpu.memory_space<vmem>>
      %dma_start3A_482 = arith.constant 0 : i32
      %dma_start3A_483 = arith.constant 0 : i32
      %dma_start3A_484 = tpu.memref_slice %arg2[%dma_start3A_482, %dma_start3A_483] : memref<8192x2048xf32, #tpu.memory_space<hbm>> -> memref<8192x2048xf32, #tpu.memory_space<hbm>>
      tpu.enqueue_indirect_dma source(%dma_start3A_484 : memref<8192x2048xf32, #tpu.memory_space<hbm>>) target(%arg7 : memref<8x2048xf32, #tpu.memory_space<vmem>>) offsets(%dma_start3A_481 : memref<8xi32, #tpu.memory_space<vmem>>) semaphore(%arg9 : memref<!tpu.dma_semaphore, #tpu.memory_space<semaphore_mem>>)
    } else {
    }
    %add3A_12 = arith.constant 0 : i32
    %add3A_13 = arith.addi %mul3A_2, %add3A_12 : i32
    %lt3A_14 = arith.constant 5728 : i32
    %lt3A_15 = arith.cmpi slt, %add3A_13, %lt3A_14 : i32
    %convert_element_type3A_16 = arith.extui %lt3A_15 : i1 to i32
    %cond3A_17 = arith.constant 0 : i32
    %cond3A_18 = arith.cmpi ne, %convert_element_type3A_16, %cond3A_17 : i32
    scf.if %cond3A_18 {
      %dma_wait3A = arith.constant 0 : i32
      %dma_wait3A_481 = tpu.memref_slice %arg5[%dma_wait3A] : memref<184xi32, #tpu.memory_space<vmem>> -> memref<8xi32, #tpu.memory_space<vmem>>
      %dma_wait3A_482 = arith.constant 0 : i32
      %dma_wait3A_483 = arith.constant 0 : i32
      %dma_wait3A_484 = tpu.memref_slice %arg2[%dma_wait3A_482, %dma_wait3A_483] : memref<8192x2048xf32, #tpu.memory_space<hbm>> -> memref<8192x2048xf32, #tpu.memory_space<hbm>>
      tpu.wait_indirect_dma semaphore(%arg8 : memref<!tpu.dma_semaphore, #tpu.memory_space<semaphore_mem>>) src(%dma_wait3A_484 : memref<8192x2048xf32, #tpu.memory_space<hbm>>) dst(%arg6 : memref<8x2048xf32, #tpu.memory_space<vmem>>)
      %add3A_485 = arith.constant 0 : i32
      %add3A_486 = arith.addi %mul3A_2, %add3A_485 : i32
      %dma_start3A = arith.constant 0 : i32
      %dma_start3A_487 = tpu.memref_slice %arg4[%add3A_486, %dma_start3A] : memref<5734x2048xf32, #tpu.memory_space<hbm>> -> memref<8x2048xf32, #tpu.memory_space<hbm>>
      %dma_start3A_488 = arith.constant 0 : i32
      %dma_start3A_489 = tpu.memref_slice %arg4[%add3A_486, %dma_start3A_488] : memref<5734x2048xf32, #tpu.memory_space<hbm>> -> memref<8x2048xf32, #tpu.memory_space<hbm>>
      tpu.enqueue_dma source(%arg6 : memref<8x2048xf32, #tpu.memory_space<vmem>>) target(%dma_start3A_489 : memref<8x2048xf32, #tpu.memory_space<hbm>>) target_semaphore(%arg10 : memref<!tpu.dma_semaphore, #tpu.memory_space<semaphore_mem>>)
    } else {
    }
    %add3A_19 = arith.constant 0 : i32
    %add3A_20 = arith.addi %mul3A_2, %add3A_19 : i32
    %lt3A_21 = arith.constant 5728 : i32
    %lt3A_22 = arith.cmpi slt, %add3A_20, %lt3A_21 : i32
    %convert_element_type3A_23 = arith.extui %lt3A_22 : i1 to i32
    %cond3A_24 = arith.constant 0 : i32
    %cond3A_25 = arith.cmpi ne, %convert_element_type3A_23, %cond3A_24 : i32
    scf.if %cond3A_25 {
      %add3A_481 = arith.constant 0 : i32
      %add3A_482 = arith.addi %mul3A_2, %add3A_481 : i32
      %dma_wait3A = arith.constant 0 : i32
      %dma_wait3A_483 = tpu.memref_slice %arg4[%add3A_482, %dma_wait3A] : memref<5734x2048xf32, #tpu.memory_space<hbm>> -> memref<8x2048xf32, #tpu.memory_space<hbm>>
      %dma_wait3A_484 = arith.constant 0 : i32
      %dma_wait3A_485 = tpu.memref_slice %arg4[%add3A_482, %dma_wait3A_484] : memref<5734x2048xf32, #tpu.memory_space<hbm>> -> memref<8x2048xf32, #tpu.memory_space<hbm>>
      tpu.wait_dma2 semaphore(%arg10 : memref<!tpu.dma_semaphore, #tpu.memory_space<semaphore_mem>>) src(%arg6 : memref<8x2048xf32, #tpu.memory_space<vmem>>) dst(%dma_wait3A_485 : memref<8x2048xf32, #tpu.memory_space<hbm>>)
    } else {
    }
    %add3A_26 = arith.constant 16 : i32
    %add3A_27 = arith.addi %mul3A_2, %add3A_26 : i32
    %lt3A_28 = arith.constant 5728 : i32
    %lt3A_29 = arith.cmpi slt, %add3A_27, %lt3A_28 : i32
    %convert_element_type3A_30 = arith.extui %lt3A_29 : i1 to i32
    %cond3A_31 = arith.constant 0 : i32
    %cond3A_32 = arith.cmpi ne, %convert_element_type3A_30, %cond3A_31 : i32
    scf.if %cond3A_32 {
      %dma_start3A = arith.constant 16 : i32
      %dma_start3A_481 = tpu.memref_slice %arg5[%dma_start3A] : memref<184xi32, #tpu.memory_space<vmem>> -> memref<8xi32, #tpu.memory_space<vmem>>
      %dma_start3A_482 = arith.constant 0 : i32
      %dma_start3A_483 = arith.constant 0 : i32
      %dma_start3A_484 = tpu.memref_slice %arg2[%dma_start3A_482, %dma_start3A_483] : memref<8192x2048xf32, #tpu.memory_space<hbm>> -> memref<8192x2048xf32, #tpu.memory_space<hbm>>
      tpu.enqueue_indirect_dma source(%dma_start3A_484 : memref<8192x2048xf32, #tpu.memory_space<hbm>>) target(%arg6 : memref<8x2048xf32, #tpu.memory_space<vmem>>) offsets(%dma_start3A_481 : memref<8xi32, #tpu.memory_space<vmem>>) semaphore(%arg8 : memref<!tpu.dma_semaphore, #tpu.memory_space<semaphore_mem>>)
    } else {
    }
    %add3A_33 = arith.constant 8 : i32
    %add3A_34 = arith.addi %mul3A_2, %add3A_33 : i32
    %lt3A_35 = arith.constant 5728 : i32
    %lt3A_36 = arith.cmpi slt, %add3A_34, %lt3A_35 : i32
    %convert_element_type3A_37 = arith.extui %lt3A_36 : i1 to i32
    %cond3A_38 = arith.constant 0 : i32
    %cond3A_39 = arith.cmpi ne, %convert_element_type3A_37, %cond3A_38 : i32
    scf.if %cond3A_39 {
      %dma_wait3A = arith.constant 8 : i32
      %dma_wait3A_481 = tpu.memref_slice %arg5[%dma_wait3A] : memref<184xi32, #tpu.memory_space<vmem>> -> memref<8xi32, #tpu.memory_space<vmem>>
      %dma_wait3A_482 = arith.constant 0 : i32
      %dma_wait3A_483 = arith.constant 0 : i32
      %dma_wait3A_484 = tpu.memref_slice %arg2[%dma_wait3A_482, %dma_wait3A_483] : memref<8192x2048xf32, #tpu.memory_space<hbm>> -> memref<8192x2048xf32, #tpu.memory_space<hbm>>
      tpu.wait_indirect_dma semaphore(%arg9 : memref<!tpu.dma_semaphore, #tpu.memory_space<semaphore_mem>>) src(%dma_wait3A_484 : memref<8192x2048xf32, #tpu.memory_space<hbm>>) dst(%arg7 : memref<8x2048xf32, #tpu.memory_space<vmem>>)
      %add3A_485 = arith.constant 8 : i32
      %add3A_486 = arith.addi %mul3A_2, %add3A_485 : i32
      %dma_start3A = arith.constant 0 : i32
      %dma_start3A_487 = tpu.memref_slice %arg4[%add3A_486, %dma_start3A] : memref<5734x2048xf32, #tpu.memory_space<hbm>> -> memref<8x2048xf32, #tpu.memory_space<hbm>>
      %dma_start3A_488 = arith.constant 0 : i32
      %dma_start3A_489 = tpu.memref_slice %arg4[%add3A_486, %dma_start3A_488] : memref<5734x2048xf32, #tpu.memory_space<hbm>> -> memref<8x2048xf32, #tpu.memory_space<hbm>>
      tpu.enqueue_dma source(%arg7 : memref<8x2048xf32, #tpu.memory_space<vmem>>) target(%dma_start3A_489 : memref<8x2048xf32, #tpu.memory_space<hbm>>) target_semaphore(%arg11 : memref<!tpu.dma_semaphore, #tpu.memory_space<semaphore_mem>>)
    } else {
    }
    %add3A_40 = arith.constant 8 : i32
    %add3A_41 = arith.addi %mul3A_2, %add3A_40 : i32
    %lt3A_42 = arith.constant 5728 : i32
    %lt3A_43 = arith.cmpi slt, %add3A_41, %lt3A_42 : i32
    %convert_element_type3A_44 = arith.extui %lt3A_43 : i1 to i32
    %cond3A_45 = arith.constant 0 : i32
    %cond3A_46 = arith.cmpi ne, %convert_element_type3A_44, %cond3A_45 : i32
    scf.if %cond3A_46 {
      %add3A_481 = arith.constant 8 : i32
      %add3A_482 = arith.addi %mul3A_2, %add3A_481 : i32
      %dma_wait3A = arith.constant 0 : i32
      %dma_wait3A_483 = tpu.memref_slice %arg4[%add3A_482, %dma_wait3A] : memref<5734x2048xf32, #tpu.memory_space<hbm>> -> memref<8x2048xf32, #tpu.memory_space<hbm>>
      %dma_wait3A_484 = arith.constant 0 : i32
      %dma_wait3A_485 = tpu.memref_slice %arg4[%add3A_482, %dma_wait3A_484] : memref<5734x2048xf32, #tpu.memory_space<hbm>> -> memref<8x2048xf32, #tpu.memory_space<hbm>>
      tpu.wait_dma2 semaphore(%arg11 : memref<!tpu.dma_semaphore, #tpu.memory_space<semaphore_mem>>) src(%arg7 : memref<8x2048xf32, #tpu.memory_space<vmem>>) dst(%dma_wait3A_485 : memref<8x2048xf32, #tpu.memory_space<hbm>>)
    } else {
    }
    %add3A_47 = arith.constant 24 : i32
    %add3A_48 = arith.addi %mul3A_2, %add3A_47 : i32
    %lt3A_49 = arith.constant 5728 : i32
    %lt3A_50 = arith.cmpi slt, %add3A_48, %lt3A_49 : i32
    %convert_element_type3A_51 = arith.extui %lt3A_50 : i1 to i32
    %cond3A_52 = arith.constant 0 : i32
    %cond3A_53 = arith.cmpi ne, %convert_element_type3A_51, %cond3A_52 : i32
    scf.if %cond3A_53 {
      %dma_start3A = arith.constant 24 : i32
      %dma_start3A_481 = tpu.memref_slice %arg5[%dma_start3A] : memref<184xi32, #tpu.memory_space<vmem>> -> memref<8xi32, #tpu.memory_space<vmem>>
      %dma_start3A_482 = arith.constant 0 : i32
      %dma_start3A_483 = arith.constant 0 : i32
      %dma_start3A_484 = tpu.memref_slice %arg2[%dma_start3A_482, %dma_start3A_483] : memref<8192x2048xf32, #tpu.memory_space<hbm>> -> memref<8192x2048xf32, #tpu.memory_space<hbm>>
      tpu.enqueue_indirect_dma source(%dma_start3A_484 : memref<8192x2048xf32, #tpu.memory_space<hbm>>) target(%arg7 : memref<8x2048xf32, #tpu.memory_space<vmem>>) offsets(%dma_start3A_481 : memref<8xi32, #tpu.memory_space<vmem>>) semaphore(%arg9 : memref<!tpu.dma_semaphore, #tpu.memory_space<semaphore_mem>>)
    } else {
    }
    %add3A_54 = arith.constant 16 : i32
    %add3A_55 = arith.addi %mul3A_2, %add3A_54 : i32
    %lt3A_56 = arith.constant 5728 : i32
    %lt3A_57 = arith.cmpi slt, %add3A_55, %lt3A_56 : i32
    %convert_element_type3A_58 = arith.extui %lt3A_57 : i1 to i32
    %cond3A_59 = arith.constant 0 : i32
    %cond3A_60 = arith.cmpi ne, %convert_element_type3A_58, %cond3A_59 : i32
    scf.if %cond3A_60 {
      %dma_wait3A = arith.constant 16 : i32
      %dma_wait3A_481 = tpu.memref_slice %arg5[%dma_wait3A] : memref<184xi32, #tpu.memory_space<vmem>> -> memref<8xi32, #tpu.memory_space<vmem>>
      %dma_wait3A_482 = arith.constant 0 : i32
      %dma_wait3A_483 = arith.constant 0 : i32
      %dma_wait3A_484 = tpu.memref_slice %arg2[%dma_wait3A_482, %dma_wait3A_483] : memref<8192x2048xf32, #tpu.memory_space<hbm>> -> memref<8192x2048xf32, #tpu.memory_space<hbm>>
      tpu.wait_indirect_dma semaphore(%arg8 : memref<!tpu.dma_semaphore, #tpu.memory_space<semaphore_mem>>) src(%dma_wait3A_484 : memref<8192x2048xf32, #tpu.memory_space<hbm>>) dst(%arg6 : memref<8x2048xf32, #tpu.memory_space<vmem>>)
      %add3A_485 = arith.constant 16 : i32
      %add3A_486 = arith.addi %mul3A_2, %add3A_485 : i32
      %dma_start3A = arith.constant 0 : i32
      %dma_start3A_487 = tpu.memref_slice %arg4[%add3A_486, %dma_start3A] : memref<5734x2048xf32, #tpu.memory_space<hbm>> -> memref<8x2048xf32, #tpu.memory_space<hbm>>
      %dma_start3A_488 = arith.constant 0 : i32
      %dma_start3A_489 = tpu.memref_slice %arg4[%add3A_486, %dma_start3A_488] : memref<5734x2048xf32, #tpu.memory_space<hbm>> -> memref<8x2048xf32, #tpu.memory_space<hbm>>
      tpu.enqueue_dma source(%arg6 : memref<8x2048xf32, #tpu.memory_space<vmem>>) target(%dma_start3A_489 : memref<8x2048xf32, #tpu.memory_space<hbm>>) target_semaphore(%arg10 : memref<!tpu.dma_semaphore, #tpu.memory_space<semaphore_mem>>)
    } else {
    }
    %add3A_61 = arith.constant 16 : i32
    %add3A_62 = arith.addi %mul3A_2, %add3A_61 : i32
    %lt3A_63 = arith.constant 5728 : i32
    %lt3A_64 = arith.cmpi slt, %add3A_62, %lt3A_63 : i32
    %convert_element_type3A_65 = arith.extui %lt3A_64 : i1 to i32
    %cond3A_66 = arith.constant 0 : i32
    %cond3A_67 = arith.cmpi ne, %convert_element_type3A_65, %cond3A_66 : i32
    scf.if %cond3A_67 {
      %add3A_481 = arith.constant 16 : i32
      %add3A_482 = arith.addi %mul3A_2, %add3A_481 : i32
      %dma_wait3A = arith.constant 0 : i32
      %dma_wait3A_483 = tpu.memref_slice %arg4[%add3A_482, %dma_wait3A] : memref<5734x2048xf32, #tpu.memory_space<hbm>> -> memref<8x2048xf32, #tpu.memory_space<hbm>>
      %dma_wait3A_484 = arith.constant 0 : i32
      %dma_wait3A_485 = tpu.memref_slice %arg4[%add3A_482, %dma_wait3A_484] : memref<5734x2048xf32, #tpu.memory_space<hbm>> -> memref<8x2048xf32, #tpu.memory_space<hbm>>
      tpu.wait_dma2 semaphore(%arg10 : memref<!tpu.dma_semaphore, #tpu.memory_space<semaphore_mem>>) src(%arg6 : memref<8x2048xf32, #tpu.memory_space<vmem>>) dst(%dma_wait3A_485 : memref<8x2048xf32, #tpu.memory_space<hbm>>)
    } else {
    }
    %add3A_68 = arith.constant 32 : i32
    %add3A_69 = arith.addi %mul3A_2, %add3A_68 : i32
    %lt3A_70 = arith.constant 5728 : i32
    %lt3A_71 = arith.cmpi slt, %add3A_69, %lt3A_70 : i32
    %convert_element_type3A_72 = arith.extui %lt3A_71 : i1 to i32
    %cond3A_73 = arith.constant 0 : i32
    %cond3A_74 = arith.cmpi ne, %convert_element_type3A_72, %cond3A_73 : i32
    scf.if %cond3A_74 {
      %dma_start3A = arith.constant 32 : i32
      %dma_start3A_481 = tpu.memref_slice %arg5[%dma_start3A] : memref<184xi32, #tpu.memory_space<vmem>> -> memref<8xi32, #tpu.memory_space<vmem>>
      %dma_start3A_482 = arith.constant 0 : i32
      %dma_start3A_483 = arith.constant 0 : i32
      %dma_start3A_484 = tpu.memref_slice %arg2[%dma_start3A_482, %dma_start3A_483] : memref<8192x2048xf32, #tpu.memory_space<hbm>> -> memref<8192x2048xf32, #tpu.memory_space<hbm>>
      tpu.enqueue_indirect_dma source(%dma_start3A_484 : memref<8192x2048xf32, #tpu.memory_space<hbm>>) target(%arg6 : memref<8x2048xf32, #tpu.memory_space<vmem>>) offsets(%dma_start3A_481 : memref<8xi32, #tpu.memory_space<vmem>>) semaphore(%arg8 : memref<!tpu.dma_semaphore, #tpu.memory_space<semaphore_mem>>)
    } else {
    }
    %add3A_75 = arith.constant 24 : i32
    %add3A_76 = arith.addi %mul3A_2, %add3A_75 : i32
    %lt3A_77 = arith.constant 5728 : i32
    %lt3A_78 = arith.cmpi slt, %add3A_76, %lt3A_77 : i32
    %convert_element_type3A_79 = arith.extui %lt3A_78 : i1 to i32
    %cond3A_80 = arith.constant 0 : i32
    %cond3A_81 = arith.cmpi ne, %convert_element_type3A_79, %cond3A_80 : i32
    scf.if %cond3A_81 {
      %dma_wait3A = arith.constant 24 : i32
      %dma_wait3A_481 = tpu.memref_slice %arg5[%dma_wait3A] : memref<184xi32, #tpu.memory_space<vmem>> -> memref<8xi32, #tpu.memory_space<vmem>>
      %dma_wait3A_482 = arith.constant 0 : i32
      %dma_wait3A_483 = arith.constant 0 : i32
      %dma_wait3A_484 = tpu.memref_slice %arg2[%dma_wait3A_482, %dma_wait3A_483] : memref<8192x2048xf32, #tpu.memory_space<hbm>> -> memref<8192x2048xf32, #tpu.memory_space<hbm>>
      tpu.wait_indirect_dma semaphore(%arg9 : memref<!tpu.dma_semaphore, #tpu.memory_space<semaphore_mem>>) src(%dma_wait3A_484 : memref<8192x2048xf32, #tpu.memory_space<hbm>>) dst(%arg7 : memref<8x2048xf32, #tpu.memory_space<vmem>>)
      %add3A_485 = arith.constant 24 : i32
      %add3A_486 = arith.addi %mul3A_2, %add3A_485 : i32
      %dma_start3A = arith.constant 0 : i32
      %dma_start3A_487 = tpu.memref_slice %arg4[%add3A_486, %dma_start3A] : memref<5734x2048xf32, #tpu.memory_space<hbm>> -> memref<8x2048xf32, #tpu.memory_space<hbm>>
      %dma_start3A_488 = arith.constant 0 : i32
      %dma_start3A_489 = tpu.memref_slice %arg4[%add3A_486, %dma_start3A_488] : memref<5734x2048xf32, #tpu.memory_space<hbm>> -> memref<8x2048xf32, #tpu.memory_space<hbm>>
      tpu.enqueue_dma source(%arg7 : memref<8x2048xf32, #tpu.memory_space<vmem>>) target(%dma_start3A_489 : memref<8x2048xf32, #tpu.memory_space<hbm>>) target_semaphore(%arg11 : memref<!tpu.dma_semaphore, #tpu.memory_space<semaphore_mem>>)
    } else {
    }
    %add3A_82 = arith.constant 24 : i32
    %add3A_83 = arith.addi %mul3A_2, %add3A_82 : i32
    %lt3A_84 = arith.constant 5728 : i32
    %lt3A_85 = arith.cmpi slt, %add3A_83, %lt3A_84 : i32
    %convert_element_type3A_86 = arith.extui %lt3A_85 : i1 to i32
    %cond3A_87 = arith.constant 0 : i32
    %cond3A_88 = arith.cmpi ne, %convert_element_type3A_86, %cond3A_87 : i32
    scf.if %cond3A_88 {
      %add3A_481 = arith.constant 24 : i32
      %add3A_482 = arith.addi %mul3A_2, %add3A_481 : i32
      %dma_wait3A = arith.constant 0 : i32
      %dma_wait3A_483 = tpu.memref_slice %arg4[%add3A_482, %dma_wait3A] : memref<5734x2048xf32, #tpu.memory_space<hbm>> -> memref<8x2048xf32, #tpu.memory_space<hbm>>
      %dma_wait3A_484 = arith.constant 0 : i32
      %dma_wait3A_485 = tpu.memref_slice %arg4[%add3A_482, %dma_wait3A_484] : memref<5734x2048xf32, #tpu.memory_space<hbm>> -> memref<8x2048xf32, #tpu.memory_space<hbm>>
      tpu.wait_dma2 semaphore(%arg11 : memref<!tpu.dma_semaphore, #tpu.memory_space<semaphore_mem>>) src(%arg7 : memref<8x2048xf32, #tpu.memory_space<vmem>>) dst(%dma_wait3A_485 : memref<8x2048xf32, #tpu.memory_space<hbm>>)
    } else {
    }
    %add3A_89 = arith.constant 40 : i32
    %add3A_90 = arith.addi %mul3A_2, %add3A_89 : i32
    %lt3A_91 = arith.constant 5728 : i32
    %lt3A_92 = arith.cmpi slt, %add3A_90, %lt3A_91 : i32
    %convert_element_type3A_93 = arith.extui %lt3A_92 : i1 to i32
    %cond3A_94 = arith.constant 0 : i32
    %cond3A_95 = arith.cmpi ne, %convert_element_type3A_93, %cond3A_94 : i32
    scf.if %cond3A_95 {
      %dma_start3A = arith.constant 40 : i32
      %dma_start3A_481 = tpu.memref_slice %arg5[%dma_start3A] : memref<184xi32, #tpu.memory_space<vmem>> -> memref<8xi32, #tpu.memory_space<vmem>>
      %dma_start3A_482 = arith.constant 0 : i32
      %dma_start3A_483 = arith.constant 0 : i32
      %dma_start3A_484 = tpu.memref_slice %arg2[%dma_start3A_482, %dma_start3A_483] : memref<8192x2048xf32, #tpu.memory_space<hbm>> -> memref<8192x2048xf32, #tpu.memory_space<hbm>>
      tpu.enqueue_indirect_dma source(%dma_start3A_484 : memref<8192x2048xf32, #tpu.memory_space<hbm>>) target(%arg7 : memref<8x2048xf32, #tpu.memory_space<vmem>>) offsets(%dma_start3A_481 : memref<8xi32, #tpu.memory_space<vmem>>) semaphore(%arg9 : memref<!tpu.dma_semaphore, #tpu.memory_space<semaphore_mem>>)
    } else {
    }
    %add3A_96 = arith.constant 32 : i32
    %add3A_97 = arith.addi %mul3A_2, %add3A_96 : i32
    %lt3A_98 = arith.constant 5728 : i32
    %lt3A_99 = arith.cmpi slt, %add3A_97, %lt3A_98 : i32
    %convert_element_type3A_100 = arith.extui %lt3A_99 : i1 to i32
    %cond3A_101 = arith.constant 0 : i32
    %cond3A_102 = arith.cmpi ne, %convert_element_type3A_100, %cond3A_101 : i32
    scf.if %cond3A_102 {
      %dma_wait3A = arith.constant 32 : i32
      %dma_wait3A_481 = tpu.memref_slice %arg5[%dma_wait3A] : memref<184xi32, #tpu.memory_space<vmem>> -> memref<8xi32, #tpu.memory_space<vmem>>
      %dma_wait3A_482 = arith.constant 0 : i32
      %dma_wait3A_483 = arith.constant 0 : i32
      %dma_wait3A_484 = tpu.memref_slice %arg2[%dma_wait3A_482, %dma_wait3A_483] : memref<8192x2048xf32, #tpu.memory_space<hbm>> -> memref<8192x2048xf32, #tpu.memory_space<hbm>>
      tpu.wait_indirect_dma semaphore(%arg8 : memref<!tpu.dma_semaphore, #tpu.memory_space<semaphore_mem>>) src(%dma_wait3A_484 : memref<8192x2048xf32, #tpu.memory_space<hbm>>) dst(%arg6 : memref<8x2048xf32, #tpu.memory_space<vmem>>)
      %add3A_485 = arith.constant 32 : i32
      %add3A_486 = arith.addi %mul3A_2, %add3A_485 : i32
      %dma_start3A = arith.constant 0 : i32
      %dma_start3A_487 = tpu.memref_slice %arg4[%add3A_486, %dma_start3A] : memref<5734x2048xf32, #tpu.memory_space<hbm>> -> memref<8x2048xf32, #tpu.memory_space<hbm>>
      %dma_start3A_488 = arith.constant 0 : i32
      %dma_start3A_489 = tpu.memref_slice %arg4[%add3A_486, %dma_start3A_488] : memref<5734x2048xf32, #tpu.memory_space<hbm>> -> memref<8x2048xf32, #tpu.memory_space<hbm>>
      tpu.enqueue_dma source(%arg6 : memref<8x2048xf32, #tpu.memory_space<vmem>>) target(%dma_start3A_489 : memref<8x2048xf32, #tpu.memory_space<hbm>>) target_semaphore(%arg10 : memref<!tpu.dma_semaphore, #tpu.memory_space<semaphore_mem>>)
    } else {
    }
    %add3A_103 = arith.constant 32 : i32
    %add3A_104 = arith.addi %mul3A_2, %add3A_103 : i32
    %lt3A_105 = arith.constant 5728 : i32
    %lt3A_106 = arith.cmpi slt, %add3A_104, %lt3A_105 : i32
    %convert_element_type3A_107 = arith.extui %lt3A_106 : i1 to i32
    %cond3A_108 = arith.constant 0 : i32
    %cond3A_109 = arith.cmpi ne, %convert_element_type3A_107, %cond3A_108 : i32
    scf.if %cond3A_109 {
      %add3A_481 = arith.constant 32 : i32
      %add3A_482 = arith.addi %mul3A_2, %add3A_481 : i32
      %dma_wait3A = arith.constant 0 : i32
      %dma_wait3A_483 = tpu.memref_slice %arg4[%add3A_482, %dma_wait3A] : memref<5734x2048xf32, #tpu.memory_space<hbm>> -> memref<8x2048xf32, #tpu.memory_space<hbm>>
      %dma_wait3A_484 = arith.constant 0 : i32
      %dma_wait3A_485 = tpu.memref_slice %arg4[%add3A_482, %dma_wait3A_484] : memref<5734x2048xf32, #tpu.memory_space<hbm>> -> memref<8x2048xf32, #tpu.memory_space<hbm>>
      tpu.wait_dma2 semaphore(%arg10 : memref<!tpu.dma_semaphore, #tpu.memory_space<semaphore_mem>>) src(%arg6 : memref<8x2048xf32, #tpu.memory_space<vmem>>) dst(%dma_wait3A_485 : memref<8x2048xf32, #tpu.memory_space<hbm>>)
    } else {
    }
    %add3A_110 = arith.constant 48 : i32
    %add3A_111 = arith.addi %mul3A_2, %add3A_110 : i32
    %lt3A_112 = arith.constant 5728 : i32
    %lt3A_113 = arith.cmpi slt, %add3A_111, %lt3A_112 : i32
    %convert_element_type3A_114 = arith.extui %lt3A_113 : i1 to i32
    %cond3A_115 = arith.constant 0 : i32
    %cond3A_116 = arith.cmpi ne, %convert_element_type3A_114, %cond3A_115 : i32
    scf.if %cond3A_116 {
      %dma_start3A = arith.constant 48 : i32
      %dma_start3A_481 = tpu.memref_slice %arg5[%dma_start3A] : memref<184xi32, #tpu.memory_space<vmem>> -> memref<8xi32, #tpu.memory_space<vmem>>
      %dma_start3A_482 = arith.constant 0 : i32
      %dma_start3A_483 = arith.constant 0 : i32
      %dma_start3A_484 = tpu.memref_slice %arg2[%dma_start3A_482, %dma_start3A_483] : memref<8192x2048xf32, #tpu.memory_space<hbm>> -> memref<8192x2048xf32, #tpu.memory_space<hbm>>
      tpu.enqueue_indirect_dma source(%dma_start3A_484 : memref<8192x2048xf32, #tpu.memory_space<hbm>>) target(%arg6 : memref<8x2048xf32, #tpu.memory_space<vmem>>) offsets(%dma_start3A_481 : memref<8xi32, #tpu.memory_space<vmem>>) semaphore(%arg8 : memref<!tpu.dma_semaphore, #tpu.memory_space<semaphore_mem>>)
    } else {
    }
    %add3A_117 = arith.constant 40 : i32
    %add3A_118 = arith.addi %mul3A_2, %add3A_117 : i32
    %lt3A_119 = arith.constant 5728 : i32
    %lt3A_120 = arith.cmpi slt, %add3A_118, %lt3A_119 : i32
    %convert_element_type3A_121 = arith.extui %lt3A_120 : i1 to i32
    %cond3A_122 = arith.constant 0 : i32
    %cond3A_123 = arith.cmpi ne, %convert_element_type3A_121, %cond3A_122 : i32
    scf.if %cond3A_123 {
      %dma_wait3A = arith.constant 40 : i32
      %dma_wait3A_481 = tpu.memref_slice %arg5[%dma_wait3A] : memref<184xi32, #tpu.memory_space<vmem>> -> memref<8xi32, #tpu.memory_space<vmem>>
      %dma_wait3A_482 = arith.constant 0 : i32
      %dma_wait3A_483 = arith.constant 0 : i32
      %dma_wait3A_484 = tpu.memref_slice %arg2[%dma_wait3A_482, %dma_wait3A_483] : memref<8192x2048xf32, #tpu.memory_space<hbm>> -> memref<8192x2048xf32, #tpu.memory_space<hbm>>
      tpu.wait_indirect_dma semaphore(%arg9 : memref<!tpu.dma_semaphore, #tpu.memory_space<semaphore_mem>>) src(%dma_wait3A_484 : memref<8192x2048xf32, #tpu.memory_space<hbm>>) dst(%arg7 : memref<8x2048xf32, #tpu.memory_space<vmem>>)
      %add3A_485 = arith.constant 40 : i32
      %add3A_486 = arith.addi %mul3A_2, %add3A_485 : i32
      %dma_start3A = arith.constant 0 : i32
      %dma_start3A_487 = tpu.memref_slice %arg4[%add3A_486, %dma_start3A] : memref<5734x2048xf32, #tpu.memory_space<hbm>> -> memref<8x2048xf32, #tpu.memory_space<hbm>>
      %dma_start3A_488 = arith.constant 0 : i32
      %dma_start3A_489 = tpu.memref_slice %arg4[%add3A_486, %dma_start3A_488] : memref<5734x2048xf32, #tpu.memory_space<hbm>> -> memref<8x2048xf32, #tpu.memory_space<hbm>>
      tpu.enqueue_dma source(%arg7 : memref<8x2048xf32, #tpu.memory_space<vmem>>) target(%dma_start3A_489 : memref<8x2048xf32, #tpu.memory_space<hbm>>) target_semaphore(%arg11 : memref<!tpu.dma_semaphore, #tpu.memory_space<semaphore_mem>>)
    } else {
    }
    %add3A_124 = arith.constant 40 : i32
    %add3A_125 = arith.addi %mul3A_2, %add3A_124 : i32
    %lt3A_126 = arith.constant 5728 : i32
    %lt3A_127 = arith.cmpi slt, %add3A_125, %lt3A_126 : i32
    %convert_element_type3A_128 = arith.extui %lt3A_127 : i1 to i32
    %cond3A_129 = arith.constant 0 : i32
    %cond3A_130 = arith.cmpi ne, %convert_element_type3A_128, %cond3A_129 : i32
    scf.if %cond3A_130 {
      %add3A_481 = arith.constant 40 : i32
      %add3A_482 = arith.addi %mul3A_2, %add3A_481 : i32
      %dma_wait3A = arith.constant 0 : i32
      %dma_wait3A_483 = tpu.memref_slice %arg4[%add3A_482, %dma_wait3A] : memref<5734x2048xf32, #tpu.memory_space<hbm>> -> memref<8x2048xf32, #tpu.memory_space<hbm>>
      %dma_wait3A_484 = arith.constant 0 : i32
      %dma_wait3A_485 = tpu.memref_slice %arg4[%add3A_482, %dma_wait3A_484] : memref<5734x2048xf32, #tpu.memory_space<hbm>> -> memref<8x2048xf32, #tpu.memory_space<hbm>>
      tpu.wait_dma2 semaphore(%arg11 : memref<!tpu.dma_semaphore, #tpu.memory_space<semaphore_mem>>) src(%arg7 : memref<8x2048xf32, #tpu.memory_space<vmem>>) dst(%dma_wait3A_485 : memref<8x2048xf32, #tpu.memory_space<hbm>>)
    } else {
    }
    %add3A_131 = arith.constant 56 : i32
    %add3A_132 = arith.addi %mul3A_2, %add3A_131 : i32
    %lt3A_133 = arith.constant 5728 : i32
    %lt3A_134 = arith.cmpi slt, %add3A_132, %lt3A_133 : i32
    %convert_element_type3A_135 = arith.extui %lt3A_134 : i1 to i32
    %cond3A_136 = arith.constant 0 : i32
    %cond3A_137 = arith.cmpi ne, %convert_element_type3A_135, %cond3A_136 : i32
    scf.if %cond3A_137 {
      %dma_start3A = arith.constant 56 : i32
      %dma_start3A_481 = tpu.memref_slice %arg5[%dma_start3A] : memref<184xi32, #tpu.memory_space<vmem>> -> memref<8xi32, #tpu.memory_space<vmem>>
      %dma_start3A_482 = arith.constant 0 : i32
      %dma_start3A_483 = arith.constant 0 : i32
      %dma_start3A_484 = tpu.memref_slice %arg2[%dma_start3A_482, %dma_start3A_483] : memref<8192x2048xf32, #tpu.memory_space<hbm>> -> memref<8192x2048xf32, #tpu.memory_space<hbm>>
      tpu.enqueue_indirect_dma source(%dma_start3A_484 : memref<8192x2048xf32, #tpu.memory_space<hbm>>) target(%arg7 : memref<8x2048xf32, #tpu.memory_space<vmem>>) offsets(%dma_start3A_481 : memref<8xi32, #tpu.memory_space<vmem>>) semaphore(%arg9 : memref<!tpu.dma_semaphore, #tpu.memory_space<semaphore_mem>>)
    } else {
    }
    %add3A_138 = arith.constant 48 : i32
    %add3A_139 = arith.addi %mul3A_2, %add3A_138 : i32
    %lt3A_140 = arith.constant 5728 : i32
    %lt3A_141 = arith.cmpi slt, %add3A_139, %lt3A_140 : i32
    %convert_element_type3A_142 = arith.extui %lt3A_141 : i1 to i32
    %cond3A_143 = arith.constant 0 : i32
    %cond3A_144 = arith.cmpi ne, %convert_element_type3A_142, %cond3A_143 : i32
    scf.if %cond3A_144 {
      %dma_wait3A = arith.constant 48 : i32
      %dma_wait3A_481 = tpu.memref_slice %arg5[%dma_wait3A] : memref<184xi32, #tpu.memory_space<vmem>> -> memref<8xi32, #tpu.memory_space<vmem>>
      %dma_wait3A_482 = arith.constant 0 : i32
      %dma_wait3A_483 = arith.constant 0 : i32
      %dma_wait3A_484 = tpu.memref_slice %arg2[%dma_wait3A_482, %dma_wait3A_483] : memref<8192x2048xf32, #tpu.memory_space<hbm>> -> memref<8192x2048xf32, #tpu.memory_space<hbm>>
      tpu.wait_indirect_dma semaphore(%arg8 : memref<!tpu.dma_semaphore, #tpu.memory_space<semaphore_mem>>) src(%dma_wait3A_484 : memref<8192x2048xf32, #tpu.memory_space<hbm>>) dst(%arg6 : memref<8x2048xf32, #tpu.memory_space<vmem>>)
      %add3A_485 = arith.constant 48 : i32
      %add3A_486 = arith.addi %mul3A_2, %add3A_485 : i32
      %dma_start3A = arith.constant 0 : i32
      %dma_start3A_487 = tpu.memref_slice %arg4[%add3A_486, %dma_start3A] : memref<5734x2048xf32, #tpu.memory_space<hbm>> -> memref<8x2048xf32, #tpu.memory_space<hbm>>
      %dma_start3A_488 = arith.constant 0 : i32
      %dma_start3A_489 = tpu.memref_slice %arg4[%add3A_486, %dma_start3A_488] : memref<5734x2048xf32, #tpu.memory_space<hbm>> -> memref<8x2048xf32, #tpu.memory_space<hbm>>
      tpu.enqueue_dma source(%arg6 : memref<8x2048xf32, #tpu.memory_space<vmem>>) target(%dma_start3A_489 : memref<8x2048xf32, #tpu.memory_space<hbm>>) target_semaphore(%arg10 : memref<!tpu.dma_semaphore, #tpu.memory_space<semaphore_mem>>)
    } else {
    }
    %add3A_145 = arith.constant 48 : i32
    %add3A_146 = arith.addi %mul3A_2, %add3A_145 : i32
    %lt3A_147 = arith.constant 5728 : i32
    %lt3A_148 = arith.cmpi slt, %add3A_146, %lt3A_147 : i32
    %convert_element_type3A_149 = arith.extui %lt3A_148 : i1 to i32
    %cond3A_150 = arith.constant 0 : i32
    %cond3A_151 = arith.cmpi ne, %convert_element_type3A_149, %cond3A_150 : i32
    scf.if %cond3A_151 {
      %add3A_481 = arith.constant 48 : i32
      %add3A_482 = arith.addi %mul3A_2, %add3A_481 : i32
      %dma_wait3A = arith.constant 0 : i32
      %dma_wait3A_483 = tpu.memref_slice %arg4[%add3A_482, %dma_wait3A] : memref<5734x2048xf32, #tpu.memory_space<hbm>> -> memref<8x2048xf32, #tpu.memory_space<hbm>>
      %dma_wait3A_484 = arith.constant 0 : i32
      %dma_wait3A_485 = tpu.memref_slice %arg4[%add3A_482, %dma_wait3A_484] : memref<5734x2048xf32, #tpu.memory_space<hbm>> -> memref<8x2048xf32, #tpu.memory_space<hbm>>
      tpu.wait_dma2 semaphore(%arg10 : memref<!tpu.dma_semaphore, #tpu.memory_space<semaphore_mem>>) src(%arg6 : memref<8x2048xf32, #tpu.memory_space<vmem>>) dst(%dma_wait3A_485 : memref<8x2048xf32, #tpu.memory_space<hbm>>)
    } else {
    }
    %add3A_152 = arith.constant 64 : i32
    %add3A_153 = arith.addi %mul3A_2, %add3A_152 : i32
    %lt3A_154 = arith.constant 5728 : i32
    %lt3A_155 = arith.cmpi slt, %add3A_153, %lt3A_154 : i32
    %convert_element_type3A_156 = arith.extui %lt3A_155 : i1 to i32
    %cond3A_157 = arith.constant 0 : i32
    %cond3A_158 = arith.cmpi ne, %convert_element_type3A_156, %cond3A_157 : i32
    scf.if %cond3A_158 {
      %dma_start3A = arith.constant 64 : i32
      %dma_start3A_481 = tpu.memref_slice %arg5[%dma_start3A] : memref<184xi32, #tpu.memory_space<vmem>> -> memref<8xi32, #tpu.memory_space<vmem>>
      %dma_start3A_482 = arith.constant 0 : i32
      %dma_start3A_483 = arith.constant 0 : i32
      %dma_start3A_484 = tpu.memref_slice %arg2[%dma_start3A_482, %dma_start3A_483] : memref<8192x2048xf32, #tpu.memory_space<hbm>> -> memref<8192x2048xf32, #tpu.memory_space<hbm>>
      tpu.enqueue_indirect_dma source(%dma_start3A_484 : memref<8192x2048xf32, #tpu.memory_space<hbm>>) target(%arg6 : memref<8x2048xf32, #tpu.memory_space<vmem>>) offsets(%dma_start3A_481 : memref<8xi32, #tpu.memory_space<vmem>>) semaphore(%arg8 : memref<!tpu.dma_semaphore, #tpu.memory_space<semaphore_mem>>)
    } else {
    }
    %add3A_159 = arith.constant 56 : i32
    %add3A_160 = arith.addi %mul3A_2, %add3A_159 : i32
    %lt3A_161 = arith.constant 5728 : i32
    %lt3A_162 = arith.cmpi slt, %add3A_160, %lt3A_161 : i32
    %convert_element_type3A_163 = arith.extui %lt3A_162 : i1 to i32
    %cond3A_164 = arith.constant 0 : i32
    %cond3A_165 = arith.cmpi ne, %convert_element_type3A_163, %cond3A_164 : i32
    scf.if %cond3A_165 {
      %dma_wait3A = arith.constant 56 : i32
      %dma_wait3A_481 = tpu.memref_slice %arg5[%dma_wait3A] : memref<184xi32, #tpu.memory_space<vmem>> -> memref<8xi32, #tpu.memory_space<vmem>>
      %dma_wait3A_482 = arith.constant 0 : i32
      %dma_wait3A_483 = arith.constant 0 : i32
      %dma_wait3A_484 = tpu.memref_slice %arg2[%dma_wait3A_482, %dma_wait3A_483] : memref<8192x2048xf32, #tpu.memory_space<hbm>> -> memref<8192x2048xf32, #tpu.memory_space<hbm>>
      tpu.wait_indirect_dma semaphore(%arg9 : memref<!tpu.dma_semaphore, #tpu.memory_space<semaphore_mem>>) src(%dma_wait3A_484 : memref<8192x2048xf32, #tpu.memory_space<hbm>>) dst(%arg7 : memref<8x2048xf32, #tpu.memory_space<vmem>>)
      %add3A_485 = arith.constant 56 : i32
      %add3A_486 = arith.addi %mul3A_2, %add3A_485 : i32
      %dma_start3A = arith.constant 0 : i32
      %dma_start3A_487 = tpu.memref_slice %arg4[%add3A_486, %dma_start3A] : memref<5734x2048xf32, #tpu.memory_space<hbm>> -> memref<8x2048xf32, #tpu.memory_space<hbm>>
      %dma_start3A_488 = arith.constant 0 : i32
      %dma_start3A_489 = tpu.memref_slice %arg4[%add3A_486, %dma_start3A_488] : memref<5734x2048xf32, #tpu.memory_space<hbm>> -> memref<8x2048xf32, #tpu.memory_space<hbm>>
      tpu.enqueue_dma source(%arg7 : memref<8x2048xf32, #tpu.memory_space<vmem>>) target(%dma_start3A_489 : memref<8x2048xf32, #tpu.memory_space<hbm>>) target_semaphore(%arg11 : memref<!tpu.dma_semaphore, #tpu.memory_space<semaphore_mem>>)
    } else {
    }
    %add3A_166 = arith.constant 56 : i32
    %add3A_167 = arith.addi %mul3A_2, %add3A_166 : i32
    %lt3A_168 = arith.constant 5728 : i32
    %lt3A_169 = arith.cmpi slt, %add3A_167, %lt3A_168 : i32
    %convert_element_type3A_170 = arith.extui %lt3A_169 : i1 to i32
    %cond3A_171 = arith.constant 0 : i32
    %cond3A_172 = arith.cmpi ne, %convert_element_type3A_170, %cond3A_171 : i32
    scf.if %cond3A_172 {
      %add3A_481 = arith.constant 56 : i32
      %add3A_482 = arith.addi %mul3A_2, %add3A_481 : i32
      %dma_wait3A = arith.constant 0 : i32
      %dma_wait3A_483 = tpu.memref_slice %arg4[%add3A_482, %dma_wait3A] : memref<5734x2048xf32, #tpu.memory_space<hbm>> -> memref<8x2048xf32, #tpu.memory_space<hbm>>
      %dma_wait3A_484 = arith.constant 0 : i32
      %dma_wait3A_485 = tpu.memref_slice %arg4[%add3A_482, %dma_wait3A_484] : memref<5734x2048xf32, #tpu.memory_space<hbm>> -> memref<8x2048xf32, #tpu.memory_space<hbm>>
      tpu.wait_dma2 semaphore(%arg11 : memref<!tpu.dma_semaphore, #tpu.memory_space<semaphore_mem>>) src(%arg7 : memref<8x2048xf32, #tpu.memory_space<vmem>>) dst(%dma_wait3A_485 : memref<8x2048xf32, #tpu.memory_space<hbm>>)
    } else {
    }
    %add3A_173 = arith.constant 72 : i32
    %add3A_174 = arith.addi %mul3A_2, %add3A_173 : i32
    %lt3A_175 = arith.constant 5728 : i32
    %lt3A_176 = arith.cmpi slt, %add3A_174, %lt3A_175 : i32
    %convert_element_type3A_177 = arith.extui %lt3A_176 : i1 to i32
    %cond3A_178 = arith.constant 0 : i32
    %cond3A_179 = arith.cmpi ne, %convert_element_type3A_177, %cond3A_178 : i32
    scf.if %cond3A_179 {
      %dma_start3A = arith.constant 72 : i32
      %dma_start3A_481 = tpu.memref_slice %arg5[%dma_start3A] : memref<184xi32, #tpu.memory_space<vmem>> -> memref<8xi32, #tpu.memory_space<vmem>>
      %dma_start3A_482 = arith.constant 0 : i32
      %dma_start3A_483 = arith.constant 0 : i32
      %dma_start3A_484 = tpu.memref_slice %arg2[%dma_start3A_482, %dma_start3A_483] : memref<8192x2048xf32, #tpu.memory_space<hbm>> -> memref<8192x2048xf32, #tpu.memory_space<hbm>>
      tpu.enqueue_indirect_dma source(%dma_start3A_484 : memref<8192x2048xf32, #tpu.memory_space<hbm>>) target(%arg7 : memref<8x2048xf32, #tpu.memory_space<vmem>>) offsets(%dma_start3A_481 : memref<8xi32, #tpu.memory_space<vmem>>) semaphore(%arg9 : memref<!tpu.dma_semaphore, #tpu.memory_space<semaphore_mem>>)
    } else {
    }
    %add3A_180 = arith.constant 64 : i32
    %add3A_181 = arith.addi %mul3A_2, %add3A_180 : i32
    %lt3A_182 = arith.constant 5728 : i32
    %lt3A_183 = arith.cmpi slt, %add3A_181, %lt3A_182 : i32
    %convert_element_type3A_184 = arith.extui %lt3A_183 : i1 to i32
    %cond3A_185 = arith.constant 0 : i32
    %cond3A_186 = arith.cmpi ne, %convert_element_type3A_184, %cond3A_185 : i32
    scf.if %cond3A_186 {
      %dma_wait3A = arith.constant 64 : i32
      %dma_wait3A_481 = tpu.memref_slice %arg5[%dma_wait3A] : memref<184xi32, #tpu.memory_space<vmem>> -> memref<8xi32, #tpu.memory_space<vmem>>
      %dma_wait3A_482 = arith.constant 0 : i32
      %dma_wait3A_483 = arith.constant 0 : i32
      %dma_wait3A_484 = tpu.memref_slice %arg2[%dma_wait3A_482, %dma_wait3A_483] : memref<8192x2048xf32, #tpu.memory_space<hbm>> -> memref<8192x2048xf32, #tpu.memory_space<hbm>>
      tpu.wait_indirect_dma semaphore(%arg8 : memref<!tpu.dma_semaphore, #tpu.memory_space<semaphore_mem>>) src(%dma_wait3A_484 : memref<8192x2048xf32, #tpu.memory_space<hbm>>) dst(%arg6 : memref<8x2048xf32, #tpu.memory_space<vmem>>)
      %add3A_485 = arith.constant 64 : i32
      %add3A_486 = arith.addi %mul3A_2, %add3A_485 : i32
      %dma_start3A = arith.constant 0 : i32
      %dma_start3A_487 = tpu.memref_slice %arg4[%add3A_486, %dma_start3A] : memref<5734x2048xf32, #tpu.memory_space<hbm>> -> memref<8x2048xf32, #tpu.memory_space<hbm>>
      %dma_start3A_488 = arith.constant 0 : i32
      %dma_start3A_489 = tpu.memref_slice %arg4[%add3A_486, %dma_start3A_488] : memref<5734x2048xf32, #tpu.memory_space<hbm>> -> memref<8x2048xf32, #tpu.memory_space<hbm>>
      tpu.enqueue_dma source(%arg6 : memref<8x2048xf32, #tpu.memory_space<vmem>>) target(%dma_start3A_489 : memref<8x2048xf32, #tpu.memory_space<hbm>>) target_semaphore(%arg10 : memref<!tpu.dma_semaphore, #tpu.memory_space<semaphore_mem>>)
    } else {
    }
    %add3A_187 = arith.constant 64 : i32
    %add3A_188 = arith.addi %mul3A_2, %add3A_187 : i32
    %lt3A_189 = arith.constant 5728 : i32
    %lt3A_190 = arith.cmpi slt, %add3A_188, %lt3A_189 : i32
    %convert_element_type3A_191 = arith.extui %lt3A_190 : i1 to i32
    %cond3A_192 = arith.constant 0 : i32
    %cond3A_193 = arith.cmpi ne, %convert_element_type3A_191, %cond3A_192 : i32
    scf.if %cond3A_193 {
      %add3A_481 = arith.constant 64 : i32
      %add3A_482 = arith.addi %mul3A_2, %add3A_481 : i32
      %dma_wait3A = arith.constant 0 : i32
      %dma_wait3A_483 = tpu.memref_slice %arg4[%add3A_482, %dma_wait3A] : memref<5734x2048xf32, #tpu.memory_space<hbm>> -> memref<8x2048xf32, #tpu.memory_space<hbm>>
      %dma_wait3A_484 = arith.constant 0 : i32
      %dma_wait3A_485 = tpu.memref_slice %arg4[%add3A_482, %dma_wait3A_484] : memref<5734x2048xf32, #tpu.memory_space<hbm>> -> memref<8x2048xf32, #tpu.memory_space<hbm>>
      tpu.wait_dma2 semaphore(%arg10 : memref<!tpu.dma_semaphore, #tpu.memory_space<semaphore_mem>>) src(%arg6 : memref<8x2048xf32, #tpu.memory_space<vmem>>) dst(%dma_wait3A_485 : memref<8x2048xf32, #tpu.memory_space<hbm>>)
    } else {
    }
    %add3A_194 = arith.constant 80 : i32
    %add3A_195 = arith.addi %mul3A_2, %add3A_194 : i32
    %lt3A_196 = arith.constant 5728 : i32
    %lt3A_197 = arith.cmpi slt, %add3A_195, %lt3A_196 : i32
    %convert_element_type3A_198 = arith.extui %lt3A_197 : i1 to i32
    %cond3A_199 = arith.constant 0 : i32
    %cond3A_200 = arith.cmpi ne, %convert_element_type3A_198, %cond3A_199 : i32
    scf.if %cond3A_200 {
      %dma_start3A = arith.constant 80 : i32
      %dma_start3A_481 = tpu.memref_slice %arg5[%dma_start3A] : memref<184xi32, #tpu.memory_space<vmem>> -> memref<8xi32, #tpu.memory_space<vmem>>
      %dma_start3A_482 = arith.constant 0 : i32
      %dma_start3A_483 = arith.constant 0 : i32
      %dma_start3A_484 = tpu.memref_slice %arg2[%dma_start3A_482, %dma_start3A_483] : memref<8192x2048xf32, #tpu.memory_space<hbm>> -> memref<8192x2048xf32, #tpu.memory_space<hbm>>
      tpu.enqueue_indirect_dma source(%dma_start3A_484 : memref<8192x2048xf32, #tpu.memory_space<hbm>>) target(%arg6 : memref<8x2048xf32, #tpu.memory_space<vmem>>) offsets(%dma_start3A_481 : memref<8xi32, #tpu.memory_space<vmem>>) semaphore(%arg8 : memref<!tpu.dma_semaphore, #tpu.memory_space<semaphore_mem>>)
    } else {
    }
    %add3A_201 = arith.constant 72 : i32
    %add3A_202 = arith.addi %mul3A_2, %add3A_201 : i32
    %lt3A_203 = arith.constant 5728 : i32
    %lt3A_204 = arith.cmpi slt, %add3A_202, %lt3A_203 : i32
    %convert_element_type3A_205 = arith.extui %lt3A_204 : i1 to i32
    %cond3A_206 = arith.constant 0 : i32
    %cond3A_207 = arith.cmpi ne, %convert_element_type3A_205, %cond3A_206 : i32
    scf.if %cond3A_207 {
      %dma_wait3A = arith.constant 72 : i32
      %dma_wait3A_481 = tpu.memref_slice %arg5[%dma_wait3A] : memref<184xi32, #tpu.memory_space<vmem>> -> memref<8xi32, #tpu.memory_space<vmem>>
      %dma_wait3A_482 = arith.constant 0 : i32
      %dma_wait3A_483 = arith.constant 0 : i32
      %dma_wait3A_484 = tpu.memref_slice %arg2[%dma_wait3A_482, %dma_wait3A_483] : memref<8192x2048xf32, #tpu.memory_space<hbm>> -> memref<8192x2048xf32, #tpu.memory_space<hbm>>
      tpu.wait_indirect_dma semaphore(%arg9 : memref<!tpu.dma_semaphore, #tpu.memory_space<semaphore_mem>>) src(%dma_wait3A_484 : memref<8192x2048xf32, #tpu.memory_space<hbm>>) dst(%arg7 : memref<8x2048xf32, #tpu.memory_space<vmem>>)
      %add3A_485 = arith.constant 72 : i32
      %add3A_486 = arith.addi %mul3A_2, %add3A_485 : i32
      %dma_start3A = arith.constant 0 : i32
      %dma_start3A_487 = tpu.memref_slice %arg4[%add3A_486, %dma_start3A] : memref<5734x2048xf32, #tpu.memory_space<hbm>> -> memref<8x2048xf32, #tpu.memory_space<hbm>>
      %dma_start3A_488 = arith.constant 0 : i32
      %dma_start3A_489 = tpu.memref_slice %arg4[%add3A_486, %dma_start3A_488] : memref<5734x2048xf32, #tpu.memory_space<hbm>> -> memref<8x2048xf32, #tpu.memory_space<hbm>>
      tpu.enqueue_dma source(%arg7 : memref<8x2048xf32, #tpu.memory_space<vmem>>) target(%dma_start3A_489 : memref<8x2048xf32, #tpu.memory_space<hbm>>) target_semaphore(%arg11 : memref<!tpu.dma_semaphore, #tpu.memory_space<semaphore_mem>>)
    } else {
    }
    %add3A_208 = arith.constant 72 : i32
    %add3A_209 = arith.addi %mul3A_2, %add3A_208 : i32
    %lt3A_210 = arith.constant 5728 : i32
    %lt3A_211 = arith.cmpi slt, %add3A_209, %lt3A_210 : i32
    %convert_element_type3A_212 = arith.extui %lt3A_211 : i1 to i32
    %cond3A_213 = arith.constant 0 : i32
    %cond3A_214 = arith.cmpi ne, %convert_element_type3A_212, %cond3A_213 : i32
    scf.if %cond3A_214 {
      %add3A_481 = arith.constant 72 : i32
      %add3A_482 = arith.addi %mul3A_2, %add3A_481 : i32
      %dma_wait3A = arith.constant 0 : i32
      %dma_wait3A_483 = tpu.memref_slice %arg4[%add3A_482, %dma_wait3A] : memref<5734x2048xf32, #tpu.memory_space<hbm>> -> memref<8x2048xf32, #tpu.memory_space<hbm>>
      %dma_wait3A_484 = arith.constant 0 : i32
      %dma_wait3A_485 = tpu.memref_slice %arg4[%add3A_482, %dma_wait3A_484] : memref<5734x2048xf32, #tpu.memory_space<hbm>> -> memref<8x2048xf32, #tpu.memory_space<hbm>>
      tpu.wait_dma2 semaphore(%arg11 : memref<!tpu.dma_semaphore, #tpu.memory_space<semaphore_mem>>) src(%arg7 : memref<8x2048xf32, #tpu.memory_space<vmem>>) dst(%dma_wait3A_485 : memref<8x2048xf32, #tpu.memory_space<hbm>>)
    } else {
    }
    %add3A_215 = arith.constant 88 : i32
    %add3A_216 = arith.addi %mul3A_2, %add3A_215 : i32
    %lt3A_217 = arith.constant 5728 : i32
    %lt3A_218 = arith.cmpi slt, %add3A_216, %lt3A_217 : i32
    %convert_element_type3A_219 = arith.extui %lt3A_218 : i1 to i32
    %cond3A_220 = arith.constant 0 : i32
    %cond3A_221 = arith.cmpi ne, %convert_element_type3A_219, %cond3A_220 : i32
    scf.if %cond3A_221 {
      %dma_start3A = arith.constant 88 : i32
      %dma_start3A_481 = tpu.memref_slice %arg5[%dma_start3A] : memref<184xi32, #tpu.memory_space<vmem>> -> memref<8xi32, #tpu.memory_space<vmem>>
      %dma_start3A_482 = arith.constant 0 : i32
      %dma_start3A_483 = arith.constant 0 : i32
      %dma_start3A_484 = tpu.memref_slice %arg2[%dma_start3A_482, %dma_start3A_483] : memref<8192x2048xf32, #tpu.memory_space<hbm>> -> memref<8192x2048xf32, #tpu.memory_space<hbm>>
      tpu.enqueue_indirect_dma source(%dma_start3A_484 : memref<8192x2048xf32, #tpu.memory_space<hbm>>) target(%arg7 : memref<8x2048xf32, #tpu.memory_space<vmem>>) offsets(%dma_start3A_481 : memref<8xi32, #tpu.memory_space<vmem>>) semaphore(%arg9 : memref<!tpu.dma_semaphore, #tpu.memory_space<semaphore_mem>>)
    } else {
    }
    %add3A_222 = arith.constant 80 : i32
    %add3A_223 = arith.addi %mul3A_2, %add3A_222 : i32
    %lt3A_224 = arith.constant 5728 : i32
    %lt3A_225 = arith.cmpi slt, %add3A_223, %lt3A_224 : i32
    %convert_element_type3A_226 = arith.extui %lt3A_225 : i1 to i32
    %cond3A_227 = arith.constant 0 : i32
    %cond3A_228 = arith.cmpi ne, %convert_element_type3A_226, %cond3A_227 : i32
    scf.if %cond3A_228 {
      %dma_wait3A = arith.constant 80 : i32
      %dma_wait3A_481 = tpu.memref_slice %arg5[%dma_wait3A] : memref<184xi32, #tpu.memory_space<vmem>> -> memref<8xi32, #tpu.memory_space<vmem>>
      %dma_wait3A_482 = arith.constant 0 : i32
      %dma_wait3A_483 = arith.constant 0 : i32
      %dma_wait3A_484 = tpu.memref_slice %arg2[%dma_wait3A_482, %dma_wait3A_483] : memref<8192x2048xf32, #tpu.memory_space<hbm>> -> memref<8192x2048xf32, #tpu.memory_space<hbm>>
      tpu.wait_indirect_dma semaphore(%arg8 : memref<!tpu.dma_semaphore, #tpu.memory_space<semaphore_mem>>) src(%dma_wait3A_484 : memref<8192x2048xf32, #tpu.memory_space<hbm>>) dst(%arg6 : memref<8x2048xf32, #tpu.memory_space<vmem>>)
      %add3A_485 = arith.constant 80 : i32
      %add3A_486 = arith.addi %mul3A_2, %add3A_485 : i32
      %dma_start3A = arith.constant 0 : i32
      %dma_start3A_487 = tpu.memref_slice %arg4[%add3A_486, %dma_start3A] : memref<5734x2048xf32, #tpu.memory_space<hbm>> -> memref<8x2048xf32, #tpu.memory_space<hbm>>
      %dma_start3A_488 = arith.constant 0 : i32
      %dma_start3A_489 = tpu.memref_slice %arg4[%add3A_486, %dma_start3A_488] : memref<5734x2048xf32, #tpu.memory_space<hbm>> -> memref<8x2048xf32, #tpu.memory_space<hbm>>
      tpu.enqueue_dma source(%arg6 : memref<8x2048xf32, #tpu.memory_space<vmem>>) target(%dma_start3A_489 : memref<8x2048xf32, #tpu.memory_space<hbm>>) target_semaphore(%arg10 : memref<!tpu.dma_semaphore, #tpu.memory_space<semaphore_mem>>)
    } else {
    }
    %add3A_229 = arith.constant 80 : i32
    %add3A_230 = arith.addi %mul3A_2, %add3A_229 : i32
    %lt3A_231 = arith.constant 5728 : i32
    %lt3A_232 = arith.cmpi slt, %add3A_230, %lt3A_231 : i32
    %convert_element_type3A_233 = arith.extui %lt3A_232 : i1 to i32
    %cond3A_234 = arith.constant 0 : i32
    %cond3A_235 = arith.cmpi ne, %convert_element_type3A_233, %cond3A_234 : i32
    scf.if %cond3A_235 {
      %add3A_481 = arith.constant 80 : i32
      %add3A_482 = arith.addi %mul3A_2, %add3A_481 : i32
      %dma_wait3A = arith.constant 0 : i32
      %dma_wait3A_483 = tpu.memref_slice %arg4[%add3A_482, %dma_wait3A] : memref<5734x2048xf32, #tpu.memory_space<hbm>> -> memref<8x2048xf32, #tpu.memory_space<hbm>>
      %dma_wait3A_484 = arith.constant 0 : i32
      %dma_wait3A_485 = tpu.memref_slice %arg4[%add3A_482, %dma_wait3A_484] : memref<5734x2048xf32, #tpu.memory_space<hbm>> -> memref<8x2048xf32, #tpu.memory_space<hbm>>
      tpu.wait_dma2 semaphore(%arg10 : memref<!tpu.dma_semaphore, #tpu.memory_space<semaphore_mem>>) src(%arg6 : memref<8x2048xf32, #tpu.memory_space<vmem>>) dst(%dma_wait3A_485 : memref<8x2048xf32, #tpu.memory_space<hbm>>)
    } else {
    }
    %add3A_236 = arith.constant 96 : i32
    %add3A_237 = arith.addi %mul3A_2, %add3A_236 : i32
    %lt3A_238 = arith.constant 5728 : i32
    %lt3A_239 = arith.cmpi slt, %add3A_237, %lt3A_238 : i32
    %convert_element_type3A_240 = arith.extui %lt3A_239 : i1 to i32
    %cond3A_241 = arith.constant 0 : i32
    %cond3A_242 = arith.cmpi ne, %convert_element_type3A_240, %cond3A_241 : i32
    scf.if %cond3A_242 {
      %dma_start3A = arith.constant 96 : i32
      %dma_start3A_481 = tpu.memref_slice %arg5[%dma_start3A] : memref<184xi32, #tpu.memory_space<vmem>> -> memref<8xi32, #tpu.memory_space<vmem>>
      %dma_start3A_482 = arith.constant 0 : i32
      %dma_start3A_483 = arith.constant 0 : i32
      %dma_start3A_484 = tpu.memref_slice %arg2[%dma_start3A_482, %dma_start3A_483] : memref<8192x2048xf32, #tpu.memory_space<hbm>> -> memref<8192x2048xf32, #tpu.memory_space<hbm>>
      tpu.enqueue_indirect_dma source(%dma_start3A_484 : memref<8192x2048xf32, #tpu.memory_space<hbm>>) target(%arg6 : memref<8x2048xf32, #tpu.memory_space<vmem>>) offsets(%dma_start3A_481 : memref<8xi32, #tpu.memory_space<vmem>>) semaphore(%arg8 : memref<!tpu.dma_semaphore, #tpu.memory_space<semaphore_mem>>)
    } else {
    }
    %add3A_243 = arith.constant 88 : i32
    %add3A_244 = arith.addi %mul3A_2, %add3A_243 : i32
    %lt3A_245 = arith.constant 5728 : i32
    %lt3A_246 = arith.cmpi slt, %add3A_244, %lt3A_245 : i32
    %convert_element_type3A_247 = arith.extui %lt3A_246 : i1 to i32
    %cond3A_248 = arith.constant 0 : i32
    %cond3A_249 = arith.cmpi ne, %convert_element_type3A_247, %cond3A_248 : i32
    scf.if %cond3A_249 {
      %dma_wait3A = arith.constant 88 : i32
      %dma_wait3A_481 = tpu.memref_slice %arg5[%dma_wait3A] : memref<184xi32, #tpu.memory_space<vmem>> -> memref<8xi32, #tpu.memory_space<vmem>>
      %dma_wait3A_482 = arith.constant 0 : i32
      %dma_wait3A_483 = arith.constant 0 : i32
      %dma_wait3A_484 = tpu.memref_slice %arg2[%dma_wait3A_482, %dma_wait3A_483] : memref<8192x2048xf32, #tpu.memory_space<hbm>> -> memref<8192x2048xf32, #tpu.memory_space<hbm>>
      tpu.wait_indirect_dma semaphore(%arg9 : memref<!tpu.dma_semaphore, #tpu.memory_space<semaphore_mem>>) src(%dma_wait3A_484 : memref<8192x2048xf32, #tpu.memory_space<hbm>>) dst(%arg7 : memref<8x2048xf32, #tpu.memory_space<vmem>>)
      %add3A_485 = arith.constant 88 : i32
      %add3A_486 = arith.addi %mul3A_2, %add3A_485 : i32
      %dma_start3A = arith.constant 0 : i32
      %dma_start3A_487 = tpu.memref_slice %arg4[%add3A_486, %dma_start3A] : memref<5734x2048xf32, #tpu.memory_space<hbm>> -> memref<8x2048xf32, #tpu.memory_space<hbm>>
      %dma_start3A_488 = arith.constant 0 : i32
      %dma_start3A_489 = tpu.memref_slice %arg4[%add3A_486, %dma_start3A_488] : memref<5734x2048xf32, #tpu.memory_space<hbm>> -> memref<8x2048xf32, #tpu.memory_space<hbm>>
      tpu.enqueue_dma source(%arg7 : memref<8x2048xf32, #tpu.memory_space<vmem>>) target(%dma_start3A_489 : memref<8x2048xf32, #tpu.memory_space<hbm>>) target_semaphore(%arg11 : memref<!tpu.dma_semaphore, #tpu.memory_space<semaphore_mem>>)
    } else {
    }
    %add3A_250 = arith.constant 88 : i32
    %add3A_251 = arith.addi %mul3A_2, %add3A_250 : i32
    %lt3A_252 = arith.constant 5728 : i32
    %lt3A_253 = arith.cmpi slt, %add3A_251, %lt3A_252 : i32
    %convert_element_type3A_254 = arith.extui %lt3A_253 : i1 to i32
    %cond3A_255 = arith.constant 0 : i32
    %cond3A_256 = arith.cmpi ne, %convert_element_type3A_254, %cond3A_255 : i32
    scf.if %cond3A_256 {
      %add3A_481 = arith.constant 88 : i32
      %add3A_482 = arith.addi %mul3A_2, %add3A_481 : i32
      %dma_wait3A = arith.constant 0 : i32
      %dma_wait3A_483 = tpu.memref_slice %arg4[%add3A_482, %dma_wait3A] : memref<5734x2048xf32, #tpu.memory_space<hbm>> -> memref<8x2048xf32, #tpu.memory_space<hbm>>
      %dma_wait3A_484 = arith.constant 0 : i32
      %dma_wait3A_485 = tpu.memref_slice %arg4[%add3A_482, %dma_wait3A_484] : memref<5734x2048xf32, #tpu.memory_space<hbm>> -> memref<8x2048xf32, #tpu.memory_space<hbm>>
      tpu.wait_dma2 semaphore(%arg11 : memref<!tpu.dma_semaphore, #tpu.memory_space<semaphore_mem>>) src(%arg7 : memref<8x2048xf32, #tpu.memory_space<vmem>>) dst(%dma_wait3A_485 : memref<8x2048xf32, #tpu.memory_space<hbm>>)
    } else {
    }
    %add3A_257 = arith.constant 104 : i32
    %add3A_258 = arith.addi %mul3A_2, %add3A_257 : i32
    %lt3A_259 = arith.constant 5728 : i32
    %lt3A_260 = arith.cmpi slt, %add3A_258, %lt3A_259 : i32
    %convert_element_type3A_261 = arith.extui %lt3A_260 : i1 to i32
    %cond3A_262 = arith.constant 0 : i32
    %cond3A_263 = arith.cmpi ne, %convert_element_type3A_261, %cond3A_262 : i32
    scf.if %cond3A_263 {
      %dma_start3A = arith.constant 104 : i32
      %dma_start3A_481 = tpu.memref_slice %arg5[%dma_start3A] : memref<184xi32, #tpu.memory_space<vmem>> -> memref<8xi32, #tpu.memory_space<vmem>>
      %dma_start3A_482 = arith.constant 0 : i32
      %dma_start3A_483 = arith.constant 0 : i32
      %dma_start3A_484 = tpu.memref_slice %arg2[%dma_start3A_482, %dma_start3A_483] : memref<8192x2048xf32, #tpu.memory_space<hbm>> -> memref<8192x2048xf32, #tpu.memory_space<hbm>>
      tpu.enqueue_indirect_dma source(%dma_start3A_484 : memref<8192x2048xf32, #tpu.memory_space<hbm>>) target(%arg7 : memref<8x2048xf32, #tpu.memory_space<vmem>>) offsets(%dma_start3A_481 : memref<8xi32, #tpu.memory_space<vmem>>) semaphore(%arg9 : memref<!tpu.dma_semaphore, #tpu.memory_space<semaphore_mem>>)
    } else {
    }
    %add3A_264 = arith.constant 96 : i32
    %add3A_265 = arith.addi %mul3A_2, %add3A_264 : i32
    %lt3A_266 = arith.constant 5728 : i32
    %lt3A_267 = arith.cmpi slt, %add3A_265, %lt3A_266 : i32
    %convert_element_type3A_268 = arith.extui %lt3A_267 : i1 to i32
    %cond3A_269 = arith.constant 0 : i32
    %cond3A_270 = arith.cmpi ne, %convert_element_type3A_268, %cond3A_269 : i32
    scf.if %cond3A_270 {
      %dma_wait3A = arith.constant 96 : i32
      %dma_wait3A_481 = tpu.memref_slice %arg5[%dma_wait3A] : memref<184xi32, #tpu.memory_space<vmem>> -> memref<8xi32, #tpu.memory_space<vmem>>
      %dma_wait3A_482 = arith.constant 0 : i32
      %dma_wait3A_483 = arith.constant 0 : i32
      %dma_wait3A_484 = tpu.memref_slice %arg2[%dma_wait3A_482, %dma_wait3A_483] : memref<8192x2048xf32, #tpu.memory_space<hbm>> -> memref<8192x2048xf32, #tpu.memory_space<hbm>>
      tpu.wait_indirect_dma semaphore(%arg8 : memref<!tpu.dma_semaphore, #tpu.memory_space<semaphore_mem>>) src(%dma_wait3A_484 : memref<8192x2048xf32, #tpu.memory_space<hbm>>) dst(%arg6 : memref<8x2048xf32, #tpu.memory_space<vmem>>)
      %add3A_485 = arith.constant 96 : i32
      %add3A_486 = arith.addi %mul3A_2, %add3A_485 : i32
      %dma_start3A = arith.constant 0 : i32
      %dma_start3A_487 = tpu.memref_slice %arg4[%add3A_486, %dma_start3A] : memref<5734x2048xf32, #tpu.memory_space<hbm>> -> memref<8x2048xf32, #tpu.memory_space<hbm>>
      %dma_start3A_488 = arith.constant 0 : i32
      %dma_start3A_489 = tpu.memref_slice %arg4[%add3A_486, %dma_start3A_488] : memref<5734x2048xf32, #tpu.memory_space<hbm>> -> memref<8x2048xf32, #tpu.memory_space<hbm>>
      tpu.enqueue_dma source(%arg6 : memref<8x2048xf32, #tpu.memory_space<vmem>>) target(%dma_start3A_489 : memref<8x2048xf32, #tpu.memory_space<hbm>>) target_semaphore(%arg10 : memref<!tpu.dma_semaphore, #tpu.memory_space<semaphore_mem>>)
    } else {
    }
    %add3A_271 = arith.constant 96 : i32
    %add3A_272 = arith.addi %mul3A_2, %add3A_271 : i32
    %lt3A_273 = arith.constant 5728 : i32
    %lt3A_274 = arith.cmpi slt, %add3A_272, %lt3A_273 : i32
    %convert_element_type3A_275 = arith.extui %lt3A_274 : i1 to i32
    %cond3A_276 = arith.constant 0 : i32
    %cond3A_277 = arith.cmpi ne, %convert_element_type3A_275, %cond3A_276 : i32
    scf.if %cond3A_277 {
      %add3A_481 = arith.constant 96 : i32
      %add3A_482 = arith.addi %mul3A_2, %add3A_481 : i32
      %dma_wait3A = arith.constant 0 : i32
      %dma_wait3A_483 = tpu.memref_slice %arg4[%add3A_482, %dma_wait3A] : memref<5734x2048xf32, #tpu.memory_space<hbm>> -> memref<8x2048xf32, #tpu.memory_space<hbm>>
      %dma_wait3A_484 = arith.constant 0 : i32
      %dma_wait3A_485 = tpu.memref_slice %arg4[%add3A_482, %dma_wait3A_484] : memref<5734x2048xf32, #tpu.memory_space<hbm>> -> memref<8x2048xf32, #tpu.memory_space<hbm>>
      tpu.wait_dma2 semaphore(%arg10 : memref<!tpu.dma_semaphore, #tpu.memory_space<semaphore_mem>>) src(%arg6 : memref<8x2048xf32, #tpu.memory_space<vmem>>) dst(%dma_wait3A_485 : memref<8x2048xf32, #tpu.memory_space<hbm>>)
    } else {
    }
    %add3A_278 = arith.constant 112 : i32
    %add3A_279 = arith.addi %mul3A_2, %add3A_278 : i32
    %lt3A_280 = arith.constant 5728 : i32
    %lt3A_281 = arith.cmpi slt, %add3A_279, %lt3A_280 : i32
    %convert_element_type3A_282 = arith.extui %lt3A_281 : i1 to i32
    %cond3A_283 = arith.constant 0 : i32
    %cond3A_284 = arith.cmpi ne, %convert_element_type3A_282, %cond3A_283 : i32
    scf.if %cond3A_284 {
      %dma_start3A = arith.constant 112 : i32
      %dma_start3A_481 = tpu.memref_slice %arg5[%dma_start3A] : memref<184xi32, #tpu.memory_space<vmem>> -> memref<8xi32, #tpu.memory_space<vmem>>
      %dma_start3A_482 = arith.constant 0 : i32
      %dma_start3A_483 = arith.constant 0 : i32
      %dma_start3A_484 = tpu.memref_slice %arg2[%dma_start3A_482, %dma_start3A_483] : memref<8192x2048xf32, #tpu.memory_space<hbm>> -> memref<8192x2048xf32, #tpu.memory_space<hbm>>
      tpu.enqueue_indirect_dma source(%dma_start3A_484 : memref<8192x2048xf32, #tpu.memory_space<hbm>>) target(%arg6 : memref<8x2048xf32, #tpu.memory_space<vmem>>) offsets(%dma_start3A_481 : memref<8xi32, #tpu.memory_space<vmem>>) semaphore(%arg8 : memref<!tpu.dma_semaphore, #tpu.memory_space<semaphore_mem>>)
    } else {
    }
    %add3A_285 = arith.constant 104 : i32
    %add3A_286 = arith.addi %mul3A_2, %add3A_285 : i32
    %lt3A_287 = arith.constant 5728 : i32
    %lt3A_288 = arith.cmpi slt, %add3A_286, %lt3A_287 : i32
    %convert_element_type3A_289 = arith.extui %lt3A_288 : i1 to i32
    %cond3A_290 = arith.constant 0 : i32
    %cond3A_291 = arith.cmpi ne, %convert_element_type3A_289, %cond3A_290 : i32
    scf.if %cond3A_291 {
      %dma_wait3A = arith.constant 104 : i32
      %dma_wait3A_481 = tpu.memref_slice %arg5[%dma_wait3A] : memref<184xi32, #tpu.memory_space<vmem>> -> memref<8xi32, #tpu.memory_space<vmem>>
      %dma_wait3A_482 = arith.constant 0 : i32
      %dma_wait3A_483 = arith.constant 0 : i32
      %dma_wait3A_484 = tpu.memref_slice %arg2[%dma_wait3A_482, %dma_wait3A_483] : memref<8192x2048xf32, #tpu.memory_space<hbm>> -> memref<8192x2048xf32, #tpu.memory_space<hbm>>
      tpu.wait_indirect_dma semaphore(%arg9 : memref<!tpu.dma_semaphore, #tpu.memory_space<semaphore_mem>>) src(%dma_wait3A_484 : memref<8192x2048xf32, #tpu.memory_space<hbm>>) dst(%arg7 : memref<8x2048xf32, #tpu.memory_space<vmem>>)
      %add3A_485 = arith.constant 104 : i32
      %add3A_486 = arith.addi %mul3A_2, %add3A_485 : i32
      %dma_start3A = arith.constant 0 : i32
      %dma_start3A_487 = tpu.memref_slice %arg4[%add3A_486, %dma_start3A] : memref<5734x2048xf32, #tpu.memory_space<hbm>> -> memref<8x2048xf32, #tpu.memory_space<hbm>>
      %dma_start3A_488 = arith.constant 0 : i32
      %dma_start3A_489 = tpu.memref_slice %arg4[%add3A_486, %dma_start3A_488] : memref<5734x2048xf32, #tpu.memory_space<hbm>> -> memref<8x2048xf32, #tpu.memory_space<hbm>>
      tpu.enqueue_dma source(%arg7 : memref<8x2048xf32, #tpu.memory_space<vmem>>) target(%dma_start3A_489 : memref<8x2048xf32, #tpu.memory_space<hbm>>) target_semaphore(%arg11 : memref<!tpu.dma_semaphore, #tpu.memory_space<semaphore_mem>>)
    } else {
    }
    %add3A_292 = arith.constant 104 : i32
    %add3A_293 = arith.addi %mul3A_2, %add3A_292 : i32
    %lt3A_294 = arith.constant 5728 : i32
    %lt3A_295 = arith.cmpi slt, %add3A_293, %lt3A_294 : i32
    %convert_element_type3A_296 = arith.extui %lt3A_295 : i1 to i32
    %cond3A_297 = arith.constant 0 : i32
    %cond3A_298 = arith.cmpi ne, %convert_element_type3A_296, %cond3A_297 : i32
    scf.if %cond3A_298 {
      %add3A_481 = arith.constant 104 : i32
      %add3A_482 = arith.addi %mul3A_2, %add3A_481 : i32
      %dma_wait3A = arith.constant 0 : i32
      %dma_wait3A_483 = tpu.memref_slice %arg4[%add3A_482, %dma_wait3A] : memref<5734x2048xf32, #tpu.memory_space<hbm>> -> memref<8x2048xf32, #tpu.memory_space<hbm>>
      %dma_wait3A_484 = arith.constant 0 : i32
      %dma_wait3A_485 = tpu.memref_slice %arg4[%add3A_482, %dma_wait3A_484] : memref<5734x2048xf32, #tpu.memory_space<hbm>> -> memref<8x2048xf32, #tpu.memory_space<hbm>>
      tpu.wait_dma2 semaphore(%arg11 : memref<!tpu.dma_semaphore, #tpu.memory_space<semaphore_mem>>) src(%arg7 : memref<8x2048xf32, #tpu.memory_space<vmem>>) dst(%dma_wait3A_485 : memref<8x2048xf32, #tpu.memory_space<hbm>>)
    } else {
    }
    %add3A_299 = arith.constant 120 : i32
    %add3A_300 = arith.addi %mul3A_2, %add3A_299 : i32
    %lt3A_301 = arith.constant 5728 : i32
    %lt3A_302 = arith.cmpi slt, %add3A_300, %lt3A_301 : i32
    %convert_element_type3A_303 = arith.extui %lt3A_302 : i1 to i32
    %cond3A_304 = arith.constant 0 : i32
    %cond3A_305 = arith.cmpi ne, %convert_element_type3A_303, %cond3A_304 : i32
    scf.if %cond3A_305 {
      %dma_start3A = arith.constant 120 : i32
      %dma_start3A_481 = tpu.memref_slice %arg5[%dma_start3A] : memref<184xi32, #tpu.memory_space<vmem>> -> memref<8xi32, #tpu.memory_space<vmem>>
      %dma_start3A_482 = arith.constant 0 : i32
      %dma_start3A_483 = arith.constant 0 : i32
      %dma_start3A_484 = tpu.memref_slice %arg2[%dma_start3A_482, %dma_start3A_483] : memref<8192x2048xf32, #tpu.memory_space<hbm>> -> memref<8192x2048xf32, #tpu.memory_space<hbm>>
      tpu.enqueue_indirect_dma source(%dma_start3A_484 : memref<8192x2048xf32, #tpu.memory_space<hbm>>) target(%arg7 : memref<8x2048xf32, #tpu.memory_space<vmem>>) offsets(%dma_start3A_481 : memref<8xi32, #tpu.memory_space<vmem>>) semaphore(%arg9 : memref<!tpu.dma_semaphore, #tpu.memory_space<semaphore_mem>>)
    } else {
    }
    %add3A_306 = arith.constant 112 : i32
    %add3A_307 = arith.addi %mul3A_2, %add3A_306 : i32
    %lt3A_308 = arith.constant 5728 : i32
    %lt3A_309 = arith.cmpi slt, %add3A_307, %lt3A_308 : i32
    %convert_element_type3A_310 = arith.extui %lt3A_309 : i1 to i32
    %cond3A_311 = arith.constant 0 : i32
    %cond3A_312 = arith.cmpi ne, %convert_element_type3A_310, %cond3A_311 : i32
    scf.if %cond3A_312 {
      %dma_wait3A = arith.constant 112 : i32
      %dma_wait3A_481 = tpu.memref_slice %arg5[%dma_wait3A] : memref<184xi32, #tpu.memory_space<vmem>> -> memref<8xi32, #tpu.memory_space<vmem>>
      %dma_wait3A_482 = arith.constant 0 : i32
      %dma_wait3A_483 = arith.constant 0 : i32
      %dma_wait3A_484 = tpu.memref_slice %arg2[%dma_wait3A_482, %dma_wait3A_483] : memref<8192x2048xf32, #tpu.memory_space<hbm>> -> memref<8192x2048xf32, #tpu.memory_space<hbm>>
      tpu.wait_indirect_dma semaphore(%arg8 : memref<!tpu.dma_semaphore, #tpu.memory_space<semaphore_mem>>) src(%dma_wait3A_484 : memref<8192x2048xf32, #tpu.memory_space<hbm>>) dst(%arg6 : memref<8x2048xf32, #tpu.memory_space<vmem>>)
      %add3A_485 = arith.constant 112 : i32
      %add3A_486 = arith.addi %mul3A_2, %add3A_485 : i32
      %dma_start3A = arith.constant 0 : i32
      %dma_start3A_487 = tpu.memref_slice %arg4[%add3A_486, %dma_start3A] : memref<5734x2048xf32, #tpu.memory_space<hbm>> -> memref<8x2048xf32, #tpu.memory_space<hbm>>
      %dma_start3A_488 = arith.constant 0 : i32
      %dma_start3A_489 = tpu.memref_slice %arg4[%add3A_486, %dma_start3A_488] : memref<5734x2048xf32, #tpu.memory_space<hbm>> -> memref<8x2048xf32, #tpu.memory_space<hbm>>
      tpu.enqueue_dma source(%arg6 : memref<8x2048xf32, #tpu.memory_space<vmem>>) target(%dma_start3A_489 : memref<8x2048xf32, #tpu.memory_space<hbm>>) target_semaphore(%arg10 : memref<!tpu.dma_semaphore, #tpu.memory_space<semaphore_mem>>)
    } else {
    }
    %add3A_313 = arith.constant 112 : i32
    %add3A_314 = arith.addi %mul3A_2, %add3A_313 : i32
    %lt3A_315 = arith.constant 5728 : i32
    %lt3A_316 = arith.cmpi slt, %add3A_314, %lt3A_315 : i32
    %convert_element_type3A_317 = arith.extui %lt3A_316 : i1 to i32
    %cond3A_318 = arith.constant 0 : i32
    %cond3A_319 = arith.cmpi ne, %convert_element_type3A_317, %cond3A_318 : i32
    scf.if %cond3A_319 {
      %add3A_481 = arith.constant 112 : i32
      %add3A_482 = arith.addi %mul3A_2, %add3A_481 : i32
      %dma_wait3A = arith.constant 0 : i32
      %dma_wait3A_483 = tpu.memref_slice %arg4[%add3A_482, %dma_wait3A] : memref<5734x2048xf32, #tpu.memory_space<hbm>> -> memref<8x2048xf32, #tpu.memory_space<hbm>>
      %dma_wait3A_484 = arith.constant 0 : i32
      %dma_wait3A_485 = tpu.memref_slice %arg4[%add3A_482, %dma_wait3A_484] : memref<5734x2048xf32, #tpu.memory_space<hbm>> -> memref<8x2048xf32, #tpu.memory_space<hbm>>
      tpu.wait_dma2 semaphore(%arg10 : memref<!tpu.dma_semaphore, #tpu.memory_space<semaphore_mem>>) src(%arg6 : memref<8x2048xf32, #tpu.memory_space<vmem>>) dst(%dma_wait3A_485 : memref<8x2048xf32, #tpu.memory_space<hbm>>)
    } else {
    }
    %add3A_320 = arith.constant 128 : i32
    %add3A_321 = arith.addi %mul3A_2, %add3A_320 : i32
    %lt3A_322 = arith.constant 5728 : i32
    %lt3A_323 = arith.cmpi slt, %add3A_321, %lt3A_322 : i32
    %convert_element_type3A_324 = arith.extui %lt3A_323 : i1 to i32
    %cond3A_325 = arith.constant 0 : i32
    %cond3A_326 = arith.cmpi ne, %convert_element_type3A_324, %cond3A_325 : i32
    scf.if %cond3A_326 {
      %dma_start3A = arith.constant 128 : i32
      %dma_start3A_481 = tpu.memref_slice %arg5[%dma_start3A] : memref<184xi32, #tpu.memory_space<vmem>> -> memref<8xi32, #tpu.memory_space<vmem>>
      %dma_start3A_482 = arith.constant 0 : i32
      %dma_start3A_483 = arith.constant 0 : i32
      %dma_start3A_484 = tpu.memref_slice %arg2[%dma_start3A_482, %dma_start3A_483] : memref<8192x2048xf32, #tpu.memory_space<hbm>> -> memref<8192x2048xf32, #tpu.memory_space<hbm>>
      tpu.enqueue_indirect_dma source(%dma_start3A_484 : memref<8192x2048xf32, #tpu.memory_space<hbm>>) target(%arg6 : memref<8x2048xf32, #tpu.memory_space<vmem>>) offsets(%dma_start3A_481 : memref<8xi32, #tpu.memory_space<vmem>>) semaphore(%arg8 : memref<!tpu.dma_semaphore, #tpu.memory_space<semaphore_mem>>)
    } else {
    }
    %add3A_327 = arith.constant 120 : i32
    %add3A_328 = arith.addi %mul3A_2, %add3A_327 : i32
    %lt3A_329 = arith.constant 5728 : i32
    %lt3A_330 = arith.cmpi slt, %add3A_328, %lt3A_329 : i32
    %convert_element_type3A_331 = arith.extui %lt3A_330 : i1 to i32
    %cond3A_332 = arith.constant 0 : i32
    %cond3A_333 = arith.cmpi ne, %convert_element_type3A_331, %cond3A_332 : i32
    scf.if %cond3A_333 {
      %dma_wait3A = arith.constant 120 : i32
      %dma_wait3A_481 = tpu.memref_slice %arg5[%dma_wait3A] : memref<184xi32, #tpu.memory_space<vmem>> -> memref<8xi32, #tpu.memory_space<vmem>>
      %dma_wait3A_482 = arith.constant 0 : i32
      %dma_wait3A_483 = arith.constant 0 : i32
      %dma_wait3A_484 = tpu.memref_slice %arg2[%dma_wait3A_482, %dma_wait3A_483] : memref<8192x2048xf32, #tpu.memory_space<hbm>> -> memref<8192x2048xf32, #tpu.memory_space<hbm>>
      tpu.wait_indirect_dma semaphore(%arg9 : memref<!tpu.dma_semaphore, #tpu.memory_space<semaphore_mem>>) src(%dma_wait3A_484 : memref<8192x2048xf32, #tpu.memory_space<hbm>>) dst(%arg7 : memref<8x2048xf32, #tpu.memory_space<vmem>>)
      %add3A_485 = arith.constant 120 : i32
      %add3A_486 = arith.addi %mul3A_2, %add3A_485 : i32
      %dma_start3A = arith.constant 0 : i32
      %dma_start3A_487 = tpu.memref_slice %arg4[%add3A_486, %dma_start3A] : memref<5734x2048xf32, #tpu.memory_space<hbm>> -> memref<8x2048xf32, #tpu.memory_space<hbm>>
      %dma_start3A_488 = arith.constant 0 : i32
      %dma_start3A_489 = tpu.memref_slice %arg4[%add3A_486, %dma_start3A_488] : memref<5734x2048xf32, #tpu.memory_space<hbm>> -> memref<8x2048xf32, #tpu.memory_space<hbm>>
      tpu.enqueue_dma source(%arg7 : memref<8x2048xf32, #tpu.memory_space<vmem>>) target(%dma_start3A_489 : memref<8x2048xf32, #tpu.memory_space<hbm>>) target_semaphore(%arg11 : memref<!tpu.dma_semaphore, #tpu.memory_space<semaphore_mem>>)
    } else {
    }
    %add3A_334 = arith.constant 120 : i32
    %add3A_335 = arith.addi %mul3A_2, %add3A_334 : i32
    %lt3A_336 = arith.constant 5728 : i32
    %lt3A_337 = arith.cmpi slt, %add3A_335, %lt3A_336 : i32
    %convert_element_type3A_338 = arith.extui %lt3A_337 : i1 to i32
    %cond3A_339 = arith.constant 0 : i32
    %cond3A_340 = arith.cmpi ne, %convert_element_type3A_338, %cond3A_339 : i32
    scf.if %cond3A_340 {
      %add3A_481 = arith.constant 120 : i32
      %add3A_482 = arith.addi %mul3A_2, %add3A_481 : i32
      %dma_wait3A = arith.constant 0 : i32
      %dma_wait3A_483 = tpu.memref_slice %arg4[%add3A_482, %dma_wait3A] : memref<5734x2048xf32, #tpu.memory_space<hbm>> -> memref<8x2048xf32, #tpu.memory_space<hbm>>
      %dma_wait3A_484 = arith.constant 0 : i32
      %dma_wait3A_485 = tpu.memref_slice %arg4[%add3A_482, %dma_wait3A_484] : memref<5734x2048xf32, #tpu.memory_space<hbm>> -> memref<8x2048xf32, #tpu.memory_space<hbm>>
      tpu.wait_dma2 semaphore(%arg11 : memref<!tpu.dma_semaphore, #tpu.memory_space<semaphore_mem>>) src(%arg7 : memref<8x2048xf32, #tpu.memory_space<vmem>>) dst(%dma_wait3A_485 : memref<8x2048xf32, #tpu.memory_space<hbm>>)
    } else {
    }
    %add3A_341 = arith.constant 136 : i32
    %add3A_342 = arith.addi %mul3A_2, %add3A_341 : i32
    %lt3A_343 = arith.constant 5728 : i32
    %lt3A_344 = arith.cmpi slt, %add3A_342, %lt3A_343 : i32
    %convert_element_type3A_345 = arith.extui %lt3A_344 : i1 to i32
    %cond3A_346 = arith.constant 0 : i32
    %cond3A_347 = arith.cmpi ne, %convert_element_type3A_345, %cond3A_346 : i32
    scf.if %cond3A_347 {
      %dma_start3A = arith.constant 136 : i32
      %dma_start3A_481 = tpu.memref_slice %arg5[%dma_start3A] : memref<184xi32, #tpu.memory_space<vmem>> -> memref<8xi32, #tpu.memory_space<vmem>>
      %dma_start3A_482 = arith.constant 0 : i32
      %dma_start3A_483 = arith.constant 0 : i32
      %dma_start3A_484 = tpu.memref_slice %arg2[%dma_start3A_482, %dma_start3A_483] : memref<8192x2048xf32, #tpu.memory_space<hbm>> -> memref<8192x2048xf32, #tpu.memory_space<hbm>>
      tpu.enqueue_indirect_dma source(%dma_start3A_484 : memref<8192x2048xf32, #tpu.memory_space<hbm>>) target(%arg7 : memref<8x2048xf32, #tpu.memory_space<vmem>>) offsets(%dma_start3A_481 : memref<8xi32, #tpu.memory_space<vmem>>) semaphore(%arg9 : memref<!tpu.dma_semaphore, #tpu.memory_space<semaphore_mem>>)
    } else {
    }
    %add3A_348 = arith.constant 128 : i32
    %add3A_349 = arith.addi %mul3A_2, %add3A_348 : i32
    %lt3A_350 = arith.constant 5728 : i32
    %lt3A_351 = arith.cmpi slt, %add3A_349, %lt3A_350 : i32
    %convert_element_type3A_352 = arith.extui %lt3A_351 : i1 to i32
    %cond3A_353 = arith.constant 0 : i32
    %cond3A_354 = arith.cmpi ne, %convert_element_type3A_352, %cond3A_353 : i32
    scf.if %cond3A_354 {
      %dma_wait3A = arith.constant 128 : i32
      %dma_wait3A_481 = tpu.memref_slice %arg5[%dma_wait3A] : memref<184xi32, #tpu.memory_space<vmem>> -> memref<8xi32, #tpu.memory_space<vmem>>
      %dma_wait3A_482 = arith.constant 0 : i32
      %dma_wait3A_483 = arith.constant 0 : i32
      %dma_wait3A_484 = tpu.memref_slice %arg2[%dma_wait3A_482, %dma_wait3A_483] : memref<8192x2048xf32, #tpu.memory_space<hbm>> -> memref<8192x2048xf32, #tpu.memory_space<hbm>>
      tpu.wait_indirect_dma semaphore(%arg8 : memref<!tpu.dma_semaphore, #tpu.memory_space<semaphore_mem>>) src(%dma_wait3A_484 : memref<8192x2048xf32, #tpu.memory_space<hbm>>) dst(%arg6 : memref<8x2048xf32, #tpu.memory_space<vmem>>)
      %add3A_485 = arith.constant 128 : i32
      %add3A_486 = arith.addi %mul3A_2, %add3A_485 : i32
      %dma_start3A = arith.constant 0 : i32
      %dma_start3A_487 = tpu.memref_slice %arg4[%add3A_486, %dma_start3A] : memref<5734x2048xf32, #tpu.memory_space<hbm>> -> memref<8x2048xf32, #tpu.memory_space<hbm>>
      %dma_start3A_488 = arith.constant 0 : i32
      %dma_start3A_489 = tpu.memref_slice %arg4[%add3A_486, %dma_start3A_488] : memref<5734x2048xf32, #tpu.memory_space<hbm>> -> memref<8x2048xf32, #tpu.memory_space<hbm>>
      tpu.enqueue_dma source(%arg6 : memref<8x2048xf32, #tpu.memory_space<vmem>>) target(%dma_start3A_489 : memref<8x2048xf32, #tpu.memory_space<hbm>>) target_semaphore(%arg10 : memref<!tpu.dma_semaphore, #tpu.memory_space<semaphore_mem>>)
    } else {
    }
    %add3A_355 = arith.constant 128 : i32
    %add3A_356 = arith.addi %mul3A_2, %add3A_355 : i32
    %lt3A_357 = arith.constant 5728 : i32
    %lt3A_358 = arith.cmpi slt, %add3A_356, %lt3A_357 : i32
    %convert_element_type3A_359 = arith.extui %lt3A_358 : i1 to i32
    %cond3A_360 = arith.constant 0 : i32
    %cond3A_361 = arith.cmpi ne, %convert_element_type3A_359, %cond3A_360 : i32
    scf.if %cond3A_361 {
      %add3A_481 = arith.constant 128 : i32
      %add3A_482 = arith.addi %mul3A_2, %add3A_481 : i32
      %dma_wait3A = arith.constant 0 : i32
      %dma_wait3A_483 = tpu.memref_slice %arg4[%add3A_482, %dma_wait3A] : memref<5734x2048xf32, #tpu.memory_space<hbm>> -> memref<8x2048xf32, #tpu.memory_space<hbm>>
      %dma_wait3A_484 = arith.constant 0 : i32
      %dma_wait3A_485 = tpu.memref_slice %arg4[%add3A_482, %dma_wait3A_484] : memref<5734x2048xf32, #tpu.memory_space<hbm>> -> memref<8x2048xf32, #tpu.memory_space<hbm>>
      tpu.wait_dma2 semaphore(%arg10 : memref<!tpu.dma_semaphore, #tpu.memory_space<semaphore_mem>>) src(%arg6 : memref<8x2048xf32, #tpu.memory_space<vmem>>) dst(%dma_wait3A_485 : memref<8x2048xf32, #tpu.memory_space<hbm>>)
    } else {
    }
    %add3A_362 = arith.constant 144 : i32
    %add3A_363 = arith.addi %mul3A_2, %add3A_362 : i32
    %lt3A_364 = arith.constant 5728 : i32
    %lt3A_365 = arith.cmpi slt, %add3A_363, %lt3A_364 : i32
    %convert_element_type3A_366 = arith.extui %lt3A_365 : i1 to i32
    %cond3A_367 = arith.constant 0 : i32
    %cond3A_368 = arith.cmpi ne, %convert_element_type3A_366, %cond3A_367 : i32
    scf.if %cond3A_368 {
      %dma_start3A = arith.constant 144 : i32
      %dma_start3A_481 = tpu.memref_slice %arg5[%dma_start3A] : memref<184xi32, #tpu.memory_space<vmem>> -> memref<8xi32, #tpu.memory_space<vmem>>
      %dma_start3A_482 = arith.constant 0 : i32
      %dma_start3A_483 = arith.constant 0 : i32
      %dma_start3A_484 = tpu.memref_slice %arg2[%dma_start3A_482, %dma_start3A_483] : memref<8192x2048xf32, #tpu.memory_space<hbm>> -> memref<8192x2048xf32, #tpu.memory_space<hbm>>
      tpu.enqueue_indirect_dma source(%dma_start3A_484 : memref<8192x2048xf32, #tpu.memory_space<hbm>>) target(%arg6 : memref<8x2048xf32, #tpu.memory_space<vmem>>) offsets(%dma_start3A_481 : memref<8xi32, #tpu.memory_space<vmem>>) semaphore(%arg8 : memref<!tpu.dma_semaphore, #tpu.memory_space<semaphore_mem>>)
    } else {
    }
    %add3A_369 = arith.constant 136 : i32
    %add3A_370 = arith.addi %mul3A_2, %add3A_369 : i32
    %lt3A_371 = arith.constant 5728 : i32
    %lt3A_372 = arith.cmpi slt, %add3A_370, %lt3A_371 : i32
    %convert_element_type3A_373 = arith.extui %lt3A_372 : i1 to i32
    %cond3A_374 = arith.constant 0 : i32
    %cond3A_375 = arith.cmpi ne, %convert_element_type3A_373, %cond3A_374 : i32
    scf.if %cond3A_375 {
      %dma_wait3A = arith.constant 136 : i32
      %dma_wait3A_481 = tpu.memref_slice %arg5[%dma_wait3A] : memref<184xi32, #tpu.memory_space<vmem>> -> memref<8xi32, #tpu.memory_space<vmem>>
      %dma_wait3A_482 = arith.constant 0 : i32
      %dma_wait3A_483 = arith.constant 0 : i32
      %dma_wait3A_484 = tpu.memref_slice %arg2[%dma_wait3A_482, %dma_wait3A_483] : memref<8192x2048xf32, #tpu.memory_space<hbm>> -> memref<8192x2048xf32, #tpu.memory_space<hbm>>
      tpu.wait_indirect_dma semaphore(%arg9 : memref<!tpu.dma_semaphore, #tpu.memory_space<semaphore_mem>>) src(%dma_wait3A_484 : memref<8192x2048xf32, #tpu.memory_space<hbm>>) dst(%arg7 : memref<8x2048xf32, #tpu.memory_space<vmem>>)
      %add3A_485 = arith.constant 136 : i32
      %add3A_486 = arith.addi %mul3A_2, %add3A_485 : i32
      %dma_start3A = arith.constant 0 : i32
      %dma_start3A_487 = tpu.memref_slice %arg4[%add3A_486, %dma_start3A] : memref<5734x2048xf32, #tpu.memory_space<hbm>> -> memref<8x2048xf32, #tpu.memory_space<hbm>>
      %dma_start3A_488 = arith.constant 0 : i32
      %dma_start3A_489 = tpu.memref_slice %arg4[%add3A_486, %dma_start3A_488] : memref<5734x2048xf32, #tpu.memory_space<hbm>> -> memref<8x2048xf32, #tpu.memory_space<hbm>>
      tpu.enqueue_dma source(%arg7 : memref<8x2048xf32, #tpu.memory_space<vmem>>) target(%dma_start3A_489 : memref<8x2048xf32, #tpu.memory_space<hbm>>) target_semaphore(%arg11 : memref<!tpu.dma_semaphore, #tpu.memory_space<semaphore_mem>>)
    } else {
    }
    %add3A_376 = arith.constant 136 : i32
    %add3A_377 = arith.addi %mul3A_2, %add3A_376 : i32
    %lt3A_378 = arith.constant 5728 : i32
    %lt3A_379 = arith.cmpi slt, %add3A_377, %lt3A_378 : i32
    %convert_element_type3A_380 = arith.extui %lt3A_379 : i1 to i32
    %cond3A_381 = arith.constant 0 : i32
    %cond3A_382 = arith.cmpi ne, %convert_element_type3A_380, %cond3A_381 : i32
    scf.if %cond3A_382 {
      %add3A_481 = arith.constant 136 : i32
      %add3A_482 = arith.addi %mul3A_2, %add3A_481 : i32
      %dma_wait3A = arith.constant 0 : i32
      %dma_wait3A_483 = tpu.memref_slice %arg4[%add3A_482, %dma_wait3A] : memref<5734x2048xf32, #tpu.memory_space<hbm>> -> memref<8x2048xf32, #tpu.memory_space<hbm>>
      %dma_wait3A_484 = arith.constant 0 : i32
      %dma_wait3A_485 = tpu.memref_slice %arg4[%add3A_482, %dma_wait3A_484] : memref<5734x2048xf32, #tpu.memory_space<hbm>> -> memref<8x2048xf32, #tpu.memory_space<hbm>>
      tpu.wait_dma2 semaphore(%arg11 : memref<!tpu.dma_semaphore, #tpu.memory_space<semaphore_mem>>) src(%arg7 : memref<8x2048xf32, #tpu.memory_space<vmem>>) dst(%dma_wait3A_485 : memref<8x2048xf32, #tpu.memory_space<hbm>>)
    } else {
    }
    %add3A_383 = arith.constant 152 : i32
    %add3A_384 = arith.addi %mul3A_2, %add3A_383 : i32
    %lt3A_385 = arith.constant 5728 : i32
    %lt3A_386 = arith.cmpi slt, %add3A_384, %lt3A_385 : i32
    %convert_element_type3A_387 = arith.extui %lt3A_386 : i1 to i32
    %cond3A_388 = arith.constant 0 : i32
    %cond3A_389 = arith.cmpi ne, %convert_element_type3A_387, %cond3A_388 : i32
    scf.if %cond3A_389 {
      %dma_start3A = arith.constant 152 : i32
      %dma_start3A_481 = tpu.memref_slice %arg5[%dma_start3A] : memref<184xi32, #tpu.memory_space<vmem>> -> memref<8xi32, #tpu.memory_space<vmem>>
      %dma_start3A_482 = arith.constant 0 : i32
      %dma_start3A_483 = arith.constant 0 : i32
      %dma_start3A_484 = tpu.memref_slice %arg2[%dma_start3A_482, %dma_start3A_483] : memref<8192x2048xf32, #tpu.memory_space<hbm>> -> memref<8192x2048xf32, #tpu.memory_space<hbm>>
      tpu.enqueue_indirect_dma source(%dma_start3A_484 : memref<8192x2048xf32, #tpu.memory_space<hbm>>) target(%arg7 : memref<8x2048xf32, #tpu.memory_space<vmem>>) offsets(%dma_start3A_481 : memref<8xi32, #tpu.memory_space<vmem>>) semaphore(%arg9 : memref<!tpu.dma_semaphore, #tpu.memory_space<semaphore_mem>>)
    } else {
    }
    %add3A_390 = arith.constant 144 : i32
    %add3A_391 = arith.addi %mul3A_2, %add3A_390 : i32
    %lt3A_392 = arith.constant 5728 : i32
    %lt3A_393 = arith.cmpi slt, %add3A_391, %lt3A_392 : i32
    %convert_element_type3A_394 = arith.extui %lt3A_393 : i1 to i32
    %cond3A_395 = arith.constant 0 : i32
    %cond3A_396 = arith.cmpi ne, %convert_element_type3A_394, %cond3A_395 : i32
    scf.if %cond3A_396 {
      %dma_wait3A = arith.constant 144 : i32
      %dma_wait3A_481 = tpu.memref_slice %arg5[%dma_wait3A] : memref<184xi32, #tpu.memory_space<vmem>> -> memref<8xi32, #tpu.memory_space<vmem>>
      %dma_wait3A_482 = arith.constant 0 : i32
      %dma_wait3A_483 = arith.constant 0 : i32
      %dma_wait3A_484 = tpu.memref_slice %arg2[%dma_wait3A_482, %dma_wait3A_483] : memref<8192x2048xf32, #tpu.memory_space<hbm>> -> memref<8192x2048xf32, #tpu.memory_space<hbm>>
      tpu.wait_indirect_dma semaphore(%arg8 : memref<!tpu.dma_semaphore, #tpu.memory_space<semaphore_mem>>) src(%dma_wait3A_484 : memref<8192x2048xf32, #tpu.memory_space<hbm>>) dst(%arg6 : memref<8x2048xf32, #tpu.memory_space<vmem>>)
      %add3A_485 = arith.constant 144 : i32
      %add3A_486 = arith.addi %mul3A_2, %add3A_485 : i32
      %dma_start3A = arith.constant 0 : i32
      %dma_start3A_487 = tpu.memref_slice %arg4[%add3A_486, %dma_start3A] : memref<5734x2048xf32, #tpu.memory_space<hbm>> -> memref<8x2048xf32, #tpu.memory_space<hbm>>
      %dma_start3A_488 = arith.constant 0 : i32
      %dma_start3A_489 = tpu.memref_slice %arg4[%add3A_486, %dma_start3A_488] : memref<5734x2048xf32, #tpu.memory_space<hbm>> -> memref<8x2048xf32, #tpu.memory_space<hbm>>
      tpu.enqueue_dma source(%arg6 : memref<8x2048xf32, #tpu.memory_space<vmem>>) target(%dma_start3A_489 : memref<8x2048xf32, #tpu.memory_space<hbm>>) target_semaphore(%arg10 : memref<!tpu.dma_semaphore, #tpu.memory_space<semaphore_mem>>)
    } else {
    }
    %add3A_397 = arith.constant 144 : i32
    %add3A_398 = arith.addi %mul3A_2, %add3A_397 : i32
    %lt3A_399 = arith.constant 5728 : i32
    %lt3A_400 = arith.cmpi slt, %add3A_398, %lt3A_399 : i32
    %convert_element_type3A_401 = arith.extui %lt3A_400 : i1 to i32
    %cond3A_402 = arith.constant 0 : i32
    %cond3A_403 = arith.cmpi ne, %convert_element_type3A_401, %cond3A_402 : i32
    scf.if %cond3A_403 {
      %add3A_481 = arith.constant 144 : i32
      %add3A_482 = arith.addi %mul3A_2, %add3A_481 : i32
      %dma_wait3A = arith.constant 0 : i32
      %dma_wait3A_483 = tpu.memref_slice %arg4[%add3A_482, %dma_wait3A] : memref<5734x2048xf32, #tpu.memory_space<hbm>> -> memref<8x2048xf32, #tpu.memory_space<hbm>>
      %dma_wait3A_484 = arith.constant 0 : i32
      %dma_wait3A_485 = tpu.memref_slice %arg4[%add3A_482, %dma_wait3A_484] : memref<5734x2048xf32, #tpu.memory_space<hbm>> -> memref<8x2048xf32, #tpu.memory_space<hbm>>
      tpu.wait_dma2 semaphore(%arg10 : memref<!tpu.dma_semaphore, #tpu.memory_space<semaphore_mem>>) src(%arg6 : memref<8x2048xf32, #tpu.memory_space<vmem>>) dst(%dma_wait3A_485 : memref<8x2048xf32, #tpu.memory_space<hbm>>)
    } else {
    }
    %add3A_404 = arith.constant 160 : i32
    %add3A_405 = arith.addi %mul3A_2, %add3A_404 : i32
    %lt3A_406 = arith.constant 5728 : i32
    %lt3A_407 = arith.cmpi slt, %add3A_405, %lt3A_406 : i32
    %convert_element_type3A_408 = arith.extui %lt3A_407 : i1 to i32
    %cond3A_409 = arith.constant 0 : i32
    %cond3A_410 = arith.cmpi ne, %convert_element_type3A_408, %cond3A_409 : i32
    scf.if %cond3A_410 {
      %dma_start3A = arith.constant 160 : i32
      %dma_start3A_481 = tpu.memref_slice %arg5[%dma_start3A] : memref<184xi32, #tpu.memory_space<vmem>> -> memref<8xi32, #tpu.memory_space<vmem>>
      %dma_start3A_482 = arith.constant 0 : i32
      %dma_start3A_483 = arith.constant 0 : i32
      %dma_start3A_484 = tpu.memref_slice %arg2[%dma_start3A_482, %dma_start3A_483] : memref<8192x2048xf32, #tpu.memory_space<hbm>> -> memref<8192x2048xf32, #tpu.memory_space<hbm>>
      tpu.enqueue_indirect_dma source(%dma_start3A_484 : memref<8192x2048xf32, #tpu.memory_space<hbm>>) target(%arg6 : memref<8x2048xf32, #tpu.memory_space<vmem>>) offsets(%dma_start3A_481 : memref<8xi32, #tpu.memory_space<vmem>>) semaphore(%arg8 : memref<!tpu.dma_semaphore, #tpu.memory_space<semaphore_mem>>)
    } else {
    }
    %add3A_411 = arith.constant 152 : i32
    %add3A_412 = arith.addi %mul3A_2, %add3A_411 : i32
    %lt3A_413 = arith.constant 5728 : i32
    %lt3A_414 = arith.cmpi slt, %add3A_412, %lt3A_413 : i32
    %convert_element_type3A_415 = arith.extui %lt3A_414 : i1 to i32
    %cond3A_416 = arith.constant 0 : i32
    %cond3A_417 = arith.cmpi ne, %convert_element_type3A_415, %cond3A_416 : i32
    scf.if %cond3A_417 {
      %dma_wait3A = arith.constant 152 : i32
      %dma_wait3A_481 = tpu.memref_slice %arg5[%dma_wait3A] : memref<184xi32, #tpu.memory_space<vmem>> -> memref<8xi32, #tpu.memory_space<vmem>>
      %dma_wait3A_482 = arith.constant 0 : i32
      %dma_wait3A_483 = arith.constant 0 : i32
      %dma_wait3A_484 = tpu.memref_slice %arg2[%dma_wait3A_482, %dma_wait3A_483] : memref<8192x2048xf32, #tpu.memory_space<hbm>> -> memref<8192x2048xf32, #tpu.memory_space<hbm>>
      tpu.wait_indirect_dma semaphore(%arg9 : memref<!tpu.dma_semaphore, #tpu.memory_space<semaphore_mem>>) src(%dma_wait3A_484 : memref<8192x2048xf32, #tpu.memory_space<hbm>>) dst(%arg7 : memref<8x2048xf32, #tpu.memory_space<vmem>>)
      %add3A_485 = arith.constant 152 : i32
      %add3A_486 = arith.addi %mul3A_2, %add3A_485 : i32
      %dma_start3A = arith.constant 0 : i32
      %dma_start3A_487 = tpu.memref_slice %arg4[%add3A_486, %dma_start3A] : memref<5734x2048xf32, #tpu.memory_space<hbm>> -> memref<8x2048xf32, #tpu.memory_space<hbm>>
      %dma_start3A_488 = arith.constant 0 : i32
      %dma_start3A_489 = tpu.memref_slice %arg4[%add3A_486, %dma_start3A_488] : memref<5734x2048xf32, #tpu.memory_space<hbm>> -> memref<8x2048xf32, #tpu.memory_space<hbm>>
      tpu.enqueue_dma source(%arg7 : memref<8x2048xf32, #tpu.memory_space<vmem>>) target(%dma_start3A_489 : memref<8x2048xf32, #tpu.memory_space<hbm>>) target_semaphore(%arg11 : memref<!tpu.dma_semaphore, #tpu.memory_space<semaphore_mem>>)
    } else {
    }
    %add3A_418 = arith.constant 152 : i32
    %add3A_419 = arith.addi %mul3A_2, %add3A_418 : i32
    %lt3A_420 = arith.constant 5728 : i32
    %lt3A_421 = arith.cmpi slt, %add3A_419, %lt3A_420 : i32
    %convert_element_type3A_422 = arith.extui %lt3A_421 : i1 to i32
    %cond3A_423 = arith.constant 0 : i32
    %cond3A_424 = arith.cmpi ne, %convert_element_type3A_422, %cond3A_423 : i32
    scf.if %cond3A_424 {
      %add3A_481 = arith.constant 152 : i32
      %add3A_482 = arith.addi %mul3A_2, %add3A_481 : i32
      %dma_wait3A = arith.constant 0 : i32
      %dma_wait3A_483 = tpu.memref_slice %arg4[%add3A_482, %dma_wait3A] : memref<5734x2048xf32, #tpu.memory_space<hbm>> -> memref<8x2048xf32, #tpu.memory_space<hbm>>
      %dma_wait3A_484 = arith.constant 0 : i32
      %dma_wait3A_485 = tpu.memref_slice %arg4[%add3A_482, %dma_wait3A_484] : memref<5734x2048xf32, #tpu.memory_space<hbm>> -> memref<8x2048xf32, #tpu.memory_space<hbm>>
      tpu.wait_dma2 semaphore(%arg11 : memref<!tpu.dma_semaphore, #tpu.memory_space<semaphore_mem>>) src(%arg7 : memref<8x2048xf32, #tpu.memory_space<vmem>>) dst(%dma_wait3A_485 : memref<8x2048xf32, #tpu.memory_space<hbm>>)
    } else {
    }
    %add3A_425 = arith.constant 168 : i32
    %add3A_426 = arith.addi %mul3A_2, %add3A_425 : i32
    %lt3A_427 = arith.constant 5728 : i32
    %lt3A_428 = arith.cmpi slt, %add3A_426, %lt3A_427 : i32
    %convert_element_type3A_429 = arith.extui %lt3A_428 : i1 to i32
    %cond3A_430 = arith.constant 0 : i32
    %cond3A_431 = arith.cmpi ne, %convert_element_type3A_429, %cond3A_430 : i32
    scf.if %cond3A_431 {
      %dma_start3A = arith.constant 168 : i32
      %dma_start3A_481 = tpu.memref_slice %arg5[%dma_start3A] : memref<184xi32, #tpu.memory_space<vmem>> -> memref<8xi32, #tpu.memory_space<vmem>>
      %dma_start3A_482 = arith.constant 0 : i32
      %dma_start3A_483 = arith.constant 0 : i32
      %dma_start3A_484 = tpu.memref_slice %arg2[%dma_start3A_482, %dma_start3A_483] : memref<8192x2048xf32, #tpu.memory_space<hbm>> -> memref<8192x2048xf32, #tpu.memory_space<hbm>>
      tpu.enqueue_indirect_dma source(%dma_start3A_484 : memref<8192x2048xf32, #tpu.memory_space<hbm>>) target(%arg7 : memref<8x2048xf32, #tpu.memory_space<vmem>>) offsets(%dma_start3A_481 : memref<8xi32, #tpu.memory_space<vmem>>) semaphore(%arg9 : memref<!tpu.dma_semaphore, #tpu.memory_space<semaphore_mem>>)
    } else {
    }
    %add3A_432 = arith.constant 160 : i32
    %add3A_433 = arith.addi %mul3A_2, %add3A_432 : i32
    %lt3A_434 = arith.constant 5728 : i32
    %lt3A_435 = arith.cmpi slt, %add3A_433, %lt3A_434 : i32
    %convert_element_type3A_436 = arith.extui %lt3A_435 : i1 to i32
    %cond3A_437 = arith.constant 0 : i32
    %cond3A_438 = arith.cmpi ne, %convert_element_type3A_436, %cond3A_437 : i32
    scf.if %cond3A_438 {
      %dma_wait3A = arith.constant 160 : i32
      %dma_wait3A_481 = tpu.memref_slice %arg5[%dma_wait3A] : memref<184xi32, #tpu.memory_space<vmem>> -> memref<8xi32, #tpu.memory_space<vmem>>
      %dma_wait3A_482 = arith.constant 0 : i32
      %dma_wait3A_483 = arith.constant 0 : i32
      %dma_wait3A_484 = tpu.memref_slice %arg2[%dma_wait3A_482, %dma_wait3A_483] : memref<8192x2048xf32, #tpu.memory_space<hbm>> -> memref<8192x2048xf32, #tpu.memory_space<hbm>>
      tpu.wait_indirect_dma semaphore(%arg8 : memref<!tpu.dma_semaphore, #tpu.memory_space<semaphore_mem>>) src(%dma_wait3A_484 : memref<8192x2048xf32, #tpu.memory_space<hbm>>) dst(%arg6 : memref<8x2048xf32, #tpu.memory_space<vmem>>)
      %add3A_485 = arith.constant 160 : i32
      %add3A_486 = arith.addi %mul3A_2, %add3A_485 : i32
      %dma_start3A = arith.constant 0 : i32
      %dma_start3A_487 = tpu.memref_slice %arg4[%add3A_486, %dma_start3A] : memref<5734x2048xf32, #tpu.memory_space<hbm>> -> memref<8x2048xf32, #tpu.memory_space<hbm>>
      %dma_start3A_488 = arith.constant 0 : i32
      %dma_start3A_489 = tpu.memref_slice %arg4[%add3A_486, %dma_start3A_488] : memref<5734x2048xf32, #tpu.memory_space<hbm>> -> memref<8x2048xf32, #tpu.memory_space<hbm>>
      tpu.enqueue_dma source(%arg6 : memref<8x2048xf32, #tpu.memory_space<vmem>>) target(%dma_start3A_489 : memref<8x2048xf32, #tpu.memory_space<hbm>>) target_semaphore(%arg10 : memref<!tpu.dma_semaphore, #tpu.memory_space<semaphore_mem>>)
    } else {
    }
    %add3A_439 = arith.constant 160 : i32
    %add3A_440 = arith.addi %mul3A_2, %add3A_439 : i32
    %lt3A_441 = arith.constant 5728 : i32
    %lt3A_442 = arith.cmpi slt, %add3A_440, %lt3A_441 : i32
    %convert_element_type3A_443 = arith.extui %lt3A_442 : i1 to i32
    %cond3A_444 = arith.constant 0 : i32
    %cond3A_445 = arith.cmpi ne, %convert_element_type3A_443, %cond3A_444 : i32
    scf.if %cond3A_445 {
      %add3A_481 = arith.constant 160 : i32
      %add3A_482 = arith.addi %mul3A_2, %add3A_481 : i32
      %dma_wait3A = arith.constant 0 : i32
      %dma_wait3A_483 = tpu.memref_slice %arg4[%add3A_482, %dma_wait3A] : memref<5734x2048xf32, #tpu.memory_space<hbm>> -> memref<8x2048xf32, #tpu.memory_space<hbm>>
      %dma_wait3A_484 = arith.constant 0 : i32
      %dma_wait3A_485 = tpu.memref_slice %arg4[%add3A_482, %dma_wait3A_484] : memref<5734x2048xf32, #tpu.memory_space<hbm>> -> memref<8x2048xf32, #tpu.memory_space<hbm>>
      tpu.wait_dma2 semaphore(%arg10 : memref<!tpu.dma_semaphore, #tpu.memory_space<semaphore_mem>>) src(%arg6 : memref<8x2048xf32, #tpu.memory_space<vmem>>) dst(%dma_wait3A_485 : memref<8x2048xf32, #tpu.memory_space<hbm>>)
    } else {
    }
    %add3A_446 = arith.constant 176 : i32
    %add3A_447 = arith.addi %mul3A_2, %add3A_446 : i32
    %lt3A_448 = arith.constant 5728 : i32
    %lt3A_449 = arith.cmpi slt, %add3A_447, %lt3A_448 : i32
    %convert_element_type3A_450 = arith.extui %lt3A_449 : i1 to i32
    %cond3A_451 = arith.constant 0 : i32
    %cond3A_452 = arith.cmpi ne, %convert_element_type3A_450, %cond3A_451 : i32
    scf.if %cond3A_452 {
      %dma_start3A = arith.constant 176 : i32
      %dma_start3A_481 = tpu.memref_slice %arg5[%dma_start3A] : memref<184xi32, #tpu.memory_space<vmem>> -> memref<8xi32, #tpu.memory_space<vmem>>
      %dma_start3A_482 = arith.constant 0 : i32
      %dma_start3A_483 = arith.constant 0 : i32
      %dma_start3A_484 = tpu.memref_slice %arg2[%dma_start3A_482, %dma_start3A_483] : memref<8192x2048xf32, #tpu.memory_space<hbm>> -> memref<8192x2048xf32, #tpu.memory_space<hbm>>
      tpu.enqueue_indirect_dma source(%dma_start3A_484 : memref<8192x2048xf32, #tpu.memory_space<hbm>>) target(%arg6 : memref<8x2048xf32, #tpu.memory_space<vmem>>) offsets(%dma_start3A_481 : memref<8xi32, #tpu.memory_space<vmem>>) semaphore(%arg8 : memref<!tpu.dma_semaphore, #tpu.memory_space<semaphore_mem>>)
    } else {
    }
    %add3A_453 = arith.constant 168 : i32
    %add3A_454 = arith.addi %mul3A_2, %add3A_453 : i32
    %lt3A_455 = arith.constant 5728 : i32
    %lt3A_456 = arith.cmpi slt, %add3A_454, %lt3A_455 : i32
    %convert_element_type3A_457 = arith.extui %lt3A_456 : i1 to i32
    %cond3A_458 = arith.constant 0 : i32
    %cond3A_459 = arith.cmpi ne, %convert_element_type3A_457, %cond3A_458 : i32
    scf.if %cond3A_459 {
      %dma_wait3A = arith.constant 168 : i32
      %dma_wait3A_481 = tpu.memref_slice %arg5[%dma_wait3A] : memref<184xi32, #tpu.memory_space<vmem>> -> memref<8xi32, #tpu.memory_space<vmem>>
      %dma_wait3A_482 = arith.constant 0 : i32
      %dma_wait3A_483 = arith.constant 0 : i32
      %dma_wait3A_484 = tpu.memref_slice %arg2[%dma_wait3A_482, %dma_wait3A_483] : memref<8192x2048xf32, #tpu.memory_space<hbm>> -> memref<8192x2048xf32, #tpu.memory_space<hbm>>
      tpu.wait_indirect_dma semaphore(%arg9 : memref<!tpu.dma_semaphore, #tpu.memory_space<semaphore_mem>>) src(%dma_wait3A_484 : memref<8192x2048xf32, #tpu.memory_space<hbm>>) dst(%arg7 : memref<8x2048xf32, #tpu.memory_space<vmem>>)
      %add3A_485 = arith.constant 168 : i32
      %add3A_486 = arith.addi %mul3A_2, %add3A_485 : i32
      %dma_start3A = arith.constant 0 : i32
      %dma_start3A_487 = tpu.memref_slice %arg4[%add3A_486, %dma_start3A] : memref<5734x2048xf32, #tpu.memory_space<hbm>> -> memref<8x2048xf32, #tpu.memory_space<hbm>>
      %dma_start3A_488 = arith.constant 0 : i32
      %dma_start3A_489 = tpu.memref_slice %arg4[%add3A_486, %dma_start3A_488] : memref<5734x2048xf32, #tpu.memory_space<hbm>> -> memref<8x2048xf32, #tpu.memory_space<hbm>>
      tpu.enqueue_dma source(%arg7 : memref<8x2048xf32, #tpu.memory_space<vmem>>) target(%dma_start3A_489 : memref<8x2048xf32, #tpu.memory_space<hbm>>) target_semaphore(%arg11 : memref<!tpu.dma_semaphore, #tpu.memory_space<semaphore_mem>>)
    } else {
    }
    %add3A_460 = arith.constant 176 : i32
    %add3A_461 = arith.addi %mul3A_2, %add3A_460 : i32
    %lt3A_462 = arith.constant 5728 : i32
    %lt3A_463 = arith.cmpi slt, %add3A_461, %lt3A_462 : i32
    %convert_element_type3A_464 = arith.extui %lt3A_463 : i1 to i32
    %cond3A_465 = arith.constant 0 : i32
    %cond3A_466 = arith.cmpi ne, %convert_element_type3A_464, %cond3A_465 : i32
    scf.if %cond3A_466 {
      %dma_wait3A = arith.constant 176 : i32
      %dma_wait3A_481 = tpu.memref_slice %arg5[%dma_wait3A] : memref<184xi32, #tpu.memory_space<vmem>> -> memref<8xi32, #tpu.memory_space<vmem>>
      %dma_wait3A_482 = arith.constant 0 : i32
      %dma_wait3A_483 = arith.constant 0 : i32
      %dma_wait3A_484 = tpu.memref_slice %arg2[%dma_wait3A_482, %dma_wait3A_483] : memref<8192x2048xf32, #tpu.memory_space<hbm>> -> memref<8192x2048xf32, #tpu.memory_space<hbm>>
      tpu.wait_indirect_dma semaphore(%arg8 : memref<!tpu.dma_semaphore, #tpu.memory_space<semaphore_mem>>) src(%dma_wait3A_484 : memref<8192x2048xf32, #tpu.memory_space<hbm>>) dst(%arg6 : memref<8x2048xf32, #tpu.memory_space<vmem>>)
      %add3A_485 = arith.constant 176 : i32
      %add3A_486 = arith.addi %mul3A_2, %add3A_485 : i32
      %dma_start3A = arith.constant 0 : i32
      %dma_start3A_487 = tpu.memref_slice %arg4[%add3A_486, %dma_start3A] : memref<5734x2048xf32, #tpu.memory_space<hbm>> -> memref<8x2048xf32, #tpu.memory_space<hbm>>
      %dma_start3A_488 = arith.constant 0 : i32
      %dma_start3A_489 = tpu.memref_slice %arg4[%add3A_486, %dma_start3A_488] : memref<5734x2048xf32, #tpu.memory_space<hbm>> -> memref<8x2048xf32, #tpu.memory_space<hbm>>
      tpu.enqueue_dma source(%arg6 : memref<8x2048xf32, #tpu.memory_space<vmem>>) target(%dma_start3A_489 : memref<8x2048xf32, #tpu.memory_space<hbm>>) target_semaphore(%arg10 : memref<!tpu.dma_semaphore, #tpu.memory_space<semaphore_mem>>)
    } else {
    }
    %add3A_467 = arith.constant 168 : i32
    %add3A_468 = arith.addi %mul3A_2, %add3A_467 : i32
    %lt3A_469 = arith.constant 5728 : i32
    %lt3A_470 = arith.cmpi slt, %add3A_468, %lt3A_469 : i32
    %convert_element_type3A_471 = arith.extui %lt3A_470 : i1 to i32
    %cond3A_472 = arith.constant 0 : i32
    %cond3A_473 = arith.cmpi ne, %convert_element_type3A_471, %cond3A_472 : i32
    scf.if %cond3A_473 {
      %add3A_481 = arith.constant 168 : i32
      %add3A_482 = arith.addi %mul3A_2, %add3A_481 : i32
      %dma_wait3A = arith.constant 0 : i32
      %dma_wait3A_483 = tpu.memref_slice %arg4[%add3A_482, %dma_wait3A] : memref<5734x2048xf32, #tpu.memory_space<hbm>> -> memref<8x2048xf32, #tpu.memory_space<hbm>>
      %dma_wait3A_484 = arith.constant 0 : i32
      %dma_wait3A_485 = tpu.memref_slice %arg4[%add3A_482, %dma_wait3A_484] : memref<5734x2048xf32, #tpu.memory_space<hbm>> -> memref<8x2048xf32, #tpu.memory_space<hbm>>
      tpu.wait_dma2 semaphore(%arg11 : memref<!tpu.dma_semaphore, #tpu.memory_space<semaphore_mem>>) src(%arg7 : memref<8x2048xf32, #tpu.memory_space<vmem>>) dst(%dma_wait3A_485 : memref<8x2048xf32, #tpu.memory_space<hbm>>)
    } else {
    }
    %add3A_474 = arith.constant 176 : i32
    %add3A_475 = arith.addi %mul3A_2, %add3A_474 : i32
    %lt3A_476 = arith.constant 5728 : i32
    %lt3A_477 = arith.cmpi slt, %add3A_475, %lt3A_476 : i32
    %convert_element_type3A_478 = arith.extui %lt3A_477 : i1 to i32
    %cond3A_479 = arith.constant 0 : i32
    %cond3A_480 = arith.cmpi ne, %convert_element_type3A_478, %cond3A_479 : i32
    scf.if %cond3A_480 {
      %add3A_481 = arith.constant 176 : i32
      %add3A_482 = arith.addi %mul3A_2, %add3A_481 : i32
      %dma_wait3A = arith.constant 0 : i32
      %dma_wait3A_483 = tpu.memref_slice %arg4[%add3A_482, %dma_wait3A] : memref<5734x2048xf32, #tpu.memory_space<hbm>> -> memref<8x2048xf32, #tpu.memory_space<hbm>>
      %dma_wait3A_484 = arith.constant 0 : i32
      %dma_wait3A_485 = tpu.memref_slice %arg4[%add3A_482, %dma_wait3A_484] : memref<5734x2048xf32, #tpu.memory_space<hbm>> -> memref<8x2048xf32, #tpu.memory_space<hbm>>
      tpu.wait_dma2 semaphore(%arg10 : memref<!tpu.dma_semaphore, #tpu.memory_space<semaphore_mem>>) src(%arg6 : memref<8x2048xf32, #tpu.memory_space<vmem>>) dst(%dma_wait3A_485 : memref<8x2048xf32, #tpu.memory_space<hbm>>)
    } else {
    }
    return
  }
}

module attributes {stable_mosaic.version = 14 : i64} {
  func.func @_xn_body(%arg0: i32, %arg1: i32, %arg2: memref<1x512x2048xf32, #tpu.memory_space<vmem>>, %arg3: memref<1x2048xf32, #tpu.memory_space<vmem>>, %arg4: memref<1x2048xf32, #tpu.memory_space<vmem>>, %arg5: memref<1x512x2048xf32, #tpu.memory_space<vmem>>) attributes {dimension_semantics = [#tpu.dimension_semantics<arbitrary>, #tpu.dimension_semantics<arbitrary>], iteration_bounds = array<i64: 2, 8>, scalar_prefetch = 0 : i64, scratch_operands = 0 : i64, tpu.core_type = #tpu.core_type<tc>, window_params = [{transform_indices = @transform_0, window_bounds = array<i64: 1, 512, 2048>}, {pipeline_mode = #tpu.pipeline_mode<synchronous>, transform_indices = @transform_1, window_bounds = array<i64: 1, 2048>}, {pipeline_mode = #tpu.pipeline_mode<synchronous>, transform_indices = @transform_2, window_bounds = array<i64: 1, 2048>}, {transform_indices = @transform_3, window_bounds = array<i64: 1, 512, 2048>}]} {
    %get3A = arith.constant 0 : index
    %get3A_0 = arith.constant 0 : index
    %get3A_1 = arith.constant 0 : index
    %get3A_2 = vector.load %arg2[%get3A, %get3A_0, %get3A_1] : memref<1x512x2048xf32, #tpu.memory_space<vmem>>, vector<1x512x2048xf32>
    %get3A_3 = vector.shape_cast %get3A_2 : vector<1x512x2048xf32> to vector<512x2048xf32>
    %slice3A = vector.extract_strided_slice %get3A_3 {offsets = [0, 0], sizes = [512, 128], strides = [1, 1]} : vector<512x2048xf32> to vector<512x128xf32>
    %slice3A_4 = vector.extract_strided_slice %get3A_3 {offsets = [0, 128], sizes = [512, 128], strides = [1, 1]} : vector<512x2048xf32> to vector<512x128xf32>
    %add3A = arith.addf %slice3A, %slice3A_4 : vector<512x128xf32>
    %slice3A_5 = vector.extract_strided_slice %get3A_3 {offsets = [0, 256], sizes = [512, 128], strides = [1, 1]} : vector<512x2048xf32> to vector<512x128xf32>
    %add3A_6 = arith.addf %add3A, %slice3A_5 : vector<512x128xf32>
    %slice3A_7 = vector.extract_strided_slice %get3A_3 {offsets = [0, 384], sizes = [512, 128], strides = [1, 1]} : vector<512x2048xf32> to vector<512x128xf32>
    %add3A_8 = arith.addf %add3A_6, %slice3A_7 : vector<512x128xf32>
    %slice3A_9 = vector.extract_strided_slice %get3A_3 {offsets = [0, 512], sizes = [512, 128], strides = [1, 1]} : vector<512x2048xf32> to vector<512x128xf32>
    %add3A_10 = arith.addf %add3A_8, %slice3A_9 : vector<512x128xf32>
    %slice3A_11 = vector.extract_strided_slice %get3A_3 {offsets = [0, 640], sizes = [512, 128], strides = [1, 1]} : vector<512x2048xf32> to vector<512x128xf32>
    %add3A_12 = arith.addf %add3A_10, %slice3A_11 : vector<512x128xf32>
    %slice3A_13 = vector.extract_strided_slice %get3A_3 {offsets = [0, 768], sizes = [512, 128], strides = [1, 1]} : vector<512x2048xf32> to vector<512x128xf32>
    %add3A_14 = arith.addf %add3A_12, %slice3A_13 : vector<512x128xf32>
    %slice3A_15 = vector.extract_strided_slice %get3A_3 {offsets = [0, 896], sizes = [512, 128], strides = [1, 1]} : vector<512x2048xf32> to vector<512x128xf32>
    %add3A_16 = arith.addf %add3A_14, %slice3A_15 : vector<512x128xf32>
    %slice3A_17 = vector.extract_strided_slice %get3A_3 {offsets = [0, 1024], sizes = [512, 128], strides = [1, 1]} : vector<512x2048xf32> to vector<512x128xf32>
    %add3A_18 = arith.addf %add3A_16, %slice3A_17 : vector<512x128xf32>
    %slice3A_19 = vector.extract_strided_slice %get3A_3 {offsets = [0, 1152], sizes = [512, 128], strides = [1, 1]} : vector<512x2048xf32> to vector<512x128xf32>
    %add3A_20 = arith.addf %add3A_18, %slice3A_19 : vector<512x128xf32>
    %slice3A_21 = vector.extract_strided_slice %get3A_3 {offsets = [0, 1280], sizes = [512, 128], strides = [1, 1]} : vector<512x2048xf32> to vector<512x128xf32>
    %add3A_22 = arith.addf %add3A_20, %slice3A_21 : vector<512x128xf32>
    %slice3A_23 = vector.extract_strided_slice %get3A_3 {offsets = [0, 1408], sizes = [512, 128], strides = [1, 1]} : vector<512x2048xf32> to vector<512x128xf32>
    %add3A_24 = arith.addf %add3A_22, %slice3A_23 : vector<512x128xf32>
    %slice3A_25 = vector.extract_strided_slice %get3A_3 {offsets = [0, 1536], sizes = [512, 128], strides = [1, 1]} : vector<512x2048xf32> to vector<512x128xf32>
    %add3A_26 = arith.addf %add3A_24, %slice3A_25 : vector<512x128xf32>
    %slice3A_27 = vector.extract_strided_slice %get3A_3 {offsets = [0, 1664], sizes = [512, 128], strides = [1, 1]} : vector<512x2048xf32> to vector<512x128xf32>
    %add3A_28 = arith.addf %add3A_26, %slice3A_27 : vector<512x128xf32>
    %slice3A_29 = vector.extract_strided_slice %get3A_3 {offsets = [0, 1792], sizes = [512, 128], strides = [1, 1]} : vector<512x2048xf32> to vector<512x128xf32>
    %add3A_30 = arith.addf %add3A_28, %slice3A_29 : vector<512x128xf32>
    %slice3A_31 = vector.extract_strided_slice %get3A_3 {offsets = [0, 1920], sizes = [512, 128], strides = [1, 1]} : vector<512x2048xf32> to vector<512x128xf32>
    %add3A_32 = arith.addf %add3A_30, %slice3A_31 : vector<512x128xf32>
    %slice3A_33 = vector.extract_strided_slice %add3A_32 {offsets = [0, 0], sizes = [512, 8], strides = [1, 1]} : vector<512x128xf32> to vector<512x8xf32>
    %slice3A_34 = vector.extract_strided_slice %add3A_32 {offsets = [0, 8], sizes = [512, 8], strides = [1, 1]} : vector<512x128xf32> to vector<512x8xf32>
    %add3A_35 = arith.addf %slice3A_33, %slice3A_34 : vector<512x8xf32>
    %slice3A_36 = vector.extract_strided_slice %add3A_32 {offsets = [0, 16], sizes = [512, 8], strides = [1, 1]} : vector<512x128xf32> to vector<512x8xf32>
    %add3A_37 = arith.addf %add3A_35, %slice3A_36 : vector<512x8xf32>
    %slice3A_38 = vector.extract_strided_slice %add3A_32 {offsets = [0, 24], sizes = [512, 8], strides = [1, 1]} : vector<512x128xf32> to vector<512x8xf32>
    %add3A_39 = arith.addf %add3A_37, %slice3A_38 : vector<512x8xf32>
    %slice3A_40 = vector.extract_strided_slice %add3A_32 {offsets = [0, 32], sizes = [512, 8], strides = [1, 1]} : vector<512x128xf32> to vector<512x8xf32>
    %add3A_41 = arith.addf %add3A_39, %slice3A_40 : vector<512x8xf32>
    %slice3A_42 = vector.extract_strided_slice %add3A_32 {offsets = [0, 40], sizes = [512, 8], strides = [1, 1]} : vector<512x128xf32> to vector<512x8xf32>
    %add3A_43 = arith.addf %add3A_41, %slice3A_42 : vector<512x8xf32>
    %slice3A_44 = vector.extract_strided_slice %add3A_32 {offsets = [0, 48], sizes = [512, 8], strides = [1, 1]} : vector<512x128xf32> to vector<512x8xf32>
    %add3A_45 = arith.addf %add3A_43, %slice3A_44 : vector<512x8xf32>
    %slice3A_46 = vector.extract_strided_slice %add3A_32 {offsets = [0, 56], sizes = [512, 8], strides = [1, 1]} : vector<512x128xf32> to vector<512x8xf32>
    %add3A_47 = arith.addf %add3A_45, %slice3A_46 : vector<512x8xf32>
    %slice3A_48 = vector.extract_strided_slice %add3A_32 {offsets = [0, 64], sizes = [512, 8], strides = [1, 1]} : vector<512x128xf32> to vector<512x8xf32>
    %add3A_49 = arith.addf %add3A_47, %slice3A_48 : vector<512x8xf32>
    %slice3A_50 = vector.extract_strided_slice %add3A_32 {offsets = [0, 72], sizes = [512, 8], strides = [1, 1]} : vector<512x128xf32> to vector<512x8xf32>
    %add3A_51 = arith.addf %add3A_49, %slice3A_50 : vector<512x8xf32>
    %slice3A_52 = vector.extract_strided_slice %add3A_32 {offsets = [0, 80], sizes = [512, 8], strides = [1, 1]} : vector<512x128xf32> to vector<512x8xf32>
    %add3A_53 = arith.addf %add3A_51, %slice3A_52 : vector<512x8xf32>
    %slice3A_54 = vector.extract_strided_slice %add3A_32 {offsets = [0, 88], sizes = [512, 8], strides = [1, 1]} : vector<512x128xf32> to vector<512x8xf32>
    %add3A_55 = arith.addf %add3A_53, %slice3A_54 : vector<512x8xf32>
    %slice3A_56 = vector.extract_strided_slice %add3A_32 {offsets = [0, 96], sizes = [512, 8], strides = [1, 1]} : vector<512x128xf32> to vector<512x8xf32>
    %add3A_57 = arith.addf %add3A_55, %slice3A_56 : vector<512x8xf32>
    %slice3A_58 = vector.extract_strided_slice %add3A_32 {offsets = [0, 104], sizes = [512, 8], strides = [1, 1]} : vector<512x128xf32> to vector<512x8xf32>
    %add3A_59 = arith.addf %add3A_57, %slice3A_58 : vector<512x8xf32>
    %slice3A_60 = vector.extract_strided_slice %add3A_32 {offsets = [0, 112], sizes = [512, 8], strides = [1, 1]} : vector<512x128xf32> to vector<512x8xf32>
    %add3A_61 = arith.addf %add3A_59, %slice3A_60 : vector<512x8xf32>
    %slice3A_62 = vector.extract_strided_slice %add3A_32 {offsets = [0, 120], sizes = [512, 8], strides = [1, 1]} : vector<512x128xf32> to vector<512x8xf32>
    %add3A_63 = arith.addf %add3A_61, %slice3A_62 : vector<512x8xf32>
    %slice3A_64 = vector.extract_strided_slice %add3A_63 {offsets = [0, 0], sizes = [512, 4], strides = [1, 1]} : vector<512x8xf32> to vector<512x4xf32>
    %slice3A_65 = vector.extract_strided_slice %add3A_63 {offsets = [0, 4], sizes = [512, 4], strides = [1, 1]} : vector<512x8xf32> to vector<512x4xf32>
    %add3A_66 = arith.addf %slice3A_64, %slice3A_65 : vector<512x4xf32>
    %slice3A_67 = vector.extract_strided_slice %add3A_66 {offsets = [0, 0], sizes = [512, 2], strides = [1, 1]} : vector<512x4xf32> to vector<512x2xf32>
    %slice3A_68 = vector.extract_strided_slice %add3A_66 {offsets = [0, 2], sizes = [512, 2], strides = [1, 1]} : vector<512x4xf32> to vector<512x2xf32>
    %add3A_69 = arith.addf %slice3A_67, %slice3A_68 : vector<512x2xf32>
    %slice3A_70 = vector.extract_strided_slice %add3A_69 {offsets = [0, 0], sizes = [512, 1], strides = [1, 1]} : vector<512x2xf32> to vector<512x1xf32>
    %slice3A_71 = vector.extract_strided_slice %add3A_69 {offsets = [0, 1], sizes = [512, 1], strides = [1, 1]} : vector<512x2xf32> to vector<512x1xf32>
    %add3A_72 = arith.addf %slice3A_70, %slice3A_71 : vector<512x1xf32>
    %mul3A = arith.constant 4.8828125E-4 : f32
    %mul3A_73 = vector.broadcast %mul3A : f32 to vector<512x1xf32>
    %mul3A_74 = arith.mulf %add3A_72, %mul3A_73 : vector<512x1xf32>
    %sub3A = vector.broadcast %mul3A_74 : vector<512x1xf32> to vector<512x2048xf32>
    %sub3A_75 = arith.subf %get3A_3, %sub3A : vector<512x2048xf32>
    %mul3A_76 = arith.mulf %sub3A_75, %sub3A_75 : vector<512x2048xf32>
    %slice3A_77 = vector.extract_strided_slice %mul3A_76 {offsets = [0, 0], sizes = [512, 128], strides = [1, 1]} : vector<512x2048xf32> to vector<512x128xf32>
    %slice3A_78 = vector.extract_strided_slice %mul3A_76 {offsets = [0, 128], sizes = [512, 128], strides = [1, 1]} : vector<512x2048xf32> to vector<512x128xf32>
    %add3A_79 = arith.addf %slice3A_77, %slice3A_78 : vector<512x128xf32>
    %slice3A_80 = vector.extract_strided_slice %mul3A_76 {offsets = [0, 256], sizes = [512, 128], strides = [1, 1]} : vector<512x2048xf32> to vector<512x128xf32>
    %add3A_81 = arith.addf %add3A_79, %slice3A_80 : vector<512x128xf32>
    %slice3A_82 = vector.extract_strided_slice %mul3A_76 {offsets = [0, 384], sizes = [512, 128], strides = [1, 1]} : vector<512x2048xf32> to vector<512x128xf32>
    %add3A_83 = arith.addf %add3A_81, %slice3A_82 : vector<512x128xf32>
    %slice3A_84 = vector.extract_strided_slice %mul3A_76 {offsets = [0, 512], sizes = [512, 128], strides = [1, 1]} : vector<512x2048xf32> to vector<512x128xf32>
    %add3A_85 = arith.addf %add3A_83, %slice3A_84 : vector<512x128xf32>
    %slice3A_86 = vector.extract_strided_slice %mul3A_76 {offsets = [0, 640], sizes = [512, 128], strides = [1, 1]} : vector<512x2048xf32> to vector<512x128xf32>
    %add3A_87 = arith.addf %add3A_85, %slice3A_86 : vector<512x128xf32>
    %slice3A_88 = vector.extract_strided_slice %mul3A_76 {offsets = [0, 768], sizes = [512, 128], strides = [1, 1]} : vector<512x2048xf32> to vector<512x128xf32>
    %add3A_89 = arith.addf %add3A_87, %slice3A_88 : vector<512x128xf32>
    %slice3A_90 = vector.extract_strided_slice %mul3A_76 {offsets = [0, 896], sizes = [512, 128], strides = [1, 1]} : vector<512x2048xf32> to vector<512x128xf32>
    %add3A_91 = arith.addf %add3A_89, %slice3A_90 : vector<512x128xf32>
    %slice3A_92 = vector.extract_strided_slice %mul3A_76 {offsets = [0, 1024], sizes = [512, 128], strides = [1, 1]} : vector<512x2048xf32> to vector<512x128xf32>
    %add3A_93 = arith.addf %add3A_91, %slice3A_92 : vector<512x128xf32>
    %slice3A_94 = vector.extract_strided_slice %mul3A_76 {offsets = [0, 1152], sizes = [512, 128], strides = [1, 1]} : vector<512x2048xf32> to vector<512x128xf32>
    %add3A_95 = arith.addf %add3A_93, %slice3A_94 : vector<512x128xf32>
    %slice3A_96 = vector.extract_strided_slice %mul3A_76 {offsets = [0, 1280], sizes = [512, 128], strides = [1, 1]} : vector<512x2048xf32> to vector<512x128xf32>
    %add3A_97 = arith.addf %add3A_95, %slice3A_96 : vector<512x128xf32>
    %slice3A_98 = vector.extract_strided_slice %mul3A_76 {offsets = [0, 1408], sizes = [512, 128], strides = [1, 1]} : vector<512x2048xf32> to vector<512x128xf32>
    %add3A_99 = arith.addf %add3A_97, %slice3A_98 : vector<512x128xf32>
    %slice3A_100 = vector.extract_strided_slice %mul3A_76 {offsets = [0, 1536], sizes = [512, 128], strides = [1, 1]} : vector<512x2048xf32> to vector<512x128xf32>
    %add3A_101 = arith.addf %add3A_99, %slice3A_100 : vector<512x128xf32>
    %slice3A_102 = vector.extract_strided_slice %mul3A_76 {offsets = [0, 1664], sizes = [512, 128], strides = [1, 1]} : vector<512x2048xf32> to vector<512x128xf32>
    %add3A_103 = arith.addf %add3A_101, %slice3A_102 : vector<512x128xf32>
    %slice3A_104 = vector.extract_strided_slice %mul3A_76 {offsets = [0, 1792], sizes = [512, 128], strides = [1, 1]} : vector<512x2048xf32> to vector<512x128xf32>
    %add3A_105 = arith.addf %add3A_103, %slice3A_104 : vector<512x128xf32>
    %slice3A_106 = vector.extract_strided_slice %mul3A_76 {offsets = [0, 1920], sizes = [512, 128], strides = [1, 1]} : vector<512x2048xf32> to vector<512x128xf32>
    %add3A_107 = arith.addf %add3A_105, %slice3A_106 : vector<512x128xf32>
    %slice3A_108 = vector.extract_strided_slice %add3A_107 {offsets = [0, 0], sizes = [512, 8], strides = [1, 1]} : vector<512x128xf32> to vector<512x8xf32>
    %slice3A_109 = vector.extract_strided_slice %add3A_107 {offsets = [0, 8], sizes = [512, 8], strides = [1, 1]} : vector<512x128xf32> to vector<512x8xf32>
    %add3A_110 = arith.addf %slice3A_108, %slice3A_109 : vector<512x8xf32>
    %slice3A_111 = vector.extract_strided_slice %add3A_107 {offsets = [0, 16], sizes = [512, 8], strides = [1, 1]} : vector<512x128xf32> to vector<512x8xf32>
    %add3A_112 = arith.addf %add3A_110, %slice3A_111 : vector<512x8xf32>
    %slice3A_113 = vector.extract_strided_slice %add3A_107 {offsets = [0, 24], sizes = [512, 8], strides = [1, 1]} : vector<512x128xf32> to vector<512x8xf32>
    %add3A_114 = arith.addf %add3A_112, %slice3A_113 : vector<512x8xf32>
    %slice3A_115 = vector.extract_strided_slice %add3A_107 {offsets = [0, 32], sizes = [512, 8], strides = [1, 1]} : vector<512x128xf32> to vector<512x8xf32>
    %add3A_116 = arith.addf %add3A_114, %slice3A_115 : vector<512x8xf32>
    %slice3A_117 = vector.extract_strided_slice %add3A_107 {offsets = [0, 40], sizes = [512, 8], strides = [1, 1]} : vector<512x128xf32> to vector<512x8xf32>
    %add3A_118 = arith.addf %add3A_116, %slice3A_117 : vector<512x8xf32>
    %slice3A_119 = vector.extract_strided_slice %add3A_107 {offsets = [0, 48], sizes = [512, 8], strides = [1, 1]} : vector<512x128xf32> to vector<512x8xf32>
    %add3A_120 = arith.addf %add3A_118, %slice3A_119 : vector<512x8xf32>
    %slice3A_121 = vector.extract_strided_slice %add3A_107 {offsets = [0, 56], sizes = [512, 8], strides = [1, 1]} : vector<512x128xf32> to vector<512x8xf32>
    %add3A_122 = arith.addf %add3A_120, %slice3A_121 : vector<512x8xf32>
    %slice3A_123 = vector.extract_strided_slice %add3A_107 {offsets = [0, 64], sizes = [512, 8], strides = [1, 1]} : vector<512x128xf32> to vector<512x8xf32>
    %add3A_124 = arith.addf %add3A_122, %slice3A_123 : vector<512x8xf32>
    %slice3A_125 = vector.extract_strided_slice %add3A_107 {offsets = [0, 72], sizes = [512, 8], strides = [1, 1]} : vector<512x128xf32> to vector<512x8xf32>
    %add3A_126 = arith.addf %add3A_124, %slice3A_125 : vector<512x8xf32>
    %slice3A_127 = vector.extract_strided_slice %add3A_107 {offsets = [0, 80], sizes = [512, 8], strides = [1, 1]} : vector<512x128xf32> to vector<512x8xf32>
    %add3A_128 = arith.addf %add3A_126, %slice3A_127 : vector<512x8xf32>
    %slice3A_129 = vector.extract_strided_slice %add3A_107 {offsets = [0, 88], sizes = [512, 8], strides = [1, 1]} : vector<512x128xf32> to vector<512x8xf32>
    %add3A_130 = arith.addf %add3A_128, %slice3A_129 : vector<512x8xf32>
    %slice3A_131 = vector.extract_strided_slice %add3A_107 {offsets = [0, 96], sizes = [512, 8], strides = [1, 1]} : vector<512x128xf32> to vector<512x8xf32>
    %add3A_132 = arith.addf %add3A_130, %slice3A_131 : vector<512x8xf32>
    %slice3A_133 = vector.extract_strided_slice %add3A_107 {offsets = [0, 104], sizes = [512, 8], strides = [1, 1]} : vector<512x128xf32> to vector<512x8xf32>
    %add3A_134 = arith.addf %add3A_132, %slice3A_133 : vector<512x8xf32>
    %slice3A_135 = vector.extract_strided_slice %add3A_107 {offsets = [0, 112], sizes = [512, 8], strides = [1, 1]} : vector<512x128xf32> to vector<512x8xf32>
    %add3A_136 = arith.addf %add3A_134, %slice3A_135 : vector<512x8xf32>
    %slice3A_137 = vector.extract_strided_slice %add3A_107 {offsets = [0, 120], sizes = [512, 8], strides = [1, 1]} : vector<512x128xf32> to vector<512x8xf32>
    %add3A_138 = arith.addf %add3A_136, %slice3A_137 : vector<512x8xf32>
    %slice3A_139 = vector.extract_strided_slice %add3A_138 {offsets = [0, 0], sizes = [512, 4], strides = [1, 1]} : vector<512x8xf32> to vector<512x4xf32>
    %slice3A_140 = vector.extract_strided_slice %add3A_138 {offsets = [0, 4], sizes = [512, 4], strides = [1, 1]} : vector<512x8xf32> to vector<512x4xf32>
    %add3A_141 = arith.addf %slice3A_139, %slice3A_140 : vector<512x4xf32>
    %slice3A_142 = vector.extract_strided_slice %add3A_141 {offsets = [0, 0], sizes = [512, 2], strides = [1, 1]} : vector<512x4xf32> to vector<512x2xf32>
    %slice3A_143 = vector.extract_strided_slice %add3A_141 {offsets = [0, 2], sizes = [512, 2], strides = [1, 1]} : vector<512x4xf32> to vector<512x2xf32>
    %add3A_144 = arith.addf %slice3A_142, %slice3A_143 : vector<512x2xf32>
    %slice3A_145 = vector.extract_strided_slice %add3A_144 {offsets = [0, 0], sizes = [512, 1], strides = [1, 1]} : vector<512x2xf32> to vector<512x1xf32>
    %slice3A_146 = vector.extract_strided_slice %add3A_144 {offsets = [0, 1], sizes = [512, 1], strides = [1, 1]} : vector<512x2xf32> to vector<512x1xf32>
    %add3A_147 = arith.addf %slice3A_145, %slice3A_146 : vector<512x1xf32>
    %mul3A_148 = arith.constant 4.8828125E-4 : f32
    %mul3A_149 = vector.broadcast %mul3A_148 : f32 to vector<512x1xf32>
    %mul3A_150 = arith.mulf %add3A_147, %mul3A_149 : vector<512x1xf32>
    %add3A_151 = arith.constant 9.99999974E-6 : f32
    %add3A_152 = vector.broadcast %add3A_151 : f32 to vector<512x1xf32>
    %add3A_153 = arith.addf %mul3A_150, %add3A_152 : vector<512x1xf32>
    %sqrt3A = math.sqrt %add3A_153 : vector<512x1xf32>
    %div3A = vector.broadcast %sqrt3A : vector<512x1xf32> to vector<512x2048xf32>
    %div3A_154 = arith.divf %sub3A_75, %div3A : vector<512x2048xf32>
    %get3A_155 = arith.constant 0 : index
    %get3A_156 = arith.constant 0 : index
    %get3A_157 = vector.load %arg3[%get3A_155, %get3A_156] : memref<1x2048xf32, #tpu.memory_space<vmem>>, vector<1x2048xf32>
    %mul3A_158 = vector.broadcast %get3A_157 : vector<1x2048xf32> to vector<512x2048xf32>
    %mul3A_159 = arith.mulf %div3A_154, %mul3A_158 : vector<512x2048xf32>
    %get3A_160 = arith.constant 0 : index
    %get3A_161 = arith.constant 0 : index
    %get3A_162 = vector.load %arg4[%get3A_160, %get3A_161] : memref<1x2048xf32, #tpu.memory_space<vmem>>, vector<1x2048xf32>
    %add3A_163 = vector.broadcast %get3A_162 : vector<1x2048xf32> to vector<512x2048xf32>
    %add3A_164 = arith.addf %mul3A_159, %add3A_163 : vector<512x2048xf32>
    %swap3A = arith.constant 0 : index
    %swap3A_165 = arith.constant 0 : index
    %swap3A_166 = arith.constant 0 : index
    %swap3A_167 = vector.load %arg5[%swap3A, %swap3A_165, %swap3A_166] : memref<1x512x2048xf32, #tpu.memory_space<vmem>>, vector<1x512x2048xf32>
    %swap3A_168 = vector.shape_cast %swap3A_167 : vector<1x512x2048xf32> to vector<512x2048xf32>
    %swap3A_169 = vector.shape_cast %add3A_164 : vector<512x2048xf32> to vector<1x512x2048xf32>
    tpu.vector_store %arg5[%swap3A, %swap3A_165, %swap3A_166], %swap3A_169 {strides = array<i32>} : memref<1x512x2048xf32, #tpu.memory_space<vmem>>, vector<1x512x2048xf32>,
    return
  }
  func.func @transform_0(%arg0: i32, %arg1: i32) -> (i32, i32, i32) {
    %c0_i32 = arith.constant 0 : i32
    %c0_i32_0 = arith.constant 0 : i32
    return %arg0, %arg1, %c0_i32 : i32, i32, i32
  }
  func.func @transform_1(%arg0: i32, %arg1: i32) -> (i32, i32) {
    %c0_i32 = arith.constant 0 : i32
    %c0_i32_0 = arith.constant 0 : i32
    %c0_i32_1 = arith.constant 0 : i32
    return %c0_i32, %c0_i32_0 : i32, i32
  }
  func.func @transform_2(%arg0: i32, %arg1: i32) -> (i32, i32) {
    %c0_i32 = arith.constant 0 : i32
    %c0_i32_0 = arith.constant 0 : i32
    %c0_i32_1 = arith.constant 0 : i32
    return %c0_i32, %c0_i32_0 : i32, i32
  }
  func.func @transform_3(%arg0: i32, %arg1: i32) -> (i32, i32, i32) {
    %c0_i32 = arith.constant 0 : i32
    %c0_i32_0 = arith.constant 0 : i32
    return %arg0, %arg1, %c0_i32 : i32, i32, i32
  }
}

module attributes {stable_mosaic.version = 14 : i64} {
  func.func @_rank_body(%arg0: i32, %arg1: memref<1x4096x1xf32, #tpu.memory_space<vmem>>, %arg2: memref<1x1x4096xf32, #tpu.memory_space<vmem>>, %arg3: memref<1x1x4096xi32, #tpu.memory_space<vmem>>, %arg4: memref<1x1x4096xi32, #tpu.memory_space<vmem>>, %arg5: memref<1x1x4096xf32, #tpu.memory_space<vmem>>) attributes {dimension_semantics = [#tpu.dimension_semantics<arbitrary>], iteration_bounds = array<i64: 2>, scalar_prefetch = 0 : i64, scratch_operands = 0 : i64, tpu.core_type = #tpu.core_type<tc>, window_params = [{transform_indices = @transform_0, window_bounds = array<i64: 1, 4096, 1>}, {transform_indices = @transform_1, window_bounds = array<i64: 1, 1, 4096>}, {transform_indices = @transform_2, window_bounds = array<i64: 1, 1, 4096>}, {transform_indices = @transform_3, window_bounds = array<i64: 1, 1, 4096>}, {transform_indices = @transform_4, window_bounds = array<i64: 1, 1, 4096>}]} {
    %get3A = arith.constant 0 : index
    %get3A_0 = arith.constant 0 : index
    %get3A_1 = arith.constant 0 : index
    %get3A_2 = vector.load %arg1[%get3A, %get3A_0, %get3A_1] : memref<1x4096x1xf32, #tpu.memory_space<vmem>>, vector<1x4096x1xf32>
    %get3A_3 = vector.shape_cast %get3A_2 : vector<1x4096x1xf32> to vector<4096x1xf32>
    %get3A_4 = arith.constant 0 : index
    %get3A_5 = arith.constant 0 : index
    %get3A_6 = arith.constant 0 : index
    %get3A_7 = vector.load %arg2[%get3A_4, %get3A_5, %get3A_6] : memref<1x1x4096xf32, #tpu.memory_space<vmem>>, vector<1x1x4096xf32>
    %get3A_8 = vector.shape_cast %get3A_7 : vector<1x1x4096xf32> to vector<1x4096xf32>
    %reduce_sum3A = arith.constant dense<0.000000e+00> : vector<1xf32>
    %reduce_sum3A_9 = vector.multi_reduction <add>, %get3A_8, %reduce_sum3A [1] : vector<1x4096xf32> to vector<1xf32>
    %broadcast_in_dim3A = vector.shape_cast %reduce_sum3A_9 : vector<1xf32> to vector<1x1xf32>
    %div3A = arith.constant 4.096000e+03 : f32
    %div3A_10 = vector.broadcast %div3A : f32 to vector<1x1xf32>
    %div3A_11 = arith.divf %broadcast_in_dim3A, %div3A_10 : vector<1x1xf32>
    %sub3A = vector.broadcast %div3A_11 : vector<1x1xf32> to vector<1x4096xf32>
    %sub3A_12 = arith.subf %get3A_8, %sub3A : vector<1x4096xf32>
    %mul3A = arith.mulf %sub3A_12, %sub3A_12 : vector<1x4096xf32>
    %reduce_sum3A_13 = arith.constant dense<0.000000e+00> : vector<1xf32>
    %reduce_sum3A_14 = vector.multi_reduction <add>, %mul3A, %reduce_sum3A_13 [1] : vector<1x4096xf32> to vector<1xf32>
    %broadcast_in_dim3A_15 = vector.shape_cast %reduce_sum3A_14 : vector<1xf32> to vector<1x1xf32>
    %div3A_16 = arith.constant 4.095000e+03 : f32
    %div3A_17 = vector.broadcast %div3A_16 : f32 to vector<1x1xf32>
    %div3A_18 = arith.divf %broadcast_in_dim3A_15, %div3A_17 : vector<1x1xf32>
    %sqrt3A = math.sqrt %div3A_18 : vector<1x1xf32>
    %add3A = arith.constant 9.99999997E-7 : f32
    %add3A_19 = vector.broadcast %add3A : f32 to vector<1x1xf32>
    %add3A_20 = arith.addf %sqrt3A, %add3A_19 : vector<1x1xf32>
    %sub3A_21 = vector.broadcast %div3A_11 : vector<1x1xf32> to vector<1x4096xf32>
    %sub3A_22 = arith.subf %get3A_8, %sub3A_21 : vector<1x4096xf32>
    %div3A_23 = vector.broadcast %add3A_20 : vector<1x1xf32> to vector<1x4096xf32>
    %div3A_24 = arith.divf %sub3A_22, %div3A_23 : vector<1x4096xf32>
    %squeeze3A = vector.extract %div3A_11[0, 0] : f32 from vector<1x1xf32>
    %sub3A_25 = vector.broadcast %squeeze3A : f32 to vector<4096x1xf32>
    %sub3A_26 = arith.subf %get3A_3, %sub3A_25 : vector<4096x1xf32>
    %squeeze3A_27 = vector.extract %add3A_20[0, 0] : f32 from vector<1x1xf32>
    %div3A_28 = vector.broadcast %squeeze3A_27 : f32 to vector<4096x1xf32>
    %div3A_29 = arith.divf %sub3A_26, %div3A_28 : vector<4096x1xf32>
    %iota3A = tpu.iota {dimensions = array<i32: 0>} : vector<4096x1xi32>
    %convert_element_type3A = arith.sitofp %iota3A : vector<4096x1xi32> to vector<4096x1xf32>
    %broadcast_in_dim3A_30 = arith.constant 0.000000e+00 : f32
    %broadcast_in_dim3A_31 = vector.broadcast %broadcast_in_dim3A_30 : f32 to vector<4096x1xf32>
    %slice3A = vector.extract_strided_slice %div3A_24 {offsets = [0, 0], sizes = [1, 256], strides = [1, 1]} : vector<1x4096xf32> to vector<1x256xf32>
    %iota3A_32 = tpu.iota {dimensions = array<i32: 1>} : vector<1x256xi32>
    %add3A_33 = arith.constant 0 : i32
    %add3A_34 = vector.broadcast %add3A_33 : i32 to vector<1x256xi32>
    %add3A_35 = arith.addi %iota3A_32, %add3A_34 : vector<1x256xi32>
    %gt3A = vector.broadcast %slice3A : vector<1x256xf32> to vector<4096x256xf32>
    %gt3A_36 = vector.broadcast %div3A_29 : vector<4096x1xf32> to vector<4096x256xf32>
    %gt3A_37 = arith.cmpf ogt, %gt3A, %gt3A_36 : vector<4096x256xf32>
    %eq3A = vector.broadcast %slice3A : vector<1x256xf32> to vector<4096x256xf32>
    %eq3A_38 = vector.broadcast %div3A_29 : vector<4096x1xf32> to vector<4096x256xf32>
    %eq3A_39 = arith.cmpf oeq, %eq3A, %eq3A_38 : vector<4096x256xf32>
    %lt3A = vector.broadcast %add3A_35 : vector<1x256xi32> to vector<4096x256xi32>
    %lt3A_40 = vector.broadcast %iota3A : vector<4096x1xi32> to vector<4096x256xi32>
    %lt3A_41 = arith.cmpi slt, %lt3A, %lt3A_40 : vector<4096x256xi32>
    %and3A = arith.andi %eq3A_39, %lt3A_41 : vector<4096x256xi1>
    %or3A = arith.ori %gt3A_37, %and3A : vector<4096x256xi1>
    %jit3A = arith.constant 1.000000e+00 : f32
    %jit3A_42 = arith.constant 0.000000e+00 : f32
    %broadcast_in_dim3A_43 = vector.broadcast %jit3A : f32 to vector<4096x256xf32>
    %broadcast_in_dim3A_44 = vector.broadcast %jit3A_42 : f32 to vector<4096x256xf32>
    %select_n3A = arith.select %or3A, %broadcast_in_dim3A_43, %broadcast_in_dim3A_44 : vector<4096x256xi1>, vector<4096x256xf32>
    %reduce_sum3A_45 = arith.constant dense<0.000000e+00> : vector<4096xf32>
    %reduce_sum3A_46 = vector.multi_reduction <add>, %select_n3A, %reduce_sum3A_45 [1] : vector<4096x256xf32> to vector<4096xf32>
    %broadcast_in_dim3A_47 = vector.shape_cast %reduce_sum3A_46 : vector<4096xf32> to vector<4096x1xf32>
    %add3A_48 = arith.addf %broadcast_in_dim3A_31, %broadcast_in_dim3A_47 : vector<4096x1xf32>
    %slice3A_49 = vector.extract_strided_slice %div3A_24 {offsets = [0, 256], sizes = [1, 256], strides = [1, 1]} : vector<1x4096xf32> to vector<1x256xf32>
    %iota3A_50 = tpu.iota {dimensions = array<i32: 1>} : vector<1x256xi32>
    %add3A_51 = arith.constant 256 : i32
    %add3A_52 = vector.broadcast %add3A_51 : i32 to vector<1x256xi32>
    %add3A_53 = arith.addi %iota3A_50, %add3A_52 : vector<1x256xi32>
    %gt3A_54 = vector.broadcast %slice3A_49 : vector<1x256xf32> to vector<4096x256xf32>
    %gt3A_55 = vector.broadcast %div3A_29 : vector<4096x1xf32> to vector<4096x256xf32>
    %gt3A_56 = arith.cmpf ogt, %gt3A_54, %gt3A_55 : vector<4096x256xf32>
    %eq3A_57 = vector.broadcast %slice3A_49 : vector<1x256xf32> to vector<4096x256xf32>
    %eq3A_58 = vector.broadcast %div3A_29 : vector<4096x1xf32> to vector<4096x256xf32>
    %eq3A_59 = arith.cmpf oeq, %eq3A_57, %eq3A_58 : vector<4096x256xf32>
    %lt3A_60 = vector.broadcast %add3A_53 : vector<1x256xi32> to vector<4096x256xi32>
    %lt3A_61 = vector.broadcast %iota3A : vector<4096x1xi32> to vector<4096x256xi32>
    %lt3A_62 = arith.cmpi slt, %lt3A_60, %lt3A_61 : vector<4096x256xi32>
    %and3A_63 = arith.andi %eq3A_59, %lt3A_62 : vector<4096x256xi1>
    %or3A_64 = arith.ori %gt3A_56, %and3A_63 : vector<4096x256xi1>
    %jit3A_65 = arith.constant 1.000000e+00 : f32
    %jit3A_66 = arith.constant 0.000000e+00 : f32
    %broadcast_in_dim3A_67 = vector.broadcast %jit3A_65 : f32 to vector<4096x256xf32>
    %broadcast_in_dim3A_68 = vector.broadcast %jit3A_66 : f32 to vector<4096x256xf32>
    %select_n3A_69 = arith.select %or3A_64, %broadcast_in_dim3A_67, %broadcast_in_dim3A_68 : vector<4096x256xi1>, vector<4096x256xf32>
    %reduce_sum3A_70 = arith.constant dense<0.000000e+00> : vector<4096xf32>
    %reduce_sum3A_71 = vector.multi_reduction <add>, %select_n3A_69, %reduce_sum3A_70 [1] : vector<4096x256xf32> to vector<4096xf32>
    %broadcast_in_dim3A_72 = vector.shape_cast %reduce_sum3A_71 : vector<4096xf32> to vector<4096x1xf32>
    %add3A_73 = arith.addf %add3A_48, %broadcast_in_dim3A_72 : vector<4096x1xf32>
    %slice3A_74 = vector.extract_strided_slice %div3A_24 {offsets = [0, 512], sizes = [1, 256], strides = [1, 1]} : vector<1x4096xf32> to vector<1x256xf32>
    %iota3A_75 = tpu.iota {dimensions = array<i32: 1>} : vector<1x256xi32>
    %add3A_76 = arith.constant 512 : i32
    %add3A_77 = vector.broadcast %add3A_76 : i32 to vector<1x256xi32>
    %add3A_78 = arith.addi %iota3A_75, %add3A_77 : vector<1x256xi32>
    %gt3A_79 = vector.broadcast %slice3A_74 : vector<1x256xf32> to vector<4096x256xf32>
    %gt3A_80 = vector.broadcast %div3A_29 : vector<4096x1xf32> to vector<4096x256xf32>
    %gt3A_81 = arith.cmpf ogt, %gt3A_79, %gt3A_80 : vector<4096x256xf32>
    %eq3A_82 = vector.broadcast %slice3A_74 : vector<1x256xf32> to vector<4096x256xf32>
    %eq3A_83 = vector.broadcast %div3A_29 : vector<4096x1xf32> to vector<4096x256xf32>
    %eq3A_84 = arith.cmpf oeq, %eq3A_82, %eq3A_83 : vector<4096x256xf32>
    %lt3A_85 = vector.broadcast %add3A_78 : vector<1x256xi32> to vector<4096x256xi32>
    %lt3A_86 = vector.broadcast %iota3A : vector<4096x1xi32> to vector<4096x256xi32>
    %lt3A_87 = arith.cmpi slt, %lt3A_85, %lt3A_86 : vector<4096x256xi32>
    %and3A_88 = arith.andi %eq3A_84, %lt3A_87 : vector<4096x256xi1>
    %or3A_89 = arith.ori %gt3A_81, %and3A_88 : vector<4096x256xi1>
    %jit3A_90 = arith.constant 1.000000e+00 : f32
    %jit3A_91 = arith.constant 0.000000e+00 : f32
    %broadcast_in_dim3A_92 = vector.broadcast %jit3A_90 : f32 to vector<4096x256xf32>
    %broadcast_in_dim3A_93 = vector.broadcast %jit3A_91 : f32 to vector<4096x256xf32>
    %select_n3A_94 = arith.select %or3A_89, %broadcast_in_dim3A_92, %broadcast_in_dim3A_93 : vector<4096x256xi1>, vector<4096x256xf32>
    %reduce_sum3A_95 = arith.constant dense<0.000000e+00> : vector<4096xf32>
    %reduce_sum3A_96 = vector.multi_reduction <add>, %select_n3A_94, %reduce_sum3A_95 [1] : vector<4096x256xf32> to vector<4096xf32>
    %broadcast_in_dim3A_97 = vector.shape_cast %reduce_sum3A_96 : vector<4096xf32> to vector<4096x1xf32>
    %add3A_98 = arith.addf %add3A_73, %broadcast_in_dim3A_97 : vector<4096x1xf32>
    %slice3A_99 = vector.extract_strided_slice %div3A_24 {offsets = [0, 768], sizes = [1, 256], strides = [1, 1]} : vector<1x4096xf32> to vector<1x256xf32>
    %iota3A_100 = tpu.iota {dimensions = array<i32: 1>} : vector<1x256xi32>
    %add3A_101 = arith.constant 768 : i32
    %add3A_102 = vector.broadcast %add3A_101 : i32 to vector<1x256xi32>
    %add3A_103 = arith.addi %iota3A_100, %add3A_102 : vector<1x256xi32>
    %gt3A_104 = vector.broadcast %slice3A_99 : vector<1x256xf32> to vector<4096x256xf32>
    %gt3A_105 = vector.broadcast %div3A_29 : vector<4096x1xf32> to vector<4096x256xf32>
    %gt3A_106 = arith.cmpf ogt, %gt3A_104, %gt3A_105 : vector<4096x256xf32>
    %eq3A_107 = vector.broadcast %slice3A_99 : vector<1x256xf32> to vector<4096x256xf32>
    %eq3A_108 = vector.broadcast %div3A_29 : vector<4096x1xf32> to vector<4096x256xf32>
    %eq3A_109 = arith.cmpf oeq, %eq3A_107, %eq3A_108 : vector<4096x256xf32>
    %lt3A_110 = vector.broadcast %add3A_103 : vector<1x256xi32> to vector<4096x256xi32>
    %lt3A_111 = vector.broadcast %iota3A : vector<4096x1xi32> to vector<4096x256xi32>
    %lt3A_112 = arith.cmpi slt, %lt3A_110, %lt3A_111 : vector<4096x256xi32>
    %and3A_113 = arith.andi %eq3A_109, %lt3A_112 : vector<4096x256xi1>
    %or3A_114 = arith.ori %gt3A_106, %and3A_113 : vector<4096x256xi1>
    %jit3A_115 = arith.constant 1.000000e+00 : f32
    %jit3A_116 = arith.constant 0.000000e+00 : f32
    %broadcast_in_dim3A_117 = vector.broadcast %jit3A_115 : f32 to vector<4096x256xf32>
    %broadcast_in_dim3A_118 = vector.broadcast %jit3A_116 : f32 to vector<4096x256xf32>
    %select_n3A_119 = arith.select %or3A_114, %broadcast_in_dim3A_117, %broadcast_in_dim3A_118 : vector<4096x256xi1>, vector<4096x256xf32>
    %reduce_sum3A_120 = arith.constant dense<0.000000e+00> : vector<4096xf32>
    %reduce_sum3A_121 = vector.multi_reduction <add>, %select_n3A_119, %reduce_sum3A_120 [1] : vector<4096x256xf32> to vector<4096xf32>
    %broadcast_in_dim3A_122 = vector.shape_cast %reduce_sum3A_121 : vector<4096xf32> to vector<4096x1xf32>
    %add3A_123 = arith.addf %add3A_98, %broadcast_in_dim3A_122 : vector<4096x1xf32>
    %slice3A_124 = vector.extract_strided_slice %div3A_24 {offsets = [0, 1024], sizes = [1, 256], strides = [1, 1]} : vector<1x4096xf32> to vector<1x256xf32>
    %iota3A_125 = tpu.iota {dimensions = array<i32: 1>} : vector<1x256xi32>
    %add3A_126 = arith.constant 1024 : i32
    %add3A_127 = vector.broadcast %add3A_126 : i32 to vector<1x256xi32>
    %add3A_128 = arith.addi %iota3A_125, %add3A_127 : vector<1x256xi32>
    %gt3A_129 = vector.broadcast %slice3A_124 : vector<1x256xf32> to vector<4096x256xf32>
    %gt3A_130 = vector.broadcast %div3A_29 : vector<4096x1xf32> to vector<4096x256xf32>
    %gt3A_131 = arith.cmpf ogt, %gt3A_129, %gt3A_130 : vector<4096x256xf32>
    %eq3A_132 = vector.broadcast %slice3A_124 : vector<1x256xf32> to vector<4096x256xf32>
    %eq3A_133 = vector.broadcast %div3A_29 : vector<4096x1xf32> to vector<4096x256xf32>
    %eq3A_134 = arith.cmpf oeq, %eq3A_132, %eq3A_133 : vector<4096x256xf32>
    %lt3A_135 = vector.broadcast %add3A_128 : vector<1x256xi32> to vector<4096x256xi32>
    %lt3A_136 = vector.broadcast %iota3A : vector<4096x1xi32> to vector<4096x256xi32>
    %lt3A_137 = arith.cmpi slt, %lt3A_135, %lt3A_136 : vector<4096x256xi32>
    %and3A_138 = arith.andi %eq3A_134, %lt3A_137 : vector<4096x256xi1>
    %or3A_139 = arith.ori %gt3A_131, %and3A_138 : vector<4096x256xi1>
    %jit3A_140 = arith.constant 1.000000e+00 : f32
    %jit3A_141 = arith.constant 0.000000e+00 : f32
    %broadcast_in_dim3A_142 = vector.broadcast %jit3A_140 : f32 to vector<4096x256xf32>
    %broadcast_in_dim3A_143 = vector.broadcast %jit3A_141 : f32 to vector<4096x256xf32>
    %select_n3A_144 = arith.select %or3A_139, %broadcast_in_dim3A_142, %broadcast_in_dim3A_143 : vector<4096x256xi1>, vector<4096x256xf32>
    %reduce_sum3A_145 = arith.constant dense<0.000000e+00> : vector<4096xf32>
    %reduce_sum3A_146 = vector.multi_reduction <add>, %select_n3A_144, %reduce_sum3A_145 [1] : vector<4096x256xf32> to vector<4096xf32>
    %broadcast_in_dim3A_147 = vector.shape_cast %reduce_sum3A_146 : vector<4096xf32> to vector<4096x1xf32>
    %add3A_148 = arith.addf %add3A_123, %broadcast_in_dim3A_147 : vector<4096x1xf32>
    %slice3A_149 = vector.extract_strided_slice %div3A_24 {offsets = [0, 1280], sizes = [1, 256], strides = [1, 1]} : vector<1x4096xf32> to vector<1x256xf32>
    %iota3A_150 = tpu.iota {dimensions = array<i32: 1>} : vector<1x256xi32>
    %add3A_151 = arith.constant 1280 : i32
    %add3A_152 = vector.broadcast %add3A_151 : i32 to vector<1x256xi32>
    %add3A_153 = arith.addi %iota3A_150, %add3A_152 : vector<1x256xi32>
    %gt3A_154 = vector.broadcast %slice3A_149 : vector<1x256xf32> to vector<4096x256xf32>
    %gt3A_155 = vector.broadcast %div3A_29 : vector<4096x1xf32> to vector<4096x256xf32>
    %gt3A_156 = arith.cmpf ogt, %gt3A_154, %gt3A_155 : vector<4096x256xf32>
    %eq3A_157 = vector.broadcast %slice3A_149 : vector<1x256xf32> to vector<4096x256xf32>
    %eq3A_158 = vector.broadcast %div3A_29 : vector<4096x1xf32> to vector<4096x256xf32>
    %eq3A_159 = arith.cmpf oeq, %eq3A_157, %eq3A_158 : vector<4096x256xf32>
    %lt3A_160 = vector.broadcast %add3A_153 : vector<1x256xi32> to vector<4096x256xi32>
    %lt3A_161 = vector.broadcast %iota3A : vector<4096x1xi32> to vector<4096x256xi32>
    %lt3A_162 = arith.cmpi slt, %lt3A_160, %lt3A_161 : vector<4096x256xi32>
    %and3A_163 = arith.andi %eq3A_159, %lt3A_162 : vector<4096x256xi1>
    %or3A_164 = arith.ori %gt3A_156, %and3A_163 : vector<4096x256xi1>
    %jit3A_165 = arith.constant 1.000000e+00 : f32
    %jit3A_166 = arith.constant 0.000000e+00 : f32
    %broadcast_in_dim3A_167 = vector.broadcast %jit3A_165 : f32 to vector<4096x256xf32>
    %broadcast_in_dim3A_168 = vector.broadcast %jit3A_166 : f32 to vector<4096x256xf32>
    %select_n3A_169 = arith.select %or3A_164, %broadcast_in_dim3A_167, %broadcast_in_dim3A_168 : vector<4096x256xi1>, vector<4096x256xf32>
    %reduce_sum3A_170 = arith.constant dense<0.000000e+00> : vector<4096xf32>
    %reduce_sum3A_171 = vector.multi_reduction <add>, %select_n3A_169, %reduce_sum3A_170 [1] : vector<4096x256xf32> to vector<4096xf32>
    %broadcast_in_dim3A_172 = vector.shape_cast %reduce_sum3A_171 : vector<4096xf32> to vector<4096x1xf32>
    %add3A_173 = arith.addf %add3A_148, %broadcast_in_dim3A_172 : vector<4096x1xf32>
    %slice3A_174 = vector.extract_strided_slice %div3A_24 {offsets = [0, 1536], sizes = [1, 256], strides = [1, 1]} : vector<1x4096xf32> to vector<1x256xf32>
    %iota3A_175 = tpu.iota {dimensions = array<i32: 1>} : vector<1x256xi32>
    %add3A_176 = arith.constant 1536 : i32
    %add3A_177 = vector.broadcast %add3A_176 : i32 to vector<1x256xi32>
    %add3A_178 = arith.addi %iota3A_175, %add3A_177 : vector<1x256xi32>
    %gt3A_179 = vector.broadcast %slice3A_174 : vector<1x256xf32> to vector<4096x256xf32>
    %gt3A_180 = vector.broadcast %div3A_29 : vector<4096x1xf32> to vector<4096x256xf32>
    %gt3A_181 = arith.cmpf ogt, %gt3A_179, %gt3A_180 : vector<4096x256xf32>
    %eq3A_182 = vector.broadcast %slice3A_174 : vector<1x256xf32> to vector<4096x256xf32>
    %eq3A_183 = vector.broadcast %div3A_29 : vector<4096x1xf32> to vector<4096x256xf32>
    %eq3A_184 = arith.cmpf oeq, %eq3A_182, %eq3A_183 : vector<4096x256xf32>
    %lt3A_185 = vector.broadcast %add3A_178 : vector<1x256xi32> to vector<4096x256xi32>
    %lt3A_186 = vector.broadcast %iota3A : vector<4096x1xi32> to vector<4096x256xi32>
    %lt3A_187 = arith.cmpi slt, %lt3A_185, %lt3A_186 : vector<4096x256xi32>
    %and3A_188 = arith.andi %eq3A_184, %lt3A_187 : vector<4096x256xi1>
    %or3A_189 = arith.ori %gt3A_181, %and3A_188 : vector<4096x256xi1>
    %jit3A_190 = arith.constant 1.000000e+00 : f32
    %jit3A_191 = arith.constant 0.000000e+00 : f32
    %broadcast_in_dim3A_192 = vector.broadcast %jit3A_190 : f32 to vector<4096x256xf32>
    %broadcast_in_dim3A_193 = vector.broadcast %jit3A_191 : f32 to vector<4096x256xf32>
    %select_n3A_194 = arith.select %or3A_189, %broadcast_in_dim3A_192, %broadcast_in_dim3A_193 : vector<4096x256xi1>, vector<4096x256xf32>
    %reduce_sum3A_195 = arith.constant dense<0.000000e+00> : vector<4096xf32>
    %reduce_sum3A_196 = vector.multi_reduction <add>, %select_n3A_194, %reduce_sum3A_195 [1] : vector<4096x256xf32> to vector<4096xf32>
    %broadcast_in_dim3A_197 = vector.shape_cast %reduce_sum3A_196 : vector<4096xf32> to vector<4096x1xf32>
    %add3A_198 = arith.addf %add3A_173, %broadcast_in_dim3A_197 : vector<4096x1xf32>
    %slice3A_199 = vector.extract_strided_slice %div3A_24 {offsets = [0, 1792], sizes = [1, 256], strides = [1, 1]} : vector<1x4096xf32> to vector<1x256xf32>
    %iota3A_200 = tpu.iota {dimensions = array<i32: 1>} : vector<1x256xi32>
    %add3A_201 = arith.constant 1792 : i32
    %add3A_202 = vector.broadcast %add3A_201 : i32 to vector<1x256xi32>
    %add3A_203 = arith.addi %iota3A_200, %add3A_202 : vector<1x256xi32>
    %gt3A_204 = vector.broadcast %slice3A_199 : vector<1x256xf32> to vector<4096x256xf32>
    %gt3A_205 = vector.broadcast %div3A_29 : vector<4096x1xf32> to vector<4096x256xf32>
    %gt3A_206 = arith.cmpf ogt, %gt3A_204, %gt3A_205 : vector<4096x256xf32>
    %eq3A_207 = vector.broadcast %slice3A_199 : vector<1x256xf32> to vector<4096x256xf32>
    %eq3A_208 = vector.broadcast %div3A_29 : vector<4096x1xf32> to vector<4096x256xf32>
    %eq3A_209 = arith.cmpf oeq, %eq3A_207, %eq3A_208 : vector<4096x256xf32>
    %lt3A_210 = vector.broadcast %add3A_203 : vector<1x256xi32> to vector<4096x256xi32>
    %lt3A_211 = vector.broadcast %iota3A : vector<4096x1xi32> to vector<4096x256xi32>
    %lt3A_212 = arith.cmpi slt, %lt3A_210, %lt3A_211 : vector<4096x256xi32>
    %and3A_213 = arith.andi %eq3A_209, %lt3A_212 : vector<4096x256xi1>
    %or3A_214 = arith.ori %gt3A_206, %and3A_213 : vector<4096x256xi1>
    %jit3A_215 = arith.constant 1.000000e+00 : f32
    %jit3A_216 = arith.constant 0.000000e+00 : f32
    %broadcast_in_dim3A_217 = vector.broadcast %jit3A_215 : f32 to vector<4096x256xf32>
    %broadcast_in_dim3A_218 = vector.broadcast %jit3A_216 : f32 to vector<4096x256xf32>
    %select_n3A_219 = arith.select %or3A_214, %broadcast_in_dim3A_217, %broadcast_in_dim3A_218 : vector<4096x256xi1>, vector<4096x256xf32>
    %reduce_sum3A_220 = arith.constant dense<0.000000e+00> : vector<4096xf32>
    %reduce_sum3A_221 = vector.multi_reduction <add>, %select_n3A_219, %reduce_sum3A_220 [1] : vector<4096x256xf32> to vector<4096xf32>
    %broadcast_in_dim3A_222 = vector.shape_cast %reduce_sum3A_221 : vector<4096xf32> to vector<4096x1xf32>
    %add3A_223 = arith.addf %add3A_198, %broadcast_in_dim3A_222 : vector<4096x1xf32>
    %slice3A_224 = vector.extract_strided_slice %div3A_24 {offsets = [0, 2048], sizes = [1, 256], strides = [1, 1]} : vector<1x4096xf32> to vector<1x256xf32>
    %iota3A_225 = tpu.iota {dimensions = array<i32: 1>} : vector<1x256xi32>
    %add3A_226 = arith.constant 2048 : i32
    %add3A_227 = vector.broadcast %add3A_226 : i32 to vector<1x256xi32>
    %add3A_228 = arith.addi %iota3A_225, %add3A_227 : vector<1x256xi32>
    %gt3A_229 = vector.broadcast %slice3A_224 : vector<1x256xf32> to vector<4096x256xf32>
    %gt3A_230 = vector.broadcast %div3A_29 : vector<4096x1xf32> to vector<4096x256xf32>
    %gt3A_231 = arith.cmpf ogt, %gt3A_229, %gt3A_230 : vector<4096x256xf32>
    %eq3A_232 = vector.broadcast %slice3A_224 : vector<1x256xf32> to vector<4096x256xf32>
    %eq3A_233 = vector.broadcast %div3A_29 : vector<4096x1xf32> to vector<4096x256xf32>
    %eq3A_234 = arith.cmpf oeq, %eq3A_232, %eq3A_233 : vector<4096x256xf32>
    %lt3A_235 = vector.broadcast %add3A_228 : vector<1x256xi32> to vector<4096x256xi32>
    %lt3A_236 = vector.broadcast %iota3A : vector<4096x1xi32> to vector<4096x256xi32>
    %lt3A_237 = arith.cmpi slt, %lt3A_235, %lt3A_236 : vector<4096x256xi32>
    %and3A_238 = arith.andi %eq3A_234, %lt3A_237 : vector<4096x256xi1>
    %or3A_239 = arith.ori %gt3A_231, %and3A_238 : vector<4096x256xi1>
    %jit3A_240 = arith.constant 1.000000e+00 : f32
    %jit3A_241 = arith.constant 0.000000e+00 : f32
    %broadcast_in_dim3A_242 = vector.broadcast %jit3A_240 : f32 to vector<4096x256xf32>
    %broadcast_in_dim3A_243 = vector.broadcast %jit3A_241 : f32 to vector<4096x256xf32>
    %select_n3A_244 = arith.select %or3A_239, %broadcast_in_dim3A_242, %broadcast_in_dim3A_243 : vector<4096x256xi1>, vector<4096x256xf32>
    %reduce_sum3A_245 = arith.constant dense<0.000000e+00> : vector<4096xf32>
    %reduce_sum3A_246 = vector.multi_reduction <add>, %select_n3A_244, %reduce_sum3A_245 [1] : vector<4096x256xf32> to vector<4096xf32>
    %broadcast_in_dim3A_247 = vector.shape_cast %reduce_sum3A_246 : vector<4096xf32> to vector<4096x1xf32>
    %add3A_248 = arith.addf %add3A_223, %broadcast_in_dim3A_247 : vector<4096x1xf32>
    %slice3A_249 = vector.extract_strided_slice %div3A_24 {offsets = [0, 2304], sizes = [1, 256], strides = [1, 1]} : vector<1x4096xf32> to vector<1x256xf32>
    %iota3A_250 = tpu.iota {dimensions = array<i32: 1>} : vector<1x256xi32>
    %add3A_251 = arith.constant 2304 : i32
    %add3A_252 = vector.broadcast %add3A_251 : i32 to vector<1x256xi32>
    %add3A_253 = arith.addi %iota3A_250, %add3A_252 : vector<1x256xi32>
    %gt3A_254 = vector.broadcast %slice3A_249 : vector<1x256xf32> to vector<4096x256xf32>
    %gt3A_255 = vector.broadcast %div3A_29 : vector<4096x1xf32> to vector<4096x256xf32>
    %gt3A_256 = arith.cmpf ogt, %gt3A_254, %gt3A_255 : vector<4096x256xf32>
    %eq3A_257 = vector.broadcast %slice3A_249 : vector<1x256xf32> to vector<4096x256xf32>
    %eq3A_258 = vector.broadcast %div3A_29 : vector<4096x1xf32> to vector<4096x256xf32>
    %eq3A_259 = arith.cmpf oeq, %eq3A_257, %eq3A_258 : vector<4096x256xf32>
    %lt3A_260 = vector.broadcast %add3A_253 : vector<1x256xi32> to vector<4096x256xi32>
    %lt3A_261 = vector.broadcast %iota3A : vector<4096x1xi32> to vector<4096x256xi32>
    %lt3A_262 = arith.cmpi slt, %lt3A_260, %lt3A_261 : vector<4096x256xi32>
    %and3A_263 = arith.andi %eq3A_259, %lt3A_262 : vector<4096x256xi1>
    %or3A_264 = arith.ori %gt3A_256, %and3A_263 : vector<4096x256xi1>
    %jit3A_265 = arith.constant 1.000000e+00 : f32
    %jit3A_266 = arith.constant 0.000000e+00 : f32
    %broadcast_in_dim3A_267 = vector.broadcast %jit3A_265 : f32 to vector<4096x256xf32>
    %broadcast_in_dim3A_268 = vector.broadcast %jit3A_266 : f32 to vector<4096x256xf32>
    %select_n3A_269 = arith.select %or3A_264, %broadcast_in_dim3A_267, %broadcast_in_dim3A_268 : vector<4096x256xi1>, vector<4096x256xf32>
    %reduce_sum3A_270 = arith.constant dense<0.000000e+00> : vector<4096xf32>
    %reduce_sum3A_271 = vector.multi_reduction <add>, %select_n3A_269, %reduce_sum3A_270 [1] : vector<4096x256xf32> to vector<4096xf32>
    %broadcast_in_dim3A_272 = vector.shape_cast %reduce_sum3A_271 : vector<4096xf32> to vector<4096x1xf32>
    %add3A_273 = arith.addf %add3A_248, %broadcast_in_dim3A_272 : vector<4096x1xf32>
    %slice3A_274 = vector.extract_strided_slice %div3A_24 {offsets = [0, 2560], sizes = [1, 256], strides = [1, 1]} : vector<1x4096xf32> to vector<1x256xf32>
    %iota3A_275 = tpu.iota {dimensions = array<i32: 1>} : vector<1x256xi32>
    %add3A_276 = arith.constant 2560 : i32
    %add3A_277 = vector.broadcast %add3A_276 : i32 to vector<1x256xi32>
    %add3A_278 = arith.addi %iota3A_275, %add3A_277 : vector<1x256xi32>
    %gt3A_279 = vector.broadcast %slice3A_274 : vector<1x256xf32> to vector<4096x256xf32>
    %gt3A_280 = vector.broadcast %div3A_29 : vector<4096x1xf32> to vector<4096x256xf32>
    %gt3A_281 = arith.cmpf ogt, %gt3A_279, %gt3A_280 : vector<4096x256xf32>
    %eq3A_282 = vector.broadcast %slice3A_274 : vector<1x256xf32> to vector<4096x256xf32>
    %eq3A_283 = vector.broadcast %div3A_29 : vector<4096x1xf32> to vector<4096x256xf32>
    %eq3A_284 = arith.cmpf oeq, %eq3A_282, %eq3A_283 : vector<4096x256xf32>
    %lt3A_285 = vector.broadcast %add3A_278 : vector<1x256xi32> to vector<4096x256xi32>
    %lt3A_286 = vector.broadcast %iota3A : vector<4096x1xi32> to vector<4096x256xi32>
    %lt3A_287 = arith.cmpi slt, %lt3A_285, %lt3A_286 : vector<4096x256xi32>
    %and3A_288 = arith.andi %eq3A_284, %lt3A_287 : vector<4096x256xi1>
    %or3A_289 = arith.ori %gt3A_281, %and3A_288 : vector<4096x256xi1>
    %jit3A_290 = arith.constant 1.000000e+00 : f32
    %jit3A_291 = arith.constant 0.000000e+00 : f32
    %broadcast_in_dim3A_292 = vector.broadcast %jit3A_290 : f32 to vector<4096x256xf32>
    %broadcast_in_dim3A_293 = vector.broadcast %jit3A_291 : f32 to vector<4096x256xf32>
    %select_n3A_294 = arith.select %or3A_289, %broadcast_in_dim3A_292, %broadcast_in_dim3A_293 : vector<4096x256xi1>, vector<4096x256xf32>
    %reduce_sum3A_295 = arith.constant dense<0.000000e+00> : vector<4096xf32>
    %reduce_sum3A_296 = vector.multi_reduction <add>, %select_n3A_294, %reduce_sum3A_295 [1] : vector<4096x256xf32> to vector<4096xf32>
    %broadcast_in_dim3A_297 = vector.shape_cast %reduce_sum3A_296 : vector<4096xf32> to vector<4096x1xf32>
    %add3A_298 = arith.addf %add3A_273, %broadcast_in_dim3A_297 : vector<4096x1xf32>
    %slice3A_299 = vector.extract_strided_slice %div3A_24 {offsets = [0, 2816], sizes = [1, 256], strides = [1, 1]} : vector<1x4096xf32> to vector<1x256xf32>
    %iota3A_300 = tpu.iota {dimensions = array<i32: 1>} : vector<1x256xi32>
    %add3A_301 = arith.constant 2816 : i32
    %add3A_302 = vector.broadcast %add3A_301 : i32 to vector<1x256xi32>
    %add3A_303 = arith.addi %iota3A_300, %add3A_302 : vector<1x256xi32>
    %gt3A_304 = vector.broadcast %slice3A_299 : vector<1x256xf32> to vector<4096x256xf32>
    %gt3A_305 = vector.broadcast %div3A_29 : vector<4096x1xf32> to vector<4096x256xf32>
    %gt3A_306 = arith.cmpf ogt, %gt3A_304, %gt3A_305 : vector<4096x256xf32>
    %eq3A_307 = vector.broadcast %slice3A_299 : vector<1x256xf32> to vector<4096x256xf32>
    %eq3A_308 = vector.broadcast %div3A_29 : vector<4096x1xf32> to vector<4096x256xf32>
    %eq3A_309 = arith.cmpf oeq, %eq3A_307, %eq3A_308 : vector<4096x256xf32>
    %lt3A_310 = vector.broadcast %add3A_303 : vector<1x256xi32> to vector<4096x256xi32>
    %lt3A_311 = vector.broadcast %iota3A : vector<4096x1xi32> to vector<4096x256xi32>
    %lt3A_312 = arith.cmpi slt, %lt3A_310, %lt3A_311 : vector<4096x256xi32>
    %and3A_313 = arith.andi %eq3A_309, %lt3A_312 : vector<4096x256xi1>
    %or3A_314 = arith.ori %gt3A_306, %and3A_313 : vector<4096x256xi1>
    %jit3A_315 = arith.constant 1.000000e+00 : f32
    %jit3A_316 = arith.constant 0.000000e+00 : f32
    %broadcast_in_dim3A_317 = vector.broadcast %jit3A_315 : f32 to vector<4096x256xf32>
    %broadcast_in_dim3A_318 = vector.broadcast %jit3A_316 : f32 to vector<4096x256xf32>
    %select_n3A_319 = arith.select %or3A_314, %broadcast_in_dim3A_317, %broadcast_in_dim3A_318 : vector<4096x256xi1>, vector<4096x256xf32>
    %reduce_sum3A_320 = arith.constant dense<0.000000e+00> : vector<4096xf32>
    %reduce_sum3A_321 = vector.multi_reduction <add>, %select_n3A_319, %reduce_sum3A_320 [1] : vector<4096x256xf32> to vector<4096xf32>
    %broadcast_in_dim3A_322 = vector.shape_cast %reduce_sum3A_321 : vector<4096xf32> to vector<4096x1xf32>
    %add3A_323 = arith.addf %add3A_298, %broadcast_in_dim3A_322 : vector<4096x1xf32>
    %slice3A_324 = vector.extract_strided_slice %div3A_24 {offsets = [0, 3072], sizes = [1, 256], strides = [1, 1]} : vector<1x4096xf32> to vector<1x256xf32>
    %iota3A_325 = tpu.iota {dimensions = array<i32: 1>} : vector<1x256xi32>
    %add3A_326 = arith.constant 3072 : i32
    %add3A_327 = vector.broadcast %add3A_326 : i32 to vector<1x256xi32>
    %add3A_328 = arith.addi %iota3A_325, %add3A_327 : vector<1x256xi32>
    %gt3A_329 = vector.broadcast %slice3A_324 : vector<1x256xf32> to vector<4096x256xf32>
    %gt3A_330 = vector.broadcast %div3A_29 : vector<4096x1xf32> to vector<4096x256xf32>
    %gt3A_331 = arith.cmpf ogt, %gt3A_329, %gt3A_330 : vector<4096x256xf32>
    %eq3A_332 = vector.broadcast %slice3A_324 : vector<1x256xf32> to vector<4096x256xf32>
    %eq3A_333 = vector.broadcast %div3A_29 : vector<4096x1xf32> to vector<4096x256xf32>
    %eq3A_334 = arith.cmpf oeq, %eq3A_332, %eq3A_333 : vector<4096x256xf32>
    %lt3A_335 = vector.broadcast %add3A_328 : vector<1x256xi32> to vector<4096x256xi32>
    %lt3A_336 = vector.broadcast %iota3A : vector<4096x1xi32> to vector<4096x256xi32>
    %lt3A_337 = arith.cmpi slt, %lt3A_335, %lt3A_336 : vector<4096x256xi32>
    %and3A_338 = arith.andi %eq3A_334, %lt3A_337 : vector<4096x256xi1>
    %or3A_339 = arith.ori %gt3A_331, %and3A_338 : vector<4096x256xi1>
    %jit3A_340 = arith.constant 1.000000e+00 : f32
    %jit3A_341 = arith.constant 0.000000e+00 : f32
    %broadcast_in_dim3A_342 = vector.broadcast %jit3A_340 : f32 to vector<4096x256xf32>
    %broadcast_in_dim3A_343 = vector.broadcast %jit3A_341 : f32 to vector<4096x256xf32>
    %select_n3A_344 = arith.select %or3A_339, %broadcast_in_dim3A_342, %broadcast_in_dim3A_343 : vector<4096x256xi1>, vector<4096x256xf32>
    %reduce_sum3A_345 = arith.constant dense<0.000000e+00> : vector<4096xf32>
    %reduce_sum3A_346 = vector.multi_reduction <add>, %select_n3A_344, %reduce_sum3A_345 [1] : vector<4096x256xf32> to vector<4096xf32>
    %broadcast_in_dim3A_347 = vector.shape_cast %reduce_sum3A_346 : vector<4096xf32> to vector<4096x1xf32>
    %add3A_348 = arith.addf %add3A_323, %broadcast_in_dim3A_347 : vector<4096x1xf32>
    %slice3A_349 = vector.extract_strided_slice %div3A_24 {offsets = [0, 3328], sizes = [1, 256], strides = [1, 1]} : vector<1x4096xf32> to vector<1x256xf32>
    %iota3A_350 = tpu.iota {dimensions = array<i32: 1>} : vector<1x256xi32>
    %add3A_351 = arith.constant 3328 : i32
    %add3A_352 = vector.broadcast %add3A_351 : i32 to vector<1x256xi32>
    %add3A_353 = arith.addi %iota3A_350, %add3A_352 : vector<1x256xi32>
    %gt3A_354 = vector.broadcast %slice3A_349 : vector<1x256xf32> to vector<4096x256xf32>
    %gt3A_355 = vector.broadcast %div3A_29 : vector<4096x1xf32> to vector<4096x256xf32>
    %gt3A_356 = arith.cmpf ogt, %gt3A_354, %gt3A_355 : vector<4096x256xf32>
    %eq3A_357 = vector.broadcast %slice3A_349 : vector<1x256xf32> to vector<4096x256xf32>
    %eq3A_358 = vector.broadcast %div3A_29 : vector<4096x1xf32> to vector<4096x256xf32>
    %eq3A_359 = arith.cmpf oeq, %eq3A_357, %eq3A_358 : vector<4096x256xf32>
    %lt3A_360 = vector.broadcast %add3A_353 : vector<1x256xi32> to vector<4096x256xi32>
    %lt3A_361 = vector.broadcast %iota3A : vector<4096x1xi32> to vector<4096x256xi32>
    %lt3A_362 = arith.cmpi slt, %lt3A_360, %lt3A_361 : vector<4096x256xi32>
    %and3A_363 = arith.andi %eq3A_359, %lt3A_362 : vector<4096x256xi1>
    %or3A_364 = arith.ori %gt3A_356, %and3A_363 : vector<4096x256xi1>
    %jit3A_365 = arith.constant 1.000000e+00 : f32
    %jit3A_366 = arith.constant 0.000000e+00 : f32
    %broadcast_in_dim3A_367 = vector.broadcast %jit3A_365 : f32 to vector<4096x256xf32>
    %broadcast_in_dim3A_368 = vector.broadcast %jit3A_366 : f32 to vector<4096x256xf32>
    %select_n3A_369 = arith.select %or3A_364, %broadcast_in_dim3A_367, %broadcast_in_dim3A_368 : vector<4096x256xi1>, vector<4096x256xf32>
    %reduce_sum3A_370 = arith.constant dense<0.000000e+00> : vector<4096xf32>
    %reduce_sum3A_371 = vector.multi_reduction <add>, %select_n3A_369, %reduce_sum3A_370 [1] : vector<4096x256xf32> to vector<4096xf32>
    %broadcast_in_dim3A_372 = vector.shape_cast %reduce_sum3A_371 : vector<4096xf32> to vector<4096x1xf32>
    %add3A_373 = arith.addf %add3A_348, %broadcast_in_dim3A_372 : vector<4096x1xf32>
    %slice3A_374 = vector.extract_strided_slice %div3A_24 {offsets = [0, 3584], sizes = [1, 256], strides = [1, 1]} : vector<1x4096xf32> to vector<1x256xf32>
    %iota3A_375 = tpu.iota {dimensions = array<i32: 1>} : vector<1x256xi32>
    %add3A_376 = arith.constant 3584 : i32
    %add3A_377 = vector.broadcast %add3A_376 : i32 to vector<1x256xi32>
    %add3A_378 = arith.addi %iota3A_375, %add3A_377 : vector<1x256xi32>
    %gt3A_379 = vector.broadcast %slice3A_374 : vector<1x256xf32> to vector<4096x256xf32>
    %gt3A_380 = vector.broadcast %div3A_29 : vector<4096x1xf32> to vector<4096x256xf32>
    %gt3A_381 = arith.cmpf ogt, %gt3A_379, %gt3A_380 : vector<4096x256xf32>
    %eq3A_382 = vector.broadcast %slice3A_374 : vector<1x256xf32> to vector<4096x256xf32>
    %eq3A_383 = vector.broadcast %div3A_29 : vector<4096x1xf32> to vector<4096x256xf32>
    %eq3A_384 = arith.cmpf oeq, %eq3A_382, %eq3A_383 : vector<4096x256xf32>
    %lt3A_385 = vector.broadcast %add3A_378 : vector<1x256xi32> to vector<4096x256xi32>
    %lt3A_386 = vector.broadcast %iota3A : vector<4096x1xi32> to vector<4096x256xi32>
    %lt3A_387 = arith.cmpi slt, %lt3A_385, %lt3A_386 : vector<4096x256xi32>
    %and3A_388 = arith.andi %eq3A_384, %lt3A_387 : vector<4096x256xi1>
    %or3A_389 = arith.ori %gt3A_381, %and3A_388 : vector<4096x256xi1>
    %jit3A_390 = arith.constant 1.000000e+00 : f32
    %jit3A_391 = arith.constant 0.000000e+00 : f32
    %broadcast_in_dim3A_392 = vector.broadcast %jit3A_390 : f32 to vector<4096x256xf32>
    %broadcast_in_dim3A_393 = vector.broadcast %jit3A_391 : f32 to vector<4096x256xf32>
    %select_n3A_394 = arith.select %or3A_389, %broadcast_in_dim3A_392, %broadcast_in_dim3A_393 : vector<4096x256xi1>, vector<4096x256xf32>
    %reduce_sum3A_395 = arith.constant dense<0.000000e+00> : vector<4096xf32>
    %reduce_sum3A_396 = vector.multi_reduction <add>, %select_n3A_394, %reduce_sum3A_395 [1] : vector<4096x256xf32> to vector<4096xf32>
    %broadcast_in_dim3A_397 = vector.shape_cast %reduce_sum3A_396 : vector<4096xf32> to vector<4096x1xf32>
    %add3A_398 = arith.addf %add3A_373, %broadcast_in_dim3A_397 : vector<4096x1xf32>
    %slice3A_399 = vector.extract_strided_slice %div3A_24 {offsets = [0, 3840], sizes = [1, 256], strides = [1, 1]} : vector<1x4096xf32> to vector<1x256xf32>
    %iota3A_400 = tpu.iota {dimensions = array<i32: 1>} : vector<1x256xi32>
    %add3A_401 = arith.constant 3840 : i32
    %add3A_402 = vector.broadcast %add3A_401 : i32 to vector<1x256xi32>
    %add3A_403 = arith.addi %iota3A_400, %add3A_402 : vector<1x256xi32>
    %gt3A_404 = vector.broadcast %slice3A_399 : vector<1x256xf32> to vector<4096x256xf32>
    %gt3A_405 = vector.broadcast %div3A_29 : vector<4096x1xf32> to vector<4096x256xf32>
    %gt3A_406 = arith.cmpf ogt, %gt3A_404, %gt3A_405 : vector<4096x256xf32>
    %eq3A_407 = vector.broadcast %slice3A_399 : vector<1x256xf32> to vector<4096x256xf32>
    %eq3A_408 = vector.broadcast %div3A_29 : vector<4096x1xf32> to vector<4096x256xf32>
    %eq3A_409 = arith.cmpf oeq, %eq3A_407, %eq3A_408 : vector<4096x256xf32>
    %lt3A_410 = vector.broadcast %add3A_403 : vector<1x256xi32> to vector<4096x256xi32>
    %lt3A_411 = vector.broadcast %iota3A : vector<4096x1xi32> to vector<4096x256xi32>
    %lt3A_412 = arith.cmpi slt, %lt3A_410, %lt3A_411 : vector<4096x256xi32>
    %and3A_413 = arith.andi %eq3A_409, %lt3A_412 : vector<4096x256xi1>
    %or3A_414 = arith.ori %gt3A_406, %and3A_413 : vector<4096x256xi1>
    %jit3A_415 = arith.constant 1.000000e+00 : f32
    %jit3A_416 = arith.constant 0.000000e+00 : f32
    %broadcast_in_dim3A_417 = vector.broadcast %jit3A_415 : f32 to vector<4096x256xf32>
    %broadcast_in_dim3A_418 = vector.broadcast %jit3A_416 : f32 to vector<4096x256xf32>
    %select_n3A_419 = arith.select %or3A_414, %broadcast_in_dim3A_417, %broadcast_in_dim3A_418 : vector<4096x256xi1>, vector<4096x256xf32>
    %reduce_sum3A_420 = arith.constant dense<0.000000e+00> : vector<4096xf32>
    %reduce_sum3A_421 = vector.multi_reduction <add>, %select_n3A_419, %reduce_sum3A_420 [1] : vector<4096x256xf32> to vector<4096xf32>
    %broadcast_in_dim3A_422 = vector.shape_cast %reduce_sum3A_421 : vector<4096xf32> to vector<4096x1xf32>
    %add3A_423 = arith.addf %add3A_398, %broadcast_in_dim3A_422 : vector<4096x1xf32>
    %convert_element_type3A_424 = arith.fptosi %add3A_423 : vector<4096x1xf32> to vector<4096x1xi32>
    %iota3A_425 = tpu.iota {dimensions = array<i32: 1>} : vector<1x256xi32>
    %add3A_426 = arith.constant 0 : i32
    %add3A_427 = vector.broadcast %add3A_426 : i32 to vector<1x256xi32>
    %add3A_428 = arith.addi %iota3A_425, %add3A_427 : vector<1x256xi32>
    %eq3A_429 = vector.broadcast %convert_element_type3A_424 : vector<4096x1xi32> to vector<4096x256xi32>
    %eq3A_430 = vector.broadcast %add3A_428 : vector<1x256xi32> to vector<4096x256xi32>
    %eq3A_431 = arith.cmpi eq, %eq3A_429, %eq3A_430 : vector<4096x256xi32>
    %jit3A_432 = arith.constant 0.000000e+00 : f32
    %broadcast_in_dim3A_433 = vector.shape_cast %convert_element_type3A : vector<4096x1xf32> to vector<4096x1xf32>
    %broadcast_in_dim3A_434 = vector.broadcast %broadcast_in_dim3A_433 : vector<4096x1xf32> to vector<4096x256xf32>
    %broadcast_in_dim3A_435 = vector.broadcast %jit3A_432 : f32 to vector<4096x256xf32>
    %select_n3A_436 = arith.select %eq3A_431, %broadcast_in_dim3A_434, %broadcast_in_dim3A_435 : vector<4096x256xi1>, vector<4096x256xf32>
    %reduce_sum3A_437 = arith.constant dense<0.000000e+00> : vector<256xf32>
    %reduce_sum3A_438 = vector.multi_reduction <add>, %select_n3A_436, %reduce_sum3A_437 [0] : vector<4096x256xf32> to vector<256xf32>
    %broadcast_in_dim3A_439 = vector.shape_cast %reduce_sum3A_438 : vector<256xf32> to vector<1x256xf32>
    %jit3A_440 = arith.constant 0.000000e+00 : f32
    %broadcast_in_dim3A_441 = vector.shape_cast %get3A_3 : vector<4096x1xf32> to vector<4096x1xf32>
    %broadcast_in_dim3A_442 = vector.broadcast %broadcast_in_dim3A_441 : vector<4096x1xf32> to vector<4096x256xf32>
    %broadcast_in_dim3A_443 = vector.broadcast %jit3A_440 : f32 to vector<4096x256xf32>
    %select_n3A_444 = arith.select %eq3A_431, %broadcast_in_dim3A_442, %broadcast_in_dim3A_443 : vector<4096x256xi1>, vector<4096x256xf32>
    %reduce_sum3A_445 = arith.constant dense<0.000000e+00> : vector<256xf32>
    %reduce_sum3A_446 = vector.multi_reduction <add>, %select_n3A_444, %reduce_sum3A_445 [0] : vector<4096x256xf32> to vector<256xf32>
    %broadcast_in_dim3A_447 = vector.shape_cast %reduce_sum3A_446 : vector<256xf32> to vector<1x256xf32>
    %convert_element_type3A_448 = arith.fptosi %broadcast_in_dim3A_439 : vector<1x256xf32> to vector<1x256xi32>
    %squeeze3A_449 = vector.shape_cast %convert_element_type3A_448 : vector<1x256xi32> to vector<256xi32>
    %swap3A = arith.constant 0 : index
    %swap3A_450 = arith.constant 0 : index
    %swap3A_451 = arith.constant 0 : index
    %swap3A_452 = vector.load %arg3[%swap3A, %swap3A_450, %swap3A_451] : memref<1x1x4096xi32, #tpu.memory_space<vmem>>, vector<1x1x256xi32>
    %swap3A_453 = vector.shape_cast %swap3A_452 : vector<1x1x256xi32> to vector<256xi32>
    %swap3A_454 = vector.shape_cast %squeeze3A_449 : vector<256xi32> to vector<1x1x256xi32>
    tpu.vector_store %arg3[%swap3A, %swap3A_450, %swap3A_451], %swap3A_454 {strides = array<i32>} : memref<1x1x4096xi32, #tpu.memory_space<vmem>>, vector<1x1x256xi32>,
    %mul3A_455 = arith.constant 4096 : i32
    %mul3A_456 = arith.muli %arg0, %mul3A_455 : i32
    %add3A_457 = vector.broadcast %mul3A_456 : i32 to vector<1x256xi32>
    %add3A_458 = arith.addi %convert_element_type3A_448, %add3A_457 : vector<1x256xi32>
    %squeeze3A_459 = vector.shape_cast %add3A_458 : vector<1x256xi32> to vector<256xi32>
    %swap3A_460 = arith.constant 0 : index
    %swap3A_461 = arith.constant 0 : index
    %swap3A_462 = arith.constant 0 : index
    %swap3A_463 = vector.load %arg4[%swap3A_460, %swap3A_461, %swap3A_462] : memref<1x1x4096xi32, #tpu.memory_space<vmem>>, vector<1x1x256xi32>
    %swap3A_464 = vector.shape_cast %swap3A_463 : vector<1x1x256xi32> to vector<256xi32>
    %swap3A_465 = vector.shape_cast %squeeze3A_459 : vector<256xi32> to vector<1x1x256xi32>
    tpu.vector_store %arg4[%swap3A_460, %swap3A_461, %swap3A_462], %swap3A_465 {strides = array<i32>} : memref<1x1x4096xi32, #tpu.memory_space<vmem>>, vector<1x1x256xi32>,
    %neg3A = arith.constant 0.000000e+00 : f32
    %neg3A_466 = vector.broadcast %neg3A : f32 to vector<1x256xf32>
    %neg3A_467 = arith.subf %neg3A_466, %broadcast_in_dim3A_447 : vector<1x256xf32>
    %exp3A = math.exp %neg3A_467 : vector<1x256xf32>
    %add3A_468 = arith.constant 1.000000e+00 : f32
    %add3A_469 = vector.broadcast %add3A_468 : f32 to vector<1x256xf32>
    %add3A_470 = arith.addf %add3A_469, %exp3A : vector<1x256xf32>
    %div3A_471 = arith.constant 1.000000e+00 : f32
    %div3A_472 = vector.broadcast %div3A_471 : f32 to vector<1x256xf32>
    %div3A_473 = arith.divf %div3A_472, %add3A_470 : vector<1x256xf32>
    %squeeze3A_474 = vector.shape_cast %div3A_473 : vector<1x256xf32> to vector<256xf32>
    %swap3A_475 = arith.constant 0 : index
    %swap3A_476 = arith.constant 0 : index
    %swap3A_477 = arith.constant 0 : index
    %swap3A_478 = vector.load %arg5[%swap3A_475, %swap3A_476, %swap3A_477] : memref<1x1x4096xf32, #tpu.memory_space<vmem>>, vector<1x1x256xf32>
    %swap3A_479 = vector.shape_cast %swap3A_478 : vector<1x1x256xf32> to vector<256xf32>
    %swap3A_480 = vector.shape_cast %squeeze3A_474 : vector<256xf32> to vector<1x1x256xf32>
    tpu.vector_store %arg5[%swap3A_475, %swap3A_476, %swap3A_477], %swap3A_480 {strides = array<i32>} : memref<1x1x4096xf32, #tpu.memory_space<vmem>>, vector<1x1x256xf32>,
    %iota3A_481 = tpu.iota {dimensions = array<i32: 1>} : vector<1x256xi32>
    %add3A_482 = arith.constant 256 : i32
    %add3A_483 = vector.broadcast %add3A_482 : i32 to vector<1x256xi32>
    %add3A_484 = arith.addi %iota3A_481, %add3A_483 : vector<1x256xi32>
    %eq3A_485 = vector.broadcast %convert_element_type3A_424 : vector<4096x1xi32> to vector<4096x256xi32>
    %eq3A_486 = vector.broadcast %add3A_484 : vector<1x256xi32> to vector<4096x256xi32>
    %eq3A_487 = arith.cmpi eq, %eq3A_485, %eq3A_486 : vector<4096x256xi32>
    %jit3A_488 = arith.constant 0.000000e+00 : f32
    %broadcast_in_dim3A_489 = vector.shape_cast %convert_element_type3A : vector<4096x1xf32> to vector<4096x1xf32>
    %broadcast_in_dim3A_490 = vector.broadcast %broadcast_in_dim3A_489 : vector<4096x1xf32> to vector<4096x256xf32>
    %broadcast_in_dim3A_491 = vector.broadcast %jit3A_488 : f32 to vector<4096x256xf32>
    %select_n3A_492 = arith.select %eq3A_487, %broadcast_in_dim3A_490, %broadcast_in_dim3A_491 : vector<4096x256xi1>, vector<4096x256xf32>
    %reduce_sum3A_493 = arith.constant dense<0.000000e+00> : vector<256xf32>
    %reduce_sum3A_494 = vector.multi_reduction <add>, %select_n3A_492, %reduce_sum3A_493 [0] : vector<4096x256xf32> to vector<256xf32>
    %broadcast_in_dim3A_495 = vector.shape_cast %reduce_sum3A_494 : vector<256xf32> to vector<1x256xf32>
    %jit3A_496 = arith.constant 0.000000e+00 : f32
    %broadcast_in_dim3A_497 = vector.shape_cast %get3A_3 : vector<4096x1xf32> to vector<4096x1xf32>
    %broadcast_in_dim3A_498 = vector.broadcast %broadcast_in_dim3A_497 : vector<4096x1xf32> to vector<4096x256xf32>
    %broadcast_in_dim3A_499 = vector.broadcast %jit3A_496 : f32 to vector<4096x256xf32>
    %select_n3A_500 = arith.select %eq3A_487, %broadcast_in_dim3A_498, %broadcast_in_dim3A_499 : vector<4096x256xi1>, vector<4096x256xf32>
    %reduce_sum3A_501 = arith.constant dense<0.000000e+00> : vector<256xf32>
    %reduce_sum3A_502 = vector.multi_reduction <add>, %select_n3A_500, %reduce_sum3A_501 [0] : vector<4096x256xf32> to vector<256xf32>
    %broadcast_in_dim3A_503 = vector.shape_cast %reduce_sum3A_502 : vector<256xf32> to vector<1x256xf32>
    %convert_element_type3A_504 = arith.fptosi %broadcast_in_dim3A_495 : vector<1x256xf32> to vector<1x256xi32>
    %squeeze3A_505 = vector.shape_cast %convert_element_type3A_504 : vector<1x256xi32> to vector<256xi32>
    %swap3A_506 = arith.constant 0 : index
    %swap3A_507 = arith.constant 0 : index
    %swap3A_508 = arith.constant 256 : index
    %swap3A_509 = vector.load %arg3[%swap3A_506, %swap3A_507, %swap3A_508] : memref<1x1x4096xi32, #tpu.memory_space<vmem>>, vector<1x1x256xi32>
    %swap3A_510 = vector.shape_cast %swap3A_509 : vector<1x1x256xi32> to vector<256xi32>
    %swap3A_511 = vector.shape_cast %squeeze3A_505 : vector<256xi32> to vector<1x1x256xi32>
    tpu.vector_store %arg3[%swap3A_506, %swap3A_507, %swap3A_508], %swap3A_511 {strides = array<i32>} : memref<1x1x4096xi32, #tpu.memory_space<vmem>>, vector<1x1x256xi32>,
    %mul3A_512 = arith.constant 4096 : i32
    %mul3A_513 = arith.muli %arg0, %mul3A_512 : i32
    %add3A_514 = vector.broadcast %mul3A_513 : i32 to vector<1x256xi32>
    %add3A_515 = arith.addi %convert_element_type3A_504, %add3A_514 : vector<1x256xi32>
    %squeeze3A_516 = vector.shape_cast %add3A_515 : vector<1x256xi32> to vector<256xi32>
    %swap3A_517 = arith.constant 0 : index
    %swap3A_518 = arith.constant 0 : index
    %swap3A_519 = arith.constant 256 : index
    %swap3A_520 = vector.load %arg4[%swap3A_517, %swap3A_518, %swap3A_519] : memref<1x1x4096xi32, #tpu.memory_space<vmem>>, vector<1x1x256xi32>
    %swap3A_521 = vector.shape_cast %swap3A_520 : vector<1x1x256xi32> to vector<256xi32>
    %swap3A_522 = vector.shape_cast %squeeze3A_516 : vector<256xi32> to vector<1x1x256xi32>
    tpu.vector_store %arg4[%swap3A_517, %swap3A_518, %swap3A_519], %swap3A_522 {strides = array<i32>} : memref<1x1x4096xi32, #tpu.memory_space<vmem>>, vector<1x1x256xi32>,
    %neg3A_523 = arith.constant 0.000000e+00 : f32
    %neg3A_524 = vector.broadcast %neg3A_523 : f32 to vector<1x256xf32>
    %neg3A_525 = arith.subf %neg3A_524, %broadcast_in_dim3A_503 : vector<1x256xf32>
    %exp3A_526 = math.exp %neg3A_525 : vector<1x256xf32>
    %add3A_527 = arith.constant 1.000000e+00 : f32
    %add3A_528 = vector.broadcast %add3A_527 : f32 to vector<1x256xf32>
    %add3A_529 = arith.addf %add3A_528, %exp3A_526 : vector<1x256xf32>
    %div3A_530 = arith.constant 1.000000e+00 : f32
    %div3A_531 = vector.broadcast %div3A_530 : f32 to vector<1x256xf32>
    %div3A_532 = arith.divf %div3A_531, %add3A_529 : vector<1x256xf32>
    %squeeze3A_533 = vector.shape_cast %div3A_532 : vector<1x256xf32> to vector<256xf32>
    %swap3A_534 = arith.constant 0 : index
    %swap3A_535 = arith.constant 0 : index
    %swap3A_536 = arith.constant 256 : index
    %swap3A_537 = vector.load %arg5[%swap3A_534, %swap3A_535, %swap3A_536] : memref<1x1x4096xf32, #tpu.memory_space<vmem>>, vector<1x1x256xf32>
    %swap3A_538 = vector.shape_cast %swap3A_537 : vector<1x1x256xf32> to vector<256xf32>
    %swap3A_539 = vector.shape_cast %squeeze3A_533 : vector<256xf32> to vector<1x1x256xf32>
    tpu.vector_store %arg5[%swap3A_534, %swap3A_535, %swap3A_536], %swap3A_539 {strides = array<i32>} : memref<1x1x4096xf32, #tpu.memory_space<vmem>>, vector<1x1x256xf32>,
    %iota3A_540 = tpu.iota {dimensions = array<i32: 1>} : vector<1x256xi32>
    %add3A_541 = arith.constant 512 : i32
    %add3A_542 = vector.broadcast %add3A_541 : i32 to vector<1x256xi32>
    %add3A_543 = arith.addi %iota3A_540, %add3A_542 : vector<1x256xi32>
    %eq3A_544 = vector.broadcast %convert_element_type3A_424 : vector<4096x1xi32> to vector<4096x256xi32>
    %eq3A_545 = vector.broadcast %add3A_543 : vector<1x256xi32> to vector<4096x256xi32>
    %eq3A_546 = arith.cmpi eq, %eq3A_544, %eq3A_545 : vector<4096x256xi32>
    %jit3A_547 = arith.constant 0.000000e+00 : f32
    %broadcast_in_dim3A_548 = vector.shape_cast %convert_element_type3A : vector<4096x1xf32> to vector<4096x1xf32>
    %broadcast_in_dim3A_549 = vector.broadcast %broadcast_in_dim3A_548 : vector<4096x1xf32> to vector<4096x256xf32>
    %broadcast_in_dim3A_550 = vector.broadcast %jit3A_547 : f32 to vector<4096x256xf32>
    %select_n3A_551 = arith.select %eq3A_546, %broadcast_in_dim3A_549, %broadcast_in_dim3A_550 : vector<4096x256xi1>, vector<4096x256xf32>
    %reduce_sum3A_552 = arith.constant dense<0.000000e+00> : vector<256xf32>
    %reduce_sum3A_553 = vector.multi_reduction <add>, %select_n3A_551, %reduce_sum3A_552 [0] : vector<4096x256xf32> to vector<256xf32>
    %broadcast_in_dim3A_554 = vector.shape_cast %reduce_sum3A_553 : vector<256xf32> to vector<1x256xf32>
    %jit3A_555 = arith.constant 0.000000e+00 : f32
    %broadcast_in_dim3A_556 = vector.shape_cast %get3A_3 : vector<4096x1xf32> to vector<4096x1xf32>
    %broadcast_in_dim3A_557 = vector.broadcast %broadcast_in_dim3A_556 : vector<4096x1xf32> to vector<4096x256xf32>
    %broadcast_in_dim3A_558 = vector.broadcast %jit3A_555 : f32 to vector<4096x256xf32>
    %select_n3A_559 = arith.select %eq3A_546, %broadcast_in_dim3A_557, %broadcast_in_dim3A_558 : vector<4096x256xi1>, vector<4096x256xf32>
    %reduce_sum3A_560 = arith.constant dense<0.000000e+00> : vector<256xf32>
    %reduce_sum3A_561 = vector.multi_reduction <add>, %select_n3A_559, %reduce_sum3A_560 [0] : vector<4096x256xf32> to vector<256xf32>
    %broadcast_in_dim3A_562 = vector.shape_cast %reduce_sum3A_561 : vector<256xf32> to vector<1x256xf32>
    %convert_element_type3A_563 = arith.fptosi %broadcast_in_dim3A_554 : vector<1x256xf32> to vector<1x256xi32>
    %squeeze3A_564 = vector.shape_cast %convert_element_type3A_563 : vector<1x256xi32> to vector<256xi32>
    %swap3A_565 = arith.constant 0 : index
    %swap3A_566 = arith.constant 0 : index
    %swap3A_567 = arith.constant 512 : index
    %swap3A_568 = vector.load %arg3[%swap3A_565, %swap3A_566, %swap3A_567] : memref<1x1x4096xi32, #tpu.memory_space<vmem>>, vector<1x1x256xi32>
    %swap3A_569 = vector.shape_cast %swap3A_568 : vector<1x1x256xi32> to vector<256xi32>
    %swap3A_570 = vector.shape_cast %squeeze3A_564 : vector<256xi32> to vector<1x1x256xi32>
    tpu.vector_store %arg3[%swap3A_565, %swap3A_566, %swap3A_567], %swap3A_570 {strides = array<i32>} : memref<1x1x4096xi32, #tpu.memory_space<vmem>>, vector<1x1x256xi32>,
    %mul3A_571 = arith.constant 4096 : i32
    %mul3A_572 = arith.muli %arg0, %mul3A_571 : i32
    %add3A_573 = vector.broadcast %mul3A_572 : i32 to vector<1x256xi32>
    %add3A_574 = arith.addi %convert_element_type3A_563, %add3A_573 : vector<1x256xi32>
    %squeeze3A_575 = vector.shape_cast %add3A_574 : vector<1x256xi32> to vector<256xi32>
    %swap3A_576 = arith.constant 0 : index
    %swap3A_577 = arith.constant 0 : index
    %swap3A_578 = arith.constant 512 : index
    %swap3A_579 = vector.load %arg4[%swap3A_576, %swap3A_577, %swap3A_578] : memref<1x1x4096xi32, #tpu.memory_space<vmem>>, vector<1x1x256xi32>
    %swap3A_580 = vector.shape_cast %swap3A_579 : vector<1x1x256xi32> to vector<256xi32>
    %swap3A_581 = vector.shape_cast %squeeze3A_575 : vector<256xi32> to vector<1x1x256xi32>
    tpu.vector_store %arg4[%swap3A_576, %swap3A_577, %swap3A_578], %swap3A_581 {strides = array<i32>} : memref<1x1x4096xi32, #tpu.memory_space<vmem>>, vector<1x1x256xi32>,
    %neg3A_582 = arith.constant 0.000000e+00 : f32
    %neg3A_583 = vector.broadcast %neg3A_582 : f32 to vector<1x256xf32>
    %neg3A_584 = arith.subf %neg3A_583, %broadcast_in_dim3A_562 : vector<1x256xf32>
    %exp3A_585 = math.exp %neg3A_584 : vector<1x256xf32>
    %add3A_586 = arith.constant 1.000000e+00 : f32
    %add3A_587 = vector.broadcast %add3A_586 : f32 to vector<1x256xf32>
    %add3A_588 = arith.addf %add3A_587, %exp3A_585 : vector<1x256xf32>
    %div3A_589 = arith.constant 1.000000e+00 : f32
    %div3A_590 = vector.broadcast %div3A_589 : f32 to vector<1x256xf32>
    %div3A_591 = arith.divf %div3A_590, %add3A_588 : vector<1x256xf32>
    %squeeze3A_592 = vector.shape_cast %div3A_591 : vector<1x256xf32> to vector<256xf32>
    %swap3A_593 = arith.constant 0 : index
    %swap3A_594 = arith.constant 0 : index
    %swap3A_595 = arith.constant 512 : index
    %swap3A_596 = vector.load %arg5[%swap3A_593, %swap3A_594, %swap3A_595] : memref<1x1x4096xf32, #tpu.memory_space<vmem>>, vector<1x1x256xf32>
    %swap3A_597 = vector.shape_cast %swap3A_596 : vector<1x1x256xf32> to vector<256xf32>
    %swap3A_598 = vector.shape_cast %squeeze3A_592 : vector<256xf32> to vector<1x1x256xf32>
    tpu.vector_store %arg5[%swap3A_593, %swap3A_594, %swap3A_595], %swap3A_598 {strides = array<i32>} : memref<1x1x4096xf32, #tpu.memory_space<vmem>>, vector<1x1x256xf32>,
    %iota3A_599 = tpu.iota {dimensions = array<i32: 1>} : vector<1x256xi32>
    %add3A_600 = arith.constant 768 : i32
    %add3A_601 = vector.broadcast %add3A_600 : i32 to vector<1x256xi32>
    %add3A_602 = arith.addi %iota3A_599, %add3A_601 : vector<1x256xi32>
    %eq3A_603 = vector.broadcast %convert_element_type3A_424 : vector<4096x1xi32> to vector<4096x256xi32>
    %eq3A_604 = vector.broadcast %add3A_602 : vector<1x256xi32> to vector<4096x256xi32>
    %eq3A_605 = arith.cmpi eq, %eq3A_603, %eq3A_604 : vector<4096x256xi32>
    %jit3A_606 = arith.constant 0.000000e+00 : f32
    %broadcast_in_dim3A_607 = vector.shape_cast %convert_element_type3A : vector<4096x1xf32> to vector<4096x1xf32>
    %broadcast_in_dim3A_608 = vector.broadcast %broadcast_in_dim3A_607 : vector<4096x1xf32> to vector<4096x256xf32>
    %broadcast_in_dim3A_609 = vector.broadcast %jit3A_606 : f32 to vector<4096x256xf32>
    %select_n3A_610 = arith.select %eq3A_605, %broadcast_in_dim3A_608, %broadcast_in_dim3A_609 : vector<4096x256xi1>, vector<4096x256xf32>
    %reduce_sum3A_611 = arith.constant dense<0.000000e+00> : vector<256xf32>
    %reduce_sum3A_612 = vector.multi_reduction <add>, %select_n3A_610, %reduce_sum3A_611 [0] : vector<4096x256xf32> to vector<256xf32>
    %broadcast_in_dim3A_613 = vector.shape_cast %reduce_sum3A_612 : vector<256xf32> to vector<1x256xf32>
    %jit3A_614 = arith.constant 0.000000e+00 : f32
    %broadcast_in_dim3A_615 = vector.shape_cast %get3A_3 : vector<4096x1xf32> to vector<4096x1xf32>
    %broadcast_in_dim3A_616 = vector.broadcast %broadcast_in_dim3A_615 : vector<4096x1xf32> to vector<4096x256xf32>
    %broadcast_in_dim3A_617 = vector.broadcast %jit3A_614 : f32 to vector<4096x256xf32>
    %select_n3A_618 = arith.select %eq3A_605, %broadcast_in_dim3A_616, %broadcast_in_dim3A_617 : vector<4096x256xi1>, vector<4096x256xf32>
    %reduce_sum3A_619 = arith.constant dense<0.000000e+00> : vector<256xf32>
    %reduce_sum3A_620 = vector.multi_reduction <add>, %select_n3A_618, %reduce_sum3A_619 [0] : vector<4096x256xf32> to vector<256xf32>
    %broadcast_in_dim3A_621 = vector.shape_cast %reduce_sum3A_620 : vector<256xf32> to vector<1x256xf32>
    %convert_element_type3A_622 = arith.fptosi %broadcast_in_dim3A_613 : vector<1x256xf32> to vector<1x256xi32>
    %squeeze3A_623 = vector.shape_cast %convert_element_type3A_622 : vector<1x256xi32> to vector<256xi32>
    %swap3A_624 = arith.constant 0 : index
    %swap3A_625 = arith.constant 0 : index
    %swap3A_626 = arith.constant 768 : index
    %swap3A_627 = vector.load %arg3[%swap3A_624, %swap3A_625, %swap3A_626] : memref<1x1x4096xi32, #tpu.memory_space<vmem>>, vector<1x1x256xi32>
    %swap3A_628 = vector.shape_cast %swap3A_627 : vector<1x1x256xi32> to vector<256xi32>
    %swap3A_629 = vector.shape_cast %squeeze3A_623 : vector<256xi32> to vector<1x1x256xi32>
    tpu.vector_store %arg3[%swap3A_624, %swap3A_625, %swap3A_626], %swap3A_629 {strides = array<i32>} : memref<1x1x4096xi32, #tpu.memory_space<vmem>>, vector<1x1x256xi32>,
    %mul3A_630 = arith.constant 4096 : i32
    %mul3A_631 = arith.muli %arg0, %mul3A_630 : i32
    %add3A_632 = vector.broadcast %mul3A_631 : i32 to vector<1x256xi32>
    %add3A_633 = arith.addi %convert_element_type3A_622, %add3A_632 : vector<1x256xi32>
    %squeeze3A_634 = vector.shape_cast %add3A_633 : vector<1x256xi32> to vector<256xi32>
    %swap3A_635 = arith.constant 0 : index
    %swap3A_636 = arith.constant 0 : index
    %swap3A_637 = arith.constant 768 : index
    %swap3A_638 = vector.load %arg4[%swap3A_635, %swap3A_636, %swap3A_637] : memref<1x1x4096xi32, #tpu.memory_space<vmem>>, vector<1x1x256xi32>
    %swap3A_639 = vector.shape_cast %swap3A_638 : vector<1x1x256xi32> to vector<256xi32>
    %swap3A_640 = vector.shape_cast %squeeze3A_634 : vector<256xi32> to vector<1x1x256xi32>
    tpu.vector_store %arg4[%swap3A_635, %swap3A_636, %swap3A_637], %swap3A_640 {strides = array<i32>} : memref<1x1x4096xi32, #tpu.memory_space<vmem>>, vector<1x1x256xi32>,
    %neg3A_641 = arith.constant 0.000000e+00 : f32
    %neg3A_642 = vector.broadcast %neg3A_641 : f32 to vector<1x256xf32>
    %neg3A_643 = arith.subf %neg3A_642, %broadcast_in_dim3A_621 : vector<1x256xf32>
    %exp3A_644 = math.exp %neg3A_643 : vector<1x256xf32>
    %add3A_645 = arith.constant 1.000000e+00 : f32
    %add3A_646 = vector.broadcast %add3A_645 : f32 to vector<1x256xf32>
    %add3A_647 = arith.addf %add3A_646, %exp3A_644 : vector<1x256xf32>
    %div3A_648 = arith.constant 1.000000e+00 : f32
    %div3A_649 = vector.broadcast %div3A_648 : f32 to vector<1x256xf32>
    %div3A_650 = arith.divf %div3A_649, %add3A_647 : vector<1x256xf32>
    %squeeze3A_651 = vector.shape_cast %div3A_650 : vector<1x256xf32> to vector<256xf32>
    %swap3A_652 = arith.constant 0 : index
    %swap3A_653 = arith.constant 0 : index
    %swap3A_654 = arith.constant 768 : index
    %swap3A_655 = vector.load %arg5[%swap3A_652, %swap3A_653, %swap3A_654] : memref<1x1x4096xf32, #tpu.memory_space<vmem>>, vector<1x1x256xf32>
    %swap3A_656 = vector.shape_cast %swap3A_655 : vector<1x1x256xf32> to vector<256xf32>
    %swap3A_657 = vector.shape_cast %squeeze3A_651 : vector<256xf32> to vector<1x1x256xf32>
    tpu.vector_store %arg5[%swap3A_652, %swap3A_653, %swap3A_654], %swap3A_657 {strides = array<i32>} : memref<1x1x4096xf32, #tpu.memory_space<vmem>>, vector<1x1x256xf32>,
    %iota3A_658 = tpu.iota {dimensions = array<i32: 1>} : vector<1x256xi32>
    %add3A_659 = arith.constant 1024 : i32
    %add3A_660 = vector.broadcast %add3A_659 : i32 to vector<1x256xi32>
    %add3A_661 = arith.addi %iota3A_658, %add3A_660 : vector<1x256xi32>
    %eq3A_662 = vector.broadcast %convert_element_type3A_424 : vector<4096x1xi32> to vector<4096x256xi32>
    %eq3A_663 = vector.broadcast %add3A_661 : vector<1x256xi32> to vector<4096x256xi32>
    %eq3A_664 = arith.cmpi eq, %eq3A_662, %eq3A_663 : vector<4096x256xi32>
    %jit3A_665 = arith.constant 0.000000e+00 : f32
    %broadcast_in_dim3A_666 = vector.shape_cast %convert_element_type3A : vector<4096x1xf32> to vector<4096x1xf32>
    %broadcast_in_dim3A_667 = vector.broadcast %broadcast_in_dim3A_666 : vector<4096x1xf32> to vector<4096x256xf32>
    %broadcast_in_dim3A_668 = vector.broadcast %jit3A_665 : f32 to vector<4096x256xf32>
    %select_n3A_669 = arith.select %eq3A_664, %broadcast_in_dim3A_667, %broadcast_in_dim3A_668 : vector<4096x256xi1>, vector<4096x256xf32>
    %reduce_sum3A_670 = arith.constant dense<0.000000e+00> : vector<256xf32>
    %reduce_sum3A_671 = vector.multi_reduction <add>, %select_n3A_669, %reduce_sum3A_670 [0] : vector<4096x256xf32> to vector<256xf32>
    %broadcast_in_dim3A_672 = vector.shape_cast %reduce_sum3A_671 : vector<256xf32> to vector<1x256xf32>
    %jit3A_673 = arith.constant 0.000000e+00 : f32
    %broadcast_in_dim3A_674 = vector.shape_cast %get3A_3 : vector<4096x1xf32> to vector<4096x1xf32>
    %broadcast_in_dim3A_675 = vector.broadcast %broadcast_in_dim3A_674 : vector<4096x1xf32> to vector<4096x256xf32>
    %broadcast_in_dim3A_676 = vector.broadcast %jit3A_673 : f32 to vector<4096x256xf32>
    %select_n3A_677 = arith.select %eq3A_664, %broadcast_in_dim3A_675, %broadcast_in_dim3A_676 : vector<4096x256xi1>, vector<4096x256xf32>
    %reduce_sum3A_678 = arith.constant dense<0.000000e+00> : vector<256xf32>
    %reduce_sum3A_679 = vector.multi_reduction <add>, %select_n3A_677, %reduce_sum3A_678 [0] : vector<4096x256xf32> to vector<256xf32>
    %broadcast_in_dim3A_680 = vector.shape_cast %reduce_sum3A_679 : vector<256xf32> to vector<1x256xf32>
    %convert_element_type3A_681 = arith.fptosi %broadcast_in_dim3A_672 : vector<1x256xf32> to vector<1x256xi32>
    %squeeze3A_682 = vector.shape_cast %convert_element_type3A_681 : vector<1x256xi32> to vector<256xi32>
    %swap3A_683 = arith.constant 0 : index
    %swap3A_684 = arith.constant 0 : index
    %swap3A_685 = arith.constant 1024 : index
    %swap3A_686 = vector.load %arg3[%swap3A_683, %swap3A_684, %swap3A_685] : memref<1x1x4096xi32, #tpu.memory_space<vmem>>, vector<1x1x256xi32>
    %swap3A_687 = vector.shape_cast %swap3A_686 : vector<1x1x256xi32> to vector<256xi32>
    %swap3A_688 = vector.shape_cast %squeeze3A_682 : vector<256xi32> to vector<1x1x256xi32>
    tpu.vector_store %arg3[%swap3A_683, %swap3A_684, %swap3A_685], %swap3A_688 {strides = array<i32>} : memref<1x1x4096xi32, #tpu.memory_space<vmem>>, vector<1x1x256xi32>,
    %mul3A_689 = arith.constant 4096 : i32
    %mul3A_690 = arith.muli %arg0, %mul3A_689 : i32
    %add3A_691 = vector.broadcast %mul3A_690 : i32 to vector<1x256xi32>
    %add3A_692 = arith.addi %convert_element_type3A_681, %add3A_691 : vector<1x256xi32>
    %squeeze3A_693 = vector.shape_cast %add3A_692 : vector<1x256xi32> to vector<256xi32>
    %swap3A_694 = arith.constant 0 : index
    %swap3A_695 = arith.constant 0 : index
    %swap3A_696 = arith.constant 1024 : index
    %swap3A_697 = vector.load %arg4[%swap3A_694, %swap3A_695, %swap3A_696] : memref<1x1x4096xi32, #tpu.memory_space<vmem>>, vector<1x1x256xi32>
    %swap3A_698 = vector.shape_cast %swap3A_697 : vector<1x1x256xi32> to vector<256xi32>
    %swap3A_699 = vector.shape_cast %squeeze3A_693 : vector<256xi32> to vector<1x1x256xi32>
    tpu.vector_store %arg4[%swap3A_694, %swap3A_695, %swap3A_696], %swap3A_699 {strides = array<i32>} : memref<1x1x4096xi32, #tpu.memory_space<vmem>>, vector<1x1x256xi32>,
    %neg3A_700 = arith.constant 0.000000e+00 : f32
    %neg3A_701 = vector.broadcast %neg3A_700 : f32 to vector<1x256xf32>
    %neg3A_702 = arith.subf %neg3A_701, %broadcast_in_dim3A_680 : vector<1x256xf32>
    %exp3A_703 = math.exp %neg3A_702 : vector<1x256xf32>
    %add3A_704 = arith.constant 1.000000e+00 : f32
    %add3A_705 = vector.broadcast %add3A_704 : f32 to vector<1x256xf32>
    %add3A_706 = arith.addf %add3A_705, %exp3A_703 : vector<1x256xf32>
    %div3A_707 = arith.constant 1.000000e+00 : f32
    %div3A_708 = vector.broadcast %div3A_707 : f32 to vector<1x256xf32>
    %div3A_709 = arith.divf %div3A_708, %add3A_706 : vector<1x256xf32>
    %squeeze3A_710 = vector.shape_cast %div3A_709 : vector<1x256xf32> to vector<256xf32>
    %swap3A_711 = arith.constant 0 : index
    %swap3A_712 = arith.constant 0 : index
    %swap3A_713 = arith.constant 1024 : index
    %swap3A_714 = vector.load %arg5[%swap3A_711, %swap3A_712, %swap3A_713] : memref<1x1x4096xf32, #tpu.memory_space<vmem>>, vector<1x1x256xf32>
    %swap3A_715 = vector.shape_cast %swap3A_714 : vector<1x1x256xf32> to vector<256xf32>
    %swap3A_716 = vector.shape_cast %squeeze3A_710 : vector<256xf32> to vector<1x1x256xf32>
    tpu.vector_store %arg5[%swap3A_711, %swap3A_712, %swap3A_713], %swap3A_716 {strides = array<i32>} : memref<1x1x4096xf32, #tpu.memory_space<vmem>>, vector<1x1x256xf32>,
    %iota3A_717 = tpu.iota {dimensions = array<i32: 1>} : vector<1x256xi32>
    %add3A_718 = arith.constant 1280 : i32
    %add3A_719 = vector.broadcast %add3A_718 : i32 to vector<1x256xi32>
    %add3A_720 = arith.addi %iota3A_717, %add3A_719 : vector<1x256xi32>
    %eq3A_721 = vector.broadcast %convert_element_type3A_424 : vector<4096x1xi32> to vector<4096x256xi32>
    %eq3A_722 = vector.broadcast %add3A_720 : vector<1x256xi32> to vector<4096x256xi32>
    %eq3A_723 = arith.cmpi eq, %eq3A_721, %eq3A_722 : vector<4096x256xi32>
    %jit3A_724 = arith.constant 0.000000e+00 : f32
    %broadcast_in_dim3A_725 = vector.shape_cast %convert_element_type3A : vector<4096x1xf32> to vector<4096x1xf32>
    %broadcast_in_dim3A_726 = vector.broadcast %broadcast_in_dim3A_725 : vector<4096x1xf32> to vector<4096x256xf32>
    %broadcast_in_dim3A_727 = vector.broadcast %jit3A_724 : f32 to vector<4096x256xf32>
    %select_n3A_728 = arith.select %eq3A_723, %broadcast_in_dim3A_726, %broadcast_in_dim3A_727 : vector<4096x256xi1>, vector<4096x256xf32>
    %reduce_sum3A_729 = arith.constant dense<0.000000e+00> : vector<256xf32>
    %reduce_sum3A_730 = vector.multi_reduction <add>, %select_n3A_728, %reduce_sum3A_729 [0] : vector<4096x256xf32> to vector<256xf32>
    %broadcast_in_dim3A_731 = vector.shape_cast %reduce_sum3A_730 : vector<256xf32> to vector<1x256xf32>
    %jit3A_732 = arith.constant 0.000000e+00 : f32
    %broadcast_in_dim3A_733 = vector.shape_cast %get3A_3 : vector<4096x1xf32> to vector<4096x1xf32>
    %broadcast_in_dim3A_734 = vector.broadcast %broadcast_in_dim3A_733 : vector<4096x1xf32> to vector<4096x256xf32>
    %broadcast_in_dim3A_735 = vector.broadcast %jit3A_732 : f32 to vector<4096x256xf32>
    %select_n3A_736 = arith.select %eq3A_723, %broadcast_in_dim3A_734, %broadcast_in_dim3A_735 : vector<4096x256xi1>, vector<4096x256xf32>
    %reduce_sum3A_737 = arith.constant dense<0.000000e+00> : vector<256xf32>
    %reduce_sum3A_738 = vector.multi_reduction <add>, %select_n3A_736, %reduce_sum3A_737 [0] : vector<4096x256xf32> to vector<256xf32>
    %broadcast_in_dim3A_739 = vector.shape_cast %reduce_sum3A_738 : vector<256xf32> to vector<1x256xf32>
    %convert_element_type3A_740 = arith.fptosi %broadcast_in_dim3A_731 : vector<1x256xf32> to vector<1x256xi32>
    %squeeze3A_741 = vector.shape_cast %convert_element_type3A_740 : vector<1x256xi32> to vector<256xi32>
    %swap3A_742 = arith.constant 0 : index
    %swap3A_743 = arith.constant 0 : index
    %swap3A_744 = arith.constant 1280 : index
    %swap3A_745 = vector.load %arg3[%swap3A_742, %swap3A_743, %swap3A_744] : memref<1x1x4096xi32, #tpu.memory_space<vmem>>, vector<1x1x256xi32>
    %swap3A_746 = vector.shape_cast %swap3A_745 : vector<1x1x256xi32> to vector<256xi32>
    %swap3A_747 = vector.shape_cast %squeeze3A_741 : vector<256xi32> to vector<1x1x256xi32>
    tpu.vector_store %arg3[%swap3A_742, %swap3A_743, %swap3A_744], %swap3A_747 {strides = array<i32>} : memref<1x1x4096xi32, #tpu.memory_space<vmem>>, vector<1x1x256xi32>,
    %mul3A_748 = arith.constant 4096 : i32
    %mul3A_749 = arith.muli %arg0, %mul3A_748 : i32
    %add3A_750 = vector.broadcast %mul3A_749 : i32 to vector<1x256xi32>
    %add3A_751 = arith.addi %convert_element_type3A_740, %add3A_750 : vector<1x256xi32>
    %squeeze3A_752 = vector.shape_cast %add3A_751 : vector<1x256xi32> to vector<256xi32>
    %swap3A_753 = arith.constant 0 : index
    %swap3A_754 = arith.constant 0 : index
    %swap3A_755 = arith.constant 1280 : index
    %swap3A_756 = vector.load %arg4[%swap3A_753, %swap3A_754, %swap3A_755] : memref<1x1x4096xi32, #tpu.memory_space<vmem>>, vector<1x1x256xi32>
    %swap3A_757 = vector.shape_cast %swap3A_756 : vector<1x1x256xi32> to vector<256xi32>
    %swap3A_758 = vector.shape_cast %squeeze3A_752 : vector<256xi32> to vector<1x1x256xi32>
    tpu.vector_store %arg4[%swap3A_753, %swap3A_754, %swap3A_755], %swap3A_758 {strides = array<i32>} : memref<1x1x4096xi32, #tpu.memory_space<vmem>>, vector<1x1x256xi32>,
    %neg3A_759 = arith.constant 0.000000e+00 : f32
    %neg3A_760 = vector.broadcast %neg3A_759 : f32 to vector<1x256xf32>
    %neg3A_761 = arith.subf %neg3A_760, %broadcast_in_dim3A_739 : vector<1x256xf32>
    %exp3A_762 = math.exp %neg3A_761 : vector<1x256xf32>
    %add3A_763 = arith.constant 1.000000e+00 : f32
    %add3A_764 = vector.broadcast %add3A_763 : f32 to vector<1x256xf32>
    %add3A_765 = arith.addf %add3A_764, %exp3A_762 : vector<1x256xf32>
    %div3A_766 = arith.constant 1.000000e+00 : f32
    %div3A_767 = vector.broadcast %div3A_766 : f32 to vector<1x256xf32>
    %div3A_768 = arith.divf %div3A_767, %add3A_765 : vector<1x256xf32>
    %squeeze3A_769 = vector.shape_cast %div3A_768 : vector<1x256xf32> to vector<256xf32>
    %swap3A_770 = arith.constant 0 : index
    %swap3A_771 = arith.constant 0 : index
    %swap3A_772 = arith.constant 1280 : index
    %swap3A_773 = vector.load %arg5[%swap3A_770, %swap3A_771, %swap3A_772] : memref<1x1x4096xf32, #tpu.memory_space<vmem>>, vector<1x1x256xf32>
    %swap3A_774 = vector.shape_cast %swap3A_773 : vector<1x1x256xf32> to vector<256xf32>
    %swap3A_775 = vector.shape_cast %squeeze3A_769 : vector<256xf32> to vector<1x1x256xf32>
    tpu.vector_store %arg5[%swap3A_770, %swap3A_771, %swap3A_772], %swap3A_775 {strides = array<i32>} : memref<1x1x4096xf32, #tpu.memory_space<vmem>>, vector<1x1x256xf32>,
    %iota3A_776 = tpu.iota {dimensions = array<i32: 1>} : vector<1x256xi32>
    %add3A_777 = arith.constant 1536 : i32
    %add3A_778 = vector.broadcast %add3A_777 : i32 to vector<1x256xi32>
    %add3A_779 = arith.addi %iota3A_776, %add3A_778 : vector<1x256xi32>
    %eq3A_780 = vector.broadcast %convert_element_type3A_424 : vector<4096x1xi32> to vector<4096x256xi32>
    %eq3A_781 = vector.broadcast %add3A_779 : vector<1x256xi32> to vector<4096x256xi32>
    %eq3A_782 = arith.cmpi eq, %eq3A_780, %eq3A_781 : vector<4096x256xi32>
    %jit3A_783 = arith.constant 0.000000e+00 : f32
    %broadcast_in_dim3A_784 = vector.shape_cast %convert_element_type3A : vector<4096x1xf32> to vector<4096x1xf32>
    %broadcast_in_dim3A_785 = vector.broadcast %broadcast_in_dim3A_784 : vector<4096x1xf32> to vector<4096x256xf32>
    %broadcast_in_dim3A_786 = vector.broadcast %jit3A_783 : f32 to vector<4096x256xf32>
    %select_n3A_787 = arith.select %eq3A_782, %broadcast_in_dim3A_785, %broadcast_in_dim3A_786 : vector<4096x256xi1>, vector<4096x256xf32>
    %reduce_sum3A_788 = arith.constant dense<0.000000e+00> : vector<256xf32>
    %reduce_sum3A_789 = vector.multi_reduction <add>, %select_n3A_787, %reduce_sum3A_788 [0] : vector<4096x256xf32> to vector<256xf32>
    %broadcast_in_dim3A_790 = vector.shape_cast %reduce_sum3A_789 : vector<256xf32> to vector<1x256xf32>
    %jit3A_791 = arith.constant 0.000000e+00 : f32
    %broadcast_in_dim3A_792 = vector.shape_cast %get3A_3 : vector<4096x1xf32> to vector<4096x1xf32>
    %broadcast_in_dim3A_793 = vector.broadcast %broadcast_in_dim3A_792 : vector<4096x1xf32> to vector<4096x256xf32>
    %broadcast_in_dim3A_794 = vector.broadcast %jit3A_791 : f32 to vector<4096x256xf32>
    %select_n3A_795 = arith.select %eq3A_782, %broadcast_in_dim3A_793, %broadcast_in_dim3A_794 : vector<4096x256xi1>, vector<4096x256xf32>
    %reduce_sum3A_796 = arith.constant dense<0.000000e+00> : vector<256xf32>
    %reduce_sum3A_797 = vector.multi_reduction <add>, %select_n3A_795, %reduce_sum3A_796 [0] : vector<4096x256xf32> to vector<256xf32>
    %broadcast_in_dim3A_798 = vector.shape_cast %reduce_sum3A_797 : vector<256xf32> to vector<1x256xf32>
    %convert_element_type3A_799 = arith.fptosi %broadcast_in_dim3A_790 : vector<1x256xf32> to vector<1x256xi32>
    %squeeze3A_800 = vector.shape_cast %convert_element_type3A_799 : vector<1x256xi32> to vector<256xi32>
    %swap3A_801 = arith.constant 0 : index
    %swap3A_802 = arith.constant 0 : index
    %swap3A_803 = arith.constant 1536 : index
    %swap3A_804 = vector.load %arg3[%swap3A_801, %swap3A_802, %swap3A_803] : memref<1x1x4096xi32, #tpu.memory_space<vmem>>, vector<1x1x256xi32>
    %swap3A_805 = vector.shape_cast %swap3A_804 : vector<1x1x256xi32> to vector<256xi32>
    %swap3A_806 = vector.shape_cast %squeeze3A_800 : vector<256xi32> to vector<1x1x256xi32>
    tpu.vector_store %arg3[%swap3A_801, %swap3A_802, %swap3A_803], %swap3A_806 {strides = array<i32>} : memref<1x1x4096xi32, #tpu.memory_space<vmem>>, vector<1x1x256xi32>,
    %mul3A_807 = arith.constant 4096 : i32
    %mul3A_808 = arith.muli %arg0, %mul3A_807 : i32
    %add3A_809 = vector.broadcast %mul3A_808 : i32 to vector<1x256xi32>
    %add3A_810 = arith.addi %convert_element_type3A_799, %add3A_809 : vector<1x256xi32>
    %squeeze3A_811 = vector.shape_cast %add3A_810 : vector<1x256xi32> to vector<256xi32>
    %swap3A_812 = arith.constant 0 : index
    %swap3A_813 = arith.constant 0 : index
    %swap3A_814 = arith.constant 1536 : index
    %swap3A_815 = vector.load %arg4[%swap3A_812, %swap3A_813, %swap3A_814] : memref<1x1x4096xi32, #tpu.memory_space<vmem>>, vector<1x1x256xi32>
    %swap3A_816 = vector.shape_cast %swap3A_815 : vector<1x1x256xi32> to vector<256xi32>
    %swap3A_817 = vector.shape_cast %squeeze3A_811 : vector<256xi32> to vector<1x1x256xi32>
    tpu.vector_store %arg4[%swap3A_812, %swap3A_813, %swap3A_814], %swap3A_817 {strides = array<i32>} : memref<1x1x4096xi32, #tpu.memory_space<vmem>>, vector<1x1x256xi32>,
    %neg3A_818 = arith.constant 0.000000e+00 : f32
    %neg3A_819 = vector.broadcast %neg3A_818 : f32 to vector<1x256xf32>
    %neg3A_820 = arith.subf %neg3A_819, %broadcast_in_dim3A_798 : vector<1x256xf32>
    %exp3A_821 = math.exp %neg3A_820 : vector<1x256xf32>
    %add3A_822 = arith.constant 1.000000e+00 : f32
    %add3A_823 = vector.broadcast %add3A_822 : f32 to vector<1x256xf32>
    %add3A_824 = arith.addf %add3A_823, %exp3A_821 : vector<1x256xf32>
    %div3A_825 = arith.constant 1.000000e+00 : f32
    %div3A_826 = vector.broadcast %div3A_825 : f32 to vector<1x256xf32>
    %div3A_827 = arith.divf %div3A_826, %add3A_824 : vector<1x256xf32>
    %squeeze3A_828 = vector.shape_cast %div3A_827 : vector<1x256xf32> to vector<256xf32>
    %swap3A_829 = arith.constant 0 : index
    %swap3A_830 = arith.constant 0 : index
    %swap3A_831 = arith.constant 1536 : index
    %swap3A_832 = vector.load %arg5[%swap3A_829, %swap3A_830, %swap3A_831] : memref<1x1x4096xf32, #tpu.memory_space<vmem>>, vector<1x1x256xf32>
    %swap3A_833 = vector.shape_cast %swap3A_832 : vector<1x1x256xf32> to vector<256xf32>
    %swap3A_834 = vector.shape_cast %squeeze3A_828 : vector<256xf32> to vector<1x1x256xf32>
    tpu.vector_store %arg5[%swap3A_829, %swap3A_830, %swap3A_831], %swap3A_834 {strides = array<i32>} : memref<1x1x4096xf32, #tpu.memory_space<vmem>>, vector<1x1x256xf32>,
    %iota3A_835 = tpu.iota {dimensions = array<i32: 1>} : vector<1x256xi32>
    %add3A_836 = arith.constant 1792 : i32
    %add3A_837 = vector.broadcast %add3A_836 : i32 to vector<1x256xi32>
    %add3A_838 = arith.addi %iota3A_835, %add3A_837 : vector<1x256xi32>
    %eq3A_839 = vector.broadcast %convert_element_type3A_424 : vector<4096x1xi32> to vector<4096x256xi32>
    %eq3A_840 = vector.broadcast %add3A_838 : vector<1x256xi32> to vector<4096x256xi32>
    %eq3A_841 = arith.cmpi eq, %eq3A_839, %eq3A_840 : vector<4096x256xi32>
    %jit3A_842 = arith.constant 0.000000e+00 : f32
    %broadcast_in_dim3A_843 = vector.shape_cast %convert_element_type3A : vector<4096x1xf32> to vector<4096x1xf32>
    %broadcast_in_dim3A_844 = vector.broadcast %broadcast_in_dim3A_843 : vector<4096x1xf32> to vector<4096x256xf32>
    %broadcast_in_dim3A_845 = vector.broadcast %jit3A_842 : f32 to vector<4096x256xf32>
    %select_n3A_846 = arith.select %eq3A_841, %broadcast_in_dim3A_844, %broadcast_in_dim3A_845 : vector<4096x256xi1>, vector<4096x256xf32>
    %reduce_sum3A_847 = arith.constant dense<0.000000e+00> : vector<256xf32>
    %reduce_sum3A_848 = vector.multi_reduction <add>, %select_n3A_846, %reduce_sum3A_847 [0] : vector<4096x256xf32> to vector<256xf32>
    %broadcast_in_dim3A_849 = vector.shape_cast %reduce_sum3A_848 : vector<256xf32> to vector<1x256xf32>
    %jit3A_850 = arith.constant 0.000000e+00 : f32
    %broadcast_in_dim3A_851 = vector.shape_cast %get3A_3 : vector<4096x1xf32> to vector<4096x1xf32>
    %broadcast_in_dim3A_852 = vector.broadcast %broadcast_in_dim3A_851 : vector<4096x1xf32> to vector<4096x256xf32>
    %broadcast_in_dim3A_853 = vector.broadcast %jit3A_850 : f32 to vector<4096x256xf32>
    %select_n3A_854 = arith.select %eq3A_841, %broadcast_in_dim3A_852, %broadcast_in_dim3A_853 : vector<4096x256xi1>, vector<4096x256xf32>
    %reduce_sum3A_855 = arith.constant dense<0.000000e+00> : vector<256xf32>
    %reduce_sum3A_856 = vector.multi_reduction <add>, %select_n3A_854, %reduce_sum3A_855 [0] : vector<4096x256xf32> to vector<256xf32>
    %broadcast_in_dim3A_857 = vector.shape_cast %reduce_sum3A_856 : vector<256xf32> to vector<1x256xf32>
    %convert_element_type3A_858 = arith.fptosi %broadcast_in_dim3A_849 : vector<1x256xf32> to vector<1x256xi32>
    %squeeze3A_859 = vector.shape_cast %convert_element_type3A_858 : vector<1x256xi32> to vector<256xi32>
    %swap3A_860 = arith.constant 0 : index
    %swap3A_861 = arith.constant 0 : index
    %swap3A_862 = arith.constant 1792 : index
    %swap3A_863 = vector.load %arg3[%swap3A_860, %swap3A_861, %swap3A_862] : memref<1x1x4096xi32, #tpu.memory_space<vmem>>, vector<1x1x256xi32>
    %swap3A_864 = vector.shape_cast %swap3A_863 : vector<1x1x256xi32> to vector<256xi32>
    %swap3A_865 = vector.shape_cast %squeeze3A_859 : vector<256xi32> to vector<1x1x256xi32>
    tpu.vector_store %arg3[%swap3A_860, %swap3A_861, %swap3A_862], %swap3A_865 {strides = array<i32>} : memref<1x1x4096xi32, #tpu.memory_space<vmem>>, vector<1x1x256xi32>,
    %mul3A_866 = arith.constant 4096 : i32
    %mul3A_867 = arith.muli %arg0, %mul3A_866 : i32
    %add3A_868 = vector.broadcast %mul3A_867 : i32 to vector<1x256xi32>
    %add3A_869 = arith.addi %convert_element_type3A_858, %add3A_868 : vector<1x256xi32>
    %squeeze3A_870 = vector.shape_cast %add3A_869 : vector<1x256xi32> to vector<256xi32>
    %swap3A_871 = arith.constant 0 : index
    %swap3A_872 = arith.constant 0 : index
    %swap3A_873 = arith.constant 1792 : index
    %swap3A_874 = vector.load %arg4[%swap3A_871, %swap3A_872, %swap3A_873] : memref<1x1x4096xi32, #tpu.memory_space<vmem>>, vector<1x1x256xi32>
    %swap3A_875 = vector.shape_cast %swap3A_874 : vector<1x1x256xi32> to vector<256xi32>
    %swap3A_876 = vector.shape_cast %squeeze3A_870 : vector<256xi32> to vector<1x1x256xi32>
    tpu.vector_store %arg4[%swap3A_871, %swap3A_872, %swap3A_873], %swap3A_876 {strides = array<i32>} : memref<1x1x4096xi32, #tpu.memory_space<vmem>>, vector<1x1x256xi32>,
    %neg3A_877 = arith.constant 0.000000e+00 : f32
    %neg3A_878 = vector.broadcast %neg3A_877 : f32 to vector<1x256xf32>
    %neg3A_879 = arith.subf %neg3A_878, %broadcast_in_dim3A_857 : vector<1x256xf32>
    %exp3A_880 = math.exp %neg3A_879 : vector<1x256xf32>
    %add3A_881 = arith.constant 1.000000e+00 : f32
    %add3A_882 = vector.broadcast %add3A_881 : f32 to vector<1x256xf32>
    %add3A_883 = arith.addf %add3A_882, %exp3A_880 : vector<1x256xf32>
    %div3A_884 = arith.constant 1.000000e+00 : f32
    %div3A_885 = vector.broadcast %div3A_884 : f32 to vector<1x256xf32>
    %div3A_886 = arith.divf %div3A_885, %add3A_883 : vector<1x256xf32>
    %squeeze3A_887 = vector.shape_cast %div3A_886 : vector<1x256xf32> to vector<256xf32>
    %swap3A_888 = arith.constant 0 : index
    %swap3A_889 = arith.constant 0 : index
    %swap3A_890 = arith.constant 1792 : index
    %swap3A_891 = vector.load %arg5[%swap3A_888, %swap3A_889, %swap3A_890] : memref<1x1x4096xf32, #tpu.memory_space<vmem>>, vector<1x1x256xf32>
    %swap3A_892 = vector.shape_cast %swap3A_891 : vector<1x1x256xf32> to vector<256xf32>
    %swap3A_893 = vector.shape_cast %squeeze3A_887 : vector<256xf32> to vector<1x1x256xf32>
    tpu.vector_store %arg5[%swap3A_888, %swap3A_889, %swap3A_890], %swap3A_893 {strides = array<i32>} : memref<1x1x4096xf32, #tpu.memory_space<vmem>>, vector<1x1x256xf32>,
    %iota3A_894 = tpu.iota {dimensions = array<i32: 1>} : vector<1x256xi32>
    %add3A_895 = arith.constant 2048 : i32
    %add3A_896 = vector.broadcast %add3A_895 : i32 to vector<1x256xi32>
    %add3A_897 = arith.addi %iota3A_894, %add3A_896 : vector<1x256xi32>
    %eq3A_898 = vector.broadcast %convert_element_type3A_424 : vector<4096x1xi32> to vector<4096x256xi32>
    %eq3A_899 = vector.broadcast %add3A_897 : vector<1x256xi32> to vector<4096x256xi32>
    %eq3A_900 = arith.cmpi eq, %eq3A_898, %eq3A_899 : vector<4096x256xi32>
    %jit3A_901 = arith.constant 0.000000e+00 : f32
    %broadcast_in_dim3A_902 = vector.shape_cast %convert_element_type3A : vector<4096x1xf32> to vector<4096x1xf32>
    %broadcast_in_dim3A_903 = vector.broadcast %broadcast_in_dim3A_902 : vector<4096x1xf32> to vector<4096x256xf32>
    %broadcast_in_dim3A_904 = vector.broadcast %jit3A_901 : f32 to vector<4096x256xf32>
    %select_n3A_905 = arith.select %eq3A_900, %broadcast_in_dim3A_903, %broadcast_in_dim3A_904 : vector<4096x256xi1>, vector<4096x256xf32>
    %reduce_sum3A_906 = arith.constant dense<0.000000e+00> : vector<256xf32>
    %reduce_sum3A_907 = vector.multi_reduction <add>, %select_n3A_905, %reduce_sum3A_906 [0] : vector<4096x256xf32> to vector<256xf32>
    %broadcast_in_dim3A_908 = vector.shape_cast %reduce_sum3A_907 : vector<256xf32> to vector<1x256xf32>
    %jit3A_909 = arith.constant 0.000000e+00 : f32
    %broadcast_in_dim3A_910 = vector.shape_cast %get3A_3 : vector<4096x1xf32> to vector<4096x1xf32>
    %broadcast_in_dim3A_911 = vector.broadcast %broadcast_in_dim3A_910 : vector<4096x1xf32> to vector<4096x256xf32>
    %broadcast_in_dim3A_912 = vector.broadcast %jit3A_909 : f32 to vector<4096x256xf32>
    %select_n3A_913 = arith.select %eq3A_900, %broadcast_in_dim3A_911, %broadcast_in_dim3A_912 : vector<4096x256xi1>, vector<4096x256xf32>
    %reduce_sum3A_914 = arith.constant dense<0.000000e+00> : vector<256xf32>
    %reduce_sum3A_915 = vector.multi_reduction <add>, %select_n3A_913, %reduce_sum3A_914 [0] : vector<4096x256xf32> to vector<256xf32>
    %broadcast_in_dim3A_916 = vector.shape_cast %reduce_sum3A_915 : vector<256xf32> to vector<1x256xf32>
    %convert_element_type3A_917 = arith.fptosi %broadcast_in_dim3A_908 : vector<1x256xf32> to vector<1x256xi32>
    %squeeze3A_918 = vector.shape_cast %convert_element_type3A_917 : vector<1x256xi32> to vector<256xi32>
    %swap3A_919 = arith.constant 0 : index
    %swap3A_920 = arith.constant 0 : index
    %swap3A_921 = arith.constant 2048 : index
    %swap3A_922 = vector.load %arg3[%swap3A_919, %swap3A_920, %swap3A_921] : memref<1x1x4096xi32, #tpu.memory_space<vmem>>, vector<1x1x256xi32>
    %swap3A_923 = vector.shape_cast %swap3A_922 : vector<1x1x256xi32> to vector<256xi32>
    %swap3A_924 = vector.shape_cast %squeeze3A_918 : vector<256xi32> to vector<1x1x256xi32>
    tpu.vector_store %arg3[%swap3A_919, %swap3A_920, %swap3A_921], %swap3A_924 {strides = array<i32>} : memref<1x1x4096xi32, #tpu.memory_space<vmem>>, vector<1x1x256xi32>,
    %mul3A_925 = arith.constant 4096 : i32
    %mul3A_926 = arith.muli %arg0, %mul3A_925 : i32
    %add3A_927 = vector.broadcast %mul3A_926 : i32 to vector<1x256xi32>
    %add3A_928 = arith.addi %convert_element_type3A_917, %add3A_927 : vector<1x256xi32>
    %squeeze3A_929 = vector.shape_cast %add3A_928 : vector<1x256xi32> to vector<256xi32>
    %swap3A_930 = arith.constant 0 : index
    %swap3A_931 = arith.constant 0 : index
    %swap3A_932 = arith.constant 2048 : index
    %swap3A_933 = vector.load %arg4[%swap3A_930, %swap3A_931, %swap3A_932] : memref<1x1x4096xi32, #tpu.memory_space<vmem>>, vector<1x1x256xi32>
    %swap3A_934 = vector.shape_cast %swap3A_933 : vector<1x1x256xi32> to vector<256xi32>
    %swap3A_935 = vector.shape_cast %squeeze3A_929 : vector<256xi32> to vector<1x1x256xi32>
    tpu.vector_store %arg4[%swap3A_930, %swap3A_931, %swap3A_932], %swap3A_935 {strides = array<i32>} : memref<1x1x4096xi32, #tpu.memory_space<vmem>>, vector<1x1x256xi32>,
    %neg3A_936 = arith.constant 0.000000e+00 : f32
    %neg3A_937 = vector.broadcast %neg3A_936 : f32 to vector<1x256xf32>
    %neg3A_938 = arith.subf %neg3A_937, %broadcast_in_dim3A_916 : vector<1x256xf32>
    %exp3A_939 = math.exp %neg3A_938 : vector<1x256xf32>
    %add3A_940 = arith.constant 1.000000e+00 : f32
    %add3A_941 = vector.broadcast %add3A_940 : f32 to vector<1x256xf32>
    %add3A_942 = arith.addf %add3A_941, %exp3A_939 : vector<1x256xf32>
    %div3A_943 = arith.constant 1.000000e+00 : f32
    %div3A_944 = vector.broadcast %div3A_943 : f32 to vector<1x256xf32>
    %div3A_945 = arith.divf %div3A_944, %add3A_942 : vector<1x256xf32>
    %squeeze3A_946 = vector.shape_cast %div3A_945 : vector<1x256xf32> to vector<256xf32>
    %swap3A_947 = arith.constant 0 : index
    %swap3A_948 = arith.constant 0 : index
    %swap3A_949 = arith.constant 2048 : index
    %swap3A_950 = vector.load %arg5[%swap3A_947, %swap3A_948, %swap3A_949] : memref<1x1x4096xf32, #tpu.memory_space<vmem>>, vector<1x1x256xf32>
    %swap3A_951 = vector.shape_cast %swap3A_950 : vector<1x1x256xf32> to vector<256xf32>
    %swap3A_952 = vector.shape_cast %squeeze3A_946 : vector<256xf32> to vector<1x1x256xf32>
    tpu.vector_store %arg5[%swap3A_947, %swap3A_948, %swap3A_949], %swap3A_952 {strides = array<i32>} : memref<1x1x4096xf32, #tpu.memory_space<vmem>>, vector<1x1x256xf32>,
    %iota3A_953 = tpu.iota {dimensions = array<i32: 1>} : vector<1x256xi32>
    %add3A_954 = arith.constant 2304 : i32
    %add3A_955 = vector.broadcast %add3A_954 : i32 to vector<1x256xi32>
    %add3A_956 = arith.addi %iota3A_953, %add3A_955 : vector<1x256xi32>
    %eq3A_957 = vector.broadcast %convert_element_type3A_424 : vector<4096x1xi32> to vector<4096x256xi32>
    %eq3A_958 = vector.broadcast %add3A_956 : vector<1x256xi32> to vector<4096x256xi32>
    %eq3A_959 = arith.cmpi eq, %eq3A_957, %eq3A_958 : vector<4096x256xi32>
    %jit3A_960 = arith.constant 0.000000e+00 : f32
    %broadcast_in_dim3A_961 = vector.shape_cast %convert_element_type3A : vector<4096x1xf32> to vector<4096x1xf32>
    %broadcast_in_dim3A_962 = vector.broadcast %broadcast_in_dim3A_961 : vector<4096x1xf32> to vector<4096x256xf32>
    %broadcast_in_dim3A_963 = vector.broadcast %jit3A_960 : f32 to vector<4096x256xf32>
    %select_n3A_964 = arith.select %eq3A_959, %broadcast_in_dim3A_962, %broadcast_in_dim3A_963 : vector<4096x256xi1>, vector<4096x256xf32>
    %reduce_sum3A_965 = arith.constant dense<0.000000e+00> : vector<256xf32>
    %reduce_sum3A_966 = vector.multi_reduction <add>, %select_n3A_964, %reduce_sum3A_965 [0] : vector<4096x256xf32> to vector<256xf32>
    %broadcast_in_dim3A_967 = vector.shape_cast %reduce_sum3A_966 : vector<256xf32> to vector<1x256xf32>
    %jit3A_968 = arith.constant 0.000000e+00 : f32
    %broadcast_in_dim3A_969 = vector.shape_cast %get3A_3 : vector<4096x1xf32> to vector<4096x1xf32>
    %broadcast_in_dim3A_970 = vector.broadcast %broadcast_in_dim3A_969 : vector<4096x1xf32> to vector<4096x256xf32>
    %broadcast_in_dim3A_971 = vector.broadcast %jit3A_968 : f32 to vector<4096x256xf32>
    %select_n3A_972 = arith.select %eq3A_959, %broadcast_in_dim3A_970, %broadcast_in_dim3A_971 : vector<4096x256xi1>, vector<4096x256xf32>
    %reduce_sum3A_973 = arith.constant dense<0.000000e+00> : vector<256xf32>
    %reduce_sum3A_974 = vector.multi_reduction <add>, %select_n3A_972, %reduce_sum3A_973 [0] : vector<4096x256xf32> to vector<256xf32>
    %broadcast_in_dim3A_975 = vector.shape_cast %reduce_sum3A_974 : vector<256xf32> to vector<1x256xf32>
    %convert_element_type3A_976 = arith.fptosi %broadcast_in_dim3A_967 : vector<1x256xf32> to vector<1x256xi32>
    %squeeze3A_977 = vector.shape_cast %convert_element_type3A_976 : vector<1x256xi32> to vector<256xi32>
    %swap3A_978 = arith.constant 0 : index
    %swap3A_979 = arith.constant 0 : index
    %swap3A_980 = arith.constant 2304 : index
    %swap3A_981 = vector.load %arg3[%swap3A_978, %swap3A_979, %swap3A_980] : memref<1x1x4096xi32, #tpu.memory_space<vmem>>, vector<1x1x256xi32>
    %swap3A_982 = vector.shape_cast %swap3A_981 : vector<1x1x256xi32> to vector<256xi32>
    %swap3A_983 = vector.shape_cast %squeeze3A_977 : vector<256xi32> to vector<1x1x256xi32>
    tpu.vector_store %arg3[%swap3A_978, %swap3A_979, %swap3A_980], %swap3A_983 {strides = array<i32>} : memref<1x1x4096xi32, #tpu.memory_space<vmem>>, vector<1x1x256xi32>,
    %mul3A_984 = arith.constant 4096 : i32
    %mul3A_985 = arith.muli %arg0, %mul3A_984 : i32
    %add3A_986 = vector.broadcast %mul3A_985 : i32 to vector<1x256xi32>
    %add3A_987 = arith.addi %convert_element_type3A_976, %add3A_986 : vector<1x256xi32>
    %squeeze3A_988 = vector.shape_cast %add3A_987 : vector<1x256xi32> to vector<256xi32>
    %swap3A_989 = arith.constant 0 : index
    %swap3A_990 = arith.constant 0 : index
    %swap3A_991 = arith.constant 2304 : index
    %swap3A_992 = vector.load %arg4[%swap3A_989, %swap3A_990, %swap3A_991] : memref<1x1x4096xi32, #tpu.memory_space<vmem>>, vector<1x1x256xi32>
    %swap3A_993 = vector.shape_cast %swap3A_992 : vector<1x1x256xi32> to vector<256xi32>
    %swap3A_994 = vector.shape_cast %squeeze3A_988 : vector<256xi32> to vector<1x1x256xi32>
    tpu.vector_store %arg4[%swap3A_989, %swap3A_990, %swap3A_991], %swap3A_994 {strides = array<i32>} : memref<1x1x4096xi32, #tpu.memory_space<vmem>>, vector<1x1x256xi32>,
    %neg3A_995 = arith.constant 0.000000e+00 : f32
    %neg3A_996 = vector.broadcast %neg3A_995 : f32 to vector<1x256xf32>
    %neg3A_997 = arith.subf %neg3A_996, %broadcast_in_dim3A_975 : vector<1x256xf32>
    %exp3A_998 = math.exp %neg3A_997 : vector<1x256xf32>
    %add3A_999 = arith.constant 1.000000e+00 : f32
    %add3A_1000 = vector.broadcast %add3A_999 : f32 to vector<1x256xf32>
    %add3A_1001 = arith.addf %add3A_1000, %exp3A_998 : vector<1x256xf32>
    %div3A_1002 = arith.constant 1.000000e+00 : f32
    %div3A_1003 = vector.broadcast %div3A_1002 : f32 to vector<1x256xf32>
    %div3A_1004 = arith.divf %div3A_1003, %add3A_1001 : vector<1x256xf32>
    %squeeze3A_1005 = vector.shape_cast %div3A_1004 : vector<1x256xf32> to vector<256xf32>
    %swap3A_1006 = arith.constant 0 : index
    %swap3A_1007 = arith.constant 0 : index
    %swap3A_1008 = arith.constant 2304 : index
    %swap3A_1009 = vector.load %arg5[%swap3A_1006, %swap3A_1007, %swap3A_1008] : memref<1x1x4096xf32, #tpu.memory_space<vmem>>, vector<1x1x256xf32>
    %swap3A_1010 = vector.shape_cast %swap3A_1009 : vector<1x1x256xf32> to vector<256xf32>
    %swap3A_1011 = vector.shape_cast %squeeze3A_1005 : vector<256xf32> to vector<1x1x256xf32>
    tpu.vector_store %arg5[%swap3A_1006, %swap3A_1007, %swap3A_1008], %swap3A_1011 {strides = array<i32>} : memref<1x1x4096xf32, #tpu.memory_space<vmem>>, vector<1x1x256xf32>,
    %iota3A_1012 = tpu.iota {dimensions = array<i32: 1>} : vector<1x256xi32>
    %add3A_1013 = arith.constant 2560 : i32
    %add3A_1014 = vector.broadcast %add3A_1013 : i32 to vector<1x256xi32>
    %add3A_1015 = arith.addi %iota3A_1012, %add3A_1014 : vector<1x256xi32>
    %eq3A_1016 = vector.broadcast %convert_element_type3A_424 : vector<4096x1xi32> to vector<4096x256xi32>
    %eq3A_1017 = vector.broadcast %add3A_1015 : vector<1x256xi32> to vector<4096x256xi32>
    %eq3A_1018 = arith.cmpi eq, %eq3A_1016, %eq3A_1017 : vector<4096x256xi32>
    %jit3A_1019 = arith.constant 0.000000e+00 : f32
    %broadcast_in_dim3A_1020 = vector.shape_cast %convert_element_type3A : vector<4096x1xf32> to vector<4096x1xf32>
    %broadcast_in_dim3A_1021 = vector.broadcast %broadcast_in_dim3A_1020 : vector<4096x1xf32> to vector<4096x256xf32>
    %broadcast_in_dim3A_1022 = vector.broadcast %jit3A_1019 : f32 to vector<4096x256xf32>
    %select_n3A_1023 = arith.select %eq3A_1018, %broadcast_in_dim3A_1021, %broadcast_in_dim3A_1022 : vector<4096x256xi1>, vector<4096x256xf32>
    %reduce_sum3A_1024 = arith.constant dense<0.000000e+00> : vector<256xf32>
    %reduce_sum3A_1025 = vector.multi_reduction <add>, %select_n3A_1023, %reduce_sum3A_1024 [0] : vector<4096x256xf32> to vector<256xf32>
    %broadcast_in_dim3A_1026 = vector.shape_cast %reduce_sum3A_1025 : vector<256xf32> to vector<1x256xf32>
    %jit3A_1027 = arith.constant 0.000000e+00 : f32
    %broadcast_in_dim3A_1028 = vector.shape_cast %get3A_3 : vector<4096x1xf32> to vector<4096x1xf32>
    %broadcast_in_dim3A_1029 = vector.broadcast %broadcast_in_dim3A_1028 : vector<4096x1xf32> to vector<4096x256xf32>
    %broadcast_in_dim3A_1030 = vector.broadcast %jit3A_1027 : f32 to vector<4096x256xf32>
    %select_n3A_1031 = arith.select %eq3A_1018, %broadcast_in_dim3A_1029, %broadcast_in_dim3A_1030 : vector<4096x256xi1>, vector<4096x256xf32>
    %reduce_sum3A_1032 = arith.constant dense<0.000000e+00> : vector<256xf32>
    %reduce_sum3A_1033 = vector.multi_reduction <add>, %select_n3A_1031, %reduce_sum3A_1032 [0] : vector<4096x256xf32> to vector<256xf32>
    %broadcast_in_dim3A_1034 = vector.shape_cast %reduce_sum3A_1033 : vector<256xf32> to vector<1x256xf32>
    %convert_element_type3A_1035 = arith.fptosi %broadcast_in_dim3A_1026 : vector<1x256xf32> to vector<1x256xi32>
    %squeeze3A_1036 = vector.shape_cast %convert_element_type3A_1035 : vector<1x256xi32> to vector<256xi32>
    %swap3A_1037 = arith.constant 0 : index
    %swap3A_1038 = arith.constant 0 : index
    %swap3A_1039 = arith.constant 2560 : index
    %swap3A_1040 = vector.load %arg3[%swap3A_1037, %swap3A_1038, %swap3A_1039] : memref<1x1x4096xi32, #tpu.memory_space<vmem>>, vector<1x1x256xi32>
    %swap3A_1041 = vector.shape_cast %swap3A_1040 : vector<1x1x256xi32> to vector<256xi32>
    %swap3A_1042 = vector.shape_cast %squeeze3A_1036 : vector<256xi32> to vector<1x1x256xi32>
    tpu.vector_store %arg3[%swap3A_1037, %swap3A_1038, %swap3A_1039], %swap3A_1042 {strides = array<i32>} : memref<1x1x4096xi32, #tpu.memory_space<vmem>>, vector<1x1x256xi32>,
    %mul3A_1043 = arith.constant 4096 : i32
    %mul3A_1044 = arith.muli %arg0, %mul3A_1043 : i32
    %add3A_1045 = vector.broadcast %mul3A_1044 : i32 to vector<1x256xi32>
    %add3A_1046 = arith.addi %convert_element_type3A_1035, %add3A_1045 : vector<1x256xi32>
    %squeeze3A_1047 = vector.shape_cast %add3A_1046 : vector<1x256xi32> to vector<256xi32>
    %swap3A_1048 = arith.constant 0 : index
    %swap3A_1049 = arith.constant 0 : index
    %swap3A_1050 = arith.constant 2560 : index
    %swap3A_1051 = vector.load %arg4[%swap3A_1048, %swap3A_1049, %swap3A_1050] : memref<1x1x4096xi32, #tpu.memory_space<vmem>>, vector<1x1x256xi32>
    %swap3A_1052 = vector.shape_cast %swap3A_1051 : vector<1x1x256xi32> to vector<256xi32>
    %swap3A_1053 = vector.shape_cast %squeeze3A_1047 : vector<256xi32> to vector<1x1x256xi32>
    tpu.vector_store %arg4[%swap3A_1048, %swap3A_1049, %swap3A_1050], %swap3A_1053 {strides = array<i32>} : memref<1x1x4096xi32, #tpu.memory_space<vmem>>, vector<1x1x256xi32>,
    %neg3A_1054 = arith.constant 0.000000e+00 : f32
    %neg3A_1055 = vector.broadcast %neg3A_1054 : f32 to vector<1x256xf32>
    %neg3A_1056 = arith.subf %neg3A_1055, %broadcast_in_dim3A_1034 : vector<1x256xf32>
    %exp3A_1057 = math.exp %neg3A_1056 : vector<1x256xf32>
    %add3A_1058 = arith.constant 1.000000e+00 : f32
    %add3A_1059 = vector.broadcast %add3A_1058 : f32 to vector<1x256xf32>
    %add3A_1060 = arith.addf %add3A_1059, %exp3A_1057 : vector<1x256xf32>
    %div3A_1061 = arith.constant 1.000000e+00 : f32
    %div3A_1062 = vector.broadcast %div3A_1061 : f32 to vector<1x256xf32>
    %div3A_1063 = arith.divf %div3A_1062, %add3A_1060 : vector<1x256xf32>
    %squeeze3A_1064 = vector.shape_cast %div3A_1063 : vector<1x256xf32> to vector<256xf32>
    %swap3A_1065 = arith.constant 0 : index
    %swap3A_1066 = arith.constant 0 : index
    %swap3A_1067 = arith.constant 2560 : index
    %swap3A_1068 = vector.load %arg5[%swap3A_1065, %swap3A_1066, %swap3A_1067] : memref<1x1x4096xf32, #tpu.memory_space<vmem>>, vector<1x1x256xf32>
    %swap3A_1069 = vector.shape_cast %swap3A_1068 : vector<1x1x256xf32> to vector<256xf32>
    %swap3A_1070 = vector.shape_cast %squeeze3A_1064 : vector<256xf32> to vector<1x1x256xf32>
    tpu.vector_store %arg5[%swap3A_1065, %swap3A_1066, %swap3A_1067], %swap3A_1070 {strides = array<i32>} : memref<1x1x4096xf32, #tpu.memory_space<vmem>>, vector<1x1x256xf32>,
    %iota3A_1071 = tpu.iota {dimensions = array<i32: 1>} : vector<1x256xi32>
    %add3A_1072 = arith.constant 2816 : i32
    %add3A_1073 = vector.broadcast %add3A_1072 : i32 to vector<1x256xi32>
    %add3A_1074 = arith.addi %iota3A_1071, %add3A_1073 : vector<1x256xi32>
    %eq3A_1075 = vector.broadcast %convert_element_type3A_424 : vector<4096x1xi32> to vector<4096x256xi32>
    %eq3A_1076 = vector.broadcast %add3A_1074 : vector<1x256xi32> to vector<4096x256xi32>
    %eq3A_1077 = arith.cmpi eq, %eq3A_1075, %eq3A_1076 : vector<4096x256xi32>
    %jit3A_1078 = arith.constant 0.000000e+00 : f32
    %broadcast_in_dim3A_1079 = vector.shape_cast %convert_element_type3A : vector<4096x1xf32> to vector<4096x1xf32>
    %broadcast_in_dim3A_1080 = vector.broadcast %broadcast_in_dim3A_1079 : vector<4096x1xf32> to vector<4096x256xf32>
    %broadcast_in_dim3A_1081 = vector.broadcast %jit3A_1078 : f32 to vector<4096x256xf32>
    %select_n3A_1082 = arith.select %eq3A_1077, %broadcast_in_dim3A_1080, %broadcast_in_dim3A_1081 : vector<4096x256xi1>, vector<4096x256xf32>
    %reduce_sum3A_1083 = arith.constant dense<0.000000e+00> : vector<256xf32>
    %reduce_sum3A_1084 = vector.multi_reduction <add>, %select_n3A_1082, %reduce_sum3A_1083 [0] : vector<4096x256xf32> to vector<256xf32>
    %broadcast_in_dim3A_1085 = vector.shape_cast %reduce_sum3A_1084 : vector<256xf32> to vector<1x256xf32>
    %jit3A_1086 = arith.constant 0.000000e+00 : f32
    %broadcast_in_dim3A_1087 = vector.shape_cast %get3A_3 : vector<4096x1xf32> to vector<4096x1xf32>
    %broadcast_in_dim3A_1088 = vector.broadcast %broadcast_in_dim3A_1087 : vector<4096x1xf32> to vector<4096x256xf32>
    %broadcast_in_dim3A_1089 = vector.broadcast %jit3A_1086 : f32 to vector<4096x256xf32>
    %select_n3A_1090 = arith.select %eq3A_1077, %broadcast_in_dim3A_1088, %broadcast_in_dim3A_1089 : vector<4096x256xi1>, vector<4096x256xf32>
    %reduce_sum3A_1091 = arith.constant dense<0.000000e+00> : vector<256xf32>
    %reduce_sum3A_1092 = vector.multi_reduction <add>, %select_n3A_1090, %reduce_sum3A_1091 [0] : vector<4096x256xf32> to vector<256xf32>
    %broadcast_in_dim3A_1093 = vector.shape_cast %reduce_sum3A_1092 : vector<256xf32> to vector<1x256xf32>
    %convert_element_type3A_1094 = arith.fptosi %broadcast_in_dim3A_1085 : vector<1x256xf32> to vector<1x256xi32>
    %squeeze3A_1095 = vector.shape_cast %convert_element_type3A_1094 : vector<1x256xi32> to vector<256xi32>
    %swap3A_1096 = arith.constant 0 : index
    %swap3A_1097 = arith.constant 0 : index
    %swap3A_1098 = arith.constant 2816 : index
    %swap3A_1099 = vector.load %arg3[%swap3A_1096, %swap3A_1097, %swap3A_1098] : memref<1x1x4096xi32, #tpu.memory_space<vmem>>, vector<1x1x256xi32>
    %swap3A_1100 = vector.shape_cast %swap3A_1099 : vector<1x1x256xi32> to vector<256xi32>
    %swap3A_1101 = vector.shape_cast %squeeze3A_1095 : vector<256xi32> to vector<1x1x256xi32>
    tpu.vector_store %arg3[%swap3A_1096, %swap3A_1097, %swap3A_1098], %swap3A_1101 {strides = array<i32>} : memref<1x1x4096xi32, #tpu.memory_space<vmem>>, vector<1x1x256xi32>,
    %mul3A_1102 = arith.constant 4096 : i32
    %mul3A_1103 = arith.muli %arg0, %mul3A_1102 : i32
    %add3A_1104 = vector.broadcast %mul3A_1103 : i32 to vector<1x256xi32>
    %add3A_1105 = arith.addi %convert_element_type3A_1094, %add3A_1104 : vector<1x256xi32>
    %squeeze3A_1106 = vector.shape_cast %add3A_1105 : vector<1x256xi32> to vector<256xi32>
    %swap3A_1107 = arith.constant 0 : index
    %swap3A_1108 = arith.constant 0 : index
    %swap3A_1109 = arith.constant 2816 : index
    %swap3A_1110 = vector.load %arg4[%swap3A_1107, %swap3A_1108, %swap3A_1109] : memref<1x1x4096xi32, #tpu.memory_space<vmem>>, vector<1x1x256xi32>
    %swap3A_1111 = vector.shape_cast %swap3A_1110 : vector<1x1x256xi32> to vector<256xi32>
    %swap3A_1112 = vector.shape_cast %squeeze3A_1106 : vector<256xi32> to vector<1x1x256xi32>
    tpu.vector_store %arg4[%swap3A_1107, %swap3A_1108, %swap3A_1109], %swap3A_1112 {strides = array<i32>} : memref<1x1x4096xi32, #tpu.memory_space<vmem>>, vector<1x1x256xi32>,
    %neg3A_1113 = arith.constant 0.000000e+00 : f32
    %neg3A_1114 = vector.broadcast %neg3A_1113 : f32 to vector<1x256xf32>
    %neg3A_1115 = arith.subf %neg3A_1114, %broadcast_in_dim3A_1093 : vector<1x256xf32>
    %exp3A_1116 = math.exp %neg3A_1115 : vector<1x256xf32>
    %add3A_1117 = arith.constant 1.000000e+00 : f32
    %add3A_1118 = vector.broadcast %add3A_1117 : f32 to vector<1x256xf32>
    %add3A_1119 = arith.addf %add3A_1118, %exp3A_1116 : vector<1x256xf32>
    %div3A_1120 = arith.constant 1.000000e+00 : f32
    %div3A_1121 = vector.broadcast %div3A_1120 : f32 to vector<1x256xf32>
    %div3A_1122 = arith.divf %div3A_1121, %add3A_1119 : vector<1x256xf32>
    %squeeze3A_1123 = vector.shape_cast %div3A_1122 : vector<1x256xf32> to vector<256xf32>
    %swap3A_1124 = arith.constant 0 : index
    %swap3A_1125 = arith.constant 0 : index
    %swap3A_1126 = arith.constant 2816 : index
    %swap3A_1127 = vector.load %arg5[%swap3A_1124, %swap3A_1125, %swap3A_1126] : memref<1x1x4096xf32, #tpu.memory_space<vmem>>, vector<1x1x256xf32>
    %swap3A_1128 = vector.shape_cast %swap3A_1127 : vector<1x1x256xf32> to vector<256xf32>
    %swap3A_1129 = vector.shape_cast %squeeze3A_1123 : vector<256xf32> to vector<1x1x256xf32>
    tpu.vector_store %arg5[%swap3A_1124, %swap3A_1125, %swap3A_1126], %swap3A_1129 {strides = array<i32>} : memref<1x1x4096xf32, #tpu.memory_space<vmem>>, vector<1x1x256xf32>,
    return
  }
  func.func @transform_0(%arg0: i32) -> (i32, i32, i32) {
    %c0_i32 = arith.constant 0 : i32
    %c0_i32_0 = arith.constant 0 : i32
    %c0_i32_1 = arith.constant 0 : i32
    return %arg0, %c0_i32, %c0_i32_0 : i32, i32, i32
  }
  func.func @transform_1(%arg0: i32) -> (i32, i32, i32) {
    %c0_i32 = arith.constant 0 : i32
    %c0_i32_0 = arith.constant 0 : i32
    %c0_i32_1 = arith.constant 0 : i32
    return %arg0, %c0_i32, %c0_i32_0 : i32, i32, i32
  }
  func.func @transform_2(%arg0: i32) -> (i32, i32, i32) {
    %c0_i32 = arith.constant 0 : i32
    %c0_i32_0 = arith.constant 0 : i32
    %c0_i32_1 = arith.constant 0 : i32
    return %arg0, %c0_i32, %c0_i32_0 : i32, i32, i32
  }
  func.func @transform_3(%arg0: i32) -> (i32, i32, i32) {
    %c0_i32 = arith.constant 0 : i32
    %c0_i32_0 = arith.constant 0 : i32
    %c0_i32_1 = arith.constant 0 : i32
    return %arg0, %c0_i32, %c0_i32_0 : i32, i32, i32
  }
  func.func @transform_4(%arg0: i32) -> (i32, i32, i32) {
    %c0_i32 = arith.constant 0 : i32
    %c0_i32_0 = arith.constant 0 : i32
    %c0_i32_1 = arith.constant 0 : i32
    return %arg0, %c0_i32, %c0_i32_0 : i32, i32, i32
  }
}

module attributes {stable_mosaic.version = 14 : i64} {
  func.func @_tail_body(%arg0: i32, %arg1: memref<6xi32, #tpu.memory_space<smem>>, %arg2: memref<5734x1x2048xf32, #tpu.memory_space<any>>, %arg3: memref<1x1x2048xf32, #tpu.memory_space<vmem>>, %arg4: memref<1x1x2048xf32, #tpu.memory_space<vmem>>) attributes {dimension_semantics = [#tpu.dimension_semantics<arbitrary>], iteration_bounds = array<i64: 6>, scalar_prefetch = 1 : i64, scratch_operands = 0 : i64, tpu.core_type = #tpu.core_type<tc>, window_params = [{}, {transform_indices = @transform_1, window_bounds = array<i64: 1, 1, 2048>}, {transform_indices = @transform_2, window_bounds = array<i64: 1, 1, 2048>}]} {
    %get3A = arith.constant 0 : index
    %get3A_0 = arith.constant 0 : index
    %get3A_1 = arith.constant 0 : index
    %get3A_2 = vector.load %arg3[%get3A, %get3A_0, %get3A_1] : memref<1x1x2048xf32, #tpu.memory_space<vmem>>, vector<1x1x2048xf32>
    %get3A_3 = vector.shape_cast %get3A_2 : vector<1x1x2048xf32> to vector<1x2048xf32>
    %swap3A = arith.constant 0 : index
    %swap3A_4 = arith.constant 0 : index
    %swap3A_5 = arith.constant 0 : index
    %swap3A_6 = vector.load %arg4[%swap3A, %swap3A_4, %swap3A_5] : memref<1x1x2048xf32, #tpu.memory_space<vmem>>, vector<1x1x2048xf32>
    %swap3A_7 = vector.shape_cast %swap3A_6 : vector<1x1x2048xf32> to vector<1x2048xf32>
    %swap3A_8 = vector.shape_cast %get3A_3 : vector<1x2048xf32> to vector<1x1x2048xf32>
    tpu.vector_store %arg4[%swap3A, %swap3A_4, %swap3A_5], %swap3A_8 {strides = array<i32>} : memref<1x1x2048xf32, #tpu.memory_space<vmem>>, vector<1x1x2048xf32>,
    return
  }
  func.func @transform_1(%arg0: i32, %arg1: memref<6xi32, #tpu.memory_space<smem>>) -> (i32, i32, i32) {
    %get3A = arith.index_cast %arg0 : i32 to index
    %get3A_0 = memref.load %arg1[%get3A] : memref<6xi32, #tpu.memory_space<smem>>
    %c0_i32 = arith.constant 0 : i32
    %c0_i32_1 = arith.constant 0 : i32
    %c0_i32_2 = arith.constant 0 : i32
    return %get3A_0, %c0_i32, %c0_i32_1 : i32, i32, i32
  }
  func.func @transform_2(%arg0: i32, %arg1: memref<6xi32, #tpu.memory_space<smem>>) -> (i32, i32, i32) {
    %add3A = arith.constant 5728 : i32
    %add3A_0 = arith.addi %add3A, %arg0 : i32
    %c0_i32 = arith.constant 0 : i32
    %c0_i32_1 = arith.constant 0 : i32
    %c0_i32_2 = arith.constant 0 : i32
    return %add3A_0, %c0_i32, %c0_i32_1 : i32, i32, i32
  }
}

</mosaic_0001>

<sc_bundles>
// kernel: kernel.6.cloned.1.call-start
scs
__scs_entry_jumppad:
0x0: {  	(pc) =	sbr.rel $0x88, $3  }
0x1: {  	(tag) =	ssettag $0x0;
	lr =	simm.s32 $0x1  }
0x2: {  	[smem:$0x3F9C] =	sst lr;
	_ =	strace $0xD0000000  }
0x3: {  	_ = 	snop  }
0x4: {  	_ = 	snop  }
0x5: {  	_ = 	snop  }
0x6: {  	_ = 	snop  }
0x7: {  	_ = 	snop  }
__scs_overlays_trampoline_lowered:
0x8: {  	[smem:$0x3FAB] =	sst s0  }
0x9: {  	[smem:$0x3FAC] =	sst s1  }
0xa: {  	[smem:$0x3FAD] =	sst s2  }
0xb: {  	[smem:$0x3FAE] =	sst s3  }
0xc: {  	[smem:$0x3FAF] =	sst s4  }
0xd: {  	[smem:$0x3FB0] =	sst s5  }
0xe: {  	[smem:$0x3FB1] =	sst s6  }
0xf: {  	[smem:$0x3FB2] =	sst s7  }
0x10: {  	[smem:$0x3FB3] =	sst s8  }
0x11: {  	[smem:$0x3FB4] =	sst s9;
	s0 =	simm.s32 @!p0 $0x0  }
0x12: {  	s1 =	sld [smem:$0x3F9A];
	s0 =	simm.s32 @p0 $0x1  }
0x13: {  	[smem:$0x3FB5] =	sst s0;
	s0 =	simm.s32 @!p1 $0x0  }
0x14: {  	s2 =	sld [smem:$0x3F99];
	s0 =	simm.s32 @p1 $0x1  }
0x15: {  	[smem:$0x3FB6] =	sst s0;
	s0 =	simm.s32 @!p2 $0x0  }
0x16: {  	s3 =	sld [smem:$0x3FDB];
	s0 =	simm.s32 @p2 $0x1  }
0x17: {  	s4 =	simm.s32 $0x1BF5;
	[smem:$0x3FB8] =	sst s0  }
0x18: {  	s0 =	sld [smem:$0x3F9B];
	_ =	swait.ge [sflag:s4], $0x0  }
0x19: {  	s7 =	sld [smem:$0x3F9C]  }
0x1a: {  	s8 =	sadd.s32 $0xFFFFE003, lr  }
0x1b: {  	s9 =	sadd.s32 $0xFFFFFEF7, lr;
	s5 =	simm.s32 $0xFFFFFFFF;
	p2 =	slt.u32 s8, $0xFFFFF086  }
0x1c: {  	p1 =	slt.u32 s9, $0xF7A;
	s5 =	simm.s32 @!p2 $0x0  }
0x1d: {  	s5 =	simm.s32 @p1 $0x1;
	p0 =	seq.s32 s7, s2  }
0x1e: {  	s7 =	smul.u32 @!p0 $0xF7A, s2;
	p2 =	seq.s32 @!p0 s5, $0x0  }
0x1f: {  	s9 =	smul.u32 $0xF7A, s1;
	s8 =	simm.s32 @!p0 $0x1BF5;
	p2 =	por !p2, p0  }
0x20: {  	[sflag:s8] =	ssyncset.s32 @!p0 $0xFFFFF086;
	s6 =	sadd.s32 @!p0 s3, s7;
	s7 =	simm.s32 @!p0 $0x108  }
0x21: {  	s3 =	sadd.s32 s3, s9;
	s6 =	sadd.s32 @!p0 $0x88, s6;
	s7 =	simm.s32 @p2 $0x1082  }
0x22: {  	[simem:s7], [sflag:s8] =	dma.local @!p0 [hbm:s6], $0xF7A  }
0x23: {  	s9 =	sor.u32 $0xD0000000, s2;
	s6 =	simm.s32 $0x108;
	_ =	swait.ge @!p0 [sflag:s8], $0x0  }
0x24: {  	s3 =	sadd.s32 $0x88, s3;
	s6 =	simm.s32 @!p1 $0x1082;
	[sflag:s4] =	ssyncset.s32 $0xFFFFF086  }
0x25: {  	[simem:s6], [sflag:s4] =	dma.local [hbm:s3], $0xF7A  }
0x26: {  	[smem:$0x3F9C] =	sst s1;
	(tag) =	ssettag s2;
	_ =	strace s9  }
0x27: {  	s1 =	sld [smem:$0x3FAC]  }
0x28: {  	s2 =	sld [smem:$0x3FAD]  }
0x29: {  	s4 =	sld [smem:$0x3FAF]  }
0x2a: {  	p0 =	seq.s32 s5, $0x0;
	s5 =	sld [smem:$0x3FB0]  }
0x2b: {  	s6 =	sld [smem:$0x3FB1]  }
0x2c: {  	s7 =	sld [smem:$0x3FB2]  }
0x2d: {  	s3 =	simm.s32 $0x108;
	s8 =	sld [smem:$0x3FB3]  }
0x2e: {  	s3 =	simm.s32 @!p0 $0x1082;
	s9 =	sld [smem:$0x3FB4]  }
0x2f: {  	lr =	sadd.s32 s0, s3;
	s0 =	sld [smem:$0x3FAB]  }
0x30: {  	s3 =	sld [smem:$0x3FAE]  }
0x31: {  	[smem:$0x3FB7] =	sst s10  }
0x32: {  	s10 =	sld [smem:$0x3FB5];
	_ =	sdelay $0x3  }
0x33: {  	p0 =	seq.s32 s10, $0x1;
	s10 =	sld [smem:$0x3FB7];
	_ =	sdelay $0x3  }
0x34: {  	[smem:$0x3FB7] =	sst s10  }
0x35: {  	s10 =	sld [smem:$0x3FB6];
	_ =	sdelay $0x3  }
0x36: {  	p1 =	seq.s32 s10, $0x1;
	s10 =	sld [smem:$0x3FB7];
	_ =	sdelay $0x3  }
0x37: {  	[smem:$0x3FB7] =	sst s10  }
0x38: {  	s10 =	sld [smem:$0x3FB8]  }
0x39: {  	_ = 	snop;
	(pc) =	sbr.ind lr, $3  }
0x3a: {  	_ = 	snop  }
0x3b: {  	_ = 	snop  }
0x3c: {  	p2 =	seq.s32 s10, $0x1;
	s10 =	sld [smem:$0x3FB7]  }
0x3d: {  	_ =	shalt  }
0x3e: {  	_ =	shalt  }
0x3f: {  	_ =	shalt  }
0x40: {  	_ =	shalt  }
0x41: {  	_ =	shalt  }
0x42: {  	_ =	shalt  }
0x43: {  	_ =	shalt  }
0x44: {  	_ =	shalt  }
0x45: {  	_ =	shalt  }
0x46: {  	_ =	shalt  }
0x47: {  	_ =	shalt  }
0x48: {  	_ =	shalt  }
0x49: {  	_ =	shalt  }
0x4a: {  	_ =	shalt  }
0x4b: {  	_ =	shalt  }
0x4c: {  	_ =	shalt  }
0x4d: {  	_ =	shalt  }
0x4e: {  	_ =	shalt  }
0x4f: {  	_ =	shalt  }
0x50: {  	_ =	shalt  }
0x51: {  	_ =	shalt  }
0x52: {  	_ =	shalt  }
0x53: {  	_ =	shalt  }
0x54: {  	_ =	shalt  }
0x55: {  	_ =	shalt  }
0x56: {  	_ =	shalt  }
0x57: {  	_ =	shalt  }
0x58: {  	_ =	shalt  }
0x59: {  	_ =	shalt  }
0x5a: {  	_ =	shalt  }
0x5b: {  	_ =	shalt  }
0x5c: {  	_ =	shalt  }
0x5d: {  	_ =	shalt  }
0x5e: {  	_ =	shalt  }
0x5f: {  	_ =	shalt  }
0x60: {  	_ =	shalt  }
0x61: {  	_ =	shalt  }
0x62: {  	_ =	shalt  }
0x63: {  	_ =	shalt  }
0x64: {  	_ =	shalt  }
0x65: {  	_ =	shalt  }
0x66: {  	_ =	shalt  }
0x67: {  	_ =	shalt  }
0x68: {  	_ =	shalt  }
0x69: {  	_ =	shalt  }
0x6a: {  	_ =	shalt  }
0x6b: {  	_ =	shalt  }
0x6c: {  	_ =	shalt  }
0x6d: {  	_ =	shalt  }
0x6e: {  	_ =	shalt  }
0x6f: {  	_ =	shalt  }
0x70: {  	_ =	shalt  }
0x71: {  	_ =	shalt  }
0x72: {  	_ =	shalt  }
0x73: {  	_ =	shalt  }
0x74: {  	_ =	shalt  }
0x75: {  	_ =	shalt  }
0x76: {  	_ =	shalt  }
0x77: {  	_ =	shalt  }
0x78: {  	_ =	shalt  }
0x79: {  	_ =	shalt  }
0x7a: {  	_ =	shalt  }
0x7b: {  	_ =	shalt  }
0x7c: {  	_ =	shalt  }
0x7d: {  	_ =	shalt  }
0x7e: {  	_ =	shalt  }
0x7f: {  	_ =	shalt  }
0x80: {  	_ =	shalt  }
0x81: {  	_ =	shalt  }
0x82: {  	_ =	shalt  }
0x83: {  	_ =	shalt  }
0x84: {  	_ =	shalt  }
0x85: {  	_ =	shalt  }
0x86: {  	_ =	shalt  }
0x87: {  	_ =	shalt  }
.Lfunc_end0:
.L_simem_size_0:
called_computation.1_lowered:
.L_overlay_start_0:
0x88: {  	s2 =	sld [smem:$0x3FD9]  }
0x89: {  	s3 =	sld [smem:$0x3FFE];
	_ =	sdelay $0x1  }
0x8a: {  	s1 =	srdreg.scid  }
0x8b: {  	s0 =	sand.u32 $0x1, s1  }
0x8c: {  	s14 =	sshll.u32 s0, $0xA;
	s2 =	sadd.s32 s3, s2  }
0x8d: {  	s2 =	sadd.s32 s2, s14  }
0x8e: {  	[smem:$0x3FC3] =	sst s2  }
0x8f: {  	_ = 	snop  }
0x90: {  	s2 =	sld [smem:$0x3FD0];
	_ =	sdelay $0x2  }
0x91: {  	s4 =	simm.s32 $0xA;
	s5 =	simm.s32 $0x10;
	s15 =	sld [smem:$0x3FC9]  }
0x92: {  	[smem:s5], [sflag:s4] =	dma.local [hbm:s2], $0x1  }
0x93: {  	_ =	swait.eq [sflag:s4], $0x1  }
0x94: {  	[sflag:s4] =	ssyncset.done $0x0  }
0x95: {  	[sflag:s4] =	ssyncadd.s32 $0xFFFFFFFF  }
0x96: {  	s16 =	sld [smem:$0x10];
	(tm) =	ssettm $0x1  }
0x97: {  	s17 =	sld [smem:$0x3FFB];
	_ =	sdelay $0x3  }
0x98: {  	_ =	strace s17  }
0x99: {  	s4 =	sld [smem:$0x3FFC];
	_ =	sdelay $0x3  }
0x9a: {  	_ =	strace s4  }
0x9b: {  	s4 =	sld [smem:$0x3FFD];
	_ =	sdelay $0x3  }
0x9c: {  	_ =	strace s4  }
0x9d: {  	_ =	strace $0x8FFFFFFF  }
0x9e: {  	s18 =	sld [smem:$0x3FDB];
	_ =	sdelay $0x1  }
0x9f: {  	s19 =	simm.s32 $_scs_section_size  }
0xa0: {  	s6 =	simm.s32 $_size__tile_overlayer_lowered;
	s7 =	simm.s32 $_tile_overlayer_lowered  }
0xa1: {  	s22 =	simm.s32 $0x1BFF;
	s21 =	sshll.u32 s7, $0x1;
	s4 =	sadd.s32 s19, s18  }
0xa2: {  	s8 =	simm.s32 $0x0;
	s20 =	sshll.u32 s6, $0x1;
	s6 =	sadd.s32 s21, s4  }
0xa3: {  	[timem:s8], [sflag:s22] =	dma.local [hbm:s6], s20  }
0xa4: {  	_ =	swait.ge [sflag:s22], s20  }
0xa5: {  	s5 =	ssub.s32 $0x0, s20;
	[sflag:s22] =	ssyncset.done $0x0  }
0xa6: {  	[sflag:s22] =	ssyncadd.s32 s5;
	_ =	sdelay $0x1  }
0xa7: {  	s23 =	simm.s32 $0x1B8B  }
0xa8: {  	_ =	swait.ge [sflag:s23], $0x1  }
0xa9: {  	[sflag:s23] =	ssyncset.done $0x0  }
0xaa: {  	s25 =	simm.s32 $0x1B8E;
	s24 =	sld [smem:$0x3FFE];
	[sflag:s23] =	ssyncadd.s32 $0xFFFFFFFF  }
0xab: {  	s26 =	simm.s32 $execute0_lowered;
	[smem:$0x3FD2] =	sst s25  }
0xac: {  	s6 =	sshll.u32 s26, $0x1;
	_ =	strace $0x80000046;
	[dreg:$0x1] =	wrdreg $0xFFFFFFFF  }
0xad: {  	s28 =	simm.s32 $_size_execute0_lowered;
	s4 =	sadd.s32 s4, s6;
	[dreg:$0x0] =	wrdreg $0x0  }
0xae: {  	s6 =	sshll.u32 s28, $0x1;
	[dreg:$0x2] =	wrdreg s4  }
0xaf: {  	[dreg:$0x3] =	wrdreg s6  }
0xb0: {  	[dreg:$0x4] =	wrdreg $0xC0  }
0xb1: {  	_ =	task [dreg:s8], $0x5FFFF  }
0xb2: {  	[dreg:$0x1] =	wrdreg $0xFFFFFFFF  }
0xb3: {  	[dreg:$0x0] =	wrdreg $0x60  }
0xb4: {  	[dreg:$0x2] =	wrdreg s15  }
0xb5: {  	[dreg:$0x3] =	wrdreg s16  }
0xb6: {  	[dreg:$0x4] =	wrdreg s24  }
0xb7: {  	[dreg:$0x5] =	wrdreg $0x9  }
0xb8: {  	_ =	task.clear_ibuf [dreg:s8], $0x6FFFF;
	_ =	strace $0x90000046  }
0xb9: {  	s29 =	simm.s32 $0x9;
	_ =	strace $0x80000048  }
0xba: {  	_ =	swait.ge [sflag:s29], $0x1  }
0xbb: {  	[sflag:s29] =	ssyncadd.s32 $0xFFFFFFFF  }
0xbc: {  	_ =	strace $0x90000048  }
0xbd: {  	_ =	sfence  }
0xbe: {  	s30 =	sld [smem:$0x0];
	_ =	sdelay $0x2  }
0xbf: {  	s31 =	sshll.u32 s1, $0xD;
	s1 =	sshrl.u32 s1, $0x2  }
0xc0: {  	s3 =	sand.u32 $0x4000, s31;
	s1 =	sadd.s32 s1, s30  }
0xc1: {  	s0 =	sor.u32 s3, s0;
	s1 =	sshll.u32 s1, $0x11  }
0xc2: {  	s0 =	sor.u32 s1, s0  }
0xc3: {  	s0 =	sadd.s32 $0x8F2B, s0  }
0xc4: {  	[sflag:s0] =	ssyncadd.remote.s32 $0x1  }
0xc5: {  	_ =	sfence.sel $0xFFFF  }
0xc6: {  	[dreg:$0x0] =	wrdreg $0xFFFFFFFF;
	(pc) =	sbr.abs _section_cstart, $3  }
0xc7: {  	[dreg:$0x1] =	wrdreg $0xFFFFFFFF  }
0xc8: {  	_ =	task.clear_ibuf [dreg:s8], $0x2FFFF;
	_ =	strace $0x9FFFFFFF  }
0xc9: {  	(tm) =	ssettm $0x7FFFFFFF  }
tec
execute0_lowered:
.L_overlay_start_1:
0x0: {  	(tag) =	ssettag $0x1  }
0x1: {  	s2 =	srdreg.scid;
	s3 =	stileid.u32  }
0x2: {  	s2 =	sand.u32 $0x1, s2;
	s3 =	sshll.u32 s3, $0x1  }
0x3: {  	s5 =	sor.u32 s2, s3  }
0x4: {  	s1 =	rddreg [dreg:$0x0];
	s6 =	smul.u32 $0xB800, s5  }
0x5: {  	s0 =	rddreg [dreg:$0x1];
	s8 =	smul.u32 $0x17, s5  }
0x6: {  	s4 =	rddreg [dreg:$0x2];
	s3 =	simm.s32 $0x0  }
0x7: {  	[smem:$0x7FF] =	sst s3;
	s4 =	sadd.s32 s6, s4;
	s0 =	sadd.s32 s0, s8  }
0x8: {  	_ =	strace $0x80000047;
	[dreg:$0x4] =	wrdreg s0;
	s25 =	sadd.s32 $0x1800, s4  }
0x9: {  	s2 =	ssub.s32 $0x2, s2;
	s26 =	sadd.s32 $0x2000, s4;
	[dreg:$0x5] =	wrdreg s25  }
0xa: {  	s7 =	sshrl.u32 s2, $0x1;
	s6 =	sadd.s32 $0x2800, s4;
	[dreg:$0x6] =	wrdreg s26  }
0xb: {  	s2 =	ssub.s32 s2, s7;
	s7 =	sadd.s32 $0x3000, s4;
	[dreg:$0x7] =	wrdreg s6  }
0xc: {  	s8 =	sadd.s32 $0x3800, s4;
	[dreg:$0x8] =	wrdreg s7  }
0xd: {  	s9 =	sadd.s32 $0x4000, s4;
	[dreg:$0x9] =	wrdreg s8  }
0xe: {  	s10 =	sadd.s32 $0x4800, s4;
	[dreg:$0xa] =	wrdreg s9  }
0xf: {  	s11 =	sadd.s32 $0x5000, s4;
	[dreg:$0xb] =	wrdreg s10  }
0x10: {  	s12 =	sadd.s32 $0x5800, s4;
	[dreg:$0xc] =	wrdreg s11  }
0x11: {  	s13 =	sadd.s32 $0x6000, s4;
	[dreg:$0xd] =	wrdreg s12  }
0x12: {  	s14 =	sadd.s32 $0x6800, s4;
	[dreg:$0xe] =	wrdreg s13  }
0x13: {  	s15 =	sadd.s32 $0x7000, s4;
	[dreg:$0xf] =	wrdreg s14  }
0x14: {  	s16 =	sadd.s32 $0x7800, s4;
	[dreg:$0x10] =	wrdreg s15  }
0x15: {  	s28 =	simm.s32 $0x7900;
	s17 =	sadd.s32 $0x8000, s4;
	[dreg:$0x11] =	wrdreg s16  }
0x16: {  	s30 =	sadd.s32 $0x100, s1;
	s18 =	sadd.s32 $0x8800, s4;
	[dreg:$0x12] =	wrdreg s17  }
0x17: {  	s31 =	sadd.s32 $0x200, s1;
	s19 =	sadd.s32 $0x9000, s4;
	[dreg:$0x13] =	wrdreg s18  }
0x18: {  	p0 =	seq.s32 s5, $0x1F;
	s20 =	sadd.s32 $0x9800, s4;
	[dreg:$0x14] =	wrdreg s19  }
0x19: {  	s5 =	simm.s32 $0x3;
	s21 =	sadd.s32 $0xA000, s4;
	[dreg:$0x15] =	wrdreg s20  }
0x1a: {  	s29 =	smax.u32 s2, $0x1;
	s22 =	sadd.s32 $0xA800, s4;
	[dreg:$0x16] =	wrdreg s21  }
0x1b: {  	s2 =	sadd.s32 $0x300, s1;
	s23 =	sadd.s32 $0xB000, s4;
	[dreg:$0x17] =	wrdreg s22  }
0x1c: {  	s24 =	sadd.s32 $0xB800, s4;
	s0 =	sadd.s32 $0x400, s1;
	[dreg:$0x18] =	wrdreg s23  }
0x1d: {  	[dreg:$0x19] =	wrdreg s24;
	s25 =	sadd.s32 $0xC000, s4;
	s26 =	sadd.s32 $0xC800, s4  }
0x1e: {  	s8 =	sadd.s32 $0x500, s1;
	s9 =	sadd.s32 $0x600, s1;
	s10 =	sadd.s32 $0x700, s1  }
0x1f: {  	s12 =	simm.s32 $0x100;
	s13 =	simm.s32 $0x900;
	s14 =	simm.s32 $0x1100  }
0x20: {  	s15 =	simm.s32 $0x1900;
	s16 =	simm.s32 $0x2100;
	s17 =	simm.s32 $0x2900  }
.Ltmp0:
0x21: {  	s18 =	simm.s32 $0x3100;
	s19 =	simm.s32 $0x3900;
	(pc) =	sbr.rel .LBB2_1-.Ltmp0, $4  }
0x22: {  	s20 =	simm.s32 $0x4100;
	s21 =	simm.s32 $0x4900;
	s22 =	simm.s32 $0x5100  }
0x23: {  	v0 =	vlaneseq.u32;
	s23 =	simm.s32 $0x5900;
	s24 =	simm.s32 $0x6100;
	s4 =	simm.s32 $0x1  }
0x24: {  	v1 =	vshrl.u32 v0, $0x3;
	s6 =	simm.s32 $0x2;
	s7 =	simm.s32 $0x4;
	[dreg:$0x1a] =	wrdreg s25  }
0x25: {  	vm0 =	vmmov $0xffff;
	v0 =	vand.u32 $0x7, v0;
	v1 =	vmul.u32 $0x8, v1;
	[dreg:$0x1b] =	wrdreg s26;
	s25 =	simm.s32 $0x6900;
	s26 =	simm.s32 $0x7100  }
.LBB2_3:
0x26: {  	_ =	swait.ge [sflag:s4], $0x4000  }
0x27: {  	[sflag:s4] =	ssyncset.done $0x0  }
0x28: {  	s11 =	rddreg [dreg:$0x7];
	[sflag:s4] =	ssyncadd.s32 $0xFFFFC000  }
0x29: {  	[hbm4b:s11+s3] =	stream.linear.scatter [tilespmem:s12], [sflag:$0x3], $0x4000, $0x38;
	[tilespmem:$0x8100] =	vst v63  }
.LBB2_4:
0x2a: {  	s29 =	sadd.s32 $0xFFFFFFFF, s29  }
0x2b: {  	p1 =	sne.s32 s29, $0x0  }
.Ltmp1:
0x2c: {  	_ = 	snop;
	(pc) =	sbr.rel @!p1 .LBB2_5-.Ltmp1, $4  }
0x2d: {  	_ = 	snop  }
0x2e: {  	_ =	swait.ge [sflag:s5], $0x4000  }
0x2f: {  	[sflag:s5] =	ssyncset.done $0x0  }
0x30: {  	[sflag:s5] =	ssyncadd.s32 $0xFFFFC000  }
.LBB2_1:
0x31: {  	s11 =	rddreg [dreg:$0x4]  }
0x32: {  	[tilespmem:s3], [sflag:$0x5] =	stream.linear.gather [hbm4b:s11+s3], $0xB8, $0x38;
	[tilespmem:$0x8100] =	vst v63  }
0x33: {  	s11 =	simm.s32 $0x5  }
0x34: {  	_ =	swait.ge [sflag:s11], $0xB8  }
0x35: {  	[sflag:s11] =	ssyncset.done $0x0  }
0x36: {  	[sflag:s11] =	ssyncadd.s32 $0xFFFFFF48  }
0x37: {  	v2 =	vld.msk [tilespmem:$0x0], $0xff;
	_ =	sdelay $0x4  }
0x38: {  	v3 =	vshll.u32 v2, $0x4  }
0x39: {  	v2 =	vand.u32 $0x7, v2;
	v3 =	vand.u32 $0xFFFFFF80, v3  }
0x3a: {  	v2 =	vor.u32 v2, v3  }
0x3b: {  	v2 =	vperm.xlane v2, v0;
	_ =	sdelay $0x1  }
0x3c: {  	v2 =	vadd.s32 v1, v2;
	_ =	sdelay $0x4  }
0x3d: {  	[tilespmem:s12], [sflag:$0x1] =	stream.indirect_vreg.gather [hbm4b:s1+s3], $0x80, v2, vm0, $0xb8;
	[tilespmem:$0x8100] =	vst v63  }
0x3e: {  	_ = 	snop  }
0x3f: {  	[tilespmem:s13], [sflag:$0x1] =	stream.indirect_vreg.gather [hbm4b:s30+s3], $0x80, v2, vm0, $0xb8;
	[tilespmem:$0x8100] =	vst v63  }
0x40: {  	_ = 	snop  }
0x41: {  	[tilespmem:s14], [sflag:$0x1] =	stream.indirect_vreg.gather [hbm4b:s31+s3], $0x80, v2, vm0, $0xb8;
	[tilespmem:$0x8100] =	vst v63  }
0x42: {  	_ = 	snop  }
0x43: {  	[tilespmem:s15], [sflag:$0x1] =	stream.indirect_vreg.gather [hbm4b:s2+s3], $0x80, v2, vm0, $0xb8;
	[tilespmem:$0x8100] =	vst v63  }
0x44: {  	_ = 	snop  }
0x45: {  	[tilespmem:s16], [sflag:$0x1] =	stream.indirect_vreg.gather [hbm4b:s0+s3], $0x80, v2, vm0, $0xb8;
	[tilespmem:$0x8100] =	vst v63  }
0x46: {  	_ = 	snop  }
0x47: {  	[tilespmem:s17], [sflag:$0x1] =	stream.indirect_vreg.gather [hbm4b:s8+s3], $0x80, v2, vm0, $0xb8;
	[tilespmem:$0x8100] =	vst v63  }
0x48: {  	_ = 	snop  }
0x49: {  	[tilespmem:s18], [sflag:$0x1] =	stream.indirect_vreg.gather [hbm4b:s9+s3], $0x80, v2, vm0, $0xb8;
	[tilespmem:$0x8100] =	vst v63  }
0x4a: {  	_ = 	snop  }
0x4b: {  	[tilespmem:s19], [sflag:$0x1] =	stream.indirect_vreg.gather [hbm4b:s10+s3], $0x80, v2, vm0, $0xb8;
	[tilespmem:$0x8100] =	vst v63  }
0x4c: {  	v2 =	vld.msk [tilespmem:$0x8], $0xff;
	_ =	sdelay $0x4  }
0x4d: {  	v3 =	vshll.u32 v2, $0x4  }
0x4e: {  	v2 =	vand.u32 $0x7, v2;
	v3 =	vand.u32 $0xFFFFFF80, v3  }
0x4f: {  	v2 =	vor.u32 v2, v3  }
0x50: {  	v2 =	vperm.xlane v2, v0;
	_ =	sdelay $0x1  }
0x51: {  	v2 =	vadd.s32 v1, v2;
	_ =	sdelay $0x4  }
0x52: {  	[tilespmem:s20], [sflag:$0x2] =	stream.indirect_vreg.gather [hbm4b:s1+s3], $0x80, v2, vm0, $0xb8;
	[tilespmem:$0x8100] =	vst v63  }
0x53: {  	_ = 	snop  }
0x54: {  	[tilespmem:s21], [sflag:$0x2] =	stream.indirect_vreg.gather [hbm4b:s30+s3], $0x80, v2, vm0, $0xb8;
	[tilespmem:$0x8100] =	vst v63  }
0x55: {  	_ = 	snop  }
0x56: {  	[tilespmem:s22], [sflag:$0x2] =	stream.indirect_vreg.gather [hbm4b:s31+s3], $0x80, v2, vm0, $0xb8;
	[tilespmem:$0x8100] =	vst v63  }
0x57: {  	_ = 	snop  }
0x58: {  	[tilespmem:s23], [sflag:$0x2] =	stream.indirect_vreg.gather [hbm4b:s2+s3], $0x80, v2, vm0, $0xb8;
	[tilespmem:$0x8100] =	vst v63  }
0x59: {  	_ = 	snop  }
0x5a: {  	[tilespmem:s24], [sflag:$0x2] =	stream.indirect_vreg.gather [hbm4b:s0+s3], $0x80, v2, vm0, $0xb8;
	[tilespmem:$0x8100] =	vst v63  }
0x5b: {  	_ = 	snop  }
0x5c: {  	[tilespmem:s25], [sflag:$0x2] =	stream.indirect_vreg.gather [hbm4b:s8+s3], $0x80, v2, vm0, $0xb8;
	[tilespmem:$0x8100] =	vst v63  }
0x5d: {  	_ = 	snop  }
0x5e: {  	[tilespmem:s26], [sflag:$0x2] =	stream.indirect_vreg.gather [hbm4b:s9+s3], $0x80, v2, vm0, $0xb8;
	[tilespmem:$0x8100] =	vst v63  }
0x5f: {  	_ = 	snop  }
0x60: {  	[tilespmem:s28], [sflag:$0x2] =	stream.indirect_vreg.gather [hbm4b:s10+s3], $0x80, v2, vm0, $0xb8;
	[tilespmem:$0x8100] =	vst v63  }
0x61: {  	_ =	swait.ge [sflag:s4], $0x4000  }
0x62: {  	[sflag:s4] =	ssyncset.done $0x0  }
0x63: {  	s11 =	rddreg [dreg:$0x5];
	[sflag:s4] =	ssyncadd.s32 $0xFFFFC000  }
0x64: {  	[hbm4b:s11+s3] =	stream.linear.scatter [tilespmem:s12], [sflag:$0x3], $0x4000, $0x38;
	[tilespmem:$0x8100] =	vst v63  }
0x65: {  	_ =	swait.ge [sflag:s5], $0x4000  }
0x66: {  	[sflag:s5] =	ssyncset.done $0x0  }
0x67: {  	[sflag:s5] =	ssyncadd.s32 $0xFFFFC000  }
0x68: {  	v2 =	vld.msk [tilespmem:$0x10], $0xff;
	_ =	sdelay $0x4  }
0x69: {  	v3 =	vshll.u32 v2, $0x4  }
0x6a: {  	v2 =	vand.u32 $0x7, v2;
	v3 =	vand.u32 $0xFFFFFF80, v3  }
0x6b: {  	v2 =	vor.u32 v2, v3  }
0x6c: {  	v2 =	vperm.xlane v2, v0;
	_ =	sdelay $0x1  }
0x6d: {  	v2 =	vadd.s32 v1, v2;
	_ =	sdelay $0x4  }
0x6e: {  	[tilespmem:s12], [sflag:$0x1] =	stream.indirect_vreg.gather [hbm4b:s1+s3], $0x80, v2, vm0, $0xb8;
	[tilespmem:$0x8100] =	vst v63  }
0x6f: {  	_ = 	snop  }
0x70: {  	[tilespmem:s13], [sflag:$0x1] =	stream.indirect_vreg.gather [hbm4b:s30+s3], $0x80, v2, vm0, $0xb8;
	[tilespmem:$0x8100] =	vst v63  }
0x71: {  	_ = 	snop  }
0x72: {  	[tilespmem:s14], [sflag:$0x1] =	stream.indirect_vreg.gather [hbm4b:s31+s3], $0x80, v2, vm0, $0xb8;
	[tilespmem:$0x8100] =	vst v63  }
0x73: {  	_ = 	snop  }
0x74: {  	[tilespmem:s15], [sflag:$0x1] =	stream.indirect_vreg.gather [hbm4b:s2+s3], $0x80, v2, vm0, $0xb8;
	[tilespmem:$0x8100] =	vst v63  }
0x75: {  	_ = 	snop  }
0x76: {  	[tilespmem:s16], [sflag:$0x1] =	stream.indirect_vreg.gather [hbm4b:s0+s3], $0x80, v2, vm0, $0xb8;
	[tilespmem:$0x8100] =	vst v63  }
0x77: {  	_ = 	snop  }
0x78: {  	[tilespmem:s17], [sflag:$0x1] =	stream.indirect_vreg.gather [hbm4b:s8+s3], $0x80, v2, vm0, $0xb8;
	[tilespmem:$0x8100] =	vst v63  }
0x79: {  	_ = 	snop  }
0x7a: {  	[tilespmem:s18], [sflag:$0x1] =	stream.indirect_vreg.gather [hbm4b:s9+s3], $0x80, v2, vm0, $0xb8;
	[tilespmem:$0x8100] =	vst v63  }
0x7b: {  	_ = 	snop  }
0x7c: {  	[tilespmem:s19], [sflag:$0x1] =	stream.indirect_vreg.gather [hbm4b:s10+s3], $0x80, v2, vm0, $0xb8;
	[tilespmem:$0x8100] =	vst v63  }
0x7d: {  	_ =	swait.ge [sflag:s6], $0x4000  }
0x7e: {  	[sflag:s6] =	ssyncset.done $0x0  }
.Ltmp2:
0x7f: {  	s11 =	rddreg [dreg:$0x6];
	[sflag:s6] =	ssyncadd.s32 $0xFFFFC000;
	(pc) =	sbr.rel @p0 .LBB2_3-.Ltmp2, $4  }
0x80: {  	[hbm4b:s11+s3] =	stream.linear.scatter [tilespmem:s20], [sflag:$0x4], $0x4000, $0x38;
	[tilespmem:$0x8100] =	vst v63  }
0x81: {  	_ =	swait.ge [sflag:s7], $0x4000  }
0x82: {  	[sflag:s7] =	ssyncset.done $0x0  }
0x83: {  	[sflag:s7] =	ssyncadd.s32 $0xFFFFC000  }
0x84: {  	v2 =	vld.msk [tilespmem:$0x18], $0xff;
	_ =	sdelay $0x4  }
0x85: {  	v3 =	vshll.u32 v2, $0x4  }
0x86: {  	v2 =	vand.u32 $0x7, v2;
	v3 =	vand.u32 $0xFFFFFF80, v3  }
0x87: {  	v2 =	vor.u32 v2, v3  }
0x88: {  	v2 =	vperm.xlane v2, v0;
	_ =	sdelay $0x1  }
0x89: {  	v2 =	vadd.s32 v1, v2;
	_ =	sdelay $0x4  }
0x8a: {  	[tilespmem:s20], [sflag:$0x2] =	stream.indirect_vreg.gather [hbm4b:s1+s3], $0x80, v2, vm0, $0xb8;
	[tilespmem:$0x8100] =	vst v63  }
0x8b: {  	_ = 	snop  }
0x8c: {  	[tilespmem:s21], [sflag:$0x2] =	stream.indirect_vreg.gather [hbm4b:s30+s3], $0x80, v2, vm0, $0xb8;
	[tilespmem:$0x8100] =	vst v63  }
0x8d: {  	_ = 	snop  }
0x8e: {  	[tilespmem:s22], [sflag:$0x2] =	stream.indirect_vreg.gather [hbm4b:s31+s3], $0x80, v2, vm0, $0xb8;
	[tilespmem:$0x8100] =	vst v63  }
0x8f: {  	_ = 	snop  }
0x90: {  	[tilespmem:s23], [sflag:$0x2] =	stream.indirect_vreg.gather [hbm4b:s2+s3], $0x80, v2, vm0, $0xb8;
	[tilespmem:$0x8100] =	vst v63  }
0x91: {  	_ = 	snop  }
0x92: {  	[tilespmem:s24], [sflag:$0x2] =	stream.indirect_vreg.gather [hbm4b:s0+s3], $0x80, v2, vm0, $0xb8;
	[tilespmem:$0x8100] =	vst v63  }
0x93: {  	_ = 	snop  }
0x94: {  	[tilespmem:s25], [sflag:$0x2] =	stream.indirect_vreg.gather [hbm4b:s8+s3], $0x80, v2, vm0, $0xb8;
	[tilespmem:$0x8100] =	vst v63  }
0x95: {  	_ = 	snop  }
0x96: {  	[tilespmem:s26], [sflag:$0x2] =	stream.indirect_vreg.gather [hbm4b:s9+s3], $0x80, v2, vm0, $0xb8;
	[tilespmem:$0x8100] =	vst v63  }
0x97: {  	_ = 	snop  }
0x98: {  	[tilespmem:s28], [sflag:$0x2] =	stream.indirect_vreg.gather [hbm4b:s10+s3], $0x80, v2, vm0, $0xb8;
	[tilespmem:$0x8100] =	vst v63  }
0x99: {  	_ =	swait.ge [sflag:s4], $0x4000  }
0x9a: {  	[sflag:s4] =	ssyncset.done $0x0  }
0x9b: {  	s11 =	rddreg [dreg:$0x7];
	[sflag:s4] =	ssyncadd.s32 $0xFFFFC000  }
0x9c: {  	[hbm4b:s11+s3] =	stream.linear.scatter [tilespmem:s12], [sflag:$0x3], $0x4000, $0x38;
	[tilespmem:$0x8100] =	vst v63  }
0x9d: {  	_ =	swait.ge [sflag:s5], $0x4000  }
0x9e: {  	[sflag:s5] =	ssyncset.done $0x0  }
0x9f: {  	[sflag:s5] =	ssyncadd.s32 $0xFFFFC000  }
0xa0: {  	v2 =	vld.msk [tilespmem:$0x20], $0xff;
	_ =	sdelay $0x4  }
0xa1: {  	v3 =	vshll.u32 v2, $0x4  }
0xa2: {  	v2 =	vand.u32 $0x7, v2;
	v3 =	vand.u32 $0xFFFFFF80, v3  }
0xa3: {  	v2 =	vor.u32 v2, v3  }
0xa4: {  	v2 =	vperm.xlane v2, v0;
	_ =	sdelay $0x1  }
0xa5: {  	v2 =	vadd.s32 v1, v2;
	_ =	sdelay $0x4  }
0xa6: {  	[tilespmem:s12], [sflag:$0x1] =	stream.indirect_vreg.gather [hbm4b:s1+s3], $0x80, v2, vm0, $0xb8;
	[tilespmem:$0x8100] =	vst v63  }
0xa7: {  	_ = 	snop  }
0xa8: {  	[tilespmem:s13], [sflag:$0x1] =	stream.indirect_vreg.gather [hbm4b:s30+s3], $0x80, v2, vm0, $0xb8;
	[tilespmem:$0x8100] =	vst v63  }
0xa9: {  	_ = 	snop  }
0xaa: {  	[tilespmem:s14], [sflag:$0x1] =	stream.indirect_vreg.gather [hbm4b:s31+s3], $0x80, v2, vm0, $0xb8;
	[tilespmem:$0x8100] =	vst v63  }
0xab: {  	_ = 	snop  }
0xac: {  	[tilespmem:s15], [sflag:$0x1] =	stream.indirect_vreg.gather [hbm4b:s2+s3], $0x80, v2, vm0, $0xb8;
	[tilespmem:$0x8100] =	vst v63  }
0xad: {  	_ = 	snop  }
0xae: {  	[tilespmem:s16], [sflag:$0x1] =	stream.indirect_vreg.gather [hbm4b:s0+s3], $0x80, v2, vm0, $0xb8;
	[tilespmem:$0x8100] =	vst v63  }
0xaf: {  	_ = 	snop  }
0xb0: {  	[tilespmem:s17], [sflag:$0x1] =	stream.indirect_vreg.gather [hbm4b:s8+s3], $0x80, v2, vm0, $0xb8;
	[tilespmem:$0x8100] =	vst v63  }
0xb1: {  	_ = 	snop  }
0xb2: {  	[tilespmem:s18], [sflag:$0x1] =	stream.indirect_vreg.gather [hbm4b:s9+s3], $0x80, v2, vm0, $0xb8;
	[tilespmem:$0x8100] =	vst v63  }
0xb3: {  	_ = 	snop  }
0xb4: {  	[tilespmem:s19], [sflag:$0x1] =	stream.indirect_vreg.gather [hbm4b:s10+s3], $0x80, v2, vm0, $0xb8;
	[tilespmem:$0x8100] =	vst v63  }
0xb5: {  	_ =	swait.ge [sflag:s6], $0x4000  }
0xb6: {  	[sflag:s6] =	ssyncset.done $0x0  }
0xb7: {  	s11 =	rddreg [dreg:$0x8];
	[sflag:s6] =	ssyncadd.s32 $0xFFFFC000  }
0xb8: {  	[hbm4b:s11+s3] =	stream.linear.scatter [tilespmem:s20], [sflag:$0x4], $0x4000, $0x38;
	[tilespmem:$0x8100] =	vst v63  }
0xb9: {  	_ =	swait.ge [sflag:s7], $0x4000  }
0xba: {  	[sflag:s7] =	ssyncset.done $0x0  }
0xbb: {  	[sflag:s7] =	ssyncadd.s32 $0xFFFFC000  }
0xbc: {  	v2 =	vld.msk [tilespmem:$0x28], $0xff;
	_ =	sdelay $0x4  }
0xbd: {  	v3 =	vshll.u32 v2, $0x4  }
0xbe: {  	v2 =	vand.u32 $0x7, v2;
	v3 =	vand.u32 $0xFFFFFF80, v3  }
0xbf: {  	v2 =	vor.u32 v2, v3  }
0xc0: {  	v2 =	vperm.xlane v2, v0;
	_ =	sdelay $0x1  }
0xc1: {  	v2 =	vadd.s32 v1, v2;
	_ =	sdelay $0x4  }
0xc2: {  	[tilespmem:s20], [sflag:$0x2] =	stream.indirect_vreg.gather [hbm4b:s1+s3], $0x80, v2, vm0, $0xb8;
	[tilespmem:$0x8100] =	vst v63  }
0xc3: {  	_ = 	snop  }
0xc4: {  	[tilespmem:s21], [sflag:$0x2] =	stream.indirect_vreg.gather [hbm4b:s30+s3], $0x80, v2, vm0, $0xb8;
	[tilespmem:$0x8100] =	vst v63  }
0xc5: {  	_ = 	snop  }
0xc6: {  	[tilespmem:s22], [sflag:$0x2] =	stream.indirect_vreg.gather [hbm4b:s31+s3], $0x80, v2, vm0, $0xb8;
	[tilespmem:$0x8100] =	vst v63  }
0xc7: {  	_ = 	snop  }
0xc8: {  	[tilespmem:s23], [sflag:$0x2] =	stream.indirect_vreg.gather [hbm4b:s2+s3], $0x80, v2, vm0, $0xb8;
	[tilespmem:$0x8100] =	vst v63  }
0xc9: {  	_ = 	snop  }
0xca: {  	[tilespmem:s24], [sflag:$0x2] =	stream.indirect_vreg.gather [hbm4b:s0+s3], $0x80, v2, vm0, $0xb8;
	[tilespmem:$0x8100] =	vst v63  }
0xcb: {  	_ = 	snop  }
0xcc: {  	[tilespmem:s25], [sflag:$0x2] =	stream.indirect_vreg.gather [hbm4b:s8+s3], $0x80, v2, vm0, $0xb8;
	[tilespmem:$0x8100] =	vst v63  }
0xcd: {  	_ = 	snop  }
0xce: {  	[tilespmem:s26], [sflag:$0x2] =	stream.indirect_vreg.gather [hbm4b:s9+s3], $0x80, v2, vm0, $0xb8;
	[tilespmem:$0x8100] =	vst v63  }
0xcf: {  	_ = 	snop  }
0xd0: {  	[tilespmem:s28], [sflag:$0x2] =	stream.indirect_vreg.gather [hbm4b:s10+s3], $0x80, v2, vm0, $0xb8;
	[tilespmem:$0x8100] =	vst v63  }
0xd1: {  	_ =	swait.ge [sflag:s4], $0x4000  }
0xd2: {  	[sflag:s4] =	ssyncset.done $0x0  }
0xd3: {  	s11 =	rddreg [dreg:$0x9];
	[sflag:s4] =	ssyncadd.s32 $0xFFFFC000  }
0xd4: {  	[hbm4b:s11+s3] =	stream.linear.scatter [tilespmem:s12], [sflag:$0x3], $0x4000, $0x38;
	[tilespmem:$0x8100] =	vst v63  }
0xd5: {  	_ =	swait.ge [sflag:s5], $0x4000  }
0xd6: {  	[sflag:s5] =	ssyncset.done $0x0  }
0xd7: {  	[sflag:s5] =	ssyncadd.s32 $0xFFFFC000  }
0xd8: {  	v2 =	vld.msk [tilespmem:$0x30], $0xff;
	_ =	sdelay $0x4  }
0xd9: {  	v3 =	vshll.u32 v2, $0x4  }
0xda: {  	v2 =	vand.u32 $0x7, v2;
	v3 =	vand.u32 $0xFFFFFF80, v3  }
0xdb: {  	v2 =	vor.u32 v2, v3  }
0xdc: {  	v2 =	vperm.xlane v2, v0;
	_ =	sdelay $0x1  }
0xdd: {  	v2 =	vadd.s32 v1, v2;
	_ =	sdelay $0x4  }
0xde: {  	[tilespmem:s12], [sflag:$0x1] =	stream.indirect_vreg.gather [hbm4b:s1+s3], $0x80, v2, vm0, $0xb8;
	[tilespmem:$0x8100] =	vst v63  }
0xdf: {  	_ = 	snop  }
0xe0: {  	[tilespmem:s13], [sflag:$0x1] =	stream.indirect_vreg.gather [hbm4b:s30+s3], $0x80, v2, vm0, $0xb8;
	[tilespmem:$0x8100] =	vst v63  }
0xe1: {  	_ = 	snop  }
0xe2: {  	[tilespmem:s14], [sflag:$0x1] =	stream.indirect_vreg.gather [hbm4b:s31+s3], $0x80, v2, vm0, $0xb8;
	[tilespmem:$0x8100] =	vst v63  }
0xe3: {  	_ = 	snop  }
0xe4: {  	[tilespmem:s15], [sflag:$0x1] =	stream.indirect_vreg.gather [hbm4b:s2+s3], $0x80, v2, vm0, $0xb8;
	[tilespmem:$0x8100] =	vst v63  }
0xe5: {  	_ = 	snop  }
0xe6: {  	[tilespmem:s16], [sflag:$0x1] =	stream.indirect_vreg.gather [hbm4b:s0+s3], $0x80, v2, vm0, $0xb8;
	[tilespmem:$0x8100] =	vst v63  }
0xe7: {  	_ = 	snop  }
0xe8: {  	[tilespmem:s17], [sflag:$0x1] =	stream.indirect_vreg.gather [hbm4b:s8+s3], $0x80, v2, vm0, $0xb8;
	[tilespmem:$0x8100] =	vst v63  }
0xe9: {  	_ = 	snop  }
0xea: {  	[tilespmem:s18], [sflag:$0x1] =	stream.indirect_vreg.gather [hbm4b:s9+s3], $0x80, v2, vm0, $0xb8;
	[tilespmem:$0x8100] =	vst v63  }
0xeb: {  	_ = 	snop  }
0xec: {  	[tilespmem:s19], [sflag:$0x1] =	stream.indirect_vreg.gather [hbm4b:s10+s3], $0x80, v2, vm0, $0xb8;
	[tilespmem:$0x8100] =	vst v63  }
0xed: {  	_ =	swait.ge [sflag:s6], $0x4000  }
0xee: {  	[sflag:s6] =	ssyncset.done $0x0  }
0xef: {  	s11 =	rddreg [dreg:$0xa];
	[sflag:s6] =	ssyncadd.s32 $0xFFFFC000  }
0xf0: {  	[hbm4b:s11+s3] =	stream.linear.scatter [tilespmem:s20], [sflag:$0x4], $0x4000, $0x38;
	[tilespmem:$0x8100] =	vst v63  }
0xf1: {  	_ =	swait.ge [sflag:s7], $0x4000  }
0xf2: {  	[sflag:s7] =	ssyncset.done $0x0  }
0xf3: {  	[sflag:s7] =	ssyncadd.s32 $0xFFFFC000  }
0xf4: {  	v2 =	vld.msk [tilespmem:$0x38], $0xff;
	_ =	sdelay $0x4  }
0xf5: {  	v3 =	vshll.u32 v2, $0x4  }
0xf6: {  	v2 =	vand.u32 $0x7, v2;
	v3 =	vand.u32 $0xFFFFFF80, v3  }
0xf7: {  	v2 =	vor.u32 v2, v3  }
0xf8: {  	v2 =	vperm.xlane v2, v0;
	_ =	sdelay $0x1  }
0xf9: {  	v2 =	vadd.s32 v1, v2;
	_ =	sdelay $0x4  }
0xfa: {  	[tilespmem:s20], [sflag:$0x2] =	stream.indirect_vreg.gather [hbm4b:s1+s3], $0x80, v2, vm0, $0xb8;
	[tilespmem:$0x8100] =	vst v63  }
0xfb: {  	_ = 	snop  }
0xfc: {  	[tilespmem:s21], [sflag:$0x2] =	stream.indirect_vreg.gather [hbm4b:s30+s3], $0x80, v2, vm0, $0xb8;
	[tilespmem:$0x8100] =	vst v63  }
0xfd: {  	_ = 	snop  }
0xfe: {  	[tilespmem:s22], [sflag:$0x2] =	stream.indirect_vreg.gather [hbm4b:s31+s3], $0x80, v2, vm0, $0xb8;
	[tilespmem:$0x8100] =	vst v63  }
0xff: {  	_ = 	snop  }
0x100: {  	[tilespmem:s23], [sflag:$0x2] =	stream.indirect_vreg.gather [hbm4b:s2+s3], $0x80, v2, vm0, $0xb8;
	[tilespmem:$0x8100] =	vst v63  }
0x101: {  	_ = 	snop  }
0x102: {  	[tilespmem:s24], [sflag:$0x2] =	stream.indirect_vreg.gather [hbm4b:s0+s3], $0x80, v2, vm0, $0xb8;
	[tilespmem:$0x8100] =	vst v63  }
0x103: {  	_ = 	snop  }
0x104: {  	[tilespmem:s25], [sflag:$0x2] =	stream.indirect_vreg.gather [hbm4b:s8+s3], $0x80, v2, vm0, $0xb8;
	[tilespmem:$0x8100] =	vst v63  }
0x105: {  	_ = 	snop  }
0x106: {  	[tilespmem:s26], [sflag:$0x2] =	stream.indirect_vreg.gather [hbm4b:s9+s3], $0x80, v2, vm0, $0xb8;
	[tilespmem:$0x8100] =	vst v63  }
0x107: {  	_ = 	snop  }
0x108: {  	[tilespmem:s28], [sflag:$0x2] =	stream.indirect_vreg.gather [hbm4b:s10+s3], $0x80, v2, vm0, $0xb8;
	[tilespmem:$0x8100] =	vst v63  }
0x109: {  	_ =	swait.ge [sflag:s4], $0x4000  }
0x10a: {  	[sflag:s4] =	ssyncset.done $0x0  }
0x10b: {  	s11 =	rddreg [dreg:$0xb];
	[sflag:s4] =	ssyncadd.s32 $0xFFFFC000  }
0x10c: {  	[hbm4b:s11+s3] =	stream.linear.scatter [tilespmem:s12], [sflag:$0x3], $0x4000, $0x38;
	[tilespmem:$0x8100] =	vst v63  }
0x10d: {  	_ =	swait.ge [sflag:s5], $0x4000  }
0x10e: {  	[sflag:s5] =	ssyncset.done $0x0  }
0x10f: {  	[sflag:s5] =	ssyncadd.s32 $0xFFFFC000  }
0x110: {  	v2 =	vld.msk [tilespmem:$0x40], $0xff;
	_ =	sdelay $0x4  }
0x111: {  	v3 =	vshll.u32 v2, $0x4  }
0x112: {  	v2 =	vand.u32 $0x7, v2;
	v3 =	vand.u32 $0xFFFFFF80, v3  }
0x113: {  	v2 =	vor.u32 v2, v3  }
0x114: {  	v2 =	vperm.xlane v2, v0;
	_ =	sdelay $0x1  }
0x115: {  	v2 =	vadd.s32 v1, v2;
	_ =	sdelay $0x4  }
0x116: {  	[tilespmem:s12], [sflag:$0x1] =	stream.indirect_vreg.gather [hbm4b:s1+s3], $0x80, v2, vm0, $0xb8;
	[tilespmem:$0x8100] =	vst v63  }
0x117: {  	_ = 	snop  }
0x118: {  	[tilespmem:s13], [sflag:$0x1] =	stream.indirect_vreg.gather [hbm4b:s30+s3], $0x80, v2, vm0, $0xb8;
	[tilespmem:$0x8100] =	vst v63  }
0x119: {  	_ = 	snop  }
0x11a: {  	[tilespmem:s14], [sflag:$0x1] =	stream.indirect_vreg.gather [hbm4b:s31+s3], $0x80, v2, vm0, $0xb8;
	[tilespmem:$0x8100] =	vst v63  }
0x11b: {  	_ = 	snop  }
0x11c: {  	[tilespmem:s15], [sflag:$0x1] =	stream.indirect_vreg.gather [hbm4b:s2+s3], $0x80, v2, vm0, $0xb8;
	[tilespmem:$0x8100] =	vst v63  }
0x11d: {  	_ = 	snop  }
0x11e: {  	[tilespmem:s16], [sflag:$0x1] =	stream.indirect_vreg.gather [hbm4b:s0+s3], $0x80, v2, vm0, $0xb8;
	[tilespmem:$0x8100] =	vst v63  }
0x11f: {  	_ = 	snop  }
0x120: {  	[tilespmem:s17], [sflag:$0x1] =	stream.indirect_vreg.gather [hbm4b:s8+s3], $0x80, v2, vm0, $0xb8;
	[tilespmem:$0x8100] =	vst v63  }
0x121: {  	_ = 	snop  }
0x122: {  	[tilespmem:s18], [sflag:$0x1] =	stream.indirect_vreg.gather [hbm4b:s9+s3], $0x80, v2, vm0, $0xb8;
	[tilespmem:$0x8100] =	vst v63  }
0x123: {  	_ = 	snop  }
0x124: {  	[tilespmem:s19], [sflag:$0x1] =	stream.indirect_vreg.gather [hbm4b:s10+s3], $0x80, v2, vm0, $0xb8;
	[tilespmem:$0x8100] =	vst v63  }
0x125: {  	_ =	swait.ge [sflag:s6], $0x4000  }
0x126: {  	[sflag:s6] =	ssyncset.done $0x0  }
0x127: {  	s11 =	rddreg [dreg:$0xc];
	[sflag:s6] =	ssyncadd.s32 $0xFFFFC000  }
0x128: {  	[hbm4b:s11+s3] =	stream.linear.scatter [tilespmem:s20], [sflag:$0x4], $0x4000, $0x38;
	[tilespmem:$0x8100] =	vst v63  }
0x129: {  	_ =	swait.ge [sflag:s7], $0x4000  }
0x12a: {  	[sflag:s7] =	ssyncset.done $0x0  }
0x12b: {  	[sflag:s7] =	ssyncadd.s32 $0xFFFFC000  }
0x12c: {  	v2 =	vld.msk [tilespmem:$0x48], $0xff;
	_ =	sdelay $0x4  }
0x12d: {  	v3 =	vshll.u32 v2, $0x4  }
0x12e: {  	v2 =	vand.u32 $0x7, v2;
	v3 =	vand.u32 $0xFFFFFF80, v3  }
0x12f: {  	v2 =	vor.u32 v2, v3  }
0x130: {  	v2 =	vperm.xlane v2, v0;
	_ =	sdelay $0x1  }
0x131: {  	v2 =	vadd.s32 v1, v2;
	_ =	sdelay $0x4  }
0x132: {  	[tilespmem:s20], [sflag:$0x2] =	stream.indirect_vreg.gather [hbm4b:s1+s3], $0x80, v2, vm0, $0xb8;
	[tilespmem:$0x8100] =	vst v63  }
0x133: {  	_ = 	snop  }
0x134: {  	[tilespmem:s21], [sflag:$0x2] =	stream.indirect_vreg.gather [hbm4b:s30+s3], $0x80, v2, vm0, $0xb8;
	[tilespmem:$0x8100] =	vst v63  }
0x135: {  	_ = 	snop  }
0x136: {  	[tilespmem:s22], [sflag:$0x2] =	stream.indirect_vreg.gather [hbm4b:s31+s3], $0x80, v2, vm0, $0xb8;
	[tilespmem:$0x8100] =	vst v63  }
0x137: {  	_ = 	snop  }
0x138: {  	[tilespmem:s23], [sflag:$0x2] =	stream.indirect_vreg.gather [hbm4b:s2+s3], $0x80, v2, vm0, $0xb8;
	[tilespmem:$0x8100] =	vst v63  }
0x139: {  	_ = 	snop  }
0x13a: {  	[tilespmem:s24], [sflag:$0x2] =	stream.indirect_vreg.gather [hbm4b:s0+s3], $0x80, v2, vm0, $0xb8;
	[tilespmem:$0x8100] =	vst v63  }
0x13b: {  	_ = 	snop  }
0x13c: {  	[tilespmem:s25], [sflag:$0x2] =	stream.indirect_vreg.gather [hbm4b:s8+s3], $0x80, v2, vm0, $0xb8;
	[tilespmem:$0x8100] =	vst v63  }
0x13d: {  	_ = 	snop  }
0x13e: {  	[tilespmem:s26], [sflag:$0x2] =	stream.indirect_vreg.gather [hbm4b:s9+s3], $0x80, v2, vm0, $0xb8;
	[tilespmem:$0x8100] =	vst v63  }
0x13f: {  	_ = 	snop  }
0x140: {  	[tilespmem:s28], [sflag:$0x2] =	stream.indirect_vreg.gather [hbm4b:s10+s3], $0x80, v2, vm0, $0xb8;
	[tilespmem:$0x8100] =	vst v63  }
0x141: {  	_ =	swait.ge [sflag:s4], $0x4000  }
0x142: {  	[sflag:s4] =	ssyncset.done $0x0  }
0x143: {  	s11 =	rddreg [dreg:$0xd];
	[sflag:s4] =	ssyncadd.s32 $0xFFFFC000  }
0x144: {  	[hbm4b:s11+s3] =	stream.linear.scatter [tilespmem:s12], [sflag:$0x3], $0x4000, $0x38;
	[tilespmem:$0x8100] =	vst v63  }
0x145: {  	_ =	swait.ge [sflag:s5], $0x4000  }
0x146: {  	[sflag:s5] =	ssyncset.done $0x0  }
0x147: {  	[sflag:s5] =	ssyncadd.s32 $0xFFFFC000  }
0x148: {  	v2 =	vld.msk [tilespmem:$0x50], $0xff;
	_ =	sdelay $0x4  }
0x149: {  	v3 =	vshll.u32 v2, $0x4  }
0x14a: {  	v2 =	vand.u32 $0x7, v2;
	v3 =	vand.u32 $0xFFFFFF80, v3  }
0x14b: {  	v2 =	vor.u32 v2, v3  }
0x14c: {  	v2 =	vperm.xlane v2, v0;
	_ =	sdelay $0x1  }
0x14d: {  	v2 =	vadd.s32 v1, v2;
	_ =	sdelay $0x4  }
0x14e: {  	[tilespmem:s12], [sflag:$0x1] =	stream.indirect_vreg.gather [hbm4b:s1+s3], $0x80, v2, vm0, $0xb8;
	[tilespmem:$0x8100] =	vst v63  }
0x14f: {  	_ = 	snop  }
0x150: {  	[tilespmem:s13], [sflag:$0x1] =	stream.indirect_vreg.gather [hbm4b:s30+s3], $0x80, v2, vm0, $0xb8;
	[tilespmem:$0x8100] =	vst v63  }
0x151: {  	_ = 	snop  }
0x152: {  	[tilespmem:s14], [sflag:$0x1] =	stream.indirect_vreg.gather [hbm4b:s31+s3], $0x80, v2, vm0, $0xb8;
	[tilespmem:$0x8100] =	vst v63  }
0x153: {  	_ = 	snop  }
0x154: {  	[tilespmem:s15], [sflag:$0x1] =	stream.indirect_vreg.gather [hbm4b:s2+s3], $0x80, v2, vm0, $0xb8;
	[tilespmem:$0x8100] =	vst v63  }
0x155: {  	_ = 	snop  }
0x156: {  	[tilespmem:s16], [sflag:$0x1] =	stream.indirect_vreg.gather [hbm4b:s0+s3], $0x80, v2, vm0, $0xb8;
	[tilespmem:$0x8100] =	vst v63  }
0x157: {  	_ = 	snop  }
0x158: {  	[tilespmem:s17], [sflag:$0x1] =	stream.indirect_vreg.gather [hbm4b:s8+s3], $0x80, v2, vm0, $0xb8;
	[tilespmem:$0x8100] =	vst v63  }
0x159: {  	_ = 	snop  }
0x15a: {  	[tilespmem:s18], [sflag:$0x1] =	stream.indirect_vreg.gather [hbm4b:s9+s3], $0x80, v2, vm0, $0xb8;
	[tilespmem:$0x8100] =	vst v63  }
0x15b: {  	_ = 	snop  }
0x15c: {  	[tilespmem:s19], [sflag:$0x1] =	stream.indirect_vreg.gather [hbm4b:s10+s3], $0x80, v2, vm0, $0xb8;
	[tilespmem:$0x8100] =	vst v63  }
0x15d: {  	_ =	swait.ge [sflag:s6], $0x4000  }
0x15e: {  	[sflag:s6] =	ssyncset.done $0x0  }
0x15f: {  	s11 =	rddreg [dreg:$0xe];
	[sflag:s6] =	ssyncadd.s32 $0xFFFFC000  }
0x160: {  	[hbm4b:s11+s3] =	stream.linear.scatter [tilespmem:s20], [sflag:$0x4], $0x4000, $0x38;
	[tilespmem:$0x8100] =	vst v63  }
0x161: {  	_ =	swait.ge [sflag:s7], $0x4000  }
0x162: {  	[sflag:s7] =	ssyncset.done $0x0  }
0x163: {  	[sflag:s7] =	ssyncadd.s32 $0xFFFFC000  }
0x164: {  	v2 =	vld.msk [tilespmem:$0x58], $0xff;
	_ =	sdelay $0x4  }
0x165: {  	v3 =	vshll.u32 v2, $0x4  }
0x166: {  	v2 =	vand.u32 $0x7, v2;
	v3 =	vand.u32 $0xFFFFFF80, v3  }
0x167: {  	v2 =	vor.u32 v2, v3  }
0x168: {  	v2 =	vperm.xlane v2, v0;
	_ =	sdelay $0x1  }
0x169: {  	v2 =	vadd.s32 v1, v2;
	_ =	sdelay $0x4  }
0x16a: {  	[tilespmem:s20], [sflag:$0x2] =	stream.indirect_vreg.gather [hbm4b:s1+s3], $0x80, v2, vm0, $0xb8;
	[tilespmem:$0x8100] =	vst v63  }
0x16b: {  	_ = 	snop  }
0x16c: {  	[tilespmem:s21], [sflag:$0x2] =	stream.indirect_vreg.gather [hbm4b:s30+s3], $0x80, v2, vm0, $0xb8;
	[tilespmem:$0x8100] =	vst v63  }
0x16d: {  	_ = 	snop  }
0x16e: {  	[tilespmem:s22], [sflag:$0x2] =	stream.indirect_vreg.gather [hbm4b:s31+s3], $0x80, v2, vm0, $0xb8;
	[tilespmem:$0x8100] =	vst v63  }
0x16f: {  	_ = 	snop  }
0x170: {  	[tilespmem:s23], [sflag:$0x2] =	stream.indirect_vreg.gather [hbm4b:s2+s3], $0x80, v2, vm0, $0xb8;
	[tilespmem:$0x8100] =	vst v63  }
0x171: {  	_ = 	snop  }
0x172: {  	[tilespmem:s24], [sflag:$0x2] =	stream.indirect_vreg.gather [hbm4b:s0+s3], $0x80, v2, vm0, $0xb8;
	[tilespmem:$0x8100] =	vst v63  }
0x173: {  	_ = 	snop  }
0x174: {  	[tilespmem:s25], [sflag:$0x2] =	stream.indirect_vreg.gather [hbm4b:s8+s3], $0x80, v2, vm0, $0xb8;
	[tilespmem:$0x8100] =	vst v63  }
0x175: {  	_ = 	snop  }
0x176: {  	[tilespmem:s26], [sflag:$0x2] =	stream.indirect_vreg.gather [hbm4b:s9+s3], $0x80, v2, vm0, $0xb8;
	[tilespmem:$0x8100] =	vst v63  }
0x177: {  	_ = 	snop  }
0x178: {  	[tilespmem:s28], [sflag:$0x2] =	stream.indirect_vreg.gather [hbm4b:s10+s3], $0x80, v2, vm0, $0xb8;
	[tilespmem:$0x8100] =	vst v63  }
0x179: {  	_ =	swait.ge [sflag:s4], $0x4000  }
0x17a: {  	[sflag:s4] =	ssyncset.done $0x0  }
0x17b: {  	s11 =	rddreg [dreg:$0xf];
	[sflag:s4] =	ssyncadd.s32 $0xFFFFC000  }
0x17c: {  	[hbm4b:s11+s3] =	stream.linear.scatter [tilespmem:s12], [sflag:$0x3], $0x4000, $0x38;
	[tilespmem:$0x8100] =	vst v63  }
0x17d: {  	_ =	swait.ge [sflag:s5], $0x4000  }
0x17e: {  	[sflag:s5] =	ssyncset.done $0x0  }
0x17f: {  	[sflag:s5] =	ssyncadd.s32 $0xFFFFC000  }
0x180: {  	v2 =	vld.msk [tilespmem:$0x60], $0xff;
	_ =	sdelay $0x4  }
0x181: {  	v3 =	vshll.u32 v2, $0x4  }
0x182: {  	v2 =	vand.u32 $0x7, v2;
	v3 =	vand.u32 $0xFFFFFF80, v3  }
0x183: {  	v2 =	vor.u32 v2, v3  }
0x184: {  	v2 =	vperm.xlane v2, v0;
	_ =	sdelay $0x1  }
0x185: {  	v2 =	vadd.s32 v1, v2;
	_ =	sdelay $0x4  }
0x186: {  	[tilespmem:s12], [sflag:$0x1] =	stream.indirect_vreg.gather [hbm4b:s1+s3], $0x80, v2, vm0, $0xb8;
	[tilespmem:$0x8100] =	vst v63  }
0x187: {  	_ = 	snop  }
0x188: {  	[tilespmem:s13], [sflag:$0x1] =	stream.indirect_vreg.gather [hbm4b:s30+s3], $0x80, v2, vm0, $0xb8;
	[tilespmem:$0x8100] =	vst v63  }
0x189: {  	_ = 	snop  }
0x18a: {  	[tilespmem:s14], [sflag:$0x1] =	stream.indirect_vreg.gather [hbm4b:s31+s3], $0x80, v2, vm0, $0xb8;
	[tilespmem:$0x8100] =	vst v63  }
0x18b: {  	_ = 	snop  }
0x18c: {  	[tilespmem:s15], [sflag:$0x1] =	stream.indirect_vreg.gather [hbm4b:s2+s3], $0x80, v2, vm0, $0xb8;
	[tilespmem:$0x8100] =	vst v63  }
0x18d: {  	_ = 	snop  }
0x18e: {  	[tilespmem:s16], [sflag:$0x1] =	stream.indirect_vreg.gather [hbm4b:s0+s3], $0x80, v2, vm0, $0xb8;
	[tilespmem:$0x8100] =	vst v63  }
0x18f: {  	_ = 	snop  }
0x190: {  	[tilespmem:s17], [sflag:$0x1] =	stream.indirect_vreg.gather [hbm4b:s8+s3], $0x80, v2, vm0, $0xb8;
	[tilespmem:$0x8100] =	vst v63  }
0x191: {  	_ = 	snop  }
0x192: {  	[tilespmem:s18], [sflag:$0x1] =	stream.indirect_vreg.gather [hbm4b:s9+s3], $0x80, v2, vm0, $0xb8;
	[tilespmem:$0x8100] =	vst v63  }
0x193: {  	_ = 	snop  }
0x194: {  	[tilespmem:s19], [sflag:$0x1] =	stream.indirect_vreg.gather [hbm4b:s10+s3], $0x80, v2, vm0, $0xb8;
	[tilespmem:$0x8100] =	vst v63  }
0x195: {  	_ =	swait.ge [sflag:s6], $0x4000  }
0x196: {  	[sflag:s6] =	ssyncset.done $0x0  }
0x197: {  	s11 =	rddreg [dreg:$0x10];
	[sflag:s6] =	ssyncadd.s32 $0xFFFFC000  }
0x198: {  	[hbm4b:s11+s3] =	stream.linear.scatter [tilespmem:s20], [sflag:$0x4], $0x4000, $0x38;
	[tilespmem:$0x8100] =	vst v63  }
0x199: {  	_ =	swait.ge [sflag:s7], $0x4000  }
0x19a: {  	[sflag:s7] =	ssyncset.done $0x0  }
0x19b: {  	[sflag:s7] =	ssyncadd.s32 $0xFFFFC000  }
0x19c: {  	v2 =	vld.msk [tilespmem:$0x68], $0xff;
	_ =	sdelay $0x4  }
0x19d: {  	v3 =	vshll.u32 v2, $0x4  }
0x19e: {  	v2 =	vand.u32 $0x7, v2;
	v3 =	vand.u32 $0xFFFFFF80, v3  }
0x19f: {  	v2 =	vor.u32 v2, v3  }
0x1a0: {  	v2 =	vperm.xlane v2, v0;
	_ =	sdelay $0x1  }
0x1a1: {  	v2 =	vadd.s32 v1, v2;
	_ =	sdelay $0x4  }
0x1a2: {  	[tilespmem:s20], [sflag:$0x2] =	stream.indirect_vreg.gather [hbm4b:s1+s3], $0x80, v2, vm0, $0xb8;
	[tilespmem:$0x8100] =	vst v63  }
0x1a3: {  	_ = 	snop  }
0x1a4: {  	[tilespmem:s21], [sflag:$0x2] =	stream.indirect_vreg.gather [hbm4b:s30+s3], $0x80, v2, vm0, $0xb8;
	[tilespmem:$0x8100] =	vst v63  }
0x1a5: {  	_ = 	snop  }
0x1a6: {  	[tilespmem:s22], [sflag:$0x2] =	stream.indirect_vreg.gather [hbm4b:s31+s3], $0x80, v2, vm0, $0xb8;
	[tilespmem:$0x8100] =	vst v63  }
0x1a7: {  	_ = 	snop  }
0x1a8: {  	[tilespmem:s23], [sflag:$0x2] =	stream.indirect_vreg.gather [hbm4b:s2+s3], $0x80, v2, vm0, $0xb8;
	[tilespmem:$0x8100] =	vst v63  }
0x1a9: {  	_ = 	snop  }
0x1aa: {  	[tilespmem:s24], [sflag:$0x2] =	stream.indirect_vreg.gather [hbm4b:s0+s3], $0x80, v2, vm0, $0xb8;
	[tilespmem:$0x8100] =	vst v63  }
0x1ab: {  	_ = 	snop  }
0x1ac: {  	[tilespmem:s25], [sflag:$0x2] =	stream.indirect_vreg.gather [hbm4b:s8+s3], $0x80, v2, vm0, $0xb8;
	[tilespmem:$0x8100] =	vst v63  }
0x1ad: {  	_ = 	snop  }
0x1ae: {  	[tilespmem:s26], [sflag:$0x2] =	stream.indirect_vreg.gather [hbm4b:s9+s3], $0x80, v2, vm0, $0xb8;
	[tilespmem:$0x8100] =	vst v63  }
0x1af: {  	_ = 	snop  }
0x1b0: {  	[tilespmem:s28], [sflag:$0x2] =	stream.indirect_vreg.gather [hbm4b:s10+s3], $0x80, v2, vm0, $0xb8;
	[tilespmem:$0x8100] =	vst v63  }
0x1b1: {  	_ =	swait.ge [sflag:s4], $0x4000  }
0x1b2: {  	[sflag:s4] =	ssyncset.done $0x0  }
0x1b3: {  	s11 =	rddreg [dreg:$0x11];
	[sflag:s4] =	ssyncadd.s32 $0xFFFFC000  }
0x1b4: {  	[hbm4b:s11+s3] =	stream.linear.scatter [tilespmem:s12], [sflag:$0x3], $0x4000, $0x38;
	[tilespmem:$0x8100] =	vst v63  }
0x1b5: {  	_ =	swait.ge [sflag:s5], $0x4000  }
0x1b6: {  	[sflag:s5] =	ssyncset.done $0x0  }
0x1b7: {  	[sflag:s5] =	ssyncadd.s32 $0xFFFFC000  }
0x1b8: {  	v2 =	vld.msk [tilespmem:$0x70], $0xff;
	_ =	sdelay $0x4  }
0x1b9: {  	v3 =	vshll.u32 v2, $0x4  }
0x1ba: {  	v2 =	vand.u32 $0x7, v2;
	v3 =	vand.u32 $0xFFFFFF80, v3  }
0x1bb: {  	v2 =	vor.u32 v2, v3  }
0x1bc: {  	v2 =	vperm.xlane v2, v0;
	_ =	sdelay $0x1  }
0x1bd: {  	v2 =	vadd.s32 v1, v2;
	_ =	sdelay $0x4  }
0x1be: {  	[tilespmem:s12], [sflag:$0x1] =	stream.indirect_vreg.gather [hbm4b:s1+s3], $0x80, v2, vm0, $0xb8;
	[tilespmem:$0x8100] =	vst v63  }
0x1bf: {  	_ = 	snop  }
0x1c0: {  	[tilespmem:s13], [sflag:$0x1] =	stream.indirect_vreg.gather [hbm4b:s30+s3], $0x80, v2, vm0, $0xb8;
	[tilespmem:$0x8100] =	vst v63  }
0x1c1: {  	_ = 	snop  }
0x1c2: {  	[tilespmem:s14], [sflag:$0x1] =	stream.indirect_vreg.gather [hbm4b:s31+s3], $0x80, v2, vm0, $0xb8;
	[tilespmem:$0x8100] =	vst v63  }
0x1c3: {  	_ = 	snop  }
0x1c4: {  	[tilespmem:s15], [sflag:$0x1] =	stream.indirect_vreg.gather [hbm4b:s2+s3], $0x80, v2, vm0, $0xb8;
	[tilespmem:$0x8100] =	vst v63  }
0x1c5: {  	_ = 	snop  }
0x1c6: {  	[tilespmem:s16], [sflag:$0x1] =	stream.indirect_vreg.gather [hbm4b:s0+s3], $0x80, v2, vm0, $0xb8;
	[tilespmem:$0x8100] =	vst v63  }
0x1c7: {  	_ = 	snop  }
0x1c8: {  	[tilespmem:s17], [sflag:$0x1] =	stream.indirect_vreg.gather [hbm4b:s8+s3], $0x80, v2, vm0, $0xb8;
	[tilespmem:$0x8100] =	vst v63  }
0x1c9: {  	_ = 	snop  }
0x1ca: {  	[tilespmem:s18], [sflag:$0x1] =	stream.indirect_vreg.gather [hbm4b:s9+s3], $0x80, v2, vm0, $0xb8;
	[tilespmem:$0x8100] =	vst v63  }
0x1cb: {  	_ = 	snop  }
0x1cc: {  	[tilespmem:s19], [sflag:$0x1] =	stream.indirect_vreg.gather [hbm4b:s10+s3], $0x80, v2, vm0, $0xb8;
	[tilespmem:$0x8100] =	vst v63  }
0x1cd: {  	_ =	swait.ge [sflag:s6], $0x4000  }
0x1ce: {  	[sflag:s6] =	ssyncset.done $0x0  }
0x1cf: {  	s11 =	rddreg [dreg:$0x12];
	[sflag:s6] =	ssyncadd.s32 $0xFFFFC000  }
0x1d0: {  	[hbm4b:s11+s3] =	stream.linear.scatter [tilespmem:s20], [sflag:$0x4], $0x4000, $0x38;
	[tilespmem:$0x8100] =	vst v63  }
0x1d1: {  	_ =	swait.ge [sflag:s7], $0x4000  }
0x1d2: {  	[sflag:s7] =	ssyncset.done $0x0  }
0x1d3: {  	[sflag:s7] =	ssyncadd.s32 $0xFFFFC000  }
0x1d4: {  	v2 =	vld.msk [tilespmem:$0x78], $0xff;
	_ =	sdelay $0x4  }
0x1d5: {  	v3 =	vshll.u32 v2, $0x4  }
0x1d6: {  	v2 =	vand.u32 $0x7, v2;
	v3 =	vand.u32 $0xFFFFFF80, v3  }
0x1d7: {  	v2 =	vor.u32 v2, v3  }
0x1d8: {  	v2 =	vperm.xlane v2, v0;
	_ =	sdelay $0x1  }
0x1d9: {  	v2 =	vadd.s32 v1, v2;
	_ =	sdelay $0x4  }
0x1da: {  	[tilespmem:s20], [sflag:$0x2] =	stream.indirect_vreg.gather [hbm4b:s1+s3], $0x80, v2, vm0, $0xb8;
	[tilespmem:$0x8100] =	vst v63  }
0x1db: {  	_ = 	snop  }
0x1dc: {  	[tilespmem:s21], [sflag:$0x2] =	stream.indirect_vreg.gather [hbm4b:s30+s3], $0x80, v2, vm0, $0xb8;
	[tilespmem:$0x8100] =	vst v63  }
0x1dd: {  	_ = 	snop  }
0x1de: {  	[tilespmem:s22], [sflag:$0x2] =	stream.indirect_vreg.gather [hbm4b:s31+s3], $0x80, v2, vm0, $0xb8;
	[tilespmem:$0x8100] =	vst v63  }
0x1df: {  	_ = 	snop  }
0x1e0: {  	[tilespmem:s23], [sflag:$0x2] =	stream.indirect_vreg.gather [hbm4b:s2+s3], $0x80, v2, vm0, $0xb8;
	[tilespmem:$0x8100] =	vst v63  }
0x1e1: {  	_ = 	snop  }
0x1e2: {  	[tilespmem:s24], [sflag:$0x2] =	stream.indirect_vreg.gather [hbm4b:s0+s3], $0x80, v2, vm0, $0xb8;
	[tilespmem:$0x8100] =	vst v63  }
0x1e3: {  	_ = 	snop  }
0x1e4: {  	[tilespmem:s25], [sflag:$0x2] =	stream.indirect_vreg.gather [hbm4b:s8+s3], $0x80, v2, vm0, $0xb8;
	[tilespmem:$0x8100] =	vst v63  }
0x1e5: {  	_ = 	snop  }
0x1e6: {  	[tilespmem:s26], [sflag:$0x2] =	stream.indirect_vreg.gather [hbm4b:s9+s3], $0x80, v2, vm0, $0xb8;
	[tilespmem:$0x8100] =	vst v63  }
0x1e7: {  	_ = 	snop  }
0x1e8: {  	[tilespmem:s28], [sflag:$0x2] =	stream.indirect_vreg.gather [hbm4b:s10+s3], $0x80, v2, vm0, $0xb8;
	[tilespmem:$0x8100] =	vst v63  }
0x1e9: {  	_ =	swait.ge [sflag:s4], $0x4000  }
0x1ea: {  	[sflag:s4] =	ssyncset.done $0x0  }
0x1eb: {  	s11 =	rddreg [dreg:$0x13];
	[sflag:s4] =	ssyncadd.s32 $0xFFFFC000  }
0x1ec: {  	[hbm4b:s11+s3] =	stream.linear.scatter [tilespmem:s12], [sflag:$0x3], $0x4000, $0x38;
	[tilespmem:$0x8100] =	vst v63  }
0x1ed: {  	_ =	swait.ge [sflag:s5], $0x4000  }
0x1ee: {  	[sflag:s5] =	ssyncset.done $0x0  }
0x1ef: {  	[sflag:s5] =	ssyncadd.s32 $0xFFFFC000  }
0x1f0: {  	v2 =	vld.msk [tilespmem:$0x80], $0xff;
	_ =	sdelay $0x4  }
0x1f1: {  	v3 =	vshll.u32 v2, $0x4  }
0x1f2: {  	v2 =	vand.u32 $0x7, v2;
	v3 =	vand.u32 $0xFFFFFF80, v3  }
0x1f3: {  	v2 =	vor.u32 v2, v3  }
0x1f4: {  	v2 =	vperm.xlane v2, v0;
	_ =	sdelay $0x1  }
0x1f5: {  	v2 =	vadd.s32 v1, v2;
	_ =	sdelay $0x4  }
0x1f6: {  	[tilespmem:s12], [sflag:$0x1] =	stream.indirect_vreg.gather [hbm4b:s1+s3], $0x80, v2, vm0, $0xb8;
	[tilespmem:$0x8100] =	vst v63  }
0x1f7: {  	_ = 	snop  }
0x1f8: {  	[tilespmem:s13], [sflag:$0x1] =	stream.indirect_vreg.gather [hbm4b:s30+s3], $0x80, v2, vm0, $0xb8;
	[tilespmem:$0x8100] =	vst v63  }
0x1f9: {  	_ = 	snop  }
0x1fa: {  	[tilespmem:s14], [sflag:$0x1] =	stream.indirect_vreg.gather [hbm4b:s31+s3], $0x80, v2, vm0, $0xb8;
	[tilespmem:$0x8100] =	vst v63  }
0x1fb: {  	_ = 	snop  }
0x1fc: {  	[tilespmem:s15], [sflag:$0x1] =	stream.indirect_vreg.gather [hbm4b:s2+s3], $0x80, v2, vm0, $0xb8;
	[tilespmem:$0x8100] =	vst v63  }
0x1fd: {  	_ = 	snop  }
0x1fe: {  	[tilespmem:s16], [sflag:$0x1] =	stream.indirect_vreg.gather [hbm4b:s0+s3], $0x80, v2, vm0, $0xb8;
	[tilespmem:$0x8100] =	vst v63  }
0x1ff: {  	_ = 	snop  }
0x200: {  	[tilespmem:s17], [sflag:$0x1] =	stream.indirect_vreg.gather [hbm4b:s8+s3], $0x80, v2, vm0, $0xb8;
	[tilespmem:$0x8100] =	vst v63  }
0x201: {  	_ = 	snop  }
0x202: {  	[tilespmem:s18], [sflag:$0x1] =	stream.indirect_vreg.gather [hbm4b:s9+s3], $0x80, v2, vm0, $0xb8;
	[tilespmem:$0x8100] =	vst v63  }
0x203: {  	_ = 	snop  }
0x204: {  	[tilespmem:s19], [sflag:$0x1] =	stream.indirect_vreg.gather [hbm4b:s10+s3], $0x80, v2, vm0, $0xb8;
	[tilespmem:$0x8100] =	vst v63  }
0x205: {  	_ =	swait.ge [sflag:s6], $0x4000  }
0x206: {  	[sflag:s6] =	ssyncset.done $0x0  }
0x207: {  	s11 =	rddreg [dreg:$0x14];
	[sflag:s6] =	ssyncadd.s32 $0xFFFFC000  }
0x208: {  	[hbm4b:s11+s3] =	stream.linear.scatter [tilespmem:s20], [sflag:$0x4], $0x4000, $0x38;
	[tilespmem:$0x8100] =	vst v63  }
0x209: {  	_ =	swait.ge [sflag:s7], $0x4000  }
0x20a: {  	[sflag:s7] =	ssyncset.done $0x0  }
0x20b: {  	[sflag:s7] =	ssyncadd.s32 $0xFFFFC000  }
0x20c: {  	v2 =	vld.msk [tilespmem:$0x88], $0xff;
	_ =	sdelay $0x4  }
0x20d: {  	v3 =	vshll.u32 v2, $0x4  }
0x20e: {  	v2 =	vand.u32 $0x7, v2;
	v3 =	vand.u32 $0xFFFFFF80, v3  }
0x20f: {  	v2 =	vor.u32 v2, v3  }
0x210: {  	v2 =	vperm.xlane v2, v0;
	_ =	sdelay $0x1  }
0x211: {  	v2 =	vadd.s32 v1, v2;
	_ =	sdelay $0x4  }
0x212: {  	[tilespmem:s20], [sflag:$0x2] =	stream.indirect_vreg.gather [hbm4b:s1+s3], $0x80, v2, vm0, $0xb8;
	[tilespmem:$0x8100] =	vst v63  }
0x213: {  	_ = 	snop  }
0x214: {  	[tilespmem:s21], [sflag:$0x2] =	stream.indirect_vreg.gather [hbm4b:s30+s3], $0x80, v2, vm0, $0xb8;
	[tilespmem:$0x8100] =	vst v63  }
0x215: {  	_ = 	snop  }
0x216: {  	[tilespmem:s22], [sflag:$0x2] =	stream.indirect_vreg.gather [hbm4b:s31+s3], $0x80, v2, vm0, $0xb8;
	[tilespmem:$0x8100] =	vst v63  }
0x217: {  	_ = 	snop  }
0x218: {  	[tilespmem:s23], [sflag:$0x2] =	stream.indirect_vreg.gather [hbm4b:s2+s3], $0x80, v2, vm0, $0xb8;
	[tilespmem:$0x8100] =	vst v63  }
0x219: {  	_ = 	snop  }
0x21a: {  	[tilespmem:s24], [sflag:$0x2] =	stream.indirect_vreg.gather [hbm4b:s0+s3], $0x80, v2, vm0, $0xb8;
	[tilespmem:$0x8100] =	vst v63  }
0x21b: {  	_ = 	snop  }
0x21c: {  	[tilespmem:s25], [sflag:$0x2] =	stream.indirect_vreg.gather [hbm4b:s8+s3], $0x80, v2, vm0, $0xb8;
	[tilespmem:$0x8100] =	vst v63  }
0x21d: {  	_ = 	snop  }
0x21e: {  	[tilespmem:s26], [sflag:$0x2] =	stream.indirect_vreg.gather [hbm4b:s9+s3], $0x80, v2, vm0, $0xb8;
	[tilespmem:$0x8100] =	vst v63  }
0x21f: {  	_ = 	snop  }
0x220: {  	[tilespmem:s28], [sflag:$0x2] =	stream.indirect_vreg.gather [hbm4b:s10+s3], $0x80, v2, vm0, $0xb8;
	[tilespmem:$0x8100] =	vst v63  }
0x221: {  	_ =	swait.ge [sflag:s4], $0x4000  }
0x222: {  	[sflag:s4] =	ssyncset.done $0x0  }
0x223: {  	s11 =	rddreg [dreg:$0x15];
	[sflag:s4] =	ssyncadd.s32 $0xFFFFC000  }
0x224: {  	[hbm4b:s11+s3] =	stream.linear.scatter [tilespmem:s12], [sflag:$0x3], $0x4000, $0x38;
	[tilespmem:$0x8100] =	vst v63  }
0x225: {  	_ =	swait.ge [sflag:s5], $0x4000  }
0x226: {  	[sflag:s5] =	ssyncset.done $0x0  }
0x227: {  	[sflag:s5] =	ssyncadd.s32 $0xFFFFC000  }
0x228: {  	v2 =	vld.msk [tilespmem:$0x90], $0xff;
	_ =	sdelay $0x4  }
0x229: {  	v3 =	vshll.u32 v2, $0x4  }
0x22a: {  	v2 =	vand.u32 $0x7, v2;
	v3 =	vand.u32 $0xFFFFFF80, v3  }
0x22b: {  	v2 =	vor.u32 v2, v3  }
0x22c: {  	v2 =	vperm.xlane v2, v0;
	_ =	sdelay $0x1  }
0x22d: {  	v2 =	vadd.s32 v1, v2;
	_ =	sdelay $0x4  }
0x22e: {  	[tilespmem:s12], [sflag:$0x1] =	stream.indirect_vreg.gather [hbm4b:s1+s3], $0x80, v2, vm0, $0xb8;
	[tilespmem:$0x8100] =	vst v63  }
0x22f: {  	_ = 	snop  }
0x230: {  	[tilespmem:s13], [sflag:$0x1] =	stream.indirect_vreg.gather [hbm4b:s30+s3], $0x80, v2, vm0, $0xb8;
	[tilespmem:$0x8100] =	vst v63  }
0x231: {  	_ = 	snop  }
0x232: {  	[tilespmem:s14], [sflag:$0x1] =	stream.indirect_vreg.gather [hbm4b:s31+s3], $0x80, v2, vm0, $0xb8;
	[tilespmem:$0x8100] =	vst v63  }
0x233: {  	_ = 	snop  }
0x234: {  	[tilespmem:s15], [sflag:$0x1] =	stream.indirect_vreg.gather [hbm4b:s2+s3], $0x80, v2, vm0, $0xb8;
	[tilespmem:$0x8100] =	vst v63  }
0x235: {  	_ = 	snop  }
0x236: {  	[tilespmem:s16], [sflag:$0x1] =	stream.indirect_vreg.gather [hbm4b:s0+s3], $0x80, v2, vm0, $0xb8;
	[tilespmem:$0x8100] =	vst v63  }
0x237: {  	_ = 	snop  }
0x238: {  	[tilespmem:s17], [sflag:$0x1] =	stream.indirect_vreg.gather [hbm4b:s8+s3], $0x80, v2, vm0, $0xb8;
	[tilespmem:$0x8100] =	vst v63  }
0x239: {  	_ = 	snop  }
0x23a: {  	[tilespmem:s18], [sflag:$0x1] =	stream.indirect_vreg.gather [hbm4b:s9+s3], $0x80, v2, vm0, $0xb8;
	[tilespmem:$0x8100] =	vst v63  }
0x23b: {  	_ = 	snop  }
0x23c: {  	[tilespmem:s19], [sflag:$0x1] =	stream.indirect_vreg.gather [hbm4b:s10+s3], $0x80, v2, vm0, $0xb8;
	[tilespmem:$0x8100] =	vst v63  }
0x23d: {  	_ =	swait.ge [sflag:s6], $0x4000  }
0x23e: {  	[sflag:s6] =	ssyncset.done $0x0  }
0x23f: {  	s11 =	rddreg [dreg:$0x16];
	[sflag:s6] =	ssyncadd.s32 $0xFFFFC000  }
0x240: {  	[hbm4b:s11+s3] =	stream.linear.scatter [tilespmem:s20], [sflag:$0x4], $0x4000, $0x38;
	[tilespmem:$0x8100] =	vst v63  }
0x241: {  	_ =	swait.ge [sflag:s7], $0x4000  }
0x242: {  	[sflag:s7] =	ssyncset.done $0x0  }
0x243: {  	[sflag:s7] =	ssyncadd.s32 $0xFFFFC000  }
0x244: {  	v2 =	vld.msk [tilespmem:$0x98], $0xff;
	_ =	sdelay $0x4  }
0x245: {  	v3 =	vshll.u32 v2, $0x4  }
0x246: {  	v2 =	vand.u32 $0x7, v2;
	v3 =	vand.u32 $0xFFFFFF80, v3  }
0x247: {  	v2 =	vor.u32 v2, v3  }
0x248: {  	v2 =	vperm.xlane v2, v0;
	_ =	sdelay $0x1  }
0x249: {  	v2 =	vadd.s32 v1, v2;
	_ =	sdelay $0x4  }
0x24a: {  	[tilespmem:s20], [sflag:$0x2] =	stream.indirect_vreg.gather [hbm4b:s1+s3], $0x80, v2, vm0, $0xb8;
	[tilespmem:$0x8100] =	vst v63  }
0x24b: {  	_ = 	snop  }
0x24c: {  	[tilespmem:s21], [sflag:$0x2] =	stream.indirect_vreg.gather [hbm4b:s30+s3], $0x80, v2, vm0, $0xb8;
	[tilespmem:$0x8100] =	vst v63  }
0x24d: {  	_ = 	snop  }
0x24e: {  	[tilespmem:s22], [sflag:$0x2] =	stream.indirect_vreg.gather [hbm4b:s31+s3], $0x80, v2, vm0, $0xb8;
	[tilespmem:$0x8100] =	vst v63  }
0x24f: {  	_ = 	snop  }
0x250: {  	[tilespmem:s23], [sflag:$0x2] =	stream.indirect_vreg.gather [hbm4b:s2+s3], $0x80, v2, vm0, $0xb8;
	[tilespmem:$0x8100] =	vst v63  }
0x251: {  	_ = 	snop  }
0x252: {  	[tilespmem:s24], [sflag:$0x2] =	stream.indirect_vreg.gather [hbm4b:s0+s3], $0x80, v2, vm0, $0xb8;
	[tilespmem:$0x8100] =	vst v63  }
0x253: {  	_ = 	snop  }
0x254: {  	[tilespmem:s25], [sflag:$0x2] =	stream.indirect_vreg.gather [hbm4b:s8+s3], $0x80, v2, vm0, $0xb8;
	[tilespmem:$0x8100] =	vst v63  }
0x255: {  	_ = 	snop  }
0x256: {  	[tilespmem:s26], [sflag:$0x2] =	stream.indirect_vreg.gather [hbm4b:s9+s3], $0x80, v2, vm0, $0xb8;
	[tilespmem:$0x8100] =	vst v63  }
0x257: {  	_ = 	snop  }
0x258: {  	[tilespmem:s28], [sflag:$0x2] =	stream.indirect_vreg.gather [hbm4b:s10+s3], $0x80, v2, vm0, $0xb8;
	[tilespmem:$0x8100] =	vst v63  }
0x259: {  	_ =	swait.ge [sflag:s4], $0x4000  }
0x25a: {  	[sflag:s4] =	ssyncset.done $0x0  }
0x25b: {  	s11 =	rddreg [dreg:$0x17];
	[sflag:s4] =	ssyncadd.s32 $0xFFFFC000  }
0x25c: {  	[hbm4b:s11+s3] =	stream.linear.scatter [tilespmem:s12], [sflag:$0x3], $0x4000, $0x38;
	[tilespmem:$0x8100] =	vst v63  }
0x25d: {  	_ =	swait.ge [sflag:s5], $0x4000  }
0x25e: {  	[sflag:s5] =	ssyncset.done $0x0  }
0x25f: {  	[sflag:s5] =	ssyncadd.s32 $0xFFFFC000  }
0x260: {  	v2 =	vld.msk [tilespmem:$0xA0], $0xff;
	_ =	sdelay $0x4  }
0x261: {  	v3 =	vshll.u32 v2, $0x4  }
0x262: {  	v2 =	vand.u32 $0x7, v2;
	v3 =	vand.u32 $0xFFFFFF80, v3  }
0x263: {  	v2 =	vor.u32 v2, v3  }
0x264: {  	v2 =	vperm.xlane v2, v0;
	_ =	sdelay $0x1  }
0x265: {  	v2 =	vadd.s32 v1, v2;
	_ =	sdelay $0x4  }
0x266: {  	[tilespmem:s12], [sflag:$0x1] =	stream.indirect_vreg.gather [hbm4b:s1+s3], $0x80, v2, vm0, $0xb8;
	[tilespmem:$0x8100] =	vst v63  }
0x267: {  	_ = 	snop  }
0x268: {  	[tilespmem:s13], [sflag:$0x1] =	stream.indirect_vreg.gather [hbm4b:s30+s3], $0x80, v2, vm0, $0xb8;
	[tilespmem:$0x8100] =	vst v63  }
0x269: {  	_ = 	snop  }
0x26a: {  	[tilespmem:s14], [sflag:$0x1] =	stream.indirect_vreg.gather [hbm4b:s31+s3], $0x80, v2, vm0, $0xb8;
	[tilespmem:$0x8100] =	vst v63  }
0x26b: {  	_ = 	snop  }
0x26c: {  	[tilespmem:s15], [sflag:$0x1] =	stream.indirect_vreg.gather [hbm4b:s2+s3], $0x80, v2, vm0, $0xb8;
	[tilespmem:$0x8100] =	vst v63  }
0x26d: {  	_ = 	snop  }
0x26e: {  	[tilespmem:s16], [sflag:$0x1] =	stream.indirect_vreg.gather [hbm4b:s0+s3], $0x80, v2, vm0, $0xb8;
	[tilespmem:$0x8100] =	vst v63  }
0x26f: {  	_ = 	snop  }
0x270: {  	[tilespmem:s17], [sflag:$0x1] =	stream.indirect_vreg.gather [hbm4b:s8+s3], $0x80, v2, vm0, $0xb8;
	[tilespmem:$0x8100] =	vst v63  }
0x271: {  	_ = 	snop  }
0x272: {  	[tilespmem:s18], [sflag:$0x1] =	stream.indirect_vreg.gather [hbm4b:s9+s3], $0x80, v2, vm0, $0xb8;
	[tilespmem:$0x8100] =	vst v63  }
0x273: {  	_ = 	snop  }
0x274: {  	[tilespmem:s19], [sflag:$0x1] =	stream.indirect_vreg.gather [hbm4b:s10+s3], $0x80, v2, vm0, $0xb8;
	[tilespmem:$0x8100] =	vst v63  }
0x275: {  	_ =	swait.ge [sflag:s6], $0x4000  }
0x276: {  	[sflag:s6] =	ssyncset.done $0x0  }
0x277: {  	s11 =	rddreg [dreg:$0x18];
	[sflag:s6] =	ssyncadd.s32 $0xFFFFC000  }
0x278: {  	[hbm4b:s11+s3] =	stream.linear.scatter [tilespmem:s20], [sflag:$0x4], $0x4000, $0x38;
	[tilespmem:$0x8100] =	vst v63  }
0x279: {  	_ =	swait.ge [sflag:s7], $0x4000  }
0x27a: {  	[sflag:s7] =	ssyncset.done $0x0  }
0x27b: {  	[sflag:s7] =	ssyncadd.s32 $0xFFFFC000  }
0x27c: {  	v2 =	vld.msk [tilespmem:$0xA8], $0xff;
	_ =	sdelay $0x4  }
0x27d: {  	v3 =	vshll.u32 v2, $0x4  }
0x27e: {  	v2 =	vand.u32 $0x7, v2;
	v3 =	vand.u32 $0xFFFFFF80, v3  }
0x27f: {  	v2 =	vor.u32 v2, v3  }
0x280: {  	v2 =	vperm.xlane v2, v0;
	_ =	sdelay $0x1  }
0x281: {  	v2 =	vadd.s32 v1, v2;
	_ =	sdelay $0x4  }
0x282: {  	[tilespmem:s20], [sflag:$0x2] =	stream.indirect_vreg.gather [hbm4b:s1+s3], $0x80, v2, vm0, $0xb8;
	[tilespmem:$0x8100] =	vst v63  }
0x283: {  	_ = 	snop  }
0x284: {  	[tilespmem:s21], [sflag:$0x2] =	stream.indirect_vreg.gather [hbm4b:s30+s3], $0x80, v2, vm0, $0xb8;
	[tilespmem:$0x8100] =	vst v63  }
0x285: {  	_ = 	snop  }
0x286: {  	[tilespmem:s22], [sflag:$0x2] =	stream.indirect_vreg.gather [hbm4b:s31+s3], $0x80, v2, vm0, $0xb8;
	[tilespmem:$0x8100] =	vst v63  }
0x287: {  	_ = 	snop  }
0x288: {  	[tilespmem:s23], [sflag:$0x2] =	stream.indirect_vreg.gather [hbm4b:s2+s3], $0x80, v2, vm0, $0xb8;
	[tilespmem:$0x8100] =	vst v63  }
0x289: {  	_ = 	snop  }
0x28a: {  	[tilespmem:s24], [sflag:$0x2] =	stream.indirect_vreg.gather [hbm4b:s0+s3], $0x80, v2, vm0, $0xb8;
	[tilespmem:$0x8100] =	vst v63  }
0x28b: {  	_ = 	snop  }
0x28c: {  	[tilespmem:s25], [sflag:$0x2] =	stream.indirect_vreg.gather [hbm4b:s8+s3], $0x80, v2, vm0, $0xb8;
	[tilespmem:$0x8100] =	vst v63  }
0x28d: {  	_ = 	snop  }
0x28e: {  	[tilespmem:s26], [sflag:$0x2] =	stream.indirect_vreg.gather [hbm4b:s9+s3], $0x80, v2, vm0, $0xb8;
	[tilespmem:$0x8100] =	vst v63  }
0x28f: {  	_ = 	snop  }
0x290: {  	[tilespmem:s28], [sflag:$0x2] =	stream.indirect_vreg.gather [hbm4b:s10+s3], $0x80, v2, vm0, $0xb8;
	[tilespmem:$0x8100] =	vst v63  }
0x291: {  	_ =	swait.ge [sflag:s4], $0x4000  }
0x292: {  	[sflag:s4] =	ssyncset.done $0x0  }
0x293: {  	s11 =	rddreg [dreg:$0x19];
	[sflag:s4] =	ssyncadd.s32 $0xFFFFC000  }
0x294: {  	[hbm4b:s11+s3] =	stream.linear.scatter [tilespmem:s12], [sflag:$0x3], $0x4000, $0x38;
	[tilespmem:$0x8100] =	vst v63  }
0x295: {  	_ =	swait.ge [sflag:s5], $0x4000  }
0x296: {  	[sflag:s5] =	ssyncset.done $0x0  }
0x297: {  	[sflag:s5] =	ssyncadd.s32 $0xFFFFC000  }
0x298: {  	v2 =	vld.msk [tilespmem:$0xB0], $0xff;
	_ =	sdelay $0x4  }
0x299: {  	v3 =	vshll.u32 v2, $0x4  }
0x29a: {  	v2 =	vand.u32 $0x7, v2;
	v3 =	vand.u32 $0xFFFFFF80, v3  }
0x29b: {  	v2 =	vor.u32 v2, v3  }
0x29c: {  	v2 =	vperm.xlane v2, v0;
	_ =	sdelay $0x1  }
0x29d: {  	v2 =	vadd.s32 v1, v2;
	_ =	sdelay $0x4  }
0x29e: {  	[tilespmem:s12], [sflag:$0x1] =	stream.indirect_vreg.gather [hbm4b:s1+s3], $0x80, v2, vm0, $0xb8;
	[tilespmem:$0x8100] =	vst v63  }
0x29f: {  	_ = 	snop  }
0x2a0: {  	[tilespmem:s13], [sflag:$0x1] =	stream.indirect_vreg.gather [hbm4b:s30+s3], $0x80, v2, vm0, $0xb8;
	[tilespmem:$0x8100] =	vst v63  }
0x2a1: {  	_ = 	snop  }
0x2a2: {  	[tilespmem:s14], [sflag:$0x1] =	stream.indirect_vreg.gather [hbm4b:s31+s3], $0x80, v2, vm0, $0xb8;
	[tilespmem:$0x8100] =	vst v63  }
0x2a3: {  	_ = 	snop  }
0x2a4: {  	[tilespmem:s15], [sflag:$0x1] =	stream.indirect_vreg.gather [hbm4b:s2+s3], $0x80, v2, vm0, $0xb8;
	[tilespmem:$0x8100] =	vst v63  }
0x2a5: {  	_ = 	snop  }
0x2a6: {  	[tilespmem:s16], [sflag:$0x1] =	stream.indirect_vreg.gather [hbm4b:s0+s3], $0x80, v2, vm0, $0xb8;
	[tilespmem:$0x8100] =	vst v63  }
0x2a7: {  	_ = 	snop  }
0x2a8: {  	[tilespmem:s17], [sflag:$0x1] =	stream.indirect_vreg.gather [hbm4b:s8+s3], $0x80, v2, vm0, $0xb8;
	[tilespmem:$0x8100] =	vst v63  }
0x2a9: {  	_ = 	snop  }
0x2aa: {  	[tilespmem:s18], [sflag:$0x1] =	stream.indirect_vreg.gather [hbm4b:s9+s3], $0x80, v2, vm0, $0xb8;
	[tilespmem:$0x8100] =	vst v63  }
0x2ab: {  	_ = 	snop  }
0x2ac: {  	[tilespmem:s19], [sflag:$0x1] =	stream.indirect_vreg.gather [hbm4b:s10+s3], $0x80, v2, vm0, $0xb8;
	[tilespmem:$0x8100] =	vst v63  }
0x2ad: {  	_ =	swait.ge [sflag:s6], $0x4000  }
0x2ae: {  	[sflag:s6] =	ssyncset.done $0x0  }
0x2af: {  	s11 =	rddreg [dreg:$0x1a];
	[sflag:s6] =	ssyncadd.s32 $0xFFFFC000  }
0x2b0: {  	[hbm4b:s11+s3] =	stream.linear.scatter [tilespmem:s20], [sflag:$0x4], $0x4000, $0x38;
	[tilespmem:$0x8100] =	vst v63  }
0x2b1: {  	_ =	swait.ge [sflag:s4], $0x4000  }
0x2b2: {  	[sflag:s4] =	ssyncset.done $0x0  }
.Ltmp3:
0x2b3: {  	s11 =	rddreg [dreg:$0x1b];
	[sflag:s4] =	ssyncadd.s32 $0xFFFFC000;
	(pc) =	sbr.rel .LBB2_4-.Ltmp3, $4  }
0x2b4: {  	[hbm4b:s11+s3] =	stream.linear.scatter [tilespmem:s12], [sflag:$0x3], $0x4000, $0x38;
	[tilespmem:$0x8100] =	vst v63  }
0x2b5: {  	_ =	swait.ge [sflag:s7], $0x4000  }
0x2b6: {  	[sflag:s7] =	ssyncset.done $0x0  }
0x2b7: {  	[sflag:s7] =	ssyncadd.s32 $0xFFFFC000  }
.LBB2_5:
0x2b8: {  	_ =	sfence.sel $0x180000  }
0x2b9: {  	[bflag:$0x0] =	sbarrier.arrive $0xFFFF  }
0x2ba: {  	_ =	strace $0x90000047  }
0x2bb: {  	s0 =	stileid.u32;
	[bflag:$0x2] =	sbarrier.arrive $0xFFFF  }
0x2bc: {  	p0 =	sne.s32 s0, $0x0;
	s0 =	rddreg [dreg:$0x3]  }
0x2bd: {  	s0 =	sadd.s32 @!p0 $0x100000, s0  }
0x2be: {  	[sflag:s0] =	ssyncadd.tile.s32 @!p0 $0x1;
	_ =	shalt  }
.Lfunc_end2:
_tile_overlayer_lowered:
.L_overlay_start_2:
0x2bf: {  	(tag) =	ssettag $0x2  }
0x2c0: {  	s0 =	rddreg [dreg:$0x0];
	s2 =	stileid.u32  }
0x2c1: {  	s1 =	rddreg [dreg:$0x1];
	p0 =	sne.s32 s2, $0x0  }
0x2c2: {  	s3 =	rddreg [dreg:$0x2];
	[bflag:$0x3] =	sbarrier.arrive $0xFFFF;
	s2 =	simm.s32 @!p0 $0x1C05  }
0x2c3: {  	[timem:s3], [sflag:s2] =	dma.local @!p0 [hbm:s0], s1  }
0x2c4: {  	s0 =	simm.s32 @!p0 $0x5  }
0x2c5: {  	_ =	swait.ge @!p0 [sflag:s0], s1  }
0x2c6: {  	s1 =	ssub.s32 @!p0 $0x0, s1;
	[sflag:s0] =	ssyncset.done @!p0 $0x0  }
0x2c7: {  	[sflag:s0] =	ssyncadd.s32 @!p0 s1  }
0x2c8: {  	[bflag:$0x3] =	sbarrier.arrive $0xFFFF  }
0x2c9: {  	_ =	shalt  }

// kernel: sparse-core-data-format-call.cloned.1.call-start
scs
called_computation_lowered:
.L_overlay_start_0:
0x0: {  	s2 =	sld [smem:$0x3FD9]  }
0x1: {  	s3 =	sld [smem:$0x3FFE];
	_ =	sdelay $0x1  }
0x2: {  	s1 =	srdreg.scid  }
0x3: {  	s0 =	sand.u32 $0x1, s1  }
0x4: {  	s15 =	sshll.u32 s0, $0xA;
	s2 =	sadd.s32 s3, s2  }
0x5: {  	s2 =	sadd.s32 s2, s15  }
0x6: {  	[smem:$0x3FC3] =	sst s2  }
0x7: {  	_ = 	snop  }
0x8: {  	s2 =	sld [smem:$0x3FD0];
	_ =	sdelay $0x2  }
0x9: {  	s16 =	simm.s32 $0xA;
	s4 =	simm.s32 $0x10  }
0xa: {  	[smem:s4], [sflag:s16] =	dma.local [hbm:s2], $0x1  }
0xb: {  	_ =	swait.eq [sflag:s16], $0x1  }
0xc: {  	[sflag:s16] =	ssyncset.done $0x0  }
0xd: {  	[sflag:s16] =	ssyncadd.s32 $0xFFFFFFFF  }
0xe: {  	s17 =	sld [smem:$0x10];
	(tm) =	ssettm $0x1  }
0xf: {  	s18 =	sld [smem:$0x3FFB];
	_ =	sdelay $0x3  }
0x10: {  	_ =	strace s18  }
0x11: {  	s3 =	sld [smem:$0x3FFC];
	_ =	sdelay $0x3  }
0x12: {  	_ =	strace s3  }
0x13: {  	s3 =	sld [smem:$0x3FFD];
	_ =	sdelay $0x3  }
0x14: {  	_ =	strace s3  }
0x15: {  	_ =	strace $0x8FFFFFFF  }
0x16: {  	s19 =	sld [smem:$0x3FDB];
	_ =	sdelay $0x1  }
0x17: {  	s20 =	simm.s32 $_scs_section_size  }
0x18: {  	s5 =	simm.s32 $_size__tile_overlayer_lowered;
	s6 =	simm.s32 $_tile_overlayer_lowered  }
0x19: {  	s23 =	simm.s32 $0x1BFF;
	s22 =	sshll.u32 s6, $0x1;
	s3 =	sadd.s32 s20, s19  }
0x1a: {  	s7 =	simm.s32 $0x0;
	s21 =	sshll.u32 s5, $0x1;
	s5 =	sadd.s32 s22, s3  }
0x1b: {  	[timem:s7], [sflag:s23] =	dma.local [hbm:s5], s21  }
0x1c: {  	_ =	swait.ge [sflag:s23], s21  }
0x1d: {  	s4 =	ssub.s32 $0x0, s21;
	[sflag:s23] =	ssyncset.done $0x0  }
0x1e: {  	[sflag:s23] =	ssyncadd.s32 s4;
	_ =	sdelay $0x1  }
0x1f: {  	s24 =	simm.s32 $0x1B8B  }
0x20: {  	_ =	swait.ge [sflag:s24], $0x1  }
0x21: {  	[sflag:s24] =	ssyncset.done $0x0  }
0x22: {  	s26 =	simm.s32 $0x1B8E;
	s25 =	sld [smem:$0x3FFE];
	[sflag:s24] =	ssyncadd.s32 $0xFFFFFFFF  }
0x23: {  	s27 =	simm.s32 $execute0_lowered;
	[smem:$0x3FD2] =	sst s26  }
0x24: {  	s5 =	sshll.u32 s27, $0x1;
	_ =	strace $0x80000049;
	[dreg:$0x1] =	wrdreg $0xFFFFFFFF  }
0x25: {  	s28 =	simm.s32 $_size_execute0_lowered;
	s3 =	sadd.s32 s3, s5;
	[dreg:$0x0] =	wrdreg $0x0  }
0x26: {  	s5 =	sshll.u32 s28, $0x1;
	[dreg:$0x2] =	wrdreg s3  }
0x27: {  	[dreg:$0x3] =	wrdreg s5  }
0x28: {  	[dreg:$0x4] =	wrdreg $0xC0  }
0x29: {  	_ =	task [dreg:s7], $0x5FFFF  }
0x2a: {  	[dreg:$0x1] =	wrdreg $0xFFFFFFFF  }
0x2b: {  	[dreg:$0x0] =	wrdreg $0x60  }
0x2c: {  	[dreg:$0x2] =	wrdreg s25  }
0x2d: {  	[dreg:$0x3] =	wrdreg s17  }
0x2e: {  	[dreg:$0x4] =	wrdreg $0x9  }
0x2f: {  	_ =	task.clear_ibuf [dreg:s7], $0x5FFFF;
	_ =	strace $0x90000049  }
0x30: {  	s29 =	simm.s32 $0x9;
	_ =	strace $0x8000004B  }
0x31: {  	_ =	swait.ge [sflag:s29], $0x1  }
0x32: {  	[sflag:s29] =	ssyncadd.s32 $0xFFFFFFFF  }
0x33: {  	_ =	strace $0x9000004B  }
0x34: {  	_ =	sfence  }
0x35: {  	s30 =	sld [smem:$0x0];
	_ =	sdelay $0x2  }
0x36: {  	s31 =	sshll.u32 s1, $0xD;
	s1 =	sshrl.u32 s1, $0x2  }
0x37: {  	s3 =	sand.u32 $0x4000, s31;
	s1 =	sadd.s32 s1, s30  }
0x38: {  	s0 =	sor.u32 s3, s0;
	s1 =	sshll.u32 s1, $0x11  }
0x39: {  	s0 =	sor.u32 s1, s0  }
0x3a: {  	s0 =	sadd.s32 $0x8F2B, s0  }
0x3b: {  	[sflag:s0] =	ssyncadd.remote.s32 $0x1  }
0x3c: {  	_ =	sfence.sel $0xFFFF  }
0x3d: {  	[dreg:$0x0] =	wrdreg $0xFFFFFFFF;
	(pc) =	sbr.abs _section_cstart, $3  }
0x3e: {  	[dreg:$0x1] =	wrdreg $0xFFFFFFFF  }
0x3f: {  	_ =	task.clear_ibuf [dreg:s7], $0x2FFFF;
	_ =	strace $0x9FFFFFFF  }
0x40: {  	(tm) =	ssettm $0x7FFFFFFF  }
0x41: {  	_ =	shalt  }
tec
execute0_lowered:
.L_overlay_start_1:
0x0: {  	(tag) =	ssettag $0x1  }
0x1: {  	s7 =	rddreg [dreg:$0x0]  }
0x2: {  	s0 =	srdreg.scid;
	s4 =	rddreg [dreg:$0x1]  }
0x3: {  	s31 =	simm.s32 $0x2;
	s18 =	simm.s32 $0x0;
	s10 =	simm.s32 $0x800  }
0x4: {  	s11 =	simm.s32 $0x1000;
	s17 =	simm.s32 $0x0;
	s19 =	simm.s32 $0x0  }
0x5: {  	s12 =	simm.s32 $0x0;
	s1 =	sshll.u32 s0, $0xA;
	s0 =	stileid.u32  }
0x6: {  	s13 =	simm.s32 $0x0;
	s2 =	sand.u32 $0x400, s1;
	s3 =	sshll.u32 s0, $0x3  }
0x7: {  	s15 =	simm.s32 $0x0;
	s1 =	ssub.s32 $0x800, s2;
	s5 =	ssub.s32 $0xB30, s3  }
0x8: {  	s16 =	simm.s32 $0x0;
	s6 =	sshrl.u32 s1, $0xA;
	s5 =	sshrl.u32 s5, $0x7  }
.Ltmp0:
0x9: {  	s8 =	sshrl.u32 s1, $0xB;
	s6 =	sand.u32 $0x1, s6;
	(pc) =	sbr.rel .LBB1_1-.Ltmp0, $4  }
0xa: {  	s1 =	rddreg [dreg:$0x2];
	s9 =	sadd.s32 $0x1, s5;
	s6 =	sadd.s32 s8, s6  }
0xb: {  	_ =	strace $0x8000004A;
	s5 =	simm.s32 $0x1;
	s6 =	smul.u32 s9, s6  }
0xc: {  	s7 =	sadd.s32 $0x168000, s7;
	s14 =	smov.u32 s3;
	[sflag:s5] =	ssyncpa.u1 $0x0  }
0xd: {  	s8 =	sshll.u32 s2, $0x3;
	[sflag:s31] =	ssyncpa.u1 $0x0;
	s9 =	sadd.s32 $0x1, s6  }
.LBB1_9:
0xe: {  	p0 =	slt.u32 s16, $0x2  }
0xf: {  	p1 =	sgt.s32 @!p0 s18, $0xB2B  }
0x10: {  	s19 =	smov.u32 s18;
	s20 =	sshra.s32 @!p0 s18, $0x1F;
	p1 =	por !p1, p0  }
0x11: {  	s18 =	sand.u32 @!p0 s20, s18;
	s20 =	ssub.s32 @!p0 $0x0, s17;
	s19 =	simm.s32 @p1 $0xB2B  }
0x12: {  	s17 =	smin.u32 @!p0 s17, s20;
	s18 =	ssub.s32 @!p0 s19, s18  }
0x13: {  	s21 =	smov.u32 s15;
	p2 =	sgt.s32 @!p0 s17, $0x1;
	s19 =	sadd.s32 @!p0 $0xFFFFF4D5, s18  }
0x14: {  	s17 =	sshll.u32 @!p0 s17, $0xA;
	s18 =	ssub.s32 @!p0 $0xB33, s18;
	p1 =	sgt.s32 @!p0 s19, $0x7  }
0x15: {  	s17 =	ssub.s32 @!p0 $0x800, s17;
	p2 =	por !p2, p0;
	p1 =	por !p1, p0  }
0x16: {  	s20 =	sadd.s32 $0x80, s14;
	s17 =	simm.s32 @!p2 $0x0;
	s18 =	simm.s32 @!p1 $0x0  }
0x17: {  	p1 =	sgt.s32 s20, $0xB32;
	s17 =	smul.u32 @!p0 s18, s17;
	s18 =	sadd.s32 $0x2, s15  }
0x18: {  	s21 =	smov.u32 @p1 s18  }
0x19: {  	s20 =	smov.u32 @p1 s3;
	p1 =	sgt.s32 s21, $0x1  }
0x1a: {  	s21 =	simm.s32 @p1 $0x0;
	p1 =	sne.s32 s16, s9  }
.Ltmp1:
0x1b: {  	s19 =	simm.s32 @!p0 $0x2;
	s18 =	smov.u32 s12;
	(pc) =	sbr.rel @!p1 .LBB1_10-.Ltmp1, $4  }
0x1c: {  	s12 =	smov.u32 s14;
	s14 =	smov.u32 s20;
	s17 =	sand.u32 @!p0 $0x3FFFFC00, s17  }
0x1d: {  	_ =	swait.ge @!p0 [sflag:s19], s17;
	s22 =	ssub.s32 @!p0 $0x0, s17;
	s17 =	smov.u32 s13  }
0x1e: {  	s16 =	sadd.s32 $0x1, s16;
	s13 =	smov.u32 s15;
	[sflag:s19] =	ssyncset.done @!p0 $0x0  }
0x1f: {  	s15 =	smov.u32 s21;
	[sflag:s19] =	ssyncadd.s32 @!p0 s22;
	s19 =	smov.u32 s2  }
.LBB1_1:
0x20: {  	p0 =	sge.u32 s16, s6  }
0x21: {  	s20 =	sshll.u32 @!p0 s14, $0xB  }
0x22: {  	s20 =	sand.u32 @!p0 $0xFFFFC000, s20  }
0x23: {  	s20 =	sor.u32 @!p0 s8, s20  }
0x24: {  	s20 =	sshrl.u32 @!p0 s20, $0xB  }
0x25: {  	s21 =	smulhi.u32 @!p0 $0x2DA34D, s20;
	_ =	sdelay $0x1  }
0x26: {  	s21 =	sshrl.u32 @!p0 s21, $0x1  }
0x27: {  	s21 =	smul.u32 @!p0 $0xB38, s21  }
0x28: {  	s31 =	sadd.s32 $0xFFFFFFFF, s16;
	s22 =	smul.u32 @!p0 $0xB3800, s15  }
0x29: {  	s23 =	sxor.u32 @!p0 $0xFFFFFFFF, s16;
	s20 =	ssub.s32 @!p0 s20, s21;
	s21 =	sshll.u32 @!p0 s14, $0x4  }
0x2a: {  	s23 =	sshll.u32 @!p0 s23, $0xE;
	s22 =	sadd.s32 @!p0 s7, s22;
	s21 =	sand.u32 @!p0 $0x70, s21  }
0x2b: {  	s23 =	sand.u32 @!p0 $0x4000, s23;
	s20 =	sshll.u32 @!p0 s20, $0x8;
	s21 =	sadd.s32 @!p0 s21, s22  }
0x2c: {  	s22 =	simm.s32 @!p0 $0x59C000;
	s20 =	sadd.s32 @!p0 s20, s21;
	s21 =	simm.s32 @!p0 $0x2000  }
0x2d: {  	[tilespmem:s23], [sflag:$0x1] =	stream.strided.gather @!p0 [hbm4b:s20+s21], $0x4000, s22, s21, $0x38;
	[tilespmem:$0x10000] =	vst v63  }
0x2e: {  	p0 =	sge.u32 s31, s6  }
.Ltmp2:
0x2f: {  	_ = 	snop;
	(pc) =	sbr.rel @p0 .LBB1_9-.Ltmp2, $1  }
0x30: {  	_ =	sdelay $0x3  }
0x31: {  	_ =	swait.ge [sflag:s5], $0x4000;
	s20 =	sshll.u32 s16, $0xE  }
0x32: {  	s22 =	simm.s32 $0x0;
	[sflag:s5] =	ssyncset.done $0x0;
	s21 =	sand.u32 $0x4000, s20  }
0x33: {  	p1 =	por $0x1, $0x1;
	[sflag:s5] =	ssyncadd.s32 $0xFFFFC000;
	s20 =	sor.u32 $0x8000, s21  }
.LBB1_3:
0x34: {  	s23 =	sshll.u32 s22, $0x7  }
0x35: {  	s24 =	sshll.u32 s22, $0xD;
	p0 =	por p1, p1;
	s23 =	sand.u32 $0x3FFFFF80, s23  }
0x36: {  	s22 =	sadd.s32 s24, s21;
	v0 =	vmov s24;
	s24 =	simm.s32 $0x0;
	s23 =	sadd.s32 s23, s20  }
.LBB1_4:
0x37: {  	s27 =	sshll.u32 s24, $0xB;
	s28 =	sshll.u32 s24, $0x7  }
0x38: {  	s29 =	sadd.s32 s27, s23;
	v1 =	vmov s28  }
0x39: {  	s26 =	simm.s32 $0x0;
	p1 =	por $0x1, $0x1;
	s25 =	sadd.s32 s28, s21;
	v3 =	vmov s27;
	v2 =	vmov s29  }
.LBB1_5:
0x3a: {  	s27 =	sshll.u32 s26, $0x3  }
0x3b: {  	s27 =	sand.u32 $0x3FFFFFF8, s27  }
0x3c: {  	s28 =	sadd.s32 s27, s22  }
0x3d: {  	s27 =	sadd.s32 s27, s25;
	v4 =	vld.idx.msk [tilespmem:v1+s28+$0x0 ss:$0x1], $0xffff  }
0x3e: {  	v5 =	vld.idx.msk [tilespmem:v0+s27+$0x10 ss:$0x1], $0xffff  }
0x3f: {  	v6 =	vld.idx.msk [tilespmem:v0+s27+$0x20 ss:$0x1], $0xffff  }
0x40: {  	s31 =	sshll.u32 s26, $0x1;
	v7 =	vld.idx.msk [tilespmem:v0+s27+$0x30 ss:$0x1], $0xffff  }
0x41: {  	s26 =	sand.u32 $0x3FFFFFFE, s31;
	v8 =	vld.idx.msk [tilespmem:v0+s27+$0x40 ss:$0x1], $0xffff  }
0x42: {  	[tilespmem:v2+s26+$0x0 ss:$0x1] =	vst.idx.msk $0xffff, v4;
	s26 =	sadd.s32 s26, s23;
	v4 =	vld.idx.msk [tilespmem:v0+s27+$0x50 ss:$0x1], $0xffff  }
0x43: {  	[tilespmem:v3+s26+$0x10 ss:$0x1] =	vst.idx.msk $0xffff, v5;
	v5 =	vld.idx.msk [tilespmem:v0+s27+$0x60 ss:$0x1], $0xffff  }
0x44: {  	v49 =	vld.idx.msk [tilespmem:v0+s27+$0x70 ss:$0x1], $0xffff;
	[tilespmem:v3+s26+$0x20 ss:$0x1] =	vst.idx.msk $0xffff, v6  }
0x45: {  	v50 =	vld.idx.msk [tilespmem:v1+s28+$0x400 ss:$0x1], $0xffff;
	[tilespmem:v3+s26+$0x30 ss:$0x1] =	vst.idx.msk $0xffff, v7  }
0x46: {  	v51 =	vld.idx.msk [tilespmem:v0+s27+$0x410 ss:$0x1], $0xffff;
	[tilespmem:v3+s26+$0x40 ss:$0x1] =	vst.idx.msk $0xffff, v8  }
0x47: {  	[tilespmem:v3+s26+$0x50 ss:$0x1] =	vst.idx.msk $0xffff, v4;
	v4 =	vld.idx.msk [tilespmem:v0+s27+$0x420 ss:$0x1], $0xffff  }
0x48: {  	[tilespmem:v3+s26+$0x60 ss:$0x1] =	vst.idx.msk $0xffff, v5;
	v5 =	vld.idx.msk [tilespmem:v0+s27+$0x430 ss:$0x1], $0xffff  }
0x49: {  	v52 =	vld.idx.msk [tilespmem:v0+s27+$0x440 ss:$0x1], $0xffff;
	[tilespmem:v3+s26+$0x70 ss:$0x1] =	vst.idx.msk $0xffff, v49  }
0x4a: {  	v53 =	vld.idx.msk [tilespmem:v0+s27+$0x450 ss:$0x1], $0xffff;
	[tilespmem:v3+s26+$0x100 ss:$0x1] =	vst.idx.msk $0xffff, v50  }
0x4b: {  	v54 =	vld.idx.msk [tilespmem:v0+s27+$0x460 ss:$0x1], $0xffff;
	[tilespmem:v3+s26+$0x110 ss:$0x1] =	vst.idx.msk $0xffff, v51  }
0x4c: {  	[tilespmem:v3+s26+$0x120 ss:$0x1] =	vst.idx.msk $0xffff, v4;
	v4 =	vld.idx.msk [tilespmem:v0+s27+$0x470 ss:$0x1], $0xffff  }
0x4d: {  	[tilespmem:v3+s26+$0x130 ss:$0x1] =	vst.idx.msk $0xffff, v5;
	v5 =	vld.idx.msk [tilespmem:v1+s28+$0x800 ss:$0x1], $0xffff  }
0x4e: {  	v55 =	vld.idx.msk [tilespmem:v0+s27+$0x810 ss:$0x1], $0xffff;
	[tilespmem:v3+s26+$0x140 ss:$0x1] =	vst.idx.msk $0xffff, v52  }
0x4f: {  	v56 =	vld.idx.msk [tilespmem:v0+s27+$0x820 ss:$0x1], $0xffff;
	[tilespmem:v3+s26+$0x150 ss:$0x1] =	vst.idx.msk $0xffff, v53  }
0x50: {  	v57 =	vld.idx.msk [tilespmem:v0+s27+$0x830 ss:$0x1], $0xffff;
	[tilespmem:v3+s26+$0x160 ss:$0x1] =	vst.idx.msk $0xffff, v54  }
0x51: {  	[tilespmem:v3+s26+$0x170 ss:$0x1] =	vst.idx.msk $0xffff, v4;
	v4 =	vld.idx.msk [tilespmem:v0+s27+$0x840 ss:$0x1], $0xffff  }
0x52: {  	[tilespmem:v3+s26+$0x200 ss:$0x1] =	vst.idx.msk $0xffff, v5;
	v5 =	vld.idx.msk [tilespmem:v0+s27+$0x850 ss:$0x1], $0xffff  }
0x53: {  	v58 =	vld.idx.msk [tilespmem:v0+s27+$0x860 ss:$0x1], $0xffff;
	[tilespmem:v3+s26+$0x210 ss:$0x1] =	vst.idx.msk $0xffff, v55  }
0x54: {  	v59 =	vld.idx.msk [tilespmem:v0+s27+$0x870 ss:$0x1], $0xffff;
	[tilespmem:v3+s26+$0x220 ss:$0x1] =	vst.idx.msk $0xffff, v56  }
0x55: {  	v60 =	vld.idx.msk [tilespmem:v1+s28+$0xC00 ss:$0x1], $0xffff;
	[tilespmem:v3+s26+$0x230 ss:$0x1] =	vst.idx.msk $0xffff, v57  }
0x56: {  	[tilespmem:v3+s26+$0x240 ss:$0x1] =	vst.idx.msk $0xffff, v4;
	v4 =	vld.idx.msk [tilespmem:v0+s27+$0xC10 ss:$0x1], $0xffff  }
0x57: {  	[tilespmem:v3+s26+$0x250 ss:$0x1] =	vst.idx.msk $0xffff, v5;
	v5 =	vld.idx.msk [tilespmem:v0+s27+$0xC20 ss:$0x1], $0xffff  }
0x58: {  	v61 =	vld.idx.msk [tilespmem:v0+s27+$0xC30 ss:$0x1], $0xffff;
	[tilespmem:v3+s26+$0x260 ss:$0x1] =	vst.idx.msk $0xffff, v58  }
0x59: {  	v62 =	vld.idx.msk [tilespmem:v0+s27+$0xC40 ss:$0x1], $0xffff;
	[tilespmem:v3+s26+$0x270 ss:$0x1] =	vst.idx.msk $0xffff, v59  }
0x5a: {  	v63 =	vld.idx.msk [tilespmem:v0+s27+$0xC50 ss:$0x1], $0xffff;
	[tilespmem:v3+s26+$0x300 ss:$0x1] =	vst.idx.msk $0xffff, v60  }
0x5b: {  	[tilespmem:v3+s26+$0x310 ss:$0x1] =	vst.idx.msk $0xffff, v4;
	v4 =	vld.idx.msk [tilespmem:v0+s27+$0xC60 ss:$0x1], $0xffff  }
0x5c: {  	p2 =	por p1, p1;
	[tilespmem:v3+s26+$0x320 ss:$0x1] =	vst.idx.msk $0xffff, v5;
	v5 =	vld.idx.msk [tilespmem:v0+s27+$0xC70 ss:$0x1], $0xffff  }
.Ltmp3:
0x5d: {  	[tilespmem:v3+s26+$0x330 ss:$0x1] =	vst.idx.msk $0xffff, v61;
	(pc) =	sbr.rel @p2 .LBB1_5-.Ltmp3, $4  }
0x5e: {  	[tilespmem:v3+s26+$0x340 ss:$0x1] =	vst.idx.msk $0xffff, v62  }
0x5f: {  	[tilespmem:v3+s26+$0x350 ss:$0x1] =	vst.idx.msk $0xffff, v63  }
0x60: {  	[tilespmem:v3+s26+$0x360 ss:$0x1] =	vst.idx.msk $0xffff, v4  }
0x61: {  	p1 =	por $0x0, $0x0;
	[tilespmem:v3+s26+$0x370 ss:$0x1] =	vst.idx.msk $0xffff, v5;
	s26 =	simm.s32 $0x200  }
0x62: {  	s24 =	sadd.s32 $0x1, s24  }
0x63: {  	p1 =	sne.s32 s24, $0x8  }
.Ltmp4:
0x64: {  	_ = 	snop;
	(pc) =	sbr.rel @p1 .LBB1_4-.Ltmp4, $1  }
0x65: {  	_ =	sdelay $0x3  }
.Ltmp5:
0x66: {  	(pc) =	sbr.rel @p0 .LBB1_3-.Ltmp5, $2  }
0x67: {  	_ =	sdelay $0x2  }
0x68: {  	s22 =	simm.s32 $0x1;
	p1 =	por $0x0, $0x0  }
0x69: {  	p0 =	sgt.s32 s12, $0xB2B;
	s21 =	smov.u32 s12;
	s22 =	sshra.s32 s12, $0x1F  }
0x6a: {  	s21 =	simm.s32 @!p0 $0xB2B;
	s22 =	sand.u32 s22, s12  }
0x6b: {  	s28 =	ssub.s32 $0x0, s13;
	s21 =	ssub.s32 s21, s22  }
0x6c: {  	s30 =	sshll.u32 s12, $0x9;
	s22 =	smin.u32 s13, s28;
	s23 =	sadd.s32 $0xFFFFF4D5, s21  }
0x6d: {  	s21 =	ssub.s32 $0xB33, s21;
	s29 =	sshll.u32 s22, $0xA;
	p0 =	sgt.s32 s23, $0x7  }
0x6e: {  	s21 =	simm.s32 @p0 $0x0;
	p0 =	sgt.s32 s22, $0x1;
	s22 =	ssub.s32 $0x800, s29  }
.Ltmp6:
0x6f: {  	s24 =	sshll.u32 s13, $0x4;
	s22 =	simm.s32 @p0 $0x0;
	(pc) =	sbr.rel .LBB1_9-.Ltmp6, $4  }
0x70: {  	s31 =	sand.u32 $0x10, s24;
	s23 =	sadd.s32 s4, s30;
	s21 =	smul.u32 s21, s22  }
0x71: {  	s19 =	sshrl.u32 s19, $0x2;
	s22 =	sadd.s32 s31, s23  }
0x72: {  	s19 =	sadd.s32 s19, s22;
	s21 =	sand.u32 $0x3FFFFC00, s21  }
0x73: {  	[hbm4b:s19+s10] =	stream.strided.scatter [tilespmem:s20], [sflag:$0x2], s21, s11, s10, $0x38;
	[tilespmem:$0x10000] =	vst v63  }
.LBB1_10:
0x74: {  	_ =	sfence.sel $0x180000  }
0x75: {  	s2 =	simm.s32 $0x1;
	[bflag:$0x0] =	sbarrier.arrive $0xFFFF  }
0x76: {  	s31 =	simm.s32 $0x2;
	[sflag:s2] =	ssyncpa.u1 $0x1  }
0x77: {  	[sflag:s31] =	ssyncpa.u1 $0x1  }
0x78: {  	p0 =	sne.s32 s0, $0x0;
	_ =	strace $0x9000004A  }
0x79: {  	s0 =	sadd.s32 @!p0 $0x100000, s1;
	[bflag:$0x2] =	sbarrier.arrive $0xFFFF  }
0x7a: {  	[sflag:s0] =	ssyncadd.tile.s32 @!p0 $0x1;
	_ =	shalt  }
.Lfunc_end1:
_tile_overlayer_lowered:
.L_overlay_start_2:
0x7b: {  	(tag) =	ssettag $0x2  }
0x7c: {  	s0 =	rddreg [dreg:$0x0];
	s2 =	stileid.u32  }
0x7d: {  	s1 =	rddreg [dreg:$0x1];
	p0 =	sne.s32 s2, $0x0  }
0x7e: {  	s3 =	rddreg [dreg:$0x2];
	[bflag:$0x3] =	sbarrier.arrive $0xFFFF;
	s2 =	simm.s32 @!p0 $0x1C01  }
0x7f: {  	[timem:s3], [sflag:s2] =	dma.local @!p0 [hbm:s0], s1  }
0x80: {  	s0 =	simm.s32 @!p0 $0x1  }
0x81: {  	_ =	swait.ge @!p0 [sflag:s0], s1  }
0x82: {  	s1 =	ssub.s32 @!p0 $0x0, s1;
	[sflag:s0] =	ssyncset.done @!p0 $0x0  }
0x83: {  	[sflag:s0] =	ssyncadd.s32 @!p0 s1  }
0x84: {  	[bflag:$0x3] =	sbarrier.arrive $0xFFFF  }
0x85: {  	_ =	shalt  }

</sc_bundles>
